<compile_context>
chip_gen: v7x
topology: tpu7x:2x2x1
jax: 0.10.2.dev20260603
libtpu: 0.0.44.dev20260713+nightly
codegen_flags: <defaults>
</compile_context>

<pallas_src>
import functools

import jax
import jax.numpy as jnp
from jax import lax
from jax.experimental import pallas as pl
from jax.experimental.pallas import tpu as pltpu
from jax.experimental.pallas import tpu_sc as plsc

VOCAB = 100000
EMB = 768
BS = 4
SEQ = 2048
B = BS * SEQ

NC, NS = 2, 16
NW = NC * NS
BPW = B // NW
CH = 32
NBUF = 5
NCH = BPW // CH
LANES = 16
EMBV = EMB // LANES

_sc_mesh = plsc.VectorSubcoreMesh(
    core_axis_name="c", subcore_axis_name="s", num_cores=NC, num_subcores=NS
)


@functools.partial(
    pl.kernel,
    out_type=(
        jax.ShapeDtypeStruct((B, EMB), jnp.float32),
        jax.ShapeDtypeStruct((B,), jnp.int32),
    ),
    mesh=_sc_mesh,
    scratch_types=[
        [pltpu.VMEM((CH,), jnp.int32) for _ in range(NCH)],
        pltpu.VMEM((BPW,), jnp.int32),
        pltpu.VMEM((EMB,), jnp.float32),
        [pltpu.VMEM((CH, EMB), jnp.float32) for _ in range(NBUF)],
        [pltpu.SemaphoreType.DMA for _ in range(NBUF)],
        [pltpu.SemaphoreType.DMA for _ in range(NBUF)],
    ],
)
def _sc_embed(tok_hbm, table_hbm, mod_hbm, x_hbm, mask_hbm,
              idx_v, mask_v, mod_v, bufs, in_sems, out_sems):
    wid = lax.axis_index("s") * NC + lax.axis_index("c")
    base = wid * BPW

    for c in range(NCH):
        pltpu.sync_copy(tok_hbm.at[wid * NCH + c], idx_v[c])
    pltpu.sync_copy(mod_hbm, mod_v)

    def gather(c):
        return pltpu.async_copy(
            table_hbm.at[idx_v[c]],
            bufs[c % NBUF], in_sems[c % NBUF],
        )

    ins = [None] * NCH
    outs = [None] * NCH
    for c in range(NBUF - 1):
        ins[c] = gather(c)

    for c in range(NCH):
        for j in range(CH // LANES):
            t = idx_v[c][pl.ds(j * LANES, LANES)]
            mask_v[pl.ds(c * CH + j * LANES, LANES)] = (
                jnp.where(t > 0, 1, 0).astype(jnp.int32))
    pltpu.sync_copy(mask_v, mask_hbm.at[pl.ds(base, BPW)])

    mods = [mod_v[pl.ds(j * LANES, LANES)] for j in range(EMBV)]

    for c in range(NCH):
        ins[c].wait()
        buf = bufs[c % NBUF]

        def add_mod(r, carry, buf=buf):
            for j in range(EMBV):
                plsc.addupdate(buf.at[r, pl.ds(j * LANES, LANES)], mods[j])
            return carry

        lax.fori_loop(0, CH, add_mod, 0)
        outs[c] = pltpu.async_copy(
            buf, x_hbm.at[pl.ds(base + c * CH, CH)], out_sems[c % NBUF]
        )
        g = c + NBUF - 1
        if g < NCH:
            if g >= NBUF:
                outs[g - NBUF].wait()
            ins[g] = gather(g)
    for c in range(max(0, NCH - NBUF), NCH):
        outs[c].wait()


def _pos_body(cache_ref, out_ref):
    out_ref[...] = jnp.broadcast_to(cache_ref[...][None], out_ref.shape)


_POS_BLK = 1024


def _pos_broadcast(pos_emb_cache):
    return pl.pallas_call(
        _pos_body,
        grid=(SEQ // _POS_BLK,),
        in_specs=[pl.BlockSpec((_POS_BLK, EMB), lambda i: (i, 0))],
        out_specs=pl.BlockSpec((BS, _POS_BLK, EMB), lambda i: (0, i, 0)),
        out_shape=jax.ShapeDtypeStruct((BS, SEQ, EMB), jnp.float32),
    )(pos_emb_cache)


def kernel(tokens, shared_embed, pos_emb_cache, modality_embedding):
    tok_flat = tokens.reshape(B // CH, CH)
    x_flat, mask_flat = _sc_embed(tok_flat, shared_embed, modality_embedding)
    x = x_flat.reshape(BS, SEQ, EMB)
    mask = mask_flat.reshape(BS, SEQ)
    pos_emb = _pos_broadcast(pos_emb_cache)
    return (x, mask, pos_emb)

# --- scband reference (transcript-rebuilt; emitter-appended) ---
"""Pipeline reference for scband-input-text-embedder-9740985827843 (READ-ONLY COPY).

The authoritative reference and input builder live on the scoring server;
editing this copy changes nothing except your own understanding.
"""

import jax, jax.numpy as jnp
import numpy as np

VOCAB = 100000
EMB = 768
MAX_TEXT_LEN = 2048
BS = 4
SEQ = 2048


def _build_pos_emb_cache(max_len, dim):
    # 1D sincos position embedding cache, shape [max_len, dim]
    pos = np.arange(max_len, dtype=np.float32)[:, None]
    i = np.arange(dim // 2, dtype=np.float32)[None, :]
    freq = 1.0 / (10000.0 ** (2.0 * i / dim))
    ang = pos * freq
    cache = np.concatenate([np.sin(ang), np.cos(ang)], axis=-1).astype(np.float32)
    return jnp.asarray(cache)


def setup_inputs(seed: int = 0) -> dict:
    key = jax.random.key(seed)
    k1, k2, k3 = jax.random.split(key, 3)
    tokens = jax.random.randint(k1, (BS, SEQ), 0, VOCAB, dtype=jnp.int32)
    shared_embed = jax.random.normal(k2, (VOCAB, EMB), dtype=jnp.float32) * 0.02
    pos_emb_cache = _build_pos_emb_cache(MAX_TEXT_LEN, EMB)
    modality_embedding = jax.random.normal(k3, (EMB,), dtype=jnp.float32) * 0.02
    return {
        "tokens": tokens,
        "shared_embed": shared_embed,
        "pos_emb_cache": pos_emb_cache,
        "modality_embedding": modality_embedding,
    }


def reference(tokens, shared_embed, pos_emb_cache, modality_embedding):
    bs, seq_len = tokens.shape
    # mask = (tokens > 0).int()
    mask = (tokens > 0).astype(jnp.int32)
    # pos_ids = arange(seq_len) broadcast to [bs, seq_len]
    pos_ids = jnp.broadcast_to(
        jnp.arange(seq_len, dtype=jnp.int32)[None, :], (bs, seq_len)
    )
    # embedding gather: x = shared_embed(tokens)
    x = jnp.take(shared_embed, tokens, axis=0)
    # position embedding gather from cache
    pos_emb = jnp.take(pos_emb_cache, pos_ids, axis=0)
    # 'llama_rope' in text_pos_emb -> add modality embedding
    x = x + modality_embedding[None, None, :].astype(x.dtype)
    # InputSequence(embed=x, mask=mask, position_embed=pos_emb)
    return (x, mask, pos_emb)

if __name__ == "__main__":
    import jax
    _d = setup_inputs()
    print(jax.jit(kernel)(*tuple(_d.values())))

</pallas_src>

<mosaic_0001>
#map = affine_map<(d0, d1) -> (0, 0)>
#map1 = affine_map<(d0, d1) -> (0)>
module attributes {stable_mosaic.version = 14 : i64} {
  func.func @_sc_embed(%arg0: i32, %arg1: i32, %arg2: memref<256x32xi32, #tpu.memory_space<hbm>>, %arg3: memref<100000x768xf32, #tpu.memory_space<hbm>>, %arg4: memref<768xf32, #tpu.memory_space<hbm>>, %arg5: memref<8192x768xf32, #tpu.memory_space<hbm>>, %arg6: memref<8192xi32, #tpu.memory_space<hbm>>, %arg7: memref<32xi32, #tpu.memory_space<vmem>>, %arg8: memref<32xi32, #tpu.memory_space<vmem>>, %arg9: memref<32xi32, #tpu.memory_space<vmem>>, %arg10: memref<32xi32, #tpu.memory_space<vmem>>, %arg11: memref<32xi32, #tpu.memory_space<vmem>>, %arg12: memref<32xi32, #tpu.memory_space<vmem>>, %arg13: memref<32xi32, #tpu.memory_space<vmem>>, %arg14: memref<32xi32, #tpu.memory_space<vmem>>, %arg15: memref<256xi32, #tpu.memory_space<vmem>>, %arg16: memref<768xf32, #tpu.memory_space<vmem>>, %arg17: memref<32x768xf32, #tpu.memory_space<vmem>>, %arg18: memref<32x768xf32, #tpu.memory_space<vmem>>, %arg19: memref<32x768xf32, #tpu.memory_space<vmem>>, %arg20: memref<32x768xf32, #tpu.memory_space<vmem>>, %arg21: memref<32x768xf32, #tpu.memory_space<vmem>>, %arg22: memref<!tpu.dma_semaphore, #tpu.memory_space<semaphore_mem>>, %arg23: memref<!tpu.dma_semaphore, #tpu.memory_space<semaphore_mem>>, %arg24: memref<!tpu.dma_semaphore, #tpu.memory_space<semaphore_mem>>, %arg25: memref<!tpu.dma_semaphore, #tpu.memory_space<semaphore_mem>>, %arg26: memref<!tpu.dma_semaphore, #tpu.memory_space<semaphore_mem>>, %arg27: memref<!tpu.dma_semaphore, #tpu.memory_space<semaphore_mem>>, %arg28: memref<!tpu.dma_semaphore, #tpu.memory_space<semaphore_mem>>, %arg29: memref<!tpu.dma_semaphore, #tpu.memory_space<semaphore_mem>>, %arg30: memref<!tpu.dma_semaphore, #tpu.memory_space<semaphore_mem>>, %arg31: memref<!tpu.dma_semaphore, #tpu.memory_space<semaphore_mem>>) attributes {dimension_semantics = [#tpu.dimension_semantics<core_parallel>, #tpu.dimension_semantics<subcore_parallel>], iteration_bounds = array<i64: 2, 16>, scalar_prefetch = 0 : i64, scratch_operands = 25 : i64, tpu.core_type = #tpu.core_type<sc_vector_subcore>, window_params = [{transform_indices = #map}, {transform_indices = #map}, {transform_indices = #map1}, {transform_indices = #map}, {transform_indices = #map1}]} {
    %mul3A = arith.constant 2 : i32
    %mul3A_0 = arith.muli %arg1, %mul3A : i32
    %add3A = arith.addi %mul3A_0, %arg0 : i32
    %mul3A_1 = arith.constant 256 : i32
    %mul3A_2 = arith.muli %add3A, %mul3A_1 : i32
    %mul3A_3 = arith.constant 8 : i32
    %mul3A_4 = arith.muli %add3A, %mul3A_3 : i32
    %add3A_5 = arith.constant 0 : i32
    %add3A_6 = arith.addi %mul3A_4, %add3A_5 : i32
    "tpu.region"() ({
      %run_scoped3A = tpu.sem_alloc : memref<!tpu.dma_semaphore, #tpu.memory_space<semaphore_mem>>
      %dma_start3A_586 = arith.constant 0 : i32
      %dma_start3A_587 = tpu.memref_slice %arg2[%add3A_6, %dma_start3A_586] : memref<256x32xi32, #tpu.memory_space<hbm>> -> memref<1x32xi32, #tpu.memory_space<hbm>>
      %dma_start3A_588 = tpu.memref_squeeze %dma_start3A_587 : memref<1x32xi32, #tpu.memory_space<hbm>> -> memref<32xi32, #tpu.memory_space<hbm>>
      %dma_start3A_589 = arith.constant 0 : i32
      %dma_start3A_590 = tpu.memref_slice %arg2[%add3A_6, %dma_start3A_589] : memref<256x32xi32, #tpu.memory_space<hbm>> -> memref<1x32xi32, #tpu.memory_space<hbm>>
      %dma_start3A_591 = tpu.memref_squeeze %dma_start3A_590 : memref<1x32xi32, #tpu.memory_space<hbm>> -> memref<32xi32, #tpu.memory_space<hbm>>
      tpu.enqueue_dma source(%dma_start3A_591 : memref<32xi32, #tpu.memory_space<hbm>>) target(%arg7 : memref<32xi32, #tpu.memory_space<vmem>>) target_semaphore(%run_scoped3A : memref<!tpu.dma_semaphore, #tpu.memory_space<semaphore_mem>>)
      %dma_wait3A_592 = arith.constant 0 : i32
      %dma_wait3A_593 = tpu.memref_slice %arg2[%add3A_6, %dma_wait3A_592] : memref<256x32xi32, #tpu.memory_space<hbm>> -> memref<1x32xi32, #tpu.memory_space<hbm>>
      %dma_wait3A_594 = tpu.memref_squeeze %dma_wait3A_593 : memref<1x32xi32, #tpu.memory_space<hbm>> -> memref<32xi32, #tpu.memory_space<hbm>>
      %dma_wait3A_595 = arith.constant 0 : i32
      %dma_wait3A_596 = tpu.memref_slice %arg2[%add3A_6, %dma_wait3A_595] : memref<256x32xi32, #tpu.memory_space<hbm>> -> memref<1x32xi32, #tpu.memory_space<hbm>>
      %dma_wait3A_597 = tpu.memref_squeeze %dma_wait3A_596 : memref<1x32xi32, #tpu.memory_space<hbm>> -> memref<32xi32, #tpu.memory_space<hbm>>
      tpu.wait_dma2 semaphore(%run_scoped3A : memref<!tpu.dma_semaphore, #tpu.memory_space<semaphore_mem>>) src(%dma_wait3A_597 : memref<32xi32, #tpu.memory_space<hbm>>) dst(%arg7 : memref<32xi32, #tpu.memory_space<vmem>>)
      tpu.yield
    }) : () -> ()
    %mul3A_7 = arith.constant 8 : i32
    %mul3A_8 = arith.muli %add3A, %mul3A_7 : i32
    %add3A_9 = arith.constant 1 : i32
    %add3A_10 = arith.addi %mul3A_8, %add3A_9 : i32
    "tpu.region"() ({
      %run_scoped3A = tpu.sem_alloc : memref<!tpu.dma_semaphore, #tpu.memory_space<semaphore_mem>>
      %dma_start3A_586 = arith.constant 0 : i32
      %dma_start3A_587 = tpu.memref_slice %arg2[%add3A_10, %dma_start3A_586] : memref<256x32xi32, #tpu.memory_space<hbm>> -> memref<1x32xi32, #tpu.memory_space<hbm>>
      %dma_start3A_588 = tpu.memref_squeeze %dma_start3A_587 : memref<1x32xi32, #tpu.memory_space<hbm>> -> memref<32xi32, #tpu.memory_space<hbm>>
      %dma_start3A_589 = arith.constant 0 : i32
      %dma_start3A_590 = tpu.memref_slice %arg2[%add3A_10, %dma_start3A_589] : memref<256x32xi32, #tpu.memory_space<hbm>> -> memref<1x32xi32, #tpu.memory_space<hbm>>
      %dma_start3A_591 = tpu.memref_squeeze %dma_start3A_590 : memref<1x32xi32, #tpu.memory_space<hbm>> -> memref<32xi32, #tpu.memory_space<hbm>>
      tpu.enqueue_dma source(%dma_start3A_591 : memref<32xi32, #tpu.memory_space<hbm>>) target(%arg8 : memref<32xi32, #tpu.memory_space<vmem>>) target_semaphore(%run_scoped3A : memref<!tpu.dma_semaphore, #tpu.memory_space<semaphore_mem>>)
      %dma_wait3A_592 = arith.constant 0 : i32
      %dma_wait3A_593 = tpu.memref_slice %arg2[%add3A_10, %dma_wait3A_592] : memref<256x32xi32, #tpu.memory_space<hbm>> -> memref<1x32xi32, #tpu.memory_space<hbm>>
      %dma_wait3A_594 = tpu.memref_squeeze %dma_wait3A_593 : memref<1x32xi32, #tpu.memory_space<hbm>> -> memref<32xi32, #tpu.memory_space<hbm>>
      %dma_wait3A_595 = arith.constant 0 : i32
      %dma_wait3A_596 = tpu.memref_slice %arg2[%add3A_10, %dma_wait3A_595] : memref<256x32xi32, #tpu.memory_space<hbm>> -> memref<1x32xi32, #tpu.memory_space<hbm>>
      %dma_wait3A_597 = tpu.memref_squeeze %dma_wait3A_596 : memref<1x32xi32, #tpu.memory_space<hbm>> -> memref<32xi32, #tpu.memory_space<hbm>>
      tpu.wait_dma2 semaphore(%run_scoped3A : memref<!tpu.dma_semaphore, #tpu.memory_space<semaphore_mem>>) src(%dma_wait3A_597 : memref<32xi32, #tpu.memory_space<hbm>>) dst(%arg8 : memref<32xi32, #tpu.memory_space<vmem>>)
      tpu.yield
    }) : () -> ()
    %mul3A_11 = arith.constant 8 : i32
    %mul3A_12 = arith.muli %add3A, %mul3A_11 : i32
    %add3A_13 = arith.constant 2 : i32
    %add3A_14 = arith.addi %mul3A_12, %add3A_13 : i32
    "tpu.region"() ({
      %run_scoped3A = tpu.sem_alloc : memref<!tpu.dma_semaphore, #tpu.memory_space<semaphore_mem>>
      %dma_start3A_586 = arith.constant 0 : i32
      %dma_start3A_587 = tpu.memref_slice %arg2[%add3A_14, %dma_start3A_586] : memref<256x32xi32, #tpu.memory_space<hbm>> -> memref<1x32xi32, #tpu.memory_space<hbm>>
      %dma_start3A_588 = tpu.memref_squeeze %dma_start3A_587 : memref<1x32xi32, #tpu.memory_space<hbm>> -> memref<32xi32, #tpu.memory_space<hbm>>
      %dma_start3A_589 = arith.constant 0 : i32
      %dma_start3A_590 = tpu.memref_slice %arg2[%add3A_14, %dma_start3A_589] : memref<256x32xi32, #tpu.memory_space<hbm>> -> memref<1x32xi32, #tpu.memory_space<hbm>>
      %dma_start3A_591 = tpu.memref_squeeze %dma_start3A_590 : memref<1x32xi32, #tpu.memory_space<hbm>> -> memref<32xi32, #tpu.memory_space<hbm>>
      tpu.enqueue_dma source(%dma_start3A_591 : memref<32xi32, #tpu.memory_space<hbm>>) target(%arg9 : memref<32xi32, #tpu.memory_space<vmem>>) target_semaphore(%run_scoped3A : memref<!tpu.dma_semaphore, #tpu.memory_space<semaphore_mem>>)
      %dma_wait3A_592 = arith.constant 0 : i32
      %dma_wait3A_593 = tpu.memref_slice %arg2[%add3A_14, %dma_wait3A_592] : memref<256x32xi32, #tpu.memory_space<hbm>> -> memref<1x32xi32, #tpu.memory_space<hbm>>
      %dma_wait3A_594 = tpu.memref_squeeze %dma_wait3A_593 : memref<1x32xi32, #tpu.memory_space<hbm>> -> memref<32xi32, #tpu.memory_space<hbm>>
      %dma_wait3A_595 = arith.constant 0 : i32
      %dma_wait3A_596 = tpu.memref_slice %arg2[%add3A_14, %dma_wait3A_595] : memref<256x32xi32, #tpu.memory_space<hbm>> -> memref<1x32xi32, #tpu.memory_space<hbm>>
      %dma_wait3A_597 = tpu.memref_squeeze %dma_wait3A_596 : memref<1x32xi32, #tpu.memory_space<hbm>> -> memref<32xi32, #tpu.memory_space<hbm>>
      tpu.wait_dma2 semaphore(%run_scoped3A : memref<!tpu.dma_semaphore, #tpu.memory_space<semaphore_mem>>) src(%dma_wait3A_597 : memref<32xi32, #tpu.memory_space<hbm>>) dst(%arg9 : memref<32xi32, #tpu.memory_space<vmem>>)
      tpu.yield
    }) : () -> ()
    %mul3A_15 = arith.constant 8 : i32
    %mul3A_16 = arith.muli %add3A, %mul3A_15 : i32
    %add3A_17 = arith.constant 3 : i32
    %add3A_18 = arith.addi %mul3A_16, %add3A_17 : i32
    "tpu.region"() ({
      %run_scoped3A = tpu.sem_alloc : memref<!tpu.dma_semaphore, #tpu.memory_space<semaphore_mem>>
      %dma_start3A_586 = arith.constant 0 : i32
      %dma_start3A_587 = tpu.memref_slice %arg2[%add3A_18, %dma_start3A_586] : memref<256x32xi32, #tpu.memory_space<hbm>> -> memref<1x32xi32, #tpu.memory_space<hbm>>
      %dma_start3A_588 = tpu.memref_squeeze %dma_start3A_587 : memref<1x32xi32, #tpu.memory_space<hbm>> -> memref<32xi32, #tpu.memory_space<hbm>>
      %dma_start3A_589 = arith.constant 0 : i32
      %dma_start3A_590 = tpu.memref_slice %arg2[%add3A_18, %dma_start3A_589] : memref<256x32xi32, #tpu.memory_space<hbm>> -> memref<1x32xi32, #tpu.memory_space<hbm>>
      %dma_start3A_591 = tpu.memref_squeeze %dma_start3A_590 : memref<1x32xi32, #tpu.memory_space<hbm>> -> memref<32xi32, #tpu.memory_space<hbm>>
      tpu.enqueue_dma source(%dma_start3A_591 : memref<32xi32, #tpu.memory_space<hbm>>) target(%arg10 : memref<32xi32, #tpu.memory_space<vmem>>) target_semaphore(%run_scoped3A : memref<!tpu.dma_semaphore, #tpu.memory_space<semaphore_mem>>)
      %dma_wait3A_592 = arith.constant 0 : i32
      %dma_wait3A_593 = tpu.memref_slice %arg2[%add3A_18, %dma_wait3A_592] : memref<256x32xi32, #tpu.memory_space<hbm>> -> memref<1x32xi32, #tpu.memory_space<hbm>>
      %dma_wait3A_594 = tpu.memref_squeeze %dma_wait3A_593 : memref<1x32xi32, #tpu.memory_space<hbm>> -> memref<32xi32, #tpu.memory_space<hbm>>
      %dma_wait3A_595 = arith.constant 0 : i32
      %dma_wait3A_596 = tpu.memref_slice %arg2[%add3A_18, %dma_wait3A_595] : memref<256x32xi32, #tpu.memory_space<hbm>> -> memref<1x32xi32, #tpu.memory_space<hbm>>
      %dma_wait3A_597 = tpu.memref_squeeze %dma_wait3A_596 : memref<1x32xi32, #tpu.memory_space<hbm>> -> memref<32xi32, #tpu.memory_space<hbm>>
      tpu.wait_dma2 semaphore(%run_scoped3A : memref<!tpu.dma_semaphore, #tpu.memory_space<semaphore_mem>>) src(%dma_wait3A_597 : memref<32xi32, #tpu.memory_space<hbm>>) dst(%arg10 : memref<32xi32, #tpu.memory_space<vmem>>)
      tpu.yield
    }) : () -> ()
    %mul3A_19 = arith.constant 8 : i32
    %mul3A_20 = arith.muli %add3A, %mul3A_19 : i32
    %add3A_21 = arith.constant 4 : i32
    %add3A_22 = arith.addi %mul3A_20, %add3A_21 : i32
    "tpu.region"() ({
      %run_scoped3A = tpu.sem_alloc : memref<!tpu.dma_semaphore, #tpu.memory_space<semaphore_mem>>
      %dma_start3A_586 = arith.constant 0 : i32
      %dma_start3A_587 = tpu.memref_slice %arg2[%add3A_22, %dma_start3A_586] : memref<256x32xi32, #tpu.memory_space<hbm>> -> memref<1x32xi32, #tpu.memory_space<hbm>>
      %dma_start3A_588 = tpu.memref_squeeze %dma_start3A_587 : memref<1x32xi32, #tpu.memory_space<hbm>> -> memref<32xi32, #tpu.memory_space<hbm>>
      %dma_start3A_589 = arith.constant 0 : i32
      %dma_start3A_590 = tpu.memref_slice %arg2[%add3A_22, %dma_start3A_589] : memref<256x32xi32, #tpu.memory_space<hbm>> -> memref<1x32xi32, #tpu.memory_space<hbm>>
      %dma_start3A_591 = tpu.memref_squeeze %dma_start3A_590 : memref<1x32xi32, #tpu.memory_space<hbm>> -> memref<32xi32, #tpu.memory_space<hbm>>
      tpu.enqueue_dma source(%dma_start3A_591 : memref<32xi32, #tpu.memory_space<hbm>>) target(%arg11 : memref<32xi32, #tpu.memory_space<vmem>>) target_semaphore(%run_scoped3A : memref<!tpu.dma_semaphore, #tpu.memory_space<semaphore_mem>>)
      %dma_wait3A_592 = arith.constant 0 : i32
      %dma_wait3A_593 = tpu.memref_slice %arg2[%add3A_22, %dma_wait3A_592] : memref<256x32xi32, #tpu.memory_space<hbm>> -> memref<1x32xi32, #tpu.memory_space<hbm>>
      %dma_wait3A_594 = tpu.memref_squeeze %dma_wait3A_593 : memref<1x32xi32, #tpu.memory_space<hbm>> -> memref<32xi32, #tpu.memory_space<hbm>>
      %dma_wait3A_595 = arith.constant 0 : i32
      %dma_wait3A_596 = tpu.memref_slice %arg2[%add3A_22, %dma_wait3A_595] : memref<256x32xi32, #tpu.memory_space<hbm>> -> memref<1x32xi32, #tpu.memory_space<hbm>>
      %dma_wait3A_597 = tpu.memref_squeeze %dma_wait3A_596 : memref<1x32xi32, #tpu.memory_space<hbm>> -> memref<32xi32, #tpu.memory_space<hbm>>
      tpu.wait_dma2 semaphore(%run_scoped3A : memref<!tpu.dma_semaphore, #tpu.memory_space<semaphore_mem>>) src(%dma_wait3A_597 : memref<32xi32, #tpu.memory_space<hbm>>) dst(%arg11 : memref<32xi32, #tpu.memory_space<vmem>>)
      tpu.yield
    }) : () -> ()
    %mul3A_23 = arith.constant 8 : i32
    %mul3A_24 = arith.muli %add3A, %mul3A_23 : i32
    %add3A_25 = arith.constant 5 : i32
    %add3A_26 = arith.addi %mul3A_24, %add3A_25 : i32
    "tpu.region"() ({
      %run_scoped3A = tpu.sem_alloc : memref<!tpu.dma_semaphore, #tpu.memory_space<semaphore_mem>>
      %dma_start3A_586 = arith.constant 0 : i32
      %dma_start3A_587 = tpu.memref_slice %arg2[%add3A_26, %dma_start3A_586] : memref<256x32xi32, #tpu.memory_space<hbm>> -> memref<1x32xi32, #tpu.memory_space<hbm>>
      %dma_start3A_588 = tpu.memref_squeeze %dma_start3A_587 : memref<1x32xi32, #tpu.memory_space<hbm>> -> memref<32xi32, #tpu.memory_space<hbm>>
      %dma_start3A_589 = arith.constant 0 : i32
      %dma_start3A_590 = tpu.memref_slice %arg2[%add3A_26, %dma_start3A_589] : memref<256x32xi32, #tpu.memory_space<hbm>> -> memref<1x32xi32, #tpu.memory_space<hbm>>
      %dma_start3A_591 = tpu.memref_squeeze %dma_start3A_590 : memref<1x32xi32, #tpu.memory_space<hbm>> -> memref<32xi32, #tpu.memory_space<hbm>>
      tpu.enqueue_dma source(%dma_start3A_591 : memref<32xi32, #tpu.memory_space<hbm>>) target(%arg12 : memref<32xi32, #tpu.memory_space<vmem>>) target_semaphore(%run_scoped3A : memref<!tpu.dma_semaphore, #tpu.memory_space<semaphore_mem>>)
      %dma_wait3A_592 = arith.constant 0 : i32
      %dma_wait3A_593 = tpu.memref_slice %arg2[%add3A_26, %dma_wait3A_592] : memref<256x32xi32, #tpu.memory_space<hbm>> -> memref<1x32xi32, #tpu.memory_space<hbm>>
      %dma_wait3A_594 = tpu.memref_squeeze %dma_wait3A_593 : memref<1x32xi32, #tpu.memory_space<hbm>> -> memref<32xi32, #tpu.memory_space<hbm>>
      %dma_wait3A_595 = arith.constant 0 : i32
      %dma_wait3A_596 = tpu.memref_slice %arg2[%add3A_26, %dma_wait3A_595] : memref<256x32xi32, #tpu.memory_space<hbm>> -> memref<1x32xi32, #tpu.memory_space<hbm>>
      %dma_wait3A_597 = tpu.memref_squeeze %dma_wait3A_596 : memref<1x32xi32, #tpu.memory_space<hbm>> -> memref<32xi32, #tpu.memory_space<hbm>>
      tpu.wait_dma2 semaphore(%run_scoped3A : memref<!tpu.dma_semaphore, #tpu.memory_space<semaphore_mem>>) src(%dma_wait3A_597 : memref<32xi32, #tpu.memory_space<hbm>>) dst(%arg12 : memref<32xi32, #tpu.memory_space<vmem>>)
      tpu.yield
    }) : () -> ()
    %mul3A_27 = arith.constant 8 : i32
    %mul3A_28 = arith.muli %add3A, %mul3A_27 : i32
    %add3A_29 = arith.constant 6 : i32
    %add3A_30 = arith.addi %mul3A_28, %add3A_29 : i32
    "tpu.region"() ({
      %run_scoped3A = tpu.sem_alloc : memref<!tpu.dma_semaphore, #tpu.memory_space<semaphore_mem>>
      %dma_start3A_586 = arith.constant 0 : i32
      %dma_start3A_587 = tpu.memref_slice %arg2[%add3A_30, %dma_start3A_586] : memref<256x32xi32, #tpu.memory_space<hbm>> -> memref<1x32xi32, #tpu.memory_space<hbm>>
      %dma_start3A_588 = tpu.memref_squeeze %dma_start3A_587 : memref<1x32xi32, #tpu.memory_space<hbm>> -> memref<32xi32, #tpu.memory_space<hbm>>
      %dma_start3A_589 = arith.constant 0 : i32
      %dma_start3A_590 = tpu.memref_slice %arg2[%add3A_30, %dma_start3A_589] : memref<256x32xi32, #tpu.memory_space<hbm>> -> memref<1x32xi32, #tpu.memory_space<hbm>>
      %dma_start3A_591 = tpu.memref_squeeze %dma_start3A_590 : memref<1x32xi32, #tpu.memory_space<hbm>> -> memref<32xi32, #tpu.memory_space<hbm>>
      tpu.enqueue_dma source(%dma_start3A_591 : memref<32xi32, #tpu.memory_space<hbm>>) target(%arg13 : memref<32xi32, #tpu.memory_space<vmem>>) target_semaphore(%run_scoped3A : memref<!tpu.dma_semaphore, #tpu.memory_space<semaphore_mem>>)
      %dma_wait3A_592 = arith.constant 0 : i32
      %dma_wait3A_593 = tpu.memref_slice %arg2[%add3A_30, %dma_wait3A_592] : memref<256x32xi32, #tpu.memory_space<hbm>> -> memref<1x32xi32, #tpu.memory_space<hbm>>
      %dma_wait3A_594 = tpu.memref_squeeze %dma_wait3A_593 : memref<1x32xi32, #tpu.memory_space<hbm>> -> memref<32xi32, #tpu.memory_space<hbm>>
      %dma_wait3A_595 = arith.constant 0 : i32
      %dma_wait3A_596 = tpu.memref_slice %arg2[%add3A_30, %dma_wait3A_595] : memref<256x32xi32, #tpu.memory_space<hbm>> -> memref<1x32xi32, #tpu.memory_space<hbm>>
      %dma_wait3A_597 = tpu.memref_squeeze %dma_wait3A_596 : memref<1x32xi32, #tpu.memory_space<hbm>> -> memref<32xi32, #tpu.memory_space<hbm>>
      tpu.wait_dma2 semaphore(%run_scoped3A : memref<!tpu.dma_semaphore, #tpu.memory_space<semaphore_mem>>) src(%dma_wait3A_597 : memref<32xi32, #tpu.memory_space<hbm>>) dst(%arg13 : memref<32xi32, #tpu.memory_space<vmem>>)
      tpu.yield
    }) : () -> ()
    %mul3A_31 = arith.constant 8 : i32
    %mul3A_32 = arith.muli %add3A, %mul3A_31 : i32
    %add3A_33 = arith.constant 7 : i32
    %add3A_34 = arith.addi %mul3A_32, %add3A_33 : i32
    "tpu.region"() ({
      %run_scoped3A = tpu.sem_alloc : memref<!tpu.dma_semaphore, #tpu.memory_space<semaphore_mem>>
      %dma_start3A_586 = arith.constant 0 : i32
      %dma_start3A_587 = tpu.memref_slice %arg2[%add3A_34, %dma_start3A_586] : memref<256x32xi32, #tpu.memory_space<hbm>> -> memref<1x32xi32, #tpu.memory_space<hbm>>
      %dma_start3A_588 = tpu.memref_squeeze %dma_start3A_587 : memref<1x32xi32, #tpu.memory_space<hbm>> -> memref<32xi32, #tpu.memory_space<hbm>>
      %dma_start3A_589 = arith.constant 0 : i32
      %dma_start3A_590 = tpu.memref_slice %arg2[%add3A_34, %dma_start3A_589] : memref<256x32xi32, #tpu.memory_space<hbm>> -> memref<1x32xi32, #tpu.memory_space<hbm>>
      %dma_start3A_591 = tpu.memref_squeeze %dma_start3A_590 : memref<1x32xi32, #tpu.memory_space<hbm>> -> memref<32xi32, #tpu.memory_space<hbm>>
      tpu.enqueue_dma source(%dma_start3A_591 : memref<32xi32, #tpu.memory_space<hbm>>) target(%arg14 : memref<32xi32, #tpu.memory_space<vmem>>) target_semaphore(%run_scoped3A : memref<!tpu.dma_semaphore, #tpu.memory_space<semaphore_mem>>)
      %dma_wait3A_592 = arith.constant 0 : i32
      %dma_wait3A_593 = tpu.memref_slice %arg2[%add3A_34, %dma_wait3A_592] : memref<256x32xi32, #tpu.memory_space<hbm>> -> memref<1x32xi32, #tpu.memory_space<hbm>>
      %dma_wait3A_594 = tpu.memref_squeeze %dma_wait3A_593 : memref<1x32xi32, #tpu.memory_space<hbm>> -> memref<32xi32, #tpu.memory_space<hbm>>
      %dma_wait3A_595 = arith.constant 0 : i32
      %dma_wait3A_596 = tpu.memref_slice %arg2[%add3A_34, %dma_wait3A_595] : memref<256x32xi32, #tpu.memory_space<hbm>> -> memref<1x32xi32, #tpu.memory_space<hbm>>
      %dma_wait3A_597 = tpu.memref_squeeze %dma_wait3A_596 : memref<1x32xi32, #tpu.memory_space<hbm>> -> memref<32xi32, #tpu.memory_space<hbm>>
      tpu.wait_dma2 semaphore(%run_scoped3A : memref<!tpu.dma_semaphore, #tpu.memory_space<semaphore_mem>>) src(%dma_wait3A_597 : memref<32xi32, #tpu.memory_space<hbm>>) dst(%arg14 : memref<32xi32, #tpu.memory_space<vmem>>)
      tpu.yield
    }) : () -> ()
    "tpu.region"() ({
      %run_scoped3A = tpu.sem_alloc : memref<!tpu.dma_semaphore, #tpu.memory_space<semaphore_mem>>
      tpu.enqueue_dma source(%arg4 : memref<768xf32, #tpu.memory_space<hbm>>) target(%arg16 : memref<768xf32, #tpu.memory_space<vmem>>) target_semaphore(%run_scoped3A : memref<!tpu.dma_semaphore, #tpu.memory_space<semaphore_mem>>)
      tpu.wait_dma2 semaphore(%run_scoped3A : memref<!tpu.dma_semaphore, #tpu.memory_space<semaphore_mem>>) src(%arg4 : memref<768xf32, #tpu.memory_space<hbm>>) dst(%arg16 : memref<768xf32, #tpu.memory_space<vmem>>)
      tpu.yield
    }) : () -> ()
    %dma_start3A = arith.constant 0 : i32
    %dma_start3A_35 = arith.constant 0 : i32
    %dma_start3A_36 = tpu.memref_slice %arg3[%dma_start3A, %dma_start3A_35] : memref<100000x768xf32, #tpu.memory_space<hbm>> -> memref<100000x768xf32, #tpu.memory_space<hbm>>
    tpu.enqueue_indirect_dma source(%dma_start3A_36 : memref<100000x768xf32, #tpu.memory_space<hbm>>) target(%arg17 : memref<32x768xf32, #tpu.memory_space<vmem>>) offsets(%arg7 : memref<32xi32, #tpu.memory_space<vmem>>) semaphore(%arg22 : memref<!tpu.dma_semaphore, #tpu.memory_space<semaphore_mem>>)
    %dma_start3A_37 = arith.constant 0 : i32
    %dma_start3A_38 = arith.constant 0 : i32
    %dma_start3A_39 = tpu.memref_slice %arg3[%dma_start3A_37, %dma_start3A_38] : memref<100000x768xf32, #tpu.memory_space<hbm>> -> memref<100000x768xf32, #tpu.memory_space<hbm>>
    tpu.enqueue_indirect_dma source(%dma_start3A_39 : memref<100000x768xf32, #tpu.memory_space<hbm>>) target(%arg18 : memref<32x768xf32, #tpu.memory_space<vmem>>) offsets(%arg8 : memref<32xi32, #tpu.memory_space<vmem>>) semaphore(%arg23 : memref<!tpu.dma_semaphore, #tpu.memory_space<semaphore_mem>>)
    %dma_start3A_40 = arith.constant 0 : i32
    %dma_start3A_41 = arith.constant 0 : i32
    %dma_start3A_42 = tpu.memref_slice %arg3[%dma_start3A_40, %dma_start3A_41] : memref<100000x768xf32, #tpu.memory_space<hbm>> -> memref<100000x768xf32, #tpu.memory_space<hbm>>
    tpu.enqueue_indirect_dma source(%dma_start3A_42 : memref<100000x768xf32, #tpu.memory_space<hbm>>) target(%arg19 : memref<32x768xf32, #tpu.memory_space<vmem>>) offsets(%arg9 : memref<32xi32, #tpu.memory_space<vmem>>) semaphore(%arg24 : memref<!tpu.dma_semaphore, #tpu.memory_space<semaphore_mem>>)
    %dma_start3A_43 = arith.constant 0 : i32
    %dma_start3A_44 = arith.constant 0 : i32
    %dma_start3A_45 = tpu.memref_slice %arg3[%dma_start3A_43, %dma_start3A_44] : memref<100000x768xf32, #tpu.memory_space<hbm>> -> memref<100000x768xf32, #tpu.memory_space<hbm>>
    tpu.enqueue_indirect_dma source(%dma_start3A_45 : memref<100000x768xf32, #tpu.memory_space<hbm>>) target(%arg20 : memref<32x768xf32, #tpu.memory_space<vmem>>) offsets(%arg10 : memref<32xi32, #tpu.memory_space<vmem>>) semaphore(%arg25 : memref<!tpu.dma_semaphore, #tpu.memory_space<semaphore_mem>>)
    %get3A = arith.constant 0 : index
    %get3A_46 = tpu.vector_load %arg7[%get3A] {strides = array<i32>} : memref<32xi32, #tpu.memory_space<vmem>>, vector<16xi32>,
    %get3A_47 = vector.shape_cast %get3A_46 : vector<16xi32> to vector<16xi32>
    %gt3A = arith.constant 0 : i32
    %gt3A_48 = vector.broadcast %gt3A : i32 to vector<16xi32>
    %gt3A_49 = arith.cmpi sgt, %get3A_47, %gt3A_48 : vector<16xi32>
    %jit3A = arith.constant 1 : i32
    %jit3A_50 = arith.constant 0 : i32
    %broadcast_in_dim3A = vector.broadcast %jit3A : i32 to vector<16xi32>
    %broadcast_in_dim3A_51 = vector.broadcast %jit3A_50 : i32 to vector<16xi32>
    %select_n3A = arith.select %gt3A_49, %broadcast_in_dim3A, %broadcast_in_dim3A_51 : vector<16xi1>, vector<16xi32>
    %swap3A = arith.constant 0 : index
    %swap3A_52 = tpu.vector_load %arg15[%swap3A] {strides = array<i32>} : memref<256xi32, #tpu.memory_space<vmem>>, vector<16xi32>,
    %swap3A_53 = vector.shape_cast %swap3A_52 : vector<16xi32> to vector<16xi32>
    %swap3A_54 = vector.shape_cast %select_n3A : vector<16xi32> to vector<16xi32>
    tpu.vector_store %arg15[%swap3A], %swap3A_54 {strides = array<i32>} : memref<256xi32, #tpu.memory_space<vmem>>, vector<16xi32>,
    %get3A_55 = arith.constant 16 : index
    %get3A_56 = tpu.vector_load %arg7[%get3A_55] {strides = array<i32>} : memref<32xi32, #tpu.memory_space<vmem>>, vector<16xi32>,
    %get3A_57 = vector.shape_cast %get3A_56 : vector<16xi32> to vector<16xi32>
    %gt3A_58 = arith.constant 0 : i32
    %gt3A_59 = vector.broadcast %gt3A_58 : i32 to vector<16xi32>
    %gt3A_60 = arith.cmpi sgt, %get3A_57, %gt3A_59 : vector<16xi32>
    %jit3A_61 = arith.constant 1 : i32
    %jit3A_62 = arith.constant 0 : i32
    %broadcast_in_dim3A_63 = vector.broadcast %jit3A_61 : i32 to vector<16xi32>
    %broadcast_in_dim3A_64 = vector.broadcast %jit3A_62 : i32 to vector<16xi32>
    %select_n3A_65 = arith.select %gt3A_60, %broadcast_in_dim3A_63, %broadcast_in_dim3A_64 : vector<16xi1>, vector<16xi32>
    %swap3A_66 = arith.constant 16 : index
    %swap3A_67 = tpu.vector_load %arg15[%swap3A_66] {strides = array<i32>} : memref<256xi32, #tpu.memory_space<vmem>>, vector<16xi32>,
    %swap3A_68 = vector.shape_cast %swap3A_67 : vector<16xi32> to vector<16xi32>
    %swap3A_69 = vector.shape_cast %select_n3A_65 : vector<16xi32> to vector<16xi32>
    tpu.vector_store %arg15[%swap3A_66], %swap3A_69 {strides = array<i32>} : memref<256xi32, #tpu.memory_space<vmem>>, vector<16xi32>,
    %get3A_70 = arith.constant 0 : index
    %get3A_71 = tpu.vector_load %arg8[%get3A_70] {strides = array<i32>} : memref<32xi32, #tpu.memory_space<vmem>>, vector<16xi32>,
    %get3A_72 = vector.shape_cast %get3A_71 : vector<16xi32> to vector<16xi32>
    %gt3A_73 = arith.constant 0 : i32
    %gt3A_74 = vector.broadcast %gt3A_73 : i32 to vector<16xi32>
    %gt3A_75 = arith.cmpi sgt, %get3A_72, %gt3A_74 : vector<16xi32>
    %jit3A_76 = arith.constant 1 : i32
    %jit3A_77 = arith.constant 0 : i32
    %broadcast_in_dim3A_78 = vector.broadcast %jit3A_76 : i32 to vector<16xi32>
    %broadcast_in_dim3A_79 = vector.broadcast %jit3A_77 : i32 to vector<16xi32>
    %select_n3A_80 = arith.select %gt3A_75, %broadcast_in_dim3A_78, %broadcast_in_dim3A_79 : vector<16xi1>, vector<16xi32>
    %swap3A_81 = arith.constant 32 : index
    %swap3A_82 = tpu.vector_load %arg15[%swap3A_81] {strides = array<i32>} : memref<256xi32, #tpu.memory_space<vmem>>, vector<16xi32>,
    %swap3A_83 = vector.shape_cast %swap3A_82 : vector<16xi32> to vector<16xi32>
    %swap3A_84 = vector.shape_cast %select_n3A_80 : vector<16xi32> to vector<16xi32>
    tpu.vector_store %arg15[%swap3A_81], %swap3A_84 {strides = array<i32>} : memref<256xi32, #tpu.memory_space<vmem>>, vector<16xi32>,
    %get3A_85 = arith.constant 16 : index
    %get3A_86 = tpu.vector_load %arg8[%get3A_85] {strides = array<i32>} : memref<32xi32, #tpu.memory_space<vmem>>, vector<16xi32>,
    %get3A_87 = vector.shape_cast %get3A_86 : vector<16xi32> to vector<16xi32>
    %gt3A_88 = arith.constant 0 : i32
    %gt3A_89 = vector.broadcast %gt3A_88 : i32 to vector<16xi32>
    %gt3A_90 = arith.cmpi sgt, %get3A_87, %gt3A_89 : vector<16xi32>
    %jit3A_91 = arith.constant 1 : i32
    %jit3A_92 = arith.constant 0 : i32
    %broadcast_in_dim3A_93 = vector.broadcast %jit3A_91 : i32 to vector<16xi32>
    %broadcast_in_dim3A_94 = vector.broadcast %jit3A_92 : i32 to vector<16xi32>
    %select_n3A_95 = arith.select %gt3A_90, %broadcast_in_dim3A_93, %broadcast_in_dim3A_94 : vector<16xi1>, vector<16xi32>
    %swap3A_96 = arith.constant 48 : index
    %swap3A_97 = tpu.vector_load %arg15[%swap3A_96] {strides = array<i32>} : memref<256xi32, #tpu.memory_space<vmem>>, vector<16xi32>,
    %swap3A_98 = vector.shape_cast %swap3A_97 : vector<16xi32> to vector<16xi32>
    %swap3A_99 = vector.shape_cast %select_n3A_95 : vector<16xi32> to vector<16xi32>
    tpu.vector_store %arg15[%swap3A_96], %swap3A_99 {strides = array<i32>} : memref<256xi32, #tpu.memory_space<vmem>>, vector<16xi32>,
    %get3A_100 = arith.constant 0 : index
    %get3A_101 = tpu.vector_load %arg9[%get3A_100] {strides = array<i32>} : memref<32xi32, #tpu.memory_space<vmem>>, vector<16xi32>,
    %get3A_102 = vector.shape_cast %get3A_101 : vector<16xi32> to vector<16xi32>
    %gt3A_103 = arith.constant 0 : i32
    %gt3A_104 = vector.broadcast %gt3A_103 : i32 to vector<16xi32>
    %gt3A_105 = arith.cmpi sgt, %get3A_102, %gt3A_104 : vector<16xi32>
    %jit3A_106 = arith.constant 1 : i32
    %jit3A_107 = arith.constant 0 : i32
    %broadcast_in_dim3A_108 = vector.broadcast %jit3A_106 : i32 to vector<16xi32>
    %broadcast_in_dim3A_109 = vector.broadcast %jit3A_107 : i32 to vector<16xi32>
    %select_n3A_110 = arith.select %gt3A_105, %broadcast_in_dim3A_108, %broadcast_in_dim3A_109 : vector<16xi1>, vector<16xi32>
    %swap3A_111 = arith.constant 64 : index
    %swap3A_112 = tpu.vector_load %arg15[%swap3A_111] {strides = array<i32>} : memref<256xi32, #tpu.memory_space<vmem>>, vector<16xi32>,
    %swap3A_113 = vector.shape_cast %swap3A_112 : vector<16xi32> to vector<16xi32>
    %swap3A_114 = vector.shape_cast %select_n3A_110 : vector<16xi32> to vector<16xi32>
    tpu.vector_store %arg15[%swap3A_111], %swap3A_114 {strides = array<i32>} : memref<256xi32, #tpu.memory_space<vmem>>, vector<16xi32>,
    %get3A_115 = arith.constant 16 : index
    %get3A_116 = tpu.vector_load %arg9[%get3A_115] {strides = array<i32>} : memref<32xi32, #tpu.memory_space<vmem>>, vector<16xi32>,
    %get3A_117 = vector.shape_cast %get3A_116 : vector<16xi32> to vector<16xi32>
    %gt3A_118 = arith.constant 0 : i32
    %gt3A_119 = vector.broadcast %gt3A_118 : i32 to vector<16xi32>
    %gt3A_120 = arith.cmpi sgt, %get3A_117, %gt3A_119 : vector<16xi32>
    %jit3A_121 = arith.constant 1 : i32
    %jit3A_122 = arith.constant 0 : i32
    %broadcast_in_dim3A_123 = vector.broadcast %jit3A_121 : i32 to vector<16xi32>
    %broadcast_in_dim3A_124 = vector.broadcast %jit3A_122 : i32 to vector<16xi32>
    %select_n3A_125 = arith.select %gt3A_120, %broadcast_in_dim3A_123, %broadcast_in_dim3A_124 : vector<16xi1>, vector<16xi32>
    %swap3A_126 = arith.constant 80 : index
    %swap3A_127 = tpu.vector_load %arg15[%swap3A_126] {strides = array<i32>} : memref<256xi32, #tpu.memory_space<vmem>>, vector<16xi32>,
    %swap3A_128 = vector.shape_cast %swap3A_127 : vector<16xi32> to vector<16xi32>
    %swap3A_129 = vector.shape_cast %select_n3A_125 : vector<16xi32> to vector<16xi32>
    tpu.vector_store %arg15[%swap3A_126], %swap3A_129 {strides = array<i32>} : memref<256xi32, #tpu.memory_space<vmem>>, vector<16xi32>,
    %get3A_130 = arith.constant 0 : index
    %get3A_131 = tpu.vector_load %arg10[%get3A_130] {strides = array<i32>} : memref<32xi32, #tpu.memory_space<vmem>>, vector<16xi32>,
    %get3A_132 = vector.shape_cast %get3A_131 : vector<16xi32> to vector<16xi32>
    %gt3A_133 = arith.constant 0 : i32
    %gt3A_134 = vector.broadcast %gt3A_133 : i32 to vector<16xi32>
    %gt3A_135 = arith.cmpi sgt, %get3A_132, %gt3A_134 : vector<16xi32>
    %jit3A_136 = arith.constant 1 : i32
    %jit3A_137 = arith.constant 0 : i32
    %broadcast_in_dim3A_138 = vector.broadcast %jit3A_136 : i32 to vector<16xi32>
    %broadcast_in_dim3A_139 = vector.broadcast %jit3A_137 : i32 to vector<16xi32>
    %select_n3A_140 = arith.select %gt3A_135, %broadcast_in_dim3A_138, %broadcast_in_dim3A_139 : vector<16xi1>, vector<16xi32>
    %swap3A_141 = arith.constant 96 : index
    %swap3A_142 = tpu.vector_load %arg15[%swap3A_141] {strides = array<i32>} : memref<256xi32, #tpu.memory_space<vmem>>, vector<16xi32>,
    %swap3A_143 = vector.shape_cast %swap3A_142 : vector<16xi32> to vector<16xi32>
    %swap3A_144 = vector.shape_cast %select_n3A_140 : vector<16xi32> to vector<16xi32>
    tpu.vector_store %arg15[%swap3A_141], %swap3A_144 {strides = array<i32>} : memref<256xi32, #tpu.memory_space<vmem>>, vector<16xi32>,
    %get3A_145 = arith.constant 16 : index
    %get3A_146 = tpu.vector_load %arg10[%get3A_145] {strides = array<i32>} : memref<32xi32, #tpu.memory_space<vmem>>, vector<16xi32>,
    %get3A_147 = vector.shape_cast %get3A_146 : vector<16xi32> to vector<16xi32>
    %gt3A_148 = arith.constant 0 : i32
    %gt3A_149 = vector.broadcast %gt3A_148 : i32 to vector<16xi32>
    %gt3A_150 = arith.cmpi sgt, %get3A_147, %gt3A_149 : vector<16xi32>
    %jit3A_151 = arith.constant 1 : i32
    %jit3A_152 = arith.constant 0 : i32
    %broadcast_in_dim3A_153 = vector.broadcast %jit3A_151 : i32 to vector<16xi32>
    %broadcast_in_dim3A_154 = vector.broadcast %jit3A_152 : i32 to vector<16xi32>
    %select_n3A_155 = arith.select %gt3A_150, %broadcast_in_dim3A_153, %broadcast_in_dim3A_154 : vector<16xi1>, vector<16xi32>
    %swap3A_156 = arith.constant 112 : index
    %swap3A_157 = tpu.vector_load %arg15[%swap3A_156] {strides = array<i32>} : memref<256xi32, #tpu.memory_space<vmem>>, vector<16xi32>,
    %swap3A_158 = vector.shape_cast %swap3A_157 : vector<16xi32> to vector<16xi32>
    %swap3A_159 = vector.shape_cast %select_n3A_155 : vector<16xi32> to vector<16xi32>
    tpu.vector_store %arg15[%swap3A_156], %swap3A_159 {strides = array<i32>} : memref<256xi32, #tpu.memory_space<vmem>>, vector<16xi32>,
    %get3A_160 = arith.constant 0 : index
    %get3A_161 = tpu.vector_load %arg11[%get3A_160] {strides = array<i32>} : memref<32xi32, #tpu.memory_space<vmem>>, vector<16xi32>,
    %get3A_162 = vector.shape_cast %get3A_161 : vector<16xi32> to vector<16xi32>
    %gt3A_163 = arith.constant 0 : i32
    %gt3A_164 = vector.broadcast %gt3A_163 : i32 to vector<16xi32>
    %gt3A_165 = arith.cmpi sgt, %get3A_162, %gt3A_164 : vector<16xi32>
    %jit3A_166 = arith.constant 1 : i32
    %jit3A_167 = arith.constant 0 : i32
    %broadcast_in_dim3A_168 = vector.broadcast %jit3A_166 : i32 to vector<16xi32>
    %broadcast_in_dim3A_169 = vector.broadcast %jit3A_167 : i32 to vector<16xi32>
    %select_n3A_170 = arith.select %gt3A_165, %broadcast_in_dim3A_168, %broadcast_in_dim3A_169 : vector<16xi1>, vector<16xi32>
    %swap3A_171 = arith.constant 128 : index
    %swap3A_172 = tpu.vector_load %arg15[%swap3A_171] {strides = array<i32>} : memref<256xi32, #tpu.memory_space<vmem>>, vector<16xi32>,
    %swap3A_173 = vector.shape_cast %swap3A_172 : vector<16xi32> to vector<16xi32>
    %swap3A_174 = vector.shape_cast %select_n3A_170 : vector<16xi32> to vector<16xi32>
    tpu.vector_store %arg15[%swap3A_171], %swap3A_174 {strides = array<i32>} : memref<256xi32, #tpu.memory_space<vmem>>, vector<16xi32>,
    %get3A_175 = arith.constant 16 : index
    %get3A_176 = tpu.vector_load %arg11[%get3A_175] {strides = array<i32>} : memref<32xi32, #tpu.memory_space<vmem>>, vector<16xi32>,
    %get3A_177 = vector.shape_cast %get3A_176 : vector<16xi32> to vector<16xi32>
    %gt3A_178 = arith.constant 0 : i32
    %gt3A_179 = vector.broadcast %gt3A_178 : i32 to vector<16xi32>
    %gt3A_180 = arith.cmpi sgt, %get3A_177, %gt3A_179 : vector<16xi32>
    %jit3A_181 = arith.constant 1 : i32
    %jit3A_182 = arith.constant 0 : i32
    %broadcast_in_dim3A_183 = vector.broadcast %jit3A_181 : i32 to vector<16xi32>
    %broadcast_in_dim3A_184 = vector.broadcast %jit3A_182 : i32 to vector<16xi32>
    %select_n3A_185 = arith.select %gt3A_180, %broadcast_in_dim3A_183, %broadcast_in_dim3A_184 : vector<16xi1>, vector<16xi32>
    %swap3A_186 = arith.constant 144 : index
    %swap3A_187 = tpu.vector_load %arg15[%swap3A_186] {strides = array<i32>} : memref<256xi32, #tpu.memory_space<vmem>>, vector<16xi32>,
    %swap3A_188 = vector.shape_cast %swap3A_187 : vector<16xi32> to vector<16xi32>
    %swap3A_189 = vector.shape_cast %select_n3A_185 : vector<16xi32> to vector<16xi32>
    tpu.vector_store %arg15[%swap3A_186], %swap3A_189 {strides = array<i32>} : memref<256xi32, #tpu.memory_space<vmem>>, vector<16xi32>,
    %get3A_190 = arith.constant 0 : index
    %get3A_191 = tpu.vector_load %arg12[%get3A_190] {strides = array<i32>} : memref<32xi32, #tpu.memory_space<vmem>>, vector<16xi32>,
    %get3A_192 = vector.shape_cast %get3A_191 : vector<16xi32> to vector<16xi32>
    %gt3A_193 = arith.constant 0 : i32
    %gt3A_194 = vector.broadcast %gt3A_193 : i32 to vector<16xi32>
    %gt3A_195 = arith.cmpi sgt, %get3A_192, %gt3A_194 : vector<16xi32>
    %jit3A_196 = arith.constant 1 : i32
    %jit3A_197 = arith.constant 0 : i32
    %broadcast_in_dim3A_198 = vector.broadcast %jit3A_196 : i32 to vector<16xi32>
    %broadcast_in_dim3A_199 = vector.broadcast %jit3A_197 : i32 to vector<16xi32>
    %select_n3A_200 = arith.select %gt3A_195, %broadcast_in_dim3A_198, %broadcast_in_dim3A_199 : vector<16xi1>, vector<16xi32>
    %swap3A_201 = arith.constant 160 : index
    %swap3A_202 = tpu.vector_load %arg15[%swap3A_201] {strides = array<i32>} : memref<256xi32, #tpu.memory_space<vmem>>, vector<16xi32>,
    %swap3A_203 = vector.shape_cast %swap3A_202 : vector<16xi32> to vector<16xi32>
    %swap3A_204 = vector.shape_cast %select_n3A_200 : vector<16xi32> to vector<16xi32>
    tpu.vector_store %arg15[%swap3A_201], %swap3A_204 {strides = array<i32>} : memref<256xi32, #tpu.memory_space<vmem>>, vector<16xi32>,
    %get3A_205 = arith.constant 16 : index
    %get3A_206 = tpu.vector_load %arg12[%get3A_205] {strides = array<i32>} : memref<32xi32, #tpu.memory_space<vmem>>, vector<16xi32>,
    %get3A_207 = vector.shape_cast %get3A_206 : vector<16xi32> to vector<16xi32>
    %gt3A_208 = arith.constant 0 : i32
    %gt3A_209 = vector.broadcast %gt3A_208 : i32 to vector<16xi32>
    %gt3A_210 = arith.cmpi sgt, %get3A_207, %gt3A_209 : vector<16xi32>
    %jit3A_211 = arith.constant 1 : i32
    %jit3A_212 = arith.constant 0 : i32
    %broadcast_in_dim3A_213 = vector.broadcast %jit3A_211 : i32 to vector<16xi32>
    %broadcast_in_dim3A_214 = vector.broadcast %jit3A_212 : i32 to vector<16xi32>
    %select_n3A_215 = arith.select %gt3A_210, %broadcast_in_dim3A_213, %broadcast_in_dim3A_214 : vector<16xi1>, vector<16xi32>
    %swap3A_216 = arith.constant 176 : index
    %swap3A_217 = tpu.vector_load %arg15[%swap3A_216] {strides = array<i32>} : memref<256xi32, #tpu.memory_space<vmem>>, vector<16xi32>,
    %swap3A_218 = vector.shape_cast %swap3A_217 : vector<16xi32> to vector<16xi32>
    %swap3A_219 = vector.shape_cast %select_n3A_215 : vector<16xi32> to vector<16xi32>
    tpu.vector_store %arg15[%swap3A_216], %swap3A_219 {strides = array<i32>} : memref<256xi32, #tpu.memory_space<vmem>>, vector<16xi32>,
    %get3A_220 = arith.constant 0 : index
    %get3A_221 = tpu.vector_load %arg13[%get3A_220] {strides = array<i32>} : memref<32xi32, #tpu.memory_space<vmem>>, vector<16xi32>,
    %get3A_222 = vector.shape_cast %get3A_221 : vector<16xi32> to vector<16xi32>
    %gt3A_223 = arith.constant 0 : i32
    %gt3A_224 = vector.broadcast %gt3A_223 : i32 to vector<16xi32>
    %gt3A_225 = arith.cmpi sgt, %get3A_222, %gt3A_224 : vector<16xi32>
    %jit3A_226 = arith.constant 1 : i32
    %jit3A_227 = arith.constant 0 : i32
    %broadcast_in_dim3A_228 = vector.broadcast %jit3A_226 : i32 to vector<16xi32>
    %broadcast_in_dim3A_229 = vector.broadcast %jit3A_227 : i32 to vector<16xi32>
    %select_n3A_230 = arith.select %gt3A_225, %broadcast_in_dim3A_228, %broadcast_in_dim3A_229 : vector<16xi1>, vector<16xi32>
    %swap3A_231 = arith.constant 192 : index
    %swap3A_232 = tpu.vector_load %arg15[%swap3A_231] {strides = array<i32>} : memref<256xi32, #tpu.memory_space<vmem>>, vector<16xi32>,
    %swap3A_233 = vector.shape_cast %swap3A_232 : vector<16xi32> to vector<16xi32>
    %swap3A_234 = vector.shape_cast %select_n3A_230 : vector<16xi32> to vector<16xi32>
    tpu.vector_store %arg15[%swap3A_231], %swap3A_234 {strides = array<i32>} : memref<256xi32, #tpu.memory_space<vmem>>, vector<16xi32>,
    %get3A_235 = arith.constant 16 : index
    %get3A_236 = tpu.vector_load %arg13[%get3A_235] {strides = array<i32>} : memref<32xi32, #tpu.memory_space<vmem>>, vector<16xi32>,
    %get3A_237 = vector.shape_cast %get3A_236 : vector<16xi32> to vector<16xi32>
    %gt3A_238 = arith.constant 0 : i32
    %gt3A_239 = vector.broadcast %gt3A_238 : i32 to vector<16xi32>
    %gt3A_240 = arith.cmpi sgt, %get3A_237, %gt3A_239 : vector<16xi32>
    %jit3A_241 = arith.constant 1 : i32
    %jit3A_242 = arith.constant 0 : i32
    %broadcast_in_dim3A_243 = vector.broadcast %jit3A_241 : i32 to vector<16xi32>
    %broadcast_in_dim3A_244 = vector.broadcast %jit3A_242 : i32 to vector<16xi32>
    %select_n3A_245 = arith.select %gt3A_240, %broadcast_in_dim3A_243, %broadcast_in_dim3A_244 : vector<16xi1>, vector<16xi32>
    %swap3A_246 = arith.constant 208 : index
    %swap3A_247 = tpu.vector_load %arg15[%swap3A_246] {strides = array<i32>} : memref<256xi32, #tpu.memory_space<vmem>>, vector<16xi32>,
    %swap3A_248 = vector.shape_cast %swap3A_247 : vector<16xi32> to vector<16xi32>
    %swap3A_249 = vector.shape_cast %select_n3A_245 : vector<16xi32> to vector<16xi32>
    tpu.vector_store %arg15[%swap3A_246], %swap3A_249 {strides = array<i32>} : memref<256xi32, #tpu.memory_space<vmem>>, vector<16xi32>,
    %get3A_250 = arith.constant 0 : index
    %get3A_251 = tpu.vector_load %arg14[%get3A_250] {strides = array<i32>} : memref<32xi32, #tpu.memory_space<vmem>>, vector<16xi32>,
    %get3A_252 = vector.shape_cast %get3A_251 : vector<16xi32> to vector<16xi32>
    %gt3A_253 = arith.constant 0 : i32
    %gt3A_254 = vector.broadcast %gt3A_253 : i32 to vector<16xi32>
    %gt3A_255 = arith.cmpi sgt, %get3A_252, %gt3A_254 : vector<16xi32>
    %jit3A_256 = arith.constant 1 : i32
    %jit3A_257 = arith.constant 0 : i32
    %broadcast_in_dim3A_258 = vector.broadcast %jit3A_256 : i32 to vector<16xi32>
    %broadcast_in_dim3A_259 = vector.broadcast %jit3A_257 : i32 to vector<16xi32>
    %select_n3A_260 = arith.select %gt3A_255, %broadcast_in_dim3A_258, %broadcast_in_dim3A_259 : vector<16xi1>, vector<16xi32>
    %swap3A_261 = arith.constant 224 : index
    %swap3A_262 = tpu.vector_load %arg15[%swap3A_261] {strides = array<i32>} : memref<256xi32, #tpu.memory_space<vmem>>, vector<16xi32>,
    %swap3A_263 = vector.shape_cast %swap3A_262 : vector<16xi32> to vector<16xi32>
    %swap3A_264 = vector.shape_cast %select_n3A_260 : vector<16xi32> to vector<16xi32>
    tpu.vector_store %arg15[%swap3A_261], %swap3A_264 {strides = array<i32>} : memref<256xi32, #tpu.memory_space<vmem>>, vector<16xi32>,
    %get3A_265 = arith.constant 16 : index
    %get3A_266 = tpu.vector_load %arg14[%get3A_265] {strides = array<i32>} : memref<32xi32, #tpu.memory_space<vmem>>, vector<16xi32>,
    %get3A_267 = vector.shape_cast %get3A_266 : vector<16xi32> to vector<16xi32>
    %gt3A_268 = arith.constant 0 : i32
    %gt3A_269 = vector.broadcast %gt3A_268 : i32 to vector<16xi32>
    %gt3A_270 = arith.cmpi sgt, %get3A_267, %gt3A_269 : vector<16xi32>
    %jit3A_271 = arith.constant 1 : i32
    %jit3A_272 = arith.constant 0 : i32
    %broadcast_in_dim3A_273 = vector.broadcast %jit3A_271 : i32 to vector<16xi32>
    %broadcast_in_dim3A_274 = vector.broadcast %jit3A_272 : i32 to vector<16xi32>
    %select_n3A_275 = arith.select %gt3A_270, %broadcast_in_dim3A_273, %broadcast_in_dim3A_274 : vector<16xi1>, vector<16xi32>
    %swap3A_276 = arith.constant 240 : index
    %swap3A_277 = tpu.vector_load %arg15[%swap3A_276] {strides = array<i32>} : memref<256xi32, #tpu.memory_space<vmem>>, vector<16xi32>,
    %swap3A_278 = vector.shape_cast %swap3A_277 : vector<16xi32> to vector<16xi32>
    %swap3A_279 = vector.shape_cast %select_n3A_275 : vector<16xi32> to vector<16xi32>
    tpu.vector_store %arg15[%swap3A_276], %swap3A_279 {strides = array<i32>} : memref<256xi32, #tpu.memory_space<vmem>>, vector<16xi32>,
    "tpu.region"() ({
      %run_scoped3A = tpu.sem_alloc : memref<!tpu.dma_semaphore, #tpu.memory_space<semaphore_mem>>
      %dma_start3A_586 = tpu.memref_slice %arg6[%mul3A_2] : memref<8192xi32, #tpu.memory_space<hbm>> -> memref<256xi32, #tpu.memory_space<hbm>>
      %dma_start3A_587 = tpu.memref_slice %arg6[%mul3A_2] : memref<8192xi32, #tpu.memory_space<hbm>> -> memref<256xi32, #tpu.memory_space<hbm>>
      tpu.enqueue_dma source(%arg15 : memref<256xi32, #tpu.memory_space<vmem>>) target(%dma_start3A_587 : memref<256xi32, #tpu.memory_space<hbm>>) target_semaphore(%run_scoped3A : memref<!tpu.dma_semaphore, #tpu.memory_space<semaphore_mem>>)
      %dma_wait3A_588 = tpu.memref_slice %arg6[%mul3A_2] : memref<8192xi32, #tpu.memory_space<hbm>> -> memref<256xi32, #tpu.memory_space<hbm>>
      %dma_wait3A_589 = tpu.memref_slice %arg6[%mul3A_2] : memref<8192xi32, #tpu.memory_space<hbm>> -> memref<256xi32, #tpu.memory_space<hbm>>
      tpu.wait_dma2 semaphore(%run_scoped3A : memref<!tpu.dma_semaphore, #tpu.memory_space<semaphore_mem>>) src(%arg15 : memref<256xi32, #tpu.memory_space<vmem>>) dst(%dma_wait3A_589 : memref<256xi32, #tpu.memory_space<hbm>>)
      tpu.yield
    }) : () -> ()
    %get3A_280 = arith.constant 0 : index
    %get3A_281 = tpu.vector_load %arg16[%get3A_280] {strides = array<i32>} : memref<768xf32, #tpu.memory_space<vmem>>, vector<16xf32>,
    %get3A_282 = vector.shape_cast %get3A_281 : vector<16xf32> to vector<16xf32>
    %get3A_283 = arith.constant 16 : index
    %get3A_284 = tpu.vector_load %arg16[%get3A_283] {strides = array<i32>} : memref<768xf32, #tpu.memory_space<vmem>>, vector<16xf32>,
    %get3A_285 = vector.shape_cast %get3A_284 : vector<16xf32> to vector<16xf32>
    %get3A_286 = arith.constant 32 : index
    %get3A_287 = tpu.vector_load %arg16[%get3A_286] {strides = array<i32>} : memref<768xf32, #tpu.memory_space<vmem>>, vector<16xf32>,
    %get3A_288 = vector.shape_cast %get3A_287 : vector<16xf32> to vector<16xf32>
    %get3A_289 = arith.constant 48 : index
    %get3A_290 = tpu.vector_load %arg16[%get3A_289] {strides = array<i32>} : memref<768xf32, #tpu.memory_space<vmem>>, vector<16xf32>,
    %get3A_291 = vector.shape_cast %get3A_290 : vector<16xf32> to vector<16xf32>
    %get3A_292 = arith.constant 64 : index
    %get3A_293 = tpu.vector_load %arg16[%get3A_292] {strides = array<i32>} : memref<768xf32, #tpu.memory_space<vmem>>, vector<16xf32>,
    %get3A_294 = vector.shape_cast %get3A_293 : vector<16xf32> to vector<16xf32>
    %get3A_295 = arith.constant 80 : index
    %get3A_296 = tpu.vector_load %arg16[%get3A_295] {strides = array<i32>} : memref<768xf32, #tpu.memory_space<vmem>>, vector<16xf32>,
    %get3A_297 = vector.shape_cast %get3A_296 : vector<16xf32> to vector<16xf32>
    %get3A_298 = arith.constant 96 : index
    %get3A_299 = tpu.vector_load %arg16[%get3A_298] {strides = array<i32>} : memref<768xf32, #tpu.memory_space<vmem>>, vector<16xf32>,
    %get3A_300 = vector.shape_cast %get3A_299 : vector<16xf32> to vector<16xf32>
    %get3A_301 = arith.constant 112 : index
    %get3A_302 = tpu.vector_load %arg16[%get3A_301] {strides = array<i32>} : memref<768xf32, #tpu.memory_space<vmem>>, vector<16xf32>,
    %get3A_303 = vector.shape_cast %get3A_302 : vector<16xf32> to vector<16xf32>
    %get3A_304 = arith.constant 128 : index
    %get3A_305 = tpu.vector_load %arg16[%get3A_304] {strides = array<i32>} : memref<768xf32, #tpu.memory_space<vmem>>, vector<16xf32>,
    %get3A_306 = vector.shape_cast %get3A_305 : vector<16xf32> to vector<16xf32>
    %get3A_307 = arith.constant 144 : index
    %get3A_308 = tpu.vector_load %arg16[%get3A_307] {strides = array<i32>} : memref<768xf32, #tpu.memory_space<vmem>>, vector<16xf32>,
    %get3A_309 = vector.shape_cast %get3A_308 : vector<16xf32> to vector<16xf32>
    %get3A_310 = arith.constant 160 : index
    %get3A_311 = tpu.vector_load %arg16[%get3A_310] {strides = array<i32>} : memref<768xf32, #tpu.memory_space<vmem>>, vector<16xf32>,
    %get3A_312 = vector.shape_cast %get3A_311 : vector<16xf32> to vector<16xf32>
    %get3A_313 = arith.constant 176 : index
    %get3A_314 = tpu.vector_load %arg16[%get3A_313] {strides = array<i32>} : memref<768xf32, #tpu.memory_space<vmem>>, vector<16xf32>,
    %get3A_315 = vector.shape_cast %get3A_314 : vector<16xf32> to vector<16xf32>
    %get3A_316 = arith.constant 192 : index
    %get3A_317 = tpu.vector_load %arg16[%get3A_316] {strides = array<i32>} : memref<768xf32, #tpu.memory_space<vmem>>, vector<16xf32>,
    %get3A_318 = vector.shape_cast %get3A_317 : vector<16xf32> to vector<16xf32>
    %get3A_319 = arith.constant 208 : index
    %get3A_320 = tpu.vector_load %arg16[%get3A_319] {strides = array<i32>} : memref<768xf32, #tpu.memory_space<vmem>>, vector<16xf32>,
    %get3A_321 = vector.shape_cast %get3A_320 : vector<16xf32> to vector<16xf32>
    %get3A_322 = arith.constant 224 : index
    %get3A_323 = tpu.vector_load %arg16[%get3A_322] {strides = array<i32>} : memref<768xf32, #tpu.memory_space<vmem>>, vector<16xf32>,
    %get3A_324 = vector.shape_cast %get3A_323 : vector<16xf32> to vector<16xf32>
    %get3A_325 = arith.constant 240 : index
    %get3A_326 = tpu.vector_load %arg16[%get3A_325] {strides = array<i32>} : memref<768xf32, #tpu.memory_space<vmem>>, vector<16xf32>,
    %get3A_327 = vector.shape_cast %get3A_326 : vector<16xf32> to vector<16xf32>
    %get3A_328 = arith.constant 256 : index
    %get3A_329 = tpu.vector_load %arg16[%get3A_328] {strides = array<i32>} : memref<768xf32, #tpu.memory_space<vmem>>, vector<16xf32>,
    %get3A_330 = vector.shape_cast %get3A_329 : vector<16xf32> to vector<16xf32>
    %get3A_331 = arith.constant 272 : index
    %get3A_332 = tpu.vector_load %arg16[%get3A_331] {strides = array<i32>} : memref<768xf32, #tpu.memory_space<vmem>>, vector<16xf32>,
    %get3A_333 = vector.shape_cast %get3A_332 : vector<16xf32> to vector<16xf32>
    %get3A_334 = arith.constant 288 : index
    %get3A_335 = tpu.vector_load %arg16[%get3A_334] {strides = array<i32>} : memref<768xf32, #tpu.memory_space<vmem>>, vector<16xf32>,
    %get3A_336 = vector.shape_cast %get3A_335 : vector<16xf32> to vector<16xf32>
    %get3A_337 = arith.constant 304 : index
    %get3A_338 = tpu.vector_load %arg16[%get3A_337] {strides = array<i32>} : memref<768xf32, #tpu.memory_space<vmem>>, vector<16xf32>,
    %get3A_339 = vector.shape_cast %get3A_338 : vector<16xf32> to vector<16xf32>
    %get3A_340 = arith.constant 320 : index
    %get3A_341 = tpu.vector_load %arg16[%get3A_340] {strides = array<i32>} : memref<768xf32, #tpu.memory_space<vmem>>, vector<16xf32>,
    %get3A_342 = vector.shape_cast %get3A_341 : vector<16xf32> to vector<16xf32>
    %get3A_343 = arith.constant 336 : index
    %get3A_344 = tpu.vector_load %arg16[%get3A_343] {strides = array<i32>} : memref<768xf32, #tpu.memory_space<vmem>>, vector<16xf32>,
    %get3A_345 = vector.shape_cast %get3A_344 : vector<16xf32> to vector<16xf32>
    %get3A_346 = arith.constant 352 : index
    %get3A_347 = tpu.vector_load %arg16[%get3A_346] {strides = array<i32>} : memref<768xf32, #tpu.memory_space<vmem>>, vector<16xf32>,
    %get3A_348 = vector.shape_cast %get3A_347 : vector<16xf32> to vector<16xf32>
    %get3A_349 = arith.constant 368 : index
    %get3A_350 = tpu.vector_load %arg16[%get3A_349] {strides = array<i32>} : memref<768xf32, #tpu.memory_space<vmem>>, vector<16xf32>,
    %get3A_351 = vector.shape_cast %get3A_350 : vector<16xf32> to vector<16xf32>
    %get3A_352 = arith.constant 384 : index
    %get3A_353 = tpu.vector_load %arg16[%get3A_352] {strides = array<i32>} : memref<768xf32, #tpu.memory_space<vmem>>, vector<16xf32>,
    %get3A_354 = vector.shape_cast %get3A_353 : vector<16xf32> to vector<16xf32>
    %get3A_355 = arith.constant 400 : index
    %get3A_356 = tpu.vector_load %arg16[%get3A_355] {strides = array<i32>} : memref<768xf32, #tpu.memory_space<vmem>>, vector<16xf32>,
    %get3A_357 = vector.shape_cast %get3A_356 : vector<16xf32> to vector<16xf32>
    %get3A_358 = arith.constant 416 : index
    %get3A_359 = tpu.vector_load %arg16[%get3A_358] {strides = array<i32>} : memref<768xf32, #tpu.memory_space<vmem>>, vector<16xf32>,
    %get3A_360 = vector.shape_cast %get3A_359 : vector<16xf32> to vector<16xf32>
    %get3A_361 = arith.constant 432 : index
    %get3A_362 = tpu.vector_load %arg16[%get3A_361] {strides = array<i32>} : memref<768xf32, #tpu.memory_space<vmem>>, vector<16xf32>,
    %get3A_363 = vector.shape_cast %get3A_362 : vector<16xf32> to vector<16xf32>
    %get3A_364 = arith.constant 448 : index
    %get3A_365 = tpu.vector_load %arg16[%get3A_364] {strides = array<i32>} : memref<768xf32, #tpu.memory_space<vmem>>, vector<16xf32>,
    %get3A_366 = vector.shape_cast %get3A_365 : vector<16xf32> to vector<16xf32>
    %get3A_367 = arith.constant 464 : index
    %get3A_368 = tpu.vector_load %arg16[%get3A_367] {strides = array<i32>} : memref<768xf32, #tpu.memory_space<vmem>>, vector<16xf32>,
    %get3A_369 = vector.shape_cast %get3A_368 : vector<16xf32> to vector<16xf32>
    %get3A_370 = arith.constant 480 : index
    %get3A_371 = tpu.vector_load %arg16[%get3A_370] {strides = array<i32>} : memref<768xf32, #tpu.memory_space<vmem>>, vector<16xf32>,
    %get3A_372 = vector.shape_cast %get3A_371 : vector<16xf32> to vector<16xf32>
    %get3A_373 = arith.constant 496 : index
    %get3A_374 = tpu.vector_load %arg16[%get3A_373] {strides = array<i32>} : memref<768xf32, #tpu.memory_space<vmem>>, vector<16xf32>,
    %get3A_375 = vector.shape_cast %get3A_374 : vector<16xf32> to vector<16xf32>
    %get3A_376 = arith.constant 512 : index
    %get3A_377 = tpu.vector_load %arg16[%get3A_376] {strides = array<i32>} : memref<768xf32, #tpu.memory_space<vmem>>, vector<16xf32>,
    %get3A_378 = vector.shape_cast %get3A_377 : vector<16xf32> to vector<16xf32>
    %get3A_379 = arith.constant 528 : index
    %get3A_380 = tpu.vector_load %arg16[%get3A_379] {strides = array<i32>} : memref<768xf32, #tpu.memory_space<vmem>>, vector<16xf32>,
    %get3A_381 = vector.shape_cast %get3A_380 : vector<16xf32> to vector<16xf32>
    %get3A_382 = arith.constant 544 : index
    %get3A_383 = tpu.vector_load %arg16[%get3A_382] {strides = array<i32>} : memref<768xf32, #tpu.memory_space<vmem>>, vector<16xf32>,
    %get3A_384 = vector.shape_cast %get3A_383 : vector<16xf32> to vector<16xf32>
    %get3A_385 = arith.constant 560 : index
    %get3A_386 = tpu.vector_load %arg16[%get3A_385] {strides = array<i32>} : memref<768xf32, #tpu.memory_space<vmem>>, vector<16xf32>,
    %get3A_387 = vector.shape_cast %get3A_386 : vector<16xf32> to vector<16xf32>
    %get3A_388 = arith.constant 576 : index
    %get3A_389 = tpu.vector_load %arg16[%get3A_388] {strides = array<i32>} : memref<768xf32, #tpu.memory_space<vmem>>, vector<16xf32>,
    %get3A_390 = vector.shape_cast %get3A_389 : vector<16xf32> to vector<16xf32>
    %get3A_391 = arith.constant 592 : index
    %get3A_392 = tpu.vector_load %arg16[%get3A_391] {strides = array<i32>} : memref<768xf32, #tpu.memory_space<vmem>>, vector<16xf32>,
    %get3A_393 = vector.shape_cast %get3A_392 : vector<16xf32> to vector<16xf32>
    %get3A_394 = arith.constant 608 : index
    %get3A_395 = tpu.vector_load %arg16[%get3A_394] {strides = array<i32>} : memref<768xf32, #tpu.memory_space<vmem>>, vector<16xf32>,
    %get3A_396 = vector.shape_cast %get3A_395 : vector<16xf32> to vector<16xf32>
    %get3A_397 = arith.constant 624 : index
    %get3A_398 = tpu.vector_load %arg16[%get3A_397] {strides = array<i32>} : memref<768xf32, #tpu.memory_space<vmem>>, vector<16xf32>,
    %get3A_399 = vector.shape_cast %get3A_398 : vector<16xf32> to vector<16xf32>
    %get3A_400 = arith.constant 640 : index
    %get3A_401 = tpu.vector_load %arg16[%get3A_400] {strides = array<i32>} : memref<768xf32, #tpu.memory_space<vmem>>, vector<16xf32>,
    %get3A_402 = vector.shape_cast %get3A_401 : vector<16xf32> to vector<16xf32>
    %get3A_403 = arith.constant 656 : index
    %get3A_404 = tpu.vector_load %arg16[%get3A_403] {strides = array<i32>} : memref<768xf32, #tpu.memory_space<vmem>>, vector<16xf32>,
    %get3A_405 = vector.shape_cast %get3A_404 : vector<16xf32> to vector<16xf32>
    %get3A_406 = arith.constant 672 : index
    %get3A_407 = tpu.vector_load %arg16[%get3A_406] {strides = array<i32>} : memref<768xf32, #tpu.memory_space<vmem>>, vector<16xf32>,
    %get3A_408 = vector.shape_cast %get3A_407 : vector<16xf32> to vector<16xf32>
    %get3A_409 = arith.constant 688 : index
    %get3A_410 = tpu.vector_load %arg16[%get3A_409] {strides = array<i32>} : memref<768xf32, #tpu.memory_space<vmem>>, vector<16xf32>,
    %get3A_411 = vector.shape_cast %get3A_410 : vector<16xf32> to vector<16xf32>
    %get3A_412 = arith.constant 704 : index
    %get3A_413 = tpu.vector_load %arg16[%get3A_412] {strides = array<i32>} : memref<768xf32, #tpu.memory_space<vmem>>, vector<16xf32>,
    %get3A_414 = vector.shape_cast %get3A_413 : vector<16xf32> to vector<16xf32>
    %get3A_415 = arith.constant 720 : index
    %get3A_416 = tpu.vector_load %arg16[%get3A_415] {strides = array<i32>} : memref<768xf32, #tpu.memory_space<vmem>>, vector<16xf32>,
    %get3A_417 = vector.shape_cast %get3A_416 : vector<16xf32> to vector<16xf32>
    %get3A_418 = arith.constant 736 : index
    %get3A_419 = tpu.vector_load %arg16[%get3A_418] {strides = array<i32>} : memref<768xf32, #tpu.memory_space<vmem>>, vector<16xf32>,
    %get3A_420 = vector.shape_cast %get3A_419 : vector<16xf32> to vector<16xf32>
    %get3A_421 = arith.constant 752 : index
    %get3A_422 = tpu.vector_load %arg16[%get3A_421] {strides = array<i32>} : memref<768xf32, #tpu.memory_space<vmem>>, vector<16xf32>,
    %get3A_423 = vector.shape_cast %get3A_422 : vector<16xf32> to vector<16xf32>
    %dma_wait3A = arith.constant 0 : i32
    %dma_wait3A_424 = arith.constant 0 : i32
    %dma_wait3A_425 = tpu.memref_slice %arg3[%dma_wait3A, %dma_wait3A_424] : memref<100000x768xf32, #tpu.memory_space<hbm>> -> memref<100000x768xf32, #tpu.memory_space<hbm>>
    tpu.wait_indirect_dma semaphore(%arg22 : memref<!tpu.dma_semaphore, #tpu.memory_space<semaphore_mem>>) src(%dma_wait3A_425 : memref<100000x768xf32, #tpu.memory_space<hbm>>) dst(%arg17 : memref<32x768xf32, #tpu.memory_space<vmem>>)
    %scan3A = arith.constant 0 : i32
    %scan3A_426 = arith.constant 0 : i32
    %scan3A_427 = arith.constant 32 : i32
    %scan3A_428 = arith.addi %scan3A_426, %scan3A_427 : i32
    %scan3A_429 = arith.constant 1 : i32
    scf.for %scan3A_586 = %scan3A_426 to %scan3A_428 step %scan3A_429  : i32 {
      %swap3A_587 = arith.index_cast %scan3A_586 : i32 to index
      %swap3A_588 = arith.constant 0 : index
      %swap3A_589 = tpu.vector_load %arg17[%swap3A_587, %swap3A_588] {strides = array<i32>} : memref<32x768xf32, #tpu.memory_space<vmem>>, vector<1x16xf32>,
      %swap3A_590 = vector.shape_cast %swap3A_589 : vector<1x16xf32> to vector<16xf32>
      %swap3A_591 = vector.shape_cast %get3A_282 : vector<16xf32> to vector<1x16xf32>
      tpu.vector_store %arg17[%swap3A_587, %swap3A_588], %swap3A_591 {add = true, strides = array<i32>} : memref<32x768xf32, #tpu.memory_space<vmem>>, vector<1x16xf32>,
      %swap3A_592 = arith.index_cast %scan3A_586 : i32 to index
      %swap3A_593 = arith.constant 16 : index
      %swap3A_594 = tpu.vector_load %arg17[%swap3A_592, %swap3A_593] {strides = array<i32>} : memref<32x768xf32, #tpu.memory_space<vmem>>, vector<1x16xf32>,
      %swap3A_595 = vector.shape_cast %swap3A_594 : vector<1x16xf32> to vector<16xf32>
      %swap3A_596 = vector.shape_cast %get3A_285 : vector<16xf32> to vector<1x16xf32>
      tpu.vector_store %arg17[%swap3A_592, %swap3A_593], %swap3A_596 {add = true, strides = array<i32>} : memref<32x768xf32, #tpu.memory_space<vmem>>, vector<1x16xf32>,
      %swap3A_597 = arith.index_cast %scan3A_586 : i32 to index
      %swap3A_598 = arith.constant 32 : index
      %swap3A_599 = tpu.vector_load %arg17[%swap3A_597, %swap3A_598] {strides = array<i32>} : memref<32x768xf32, #tpu.memory_space<vmem>>, vector<1x16xf32>,
      %swap3A_600 = vector.shape_cast %swap3A_599 : vector<1x16xf32> to vector<16xf32>
      %swap3A_601 = vector.shape_cast %get3A_288 : vector<16xf32> to vector<1x16xf32>
      tpu.vector_store %arg17[%swap3A_597, %swap3A_598], %swap3A_601 {add = true, strides = array<i32>} : memref<32x768xf32, #tpu.memory_space<vmem>>, vector<1x16xf32>,
      %swap3A_602 = arith.index_cast %scan3A_586 : i32 to index
      %swap3A_603 = arith.constant 48 : index
      %swap3A_604 = tpu.vector_load %arg17[%swap3A_602, %swap3A_603] {strides = array<i32>} : memref<32x768xf32, #tpu.memory_space<vmem>>, vector<1x16xf32>,
      %swap3A_605 = vector.shape_cast %swap3A_604 : vector<1x16xf32> to vector<16xf32>
      %swap3A_606 = vector.shape_cast %get3A_291 : vector<16xf32> to vector<1x16xf32>
      tpu.vector_store %arg17[%swap3A_602, %swap3A_603], %swap3A_606 {add = true, strides = array<i32>} : memref<32x768xf32, #tpu.memory_space<vmem>>, vector<1x16xf32>,
      %swap3A_607 = arith.index_cast %scan3A_586 : i32 to index
      %swap3A_608 = arith.constant 64 : index
      %swap3A_609 = tpu.vector_load %arg17[%swap3A_607, %swap3A_608] {strides = array<i32>} : memref<32x768xf32, #tpu.memory_space<vmem>>, vector<1x16xf32>,
      %swap3A_610 = vector.shape_cast %swap3A_609 : vector<1x16xf32> to vector<16xf32>
      %swap3A_611 = vector.shape_cast %get3A_294 : vector<16xf32> to vector<1x16xf32>
      tpu.vector_store %arg17[%swap3A_607, %swap3A_608], %swap3A_611 {add = true, strides = array<i32>} : memref<32x768xf32, #tpu.memory_space<vmem>>, vector<1x16xf32>,
      %swap3A_612 = arith.index_cast %scan3A_586 : i32 to index
      %swap3A_613 = arith.constant 80 : index
      %swap3A_614 = tpu.vector_load %arg17[%swap3A_612, %swap3A_613] {strides = array<i32>} : memref<32x768xf32, #tpu.memory_space<vmem>>, vector<1x16xf32>,
      %swap3A_615 = vector.shape_cast %swap3A_614 : vector<1x16xf32> to vector<16xf32>
      %swap3A_616 = vector.shape_cast %get3A_297 : vector<16xf32> to vector<1x16xf32>
      tpu.vector_store %arg17[%swap3A_612, %swap3A_613], %swap3A_616 {add = true, strides = array<i32>} : memref<32x768xf32, #tpu.memory_space<vmem>>, vector<1x16xf32>,
      %swap3A_617 = arith.index_cast %scan3A_586 : i32 to index
      %swap3A_618 = arith.constant 96 : index
      %swap3A_619 = tpu.vector_load %arg17[%swap3A_617, %swap3A_618] {strides = array<i32>} : memref<32x768xf32, #tpu.memory_space<vmem>>, vector<1x16xf32>,
      %swap3A_620 = vector.shape_cast %swap3A_619 : vector<1x16xf32> to vector<16xf32>
      %swap3A_621 = vector.shape_cast %get3A_300 : vector<16xf32> to vector<1x16xf32>
      tpu.vector_store %arg17[%swap3A_617, %swap3A_618], %swap3A_621 {add = true, strides = array<i32>} : memref<32x768xf32, #tpu.memory_space<vmem>>, vector<1x16xf32>,
      %swap3A_622 = arith.index_cast %scan3A_586 : i32 to index
      %swap3A_623 = arith.constant 112 : index
      %swap3A_624 = tpu.vector_load %arg17[%swap3A_622, %swap3A_623] {strides = array<i32>} : memref<32x768xf32, #tpu.memory_space<vmem>>, vector<1x16xf32>,
      %swap3A_625 = vector.shape_cast %swap3A_624 : vector<1x16xf32> to vector<16xf32>
      %swap3A_626 = vector.shape_cast %get3A_303 : vector<16xf32> to vector<1x16xf32>
      tpu.vector_store %arg17[%swap3A_622, %swap3A_623], %swap3A_626 {add = true, strides = array<i32>} : memref<32x768xf32, #tpu.memory_space<vmem>>, vector<1x16xf32>,
      %swap3A_627 = arith.index_cast %scan3A_586 : i32 to index
      %swap3A_628 = arith.constant 128 : index
      %swap3A_629 = tpu.vector_load %arg17[%swap3A_627, %swap3A_628] {strides = array<i32>} : memref<32x768xf32, #tpu.memory_space<vmem>>, vector<1x16xf32>,
      %swap3A_630 = vector.shape_cast %swap3A_629 : vector<1x16xf32> to vector<16xf32>
      %swap3A_631 = vector.shape_cast %get3A_306 : vector<16xf32> to vector<1x16xf32>
      tpu.vector_store %arg17[%swap3A_627, %swap3A_628], %swap3A_631 {add = true, strides = array<i32>} : memref<32x768xf32, #tpu.memory_space<vmem>>, vector<1x16xf32>,
      %swap3A_632 = arith.index_cast %scan3A_586 : i32 to index
      %swap3A_633 = arith.constant 144 : index
      %swap3A_634 = tpu.vector_load %arg17[%swap3A_632, %swap3A_633] {strides = array<i32>} : memref<32x768xf32, #tpu.memory_space<vmem>>, vector<1x16xf32>,
      %swap3A_635 = vector.shape_cast %swap3A_634 : vector<1x16xf32> to vector<16xf32>
      %swap3A_636 = vector.shape_cast %get3A_309 : vector<16xf32> to vector<1x16xf32>
      tpu.vector_store %arg17[%swap3A_632, %swap3A_633], %swap3A_636 {add = true, strides = array<i32>} : memref<32x768xf32, #tpu.memory_space<vmem>>, vector<1x16xf32>,
      %swap3A_637 = arith.index_cast %scan3A_586 : i32 to index
      %swap3A_638 = arith.constant 160 : index
      %swap3A_639 = tpu.vector_load %arg17[%swap3A_637, %swap3A_638] {strides = array<i32>} : memref<32x768xf32, #tpu.memory_space<vmem>>, vector<1x16xf32>,
      %swap3A_640 = vector.shape_cast %swap3A_639 : vector<1x16xf32> to vector<16xf32>
      %swap3A_641 = vector.shape_cast %get3A_312 : vector<16xf32> to vector<1x16xf32>
      tpu.vector_store %arg17[%swap3A_637, %swap3A_638], %swap3A_641 {add = true, strides = array<i32>} : memref<32x768xf32, #tpu.memory_space<vmem>>, vector<1x16xf32>,
      %swap3A_642 = arith.index_cast %scan3A_586 : i32 to index
      %swap3A_643 = arith.constant 176 : index
      %swap3A_644 = tpu.vector_load %arg17[%swap3A_642, %swap3A_643] {strides = array<i32>} : memref<32x768xf32, #tpu.memory_space<vmem>>, vector<1x16xf32>,
      %swap3A_645 = vector.shape_cast %swap3A_644 : vector<1x16xf32> to vector<16xf32>
      %swap3A_646 = vector.shape_cast %get3A_315 : vector<16xf32> to vector<1x16xf32>
      tpu.vector_store %arg17[%swap3A_642, %swap3A_643], %swap3A_646 {add = true, strides = array<i32>} : memref<32x768xf32, #tpu.memory_space<vmem>>, vector<1x16xf32>,
      %swap3A_647 = arith.index_cast %scan3A_586 : i32 to index
      %swap3A_648 = arith.constant 192 : index
      %swap3A_649 = tpu.vector_load %arg17[%swap3A_647, %swap3A_648] {strides = array<i32>} : memref<32x768xf32, #tpu.memory_space<vmem>>, vector<1x16xf32>,
      %swap3A_650 = vector.shape_cast %swap3A_649 : vector<1x16xf32> to vector<16xf32>
      %swap3A_651 = vector.shape_cast %get3A_318 : vector<16xf32> to vector<1x16xf32>
      tpu.vector_store %arg17[%swap3A_647, %swap3A_648], %swap3A_651 {add = true, strides = array<i32>} : memref<32x768xf32, #tpu.memory_space<vmem>>, vector<1x16xf32>,
      %swap3A_652 = arith.index_cast %scan3A_586 : i32 to index
      %swap3A_653 = arith.constant 208 : index
      %swap3A_654 = tpu.vector_load %arg17[%swap3A_652, %swap3A_653] {strides = array<i32>} : memref<32x768xf32, #tpu.memory_space<vmem>>, vector<1x16xf32>,
      %swap3A_655 = vector.shape_cast %swap3A_654 : vector<1x16xf32> to vector<16xf32>
      %swap3A_656 = vector.shape_cast %get3A_321 : vector<16xf32> to vector<1x16xf32>
      tpu.vector_store %arg17[%swap3A_652, %swap3A_653], %swap3A_656 {add = true, strides = array<i32>} : memref<32x768xf32, #tpu.memory_space<vmem>>, vector<1x16xf32>,
      %swap3A_657 = arith.index_cast %scan3A_586 : i32 to index
      %swap3A_658 = arith.constant 224 : index
      %swap3A_659 = tpu.vector_load %arg17[%swap3A_657, %swap3A_658] {strides = array<i32>} : memref<32x768xf32, #tpu.memory_space<vmem>>, vector<1x16xf32>,
      %swap3A_660 = vector.shape_cast %swap3A_659 : vector<1x16xf32> to vector<16xf32>
      %swap3A_661 = vector.shape_cast %get3A_324 : vector<16xf32> to vector<1x16xf32>
      tpu.vector_store %arg17[%swap3A_657, %swap3A_658], %swap3A_661 {add = true, strides = array<i32>} : memref<32x768xf32, #tpu.memory_space<vmem>>, vector<1x16xf32>,
      %swap3A_662 = arith.index_cast %scan3A_586 : i32 to index
      %swap3A_663 = arith.constant 240 : index
      %swap3A_664 = tpu.vector_load %arg17[%swap3A_662, %swap3A_663] {strides = array<i32>} : memref<32x768xf32, #tpu.memory_space<vmem>>, vector<1x16xf32>,
      %swap3A_665 = vector.shape_cast %swap3A_664 : vector<1x16xf32> to vector<16xf32>
      %swap3A_666 = vector.shape_cast %get3A_327 : vector<16xf32> to vector<1x16xf32>
      tpu.vector_store %arg17[%swap3A_662, %swap3A_663], %swap3A_666 {add = true, strides = array<i32>} : memref<32x768xf32, #tpu.memory_space<vmem>>, vector<1x16xf32>,
      %swap3A_667 = arith.index_cast %scan3A_586 : i32 to index
      %swap3A_668 = arith.constant 256 : index
      %swap3A_669 = tpu.vector_load %arg17[%swap3A_667, %swap3A_668] {strides = array<i32>} : memref<32x768xf32, #tpu.memory_space<vmem>>, vector<1x16xf32>,
      %swap3A_670 = vector.shape_cast %swap3A_669 : vector<1x16xf32> to vector<16xf32>
      %swap3A_671 = vector.shape_cast %get3A_330 : vector<16xf32> to vector<1x16xf32>
      tpu.vector_store %arg17[%swap3A_667, %swap3A_668], %swap3A_671 {add = true, strides = array<i32>} : memref<32x768xf32, #tpu.memory_space<vmem>>, vector<1x16xf32>,
      %swap3A_672 = arith.index_cast %scan3A_586 : i32 to index
      %swap3A_673 = arith.constant 272 : index
      %swap3A_674 = tpu.vector_load %arg17[%swap3A_672, %swap3A_673] {strides = array<i32>} : memref<32x768xf32, #tpu.memory_space<vmem>>, vector<1x16xf32>,
      %swap3A_675 = vector.shape_cast %swap3A_674 : vector<1x16xf32> to vector<16xf32>
      %swap3A_676 = vector.shape_cast %get3A_333 : vector<16xf32> to vector<1x16xf32>
      tpu.vector_store %arg17[%swap3A_672, %swap3A_673], %swap3A_676 {add = true, strides = array<i32>} : memref<32x768xf32, #tpu.memory_space<vmem>>, vector<1x16xf32>,
      %swap3A_677 = arith.index_cast %scan3A_586 : i32 to index
      %swap3A_678 = arith.constant 288 : index
      %swap3A_679 = tpu.vector_load %arg17[%swap3A_677, %swap3A_678] {strides = array<i32>} : memref<32x768xf32, #tpu.memory_space<vmem>>, vector<1x16xf32>,
      %swap3A_680 = vector.shape_cast %swap3A_679 : vector<1x16xf32> to vector<16xf32>
      %swap3A_681 = vector.shape_cast %get3A_336 : vector<16xf32> to vector<1x16xf32>
      tpu.vector_store %arg17[%swap3A_677, %swap3A_678], %swap3A_681 {add = true, strides = array<i32>} : memref<32x768xf32, #tpu.memory_space<vmem>>, vector<1x16xf32>,
      %swap3A_682 = arith.index_cast %scan3A_586 : i32 to index
      %swap3A_683 = arith.constant 304 : index
      %swap3A_684 = tpu.vector_load %arg17[%swap3A_682, %swap3A_683] {strides = array<i32>} : memref<32x768xf32, #tpu.memory_space<vmem>>, vector<1x16xf32>,
      %swap3A_685 = vector.shape_cast %swap3A_684 : vector<1x16xf32> to vector<16xf32>
      %swap3A_686 = vector.shape_cast %get3A_339 : vector<16xf32> to vector<1x16xf32>
      tpu.vector_store %arg17[%swap3A_682, %swap3A_683], %swap3A_686 {add = true, strides = array<i32>} : memref<32x768xf32, #tpu.memory_space<vmem>>, vector<1x16xf32>,
      %swap3A_687 = arith.index_cast %scan3A_586 : i32 to index
      %swap3A_688 = arith.constant 320 : index
      %swap3A_689 = tpu.vector_load %arg17[%swap3A_687, %swap3A_688] {strides = array<i32>} : memref<32x768xf32, #tpu.memory_space<vmem>>, vector<1x16xf32>,
      %swap3A_690 = vector.shape_cast %swap3A_689 : vector<1x16xf32> to vector<16xf32>
      %swap3A_691 = vector.shape_cast %get3A_342 : vector<16xf32> to vector<1x16xf32>
      tpu.vector_store %arg17[%swap3A_687, %swap3A_688], %swap3A_691 {add = true, strides = array<i32>} : memref<32x768xf32, #tpu.memory_space<vmem>>, vector<1x16xf32>,
      %swap3A_692 = arith.index_cast %scan3A_586 : i32 to index
      %swap3A_693 = arith.constant 336 : index
      %swap3A_694 = tpu.vector_load %arg17[%swap3A_692, %swap3A_693] {strides = array<i32>} : memref<32x768xf32, #tpu.memory_space<vmem>>, vector<1x16xf32>,
      %swap3A_695 = vector.shape_cast %swap3A_694 : vector<1x16xf32> to vector<16xf32>
      %swap3A_696 = vector.shape_cast %get3A_345 : vector<16xf32> to vector<1x16xf32>
      tpu.vector_store %arg17[%swap3A_692, %swap3A_693], %swap3A_696 {add = true, strides = array<i32>} : memref<32x768xf32, #tpu.memory_space<vmem>>, vector<1x16xf32>,
      %swap3A_697 = arith.index_cast %scan3A_586 : i32 to index
      %swap3A_698 = arith.constant 352 : index
      %swap3A_699 = tpu.vector_load %arg17[%swap3A_697, %swap3A_698] {strides = array<i32>} : memref<32x768xf32, #tpu.memory_space<vmem>>, vector<1x16xf32>,
      %swap3A_700 = vector.shape_cast %swap3A_699 : vector<1x16xf32> to vector<16xf32>
      %swap3A_701 = vector.shape_cast %get3A_348 : vector<16xf32> to vector<1x16xf32>
      tpu.vector_store %arg17[%swap3A_697, %swap3A_698], %swap3A_701 {add = true, strides = array<i32>} : memref<32x768xf32, #tpu.memory_space<vmem>>, vector<1x16xf32>,
      %swap3A_702 = arith.index_cast %scan3A_586 : i32 to index
      %swap3A_703 = arith.constant 368 : index
      %swap3A_704 = tpu.vector_load %arg17[%swap3A_702, %swap3A_703] {strides = array<i32>} : memref<32x768xf32, #tpu.memory_space<vmem>>, vector<1x16xf32>,
      %swap3A_705 = vector.shape_cast %swap3A_704 : vector<1x16xf32> to vector<16xf32>
      %swap3A_706 = vector.shape_cast %get3A_351 : vector<16xf32> to vector<1x16xf32>
      tpu.vector_store %arg17[%swap3A_702, %swap3A_703], %swap3A_706 {add = true, strides = array<i32>} : memref<32x768xf32, #tpu.memory_space<vmem>>, vector<1x16xf32>,
      %swap3A_707 = arith.index_cast %scan3A_586 : i32 to index
      %swap3A_708 = arith.constant 384 : index
      %swap3A_709 = tpu.vector_load %arg17[%swap3A_707, %swap3A_708] {strides = array<i32>} : memref<32x768xf32, #tpu.memory_space<vmem>>, vector<1x16xf32>,
      %swap3A_710 = vector.shape_cast %swap3A_709 : vector<1x16xf32> to vector<16xf32>
      %swap3A_711 = vector.shape_cast %get3A_354 : vector<16xf32> to vector<1x16xf32>
      tpu.vector_store %arg17[%swap3A_707, %swap3A_708], %swap3A_711 {add = true, strides = array<i32>} : memref<32x768xf32, #tpu.memory_space<vmem>>, vector<1x16xf32>,
      %swap3A_712 = arith.index_cast %scan3A_586 : i32 to index
      %swap3A_713 = arith.constant 400 : index
      %swap3A_714 = tpu.vector_load %arg17[%swap3A_712, %swap3A_713] {strides = array<i32>} : memref<32x768xf32, #tpu.memory_space<vmem>>, vector<1x16xf32>,
      %swap3A_715 = vector.shape_cast %swap3A_714 : vector<1x16xf32> to vector<16xf32>
      %swap3A_716 = vector.shape_cast %get3A_357 : vector<16xf32> to vector<1x16xf32>
      tpu.vector_store %arg17[%swap3A_712, %swap3A_713], %swap3A_716 {add = true, strides = array<i32>} : memref<32x768xf32, #tpu.memory_space<vmem>>, vector<1x16xf32>,
      %swap3A_717 = arith.index_cast %scan3A_586 : i32 to index
      %swap3A_718 = arith.constant 416 : index
      %swap3A_719 = tpu.vector_load %arg17[%swap3A_717, %swap3A_718] {strides = array<i32>} : memref<32x768xf32, #tpu.memory_space<vmem>>, vector<1x16xf32>,
      %swap3A_720 = vector.shape_cast %swap3A_719 : vector<1x16xf32> to vector<16xf32>
      %swap3A_721 = vector.shape_cast %get3A_360 : vector<16xf32> to vector<1x16xf32>
      tpu.vector_store %arg17[%swap3A_717, %swap3A_718], %swap3A_721 {add = true, strides = array<i32>} : memref<32x768xf32, #tpu.memory_space<vmem>>, vector<1x16xf32>,
      %swap3A_722 = arith.index_cast %scan3A_586 : i32 to index
      %swap3A_723 = arith.constant 432 : index
      %swap3A_724 = tpu.vector_load %arg17[%swap3A_722, %swap3A_723] {strides = array<i32>} : memref<32x768xf32, #tpu.memory_space<vmem>>, vector<1x16xf32>,
      %swap3A_725 = vector.shape_cast %swap3A_724 : vector<1x16xf32> to vector<16xf32>
      %swap3A_726 = vector.shape_cast %get3A_363 : vector<16xf32> to vector<1x16xf32>
      tpu.vector_store %arg17[%swap3A_722, %swap3A_723], %swap3A_726 {add = true, strides = array<i32>} : memref<32x768xf32, #tpu.memory_space<vmem>>, vector<1x16xf32>,
      %swap3A_727 = arith.index_cast %scan3A_586 : i32 to index
      %swap3A_728 = arith.constant 448 : index
      %swap3A_729 = tpu.vector_load %arg17[%swap3A_727, %swap3A_728] {strides = array<i32>} : memref<32x768xf32, #tpu.memory_space<vmem>>, vector<1x16xf32>,
      %swap3A_730 = vector.shape_cast %swap3A_729 : vector<1x16xf32> to vector<16xf32>
      %swap3A_731 = vector.shape_cast %get3A_366 : vector<16xf32> to vector<1x16xf32>
      tpu.vector_store %arg17[%swap3A_727, %swap3A_728], %swap3A_731 {add = true, strides = array<i32>} : memref<32x768xf32, #tpu.memory_space<vmem>>, vector<1x16xf32>,
      %swap3A_732 = arith.index_cast %scan3A_586 : i32 to index
      %swap3A_733 = arith.constant 464 : index
      %swap3A_734 = tpu.vector_load %arg17[%swap3A_732, %swap3A_733] {strides = array<i32>} : memref<32x768xf32, #tpu.memory_space<vmem>>, vector<1x16xf32>,
      %swap3A_735 = vector.shape_cast %swap3A_734 : vector<1x16xf32> to vector<16xf32>
      %swap3A_736 = vector.shape_cast %get3A_369 : vector<16xf32> to vector<1x16xf32>
      tpu.vector_store %arg17[%swap3A_732, %swap3A_733], %swap3A_736 {add = true, strides = array<i32>} : memref<32x768xf32, #tpu.memory_space<vmem>>, vector<1x16xf32>,
      %swap3A_737 = arith.index_cast %scan3A_586 : i32 to index
      %swap3A_738 = arith.constant 480 : index
      %swap3A_739 = tpu.vector_load %arg17[%swap3A_737, %swap3A_738] {strides = array<i32>} : memref<32x768xf32, #tpu.memory_space<vmem>>, vector<1x16xf32>,
      %swap3A_740 = vector.shape_cast %swap3A_739 : vector<1x16xf32> to vector<16xf32>
      %swap3A_741 = vector.shape_cast %get3A_372 : vector<16xf32> to vector<1x16xf32>
      tpu.vector_store %arg17[%swap3A_737, %swap3A_738], %swap3A_741 {add = true, strides = array<i32>} : memref<32x768xf32, #tpu.memory_space<vmem>>, vector<1x16xf32>,
      %swap3A_742 = arith.index_cast %scan3A_586 : i32 to index
      %swap3A_743 = arith.constant 496 : index
      %swap3A_744 = tpu.vector_load %arg17[%swap3A_742, %swap3A_743] {strides = array<i32>} : memref<32x768xf32, #tpu.memory_space<vmem>>, vector<1x16xf32>,
      %swap3A_745 = vector.shape_cast %swap3A_744 : vector<1x16xf32> to vector<16xf32>
      %swap3A_746 = vector.shape_cast %get3A_375 : vector<16xf32> to vector<1x16xf32>
      tpu.vector_store %arg17[%swap3A_742, %swap3A_743], %swap3A_746 {add = true, strides = array<i32>} : memref<32x768xf32, #tpu.memory_space<vmem>>, vector<1x16xf32>,
      %swap3A_747 = arith.index_cast %scan3A_586 : i32 to index
      %swap3A_748 = arith.constant 512 : index
      %swap3A_749 = tpu.vector_load %arg17[%swap3A_747, %swap3A_748] {strides = array<i32>} : memref<32x768xf32, #tpu.memory_space<vmem>>, vector<1x16xf32>,
      %swap3A_750 = vector.shape_cast %swap3A_749 : vector<1x16xf32> to vector<16xf32>
      %swap3A_751 = vector.shape_cast %get3A_378 : vector<16xf32> to vector<1x16xf32>
      tpu.vector_store %arg17[%swap3A_747, %swap3A_748], %swap3A_751 {add = true, strides = array<i32>} : memref<32x768xf32, #tpu.memory_space<vmem>>, vector<1x16xf32>,
      %swap3A_752 = arith.index_cast %scan3A_586 : i32 to index
      %swap3A_753 = arith.constant 528 : index
      %swap3A_754 = tpu.vector_load %arg17[%swap3A_752, %swap3A_753] {strides = array<i32>} : memref<32x768xf32, #tpu.memory_space<vmem>>, vector<1x16xf32>,
      %swap3A_755 = vector.shape_cast %swap3A_754 : vector<1x16xf32> to vector<16xf32>
      %swap3A_756 = vector.shape_cast %get3A_381 : vector<16xf32> to vector<1x16xf32>
      tpu.vector_store %arg17[%swap3A_752, %swap3A_753], %swap3A_756 {add = true, strides = array<i32>} : memref<32x768xf32, #tpu.memory_space<vmem>>, vector<1x16xf32>,
      %swap3A_757 = arith.index_cast %scan3A_586 : i32 to index
      %swap3A_758 = arith.constant 544 : index
      %swap3A_759 = tpu.vector_load %arg17[%swap3A_757, %swap3A_758] {strides = array<i32>} : memref<32x768xf32, #tpu.memory_space<vmem>>, vector<1x16xf32>,
      %swap3A_760 = vector.shape_cast %swap3A_759 : vector<1x16xf32> to vector<16xf32>
      %swap3A_761 = vector.shape_cast %get3A_384 : vector<16xf32> to vector<1x16xf32>
      tpu.vector_store %arg17[%swap3A_757, %swap3A_758], %swap3A_761 {add = true, strides = array<i32>} : memref<32x768xf32, #tpu.memory_space<vmem>>, vector<1x16xf32>,
      %swap3A_762 = arith.index_cast %scan3A_586 : i32 to index
      %swap3A_763 = arith.constant 560 : index
      %swap3A_764 = tpu.vector_load %arg17[%swap3A_762, %swap3A_763] {strides = array<i32>} : memref<32x768xf32, #tpu.memory_space<vmem>>, vector<1x16xf32>,
      %swap3A_765 = vector.shape_cast %swap3A_764 : vector<1x16xf32> to vector<16xf32>
      %swap3A_766 = vector.shape_cast %get3A_387 : vector<16xf32> to vector<1x16xf32>
      tpu.vector_store %arg17[%swap3A_762, %swap3A_763], %swap3A_766 {add = true, strides = array<i32>} : memref<32x768xf32, #tpu.memory_space<vmem>>, vector<1x16xf32>,
      %swap3A_767 = arith.index_cast %scan3A_586 : i32 to index
      %swap3A_768 = arith.constant 576 : index
      %swap3A_769 = tpu.vector_load %arg17[%swap3A_767, %swap3A_768] {strides = array<i32>} : memref<32x768xf32, #tpu.memory_space<vmem>>, vector<1x16xf32>,
      %swap3A_770 = vector.shape_cast %swap3A_769 : vector<1x16xf32> to vector<16xf32>
      %swap3A_771 = vector.shape_cast %get3A_390 : vector<16xf32> to vector<1x16xf32>
      tpu.vector_store %arg17[%swap3A_767, %swap3A_768], %swap3A_771 {add = true, strides = array<i32>} : memref<32x768xf32, #tpu.memory_space<vmem>>, vector<1x16xf32>,
      %swap3A_772 = arith.index_cast %scan3A_586 : i32 to index
      %swap3A_773 = arith.constant 592 : index
      %swap3A_774 = tpu.vector_load %arg17[%swap3A_772, %swap3A_773] {strides = array<i32>} : memref<32x768xf32, #tpu.memory_space<vmem>>, vector<1x16xf32>,
      %swap3A_775 = vector.shape_cast %swap3A_774 : vector<1x16xf32> to vector<16xf32>
      %swap3A_776 = vector.shape_cast %get3A_393 : vector<16xf32> to vector<1x16xf32>
      tpu.vector_store %arg17[%swap3A_772, %swap3A_773], %swap3A_776 {add = true, strides = array<i32>} : memref<32x768xf32, #tpu.memory_space<vmem>>, vector<1x16xf32>,
      %swap3A_777 = arith.index_cast %scan3A_586 : i32 to index
      %swap3A_778 = arith.constant 608 : index
      %swap3A_779 = tpu.vector_load %arg17[%swap3A_777, %swap3A_778] {strides = array<i32>} : memref<32x768xf32, #tpu.memory_space<vmem>>, vector<1x16xf32>,
      %swap3A_780 = vector.shape_cast %swap3A_779 : vector<1x16xf32> to vector<16xf32>
      %swap3A_781 = vector.shape_cast %get3A_396 : vector<16xf32> to vector<1x16xf32>
      tpu.vector_store %arg17[%swap3A_777, %swap3A_778], %swap3A_781 {add = true, strides = array<i32>} : memref<32x768xf32, #tpu.memory_space<vmem>>, vector<1x16xf32>,
      %swap3A_782 = arith.index_cast %scan3A_586 : i32 to index
      %swap3A_783 = arith.constant 624 : index
      %swap3A_784 = tpu.vector_load %arg17[%swap3A_782, %swap3A_783] {strides = array<i32>} : memref<32x768xf32, #tpu.memory_space<vmem>>, vector<1x16xf32>,
      %swap3A_785 = vector.shape_cast %swap3A_784 : vector<1x16xf32> to vector<16xf32>
      %swap3A_786 = vector.shape_cast %get3A_399 : vector<16xf32> to vector<1x16xf32>
      tpu.vector_store %arg17[%swap3A_782, %swap3A_783], %swap3A_786 {add = true, strides = array<i32>} : memref<32x768xf32, #tpu.memory_space<vmem>>, vector<1x16xf32>,
      %swap3A_787 = arith.index_cast %scan3A_586 : i32 to index
      %swap3A_788 = arith.constant 640 : index
      %swap3A_789 = tpu.vector_load %arg17[%swap3A_787, %swap3A_788] {strides = array<i32>} : memref<32x768xf32, #tpu.memory_space<vmem>>, vector<1x16xf32>,
      %swap3A_790 = vector.shape_cast %swap3A_789 : vector<1x16xf32> to vector<16xf32>
      %swap3A_791 = vector.shape_cast %get3A_402 : vector<16xf32> to vector<1x16xf32>
      tpu.vector_store %arg17[%swap3A_787, %swap3A_788], %swap3A_791 {add = true, strides = array<i32>} : memref<32x768xf32, #tpu.memory_space<vmem>>, vector<1x16xf32>,
      %swap3A_792 = arith.index_cast %scan3A_586 : i32 to index
      %swap3A_793 = arith.constant 656 : index
      %swap3A_794 = tpu.vector_load %arg17[%swap3A_792, %swap3A_793] {strides = array<i32>} : memref<32x768xf32, #tpu.memory_space<vmem>>, vector<1x16xf32>,
      %swap3A_795 = vector.shape_cast %swap3A_794 : vector<1x16xf32> to vector<16xf32>
      %swap3A_796 = vector.shape_cast %get3A_405 : vector<16xf32> to vector<1x16xf32>
      tpu.vector_store %arg17[%swap3A_792, %swap3A_793], %swap3A_796 {add = true, strides = array<i32>} : memref<32x768xf32, #tpu.memory_space<vmem>>, vector<1x16xf32>,
      %swap3A_797 = arith.index_cast %scan3A_586 : i32 to index
      %swap3A_798 = arith.constant 672 : index
      %swap3A_799 = tpu.vector_load %arg17[%swap3A_797, %swap3A_798] {strides = array<i32>} : memref<32x768xf32, #tpu.memory_space<vmem>>, vector<1x16xf32>,
      %swap3A_800 = vector.shape_cast %swap3A_799 : vector<1x16xf32> to vector<16xf32>
      %swap3A_801 = vector.shape_cast %get3A_408 : vector<16xf32> to vector<1x16xf32>
      tpu.vector_store %arg17[%swap3A_797, %swap3A_798], %swap3A_801 {add = true, strides = array<i32>} : memref<32x768xf32, #tpu.memory_space<vmem>>, vector<1x16xf32>,
      %swap3A_802 = arith.index_cast %scan3A_586 : i32 to index
      %swap3A_803 = arith.constant 688 : index
      %swap3A_804 = tpu.vector_load %arg17[%swap3A_802, %swap3A_803] {strides = array<i32>} : memref<32x768xf32, #tpu.memory_space<vmem>>, vector<1x16xf32>,
      %swap3A_805 = vector.shape_cast %swap3A_804 : vector<1x16xf32> to vector<16xf32>
      %swap3A_806 = vector.shape_cast %get3A_411 : vector<16xf32> to vector<1x16xf32>
      tpu.vector_store %arg17[%swap3A_802, %swap3A_803], %swap3A_806 {add = true, strides = array<i32>} : memref<32x768xf32, #tpu.memory_space<vmem>>, vector<1x16xf32>,
      %swap3A_807 = arith.index_cast %scan3A_586 : i32 to index
      %swap3A_808 = arith.constant 704 : index
      %swap3A_809 = tpu.vector_load %arg17[%swap3A_807, %swap3A_808] {strides = array<i32>} : memref<32x768xf32, #tpu.memory_space<vmem>>, vector<1x16xf32>,
      %swap3A_810 = vector.shape_cast %swap3A_809 : vector<1x16xf32> to vector<16xf32>
      %swap3A_811 = vector.shape_cast %get3A_414 : vector<16xf32> to vector<1x16xf32>
      tpu.vector_store %arg17[%swap3A_807, %swap3A_808], %swap3A_811 {add = true, strides = array<i32>} : memref<32x768xf32, #tpu.memory_space<vmem>>, vector<1x16xf32>,
      %swap3A_812 = arith.index_cast %scan3A_586 : i32 to index
      %swap3A_813 = arith.constant 720 : index
      %swap3A_814 = tpu.vector_load %arg17[%swap3A_812, %swap3A_813] {strides = array<i32>} : memref<32x768xf32, #tpu.memory_space<vmem>>, vector<1x16xf32>,
      %swap3A_815 = vector.shape_cast %swap3A_814 : vector<1x16xf32> to vector<16xf32>
      %swap3A_816 = vector.shape_cast %get3A_417 : vector<16xf32> to vector<1x16xf32>
      tpu.vector_store %arg17[%swap3A_812, %swap3A_813], %swap3A_816 {add = true, strides = array<i32>} : memref<32x768xf32, #tpu.memory_space<vmem>>, vector<1x16xf32>,
      %swap3A_817 = arith.index_cast %scan3A_586 : i32 to index
      %swap3A_818 = arith.constant 736 : index
      %swap3A_819 = tpu.vector_load %arg17[%swap3A_817, %swap3A_818] {strides = array<i32>} : memref<32x768xf32, #tpu.memory_space<vmem>>, vector<1x16xf32>,
      %swap3A_820 = vector.shape_cast %swap3A_819 : vector<1x16xf32> to vector<16xf32>
      %swap3A_821 = vector.shape_cast %get3A_420 : vector<16xf32> to vector<1x16xf32>
      tpu.vector_store %arg17[%swap3A_817, %swap3A_818], %swap3A_821 {add = true, strides = array<i32>} : memref<32x768xf32, #tpu.memory_space<vmem>>, vector<1x16xf32>,
      %swap3A_822 = arith.index_cast %scan3A_586 : i32 to index
      %swap3A_823 = arith.constant 752 : index
      %swap3A_824 = tpu.vector_load %arg17[%swap3A_822, %swap3A_823] {strides = array<i32>} : memref<32x768xf32, #tpu.memory_space<vmem>>, vector<1x16xf32>,
      %swap3A_825 = vector.shape_cast %swap3A_824 : vector<1x16xf32> to vector<16xf32>
      %swap3A_826 = vector.shape_cast %get3A_423 : vector<16xf32> to vector<1x16xf32>
      tpu.vector_store %arg17[%swap3A_822, %swap3A_823], %swap3A_826 {add = true, strides = array<i32>} : memref<32x768xf32, #tpu.memory_space<vmem>>, vector<1x16xf32>,
    }
    %scan3A_430 = arith.constant 32 : i32
    %add3A_431 = arith.constant 0 : i32
    %add3A_432 = arith.addi %mul3A_2, %add3A_431 : i32
    %dma_start3A_433 = arith.constant 0 : i32
    %dma_start3A_434 = tpu.memref_slice %arg5[%add3A_432, %dma_start3A_433] : memref<8192x768xf32, #tpu.memory_space<hbm>> -> memref<32x768xf32, #tpu.memory_space<hbm>>
    %dma_start3A_435 = arith.constant 0 : i32
    %dma_start3A_436 = tpu.memref_slice %arg5[%add3A_432, %dma_start3A_435] : memref<8192x768xf32, #tpu.memory_space<hbm>> -> memref<32x768xf32, #tpu.memory_space<hbm>>
    tpu.enqueue_dma source(%arg17 : memref<32x768xf32, #tpu.memory_space<vmem>>) target(%dma_start3A_436 : memref<32x768xf32, #tpu.memory_space<hbm>>) target_semaphore(%arg27 : memref<!tpu.dma_semaphore, #tpu.memory_space<semaphore_mem>>)
    %dma_start3A_437 = arith.constant 0 : i32
    %dma_start3A_438 = arith.constant 0 : i32
    %dma_start3A_439 = tpu.memref_slice %arg3[%dma_start3A_437, %dma_start3A_438] : memref<100000x768xf32, #tpu.memory_space<hbm>> -> memref<100000x768xf32, #tpu.memory_space<hbm>>
    tpu.enqueue_indirect_dma source(%dma_start3A_439 : memref<100000x768xf32, #tpu.memory_space<hbm>>) target(%arg21 : memref<32x768xf32, #tpu.memory_space<vmem>>) offsets(%arg11 : memref<32xi32, #tpu.memory_space<vmem>>) semaphore(%arg26 : memref<!tpu.dma_semaphore, #tpu.memory_space<semaphore_mem>>)
    %dma_wait3A_440 = arith.constant 0 : i32
    %dma_wait3A_441 = arith.constant 0 : i32
    %dma_wait3A_442 = tpu.memref_slice %arg3[%dma_wait3A_440, %dma_wait3A_441] : memref<100000x768xf32, #tpu.memory_space<hbm>> -> memref<100000x768xf32, #tpu.memory_space<hbm>>
    tpu.wait_indirect_dma semaphore(%arg23 : memref<!tpu.dma_semaphore, #tpu.memory_space<semaphore_mem>>) src(%dma_wait3A_442 : memref<100000x768xf32, #tpu.memory_space<hbm>>) dst(%arg18 : memref<32x768xf32, #tpu.memory_space<vmem>>)
    %scan3A_443 = arith.constant 0 : i32
    %scan3A_444 = arith.constant 0 : i32
    %scan3A_445 = arith.constant 32 : i32
    %scan3A_446 = arith.addi %scan3A_444, %scan3A_445 : i32
    %scan3A_447 = arith.constant 1 : i32
    scf.for %scan3A_586 = %scan3A_444 to %scan3A_446 step %scan3A_447  : i32 {
      %swap3A_587 = arith.index_cast %scan3A_586 : i32 to index
      %swap3A_588 = arith.constant 0 : index
      %swap3A_589 = tpu.vector_load %arg18[%swap3A_587, %swap3A_588] {strides = array<i32>} : memref<32x768xf32, #tpu.memory_space<vmem>>, vector<1x16xf32>,
      %swap3A_590 = vector.shape_cast %swap3A_589 : vector<1x16xf32> to vector<16xf32>
      %swap3A_591 = vector.shape_cast %get3A_282 : vector<16xf32> to vector<1x16xf32>
      tpu.vector_store %arg18[%swap3A_587, %swap3A_588], %swap3A_591 {add = true, strides = array<i32>} : memref<32x768xf32, #tpu.memory_space<vmem>>, vector<1x16xf32>,
      %swap3A_592 = arith.index_cast %scan3A_586 : i32 to index
      %swap3A_593 = arith.constant 16 : index
      %swap3A_594 = tpu.vector_load %arg18[%swap3A_592, %swap3A_593] {strides = array<i32>} : memref<32x768xf32, #tpu.memory_space<vmem>>, vector<1x16xf32>,
      %swap3A_595 = vector.shape_cast %swap3A_594 : vector<1x16xf32> to vector<16xf32>
      %swap3A_596 = vector.shape_cast %get3A_285 : vector<16xf32> to vector<1x16xf32>
      tpu.vector_store %arg18[%swap3A_592, %swap3A_593], %swap3A_596 {add = true, strides = array<i32>} : memref<32x768xf32, #tpu.memory_space<vmem>>, vector<1x16xf32>,
      %swap3A_597 = arith.index_cast %scan3A_586 : i32 to index
      %swap3A_598 = arith.constant 32 : index
      %swap3A_599 = tpu.vector_load %arg18[%swap3A_597, %swap3A_598] {strides = array<i32>} : memref<32x768xf32, #tpu.memory_space<vmem>>, vector<1x16xf32>,
      %swap3A_600 = vector.shape_cast %swap3A_599 : vector<1x16xf32> to vector<16xf32>
      %swap3A_601 = vector.shape_cast %get3A_288 : vector<16xf32> to vector<1x16xf32>
      tpu.vector_store %arg18[%swap3A_597, %swap3A_598], %swap3A_601 {add = true, strides = array<i32>} : memref<32x768xf32, #tpu.memory_space<vmem>>, vector<1x16xf32>,
      %swap3A_602 = arith.index_cast %scan3A_586 : i32 to index
      %swap3A_603 = arith.constant 48 : index
      %swap3A_604 = tpu.vector_load %arg18[%swap3A_602, %swap3A_603] {strides = array<i32>} : memref<32x768xf32, #tpu.memory_space<vmem>>, vector<1x16xf32>,
      %swap3A_605 = vector.shape_cast %swap3A_604 : vector<1x16xf32> to vector<16xf32>
      %swap3A_606 = vector.shape_cast %get3A_291 : vector<16xf32> to vector<1x16xf32>
      tpu.vector_store %arg18[%swap3A_602, %swap3A_603], %swap3A_606 {add = true, strides = array<i32>} : memref<32x768xf32, #tpu.memory_space<vmem>>, vector<1x16xf32>,
      %swap3A_607 = arith.index_cast %scan3A_586 : i32 to index
      %swap3A_608 = arith.constant 64 : index
      %swap3A_609 = tpu.vector_load %arg18[%swap3A_607, %swap3A_608] {strides = array<i32>} : memref<32x768xf32, #tpu.memory_space<vmem>>, vector<1x16xf32>,
      %swap3A_610 = vector.shape_cast %swap3A_609 : vector<1x16xf32> to vector<16xf32>
      %swap3A_611 = vector.shape_cast %get3A_294 : vector<16xf32> to vector<1x16xf32>
      tpu.vector_store %arg18[%swap3A_607, %swap3A_608], %swap3A_611 {add = true, strides = array<i32>} : memref<32x768xf32, #tpu.memory_space<vmem>>, vector<1x16xf32>,
      %swap3A_612 = arith.index_cast %scan3A_586 : i32 to index
      %swap3A_613 = arith.constant 80 : index
      %swap3A_614 = tpu.vector_load %arg18[%swap3A_612, %swap3A_613] {strides = array<i32>} : memref<32x768xf32, #tpu.memory_space<vmem>>, vector<1x16xf32>,
      %swap3A_615 = vector.shape_cast %swap3A_614 : vector<1x16xf32> to vector<16xf32>
      %swap3A_616 = vector.shape_cast %get3A_297 : vector<16xf32> to vector<1x16xf32>
      tpu.vector_store %arg18[%swap3A_612, %swap3A_613], %swap3A_616 {add = true, strides = array<i32>} : memref<32x768xf32, #tpu.memory_space<vmem>>, vector<1x16xf32>,
      %swap3A_617 = arith.index_cast %scan3A_586 : i32 to index
      %swap3A_618 = arith.constant 96 : index
      %swap3A_619 = tpu.vector_load %arg18[%swap3A_617, %swap3A_618] {strides = array<i32>} : memref<32x768xf32, #tpu.memory_space<vmem>>, vector<1x16xf32>,
      %swap3A_620 = vector.shape_cast %swap3A_619 : vector<1x16xf32> to vector<16xf32>
      %swap3A_621 = vector.shape_cast %get3A_300 : vector<16xf32> to vector<1x16xf32>
      tpu.vector_store %arg18[%swap3A_617, %swap3A_618], %swap3A_621 {add = true, strides = array<i32>} : memref<32x768xf32, #tpu.memory_space<vmem>>, vector<1x16xf32>,
      %swap3A_622 = arith.index_cast %scan3A_586 : i32 to index
      %swap3A_623 = arith.constant 112 : index
      %swap3A_624 = tpu.vector_load %arg18[%swap3A_622, %swap3A_623] {strides = array<i32>} : memref<32x768xf32, #tpu.memory_space<vmem>>, vector<1x16xf32>,
      %swap3A_625 = vector.shape_cast %swap3A_624 : vector<1x16xf32> to vector<16xf32>
      %swap3A_626 = vector.shape_cast %get3A_303 : vector<16xf32> to vector<1x16xf32>
      tpu.vector_store %arg18[%swap3A_622, %swap3A_623], %swap3A_626 {add = true, strides = array<i32>} : memref<32x768xf32, #tpu.memory_space<vmem>>, vector<1x16xf32>,
      %swap3A_627 = arith.index_cast %scan3A_586 : i32 to index
      %swap3A_628 = arith.constant 128 : index
      %swap3A_629 = tpu.vector_load %arg18[%swap3A_627, %swap3A_628] {strides = array<i32>} : memref<32x768xf32, #tpu.memory_space<vmem>>, vector<1x16xf32>,
      %swap3A_630 = vector.shape_cast %swap3A_629 : vector<1x16xf32> to vector<16xf32>
      %swap3A_631 = vector.shape_cast %get3A_306 : vector<16xf32> to vector<1x16xf32>
      tpu.vector_store %arg18[%swap3A_627, %swap3A_628], %swap3A_631 {add = true, strides = array<i32>} : memref<32x768xf32, #tpu.memory_space<vmem>>, vector<1x16xf32>,
      %swap3A_632 = arith.index_cast %scan3A_586 : i32 to index
      %swap3A_633 = arith.constant 144 : index
      %swap3A_634 = tpu.vector_load %arg18[%swap3A_632, %swap3A_633] {strides = array<i32>} : memref<32x768xf32, #tpu.memory_space<vmem>>, vector<1x16xf32>,
      %swap3A_635 = vector.shape_cast %swap3A_634 : vector<1x16xf32> to vector<16xf32>
      %swap3A_636 = vector.shape_cast %get3A_309 : vector<16xf32> to vector<1x16xf32>
      tpu.vector_store %arg18[%swap3A_632, %swap3A_633], %swap3A_636 {add = true, strides = array<i32>} : memref<32x768xf32, #tpu.memory_space<vmem>>, vector<1x16xf32>,
      %swap3A_637 = arith.index_cast %scan3A_586 : i32 to index
      %swap3A_638 = arith.constant 160 : index
      %swap3A_639 = tpu.vector_load %arg18[%swap3A_637, %swap3A_638] {strides = array<i32>} : memref<32x768xf32, #tpu.memory_space<vmem>>, vector<1x16xf32>,
      %swap3A_640 = vector.shape_cast %swap3A_639 : vector<1x16xf32> to vector<16xf32>
      %swap3A_641 = vector.shape_cast %get3A_312 : vector<16xf32> to vector<1x16xf32>
      tpu.vector_store %arg18[%swap3A_637, %swap3A_638], %swap3A_641 {add = true, strides = array<i32>} : memref<32x768xf32, #tpu.memory_space<vmem>>, vector<1x16xf32>,
      %swap3A_642 = arith.index_cast %scan3A_586 : i32 to index
      %swap3A_643 = arith.constant 176 : index
      %swap3A_644 = tpu.vector_load %arg18[%swap3A_642, %swap3A_643] {strides = array<i32>} : memref<32x768xf32, #tpu.memory_space<vmem>>, vector<1x16xf32>,
      %swap3A_645 = vector.shape_cast %swap3A_644 : vector<1x16xf32> to vector<16xf32>
      %swap3A_646 = vector.shape_cast %get3A_315 : vector<16xf32> to vector<1x16xf32>
      tpu.vector_store %arg18[%swap3A_642, %swap3A_643], %swap3A_646 {add = true, strides = array<i32>} : memref<32x768xf32, #tpu.memory_space<vmem>>, vector<1x16xf32>,
      %swap3A_647 = arith.index_cast %scan3A_586 : i32 to index
      %swap3A_648 = arith.constant 192 : index
      %swap3A_649 = tpu.vector_load %arg18[%swap3A_647, %swap3A_648] {strides = array<i32>} : memref<32x768xf32, #tpu.memory_space<vmem>>, vector<1x16xf32>,
      %swap3A_650 = vector.shape_cast %swap3A_649 : vector<1x16xf32> to vector<16xf32>
      %swap3A_651 = vector.shape_cast %get3A_318 : vector<16xf32> to vector<1x16xf32>
      tpu.vector_store %arg18[%swap3A_647, %swap3A_648], %swap3A_651 {add = true, strides = array<i32>} : memref<32x768xf32, #tpu.memory_space<vmem>>, vector<1x16xf32>,
      %swap3A_652 = arith.index_cast %scan3A_586 : i32 to index
      %swap3A_653 = arith.constant 208 : index
      %swap3A_654 = tpu.vector_load %arg18[%swap3A_652, %swap3A_653] {strides = array<i32>} : memref<32x768xf32, #tpu.memory_space<vmem>>, vector<1x16xf32>,
      %swap3A_655 = vector.shape_cast %swap3A_654 : vector<1x16xf32> to vector<16xf32>
      %swap3A_656 = vector.shape_cast %get3A_321 : vector<16xf32> to vector<1x16xf32>
      tpu.vector_store %arg18[%swap3A_652, %swap3A_653], %swap3A_656 {add = true, strides = array<i32>} : memref<32x768xf32, #tpu.memory_space<vmem>>, vector<1x16xf32>,
      %swap3A_657 = arith.index_cast %scan3A_586 : i32 to index
      %swap3A_658 = arith.constant 224 : index
      %swap3A_659 = tpu.vector_load %arg18[%swap3A_657, %swap3A_658] {strides = array<i32>} : memref<32x768xf32, #tpu.memory_space<vmem>>, vector<1x16xf32>,
      %swap3A_660 = vector.shape_cast %swap3A_659 : vector<1x16xf32> to vector<16xf32>
      %swap3A_661 = vector.shape_cast %get3A_324 : vector<16xf32> to vector<1x16xf32>
      tpu.vector_store %arg18[%swap3A_657, %swap3A_658], %swap3A_661 {add = true, strides = array<i32>} : memref<32x768xf32, #tpu.memory_space<vmem>>, vector<1x16xf32>,
      %swap3A_662 = arith.index_cast %scan3A_586 : i32 to index
      %swap3A_663 = arith.constant 240 : index
      %swap3A_664 = tpu.vector_load %arg18[%swap3A_662, %swap3A_663] {strides = array<i32>} : memref<32x768xf32, #tpu.memory_space<vmem>>, vector<1x16xf32>,
      %swap3A_665 = vector.shape_cast %swap3A_664 : vector<1x16xf32> to vector<16xf32>
      %swap3A_666 = vector.shape_cast %get3A_327 : vector<16xf32> to vector<1x16xf32>
      tpu.vector_store %arg18[%swap3A_662, %swap3A_663], %swap3A_666 {add = true, strides = array<i32>} : memref<32x768xf32, #tpu.memory_space<vmem>>, vector<1x16xf32>,
      %swap3A_667 = arith.index_cast %scan3A_586 : i32 to index
      %swap3A_668 = arith.constant 256 : index
      %swap3A_669 = tpu.vector_load %arg18[%swap3A_667, %swap3A_668] {strides = array<i32>} : memref<32x768xf32, #tpu.memory_space<vmem>>, vector<1x16xf32>,
      %swap3A_670 = vector.shape_cast %swap3A_669 : vector<1x16xf32> to vector<16xf32>
      %swap3A_671 = vector.shape_cast %get3A_330 : vector<16xf32> to vector<1x16xf32>
      tpu.vector_store %arg18[%swap3A_667, %swap3A_668], %swap3A_671 {add = true, strides = array<i32>} : memref<32x768xf32, #tpu.memory_space<vmem>>, vector<1x16xf32>,
      %swap3A_672 = arith.index_cast %scan3A_586 : i32 to index
      %swap3A_673 = arith.constant 272 : index
      %swap3A_674 = tpu.vector_load %arg18[%swap3A_672, %swap3A_673] {strides = array<i32>} : memref<32x768xf32, #tpu.memory_space<vmem>>, vector<1x16xf32>,
      %swap3A_675 = vector.shape_cast %swap3A_674 : vector<1x16xf32> to vector<16xf32>
      %swap3A_676 = vector.shape_cast %get3A_333 : vector<16xf32> to vector<1x16xf32>
      tpu.vector_store %arg18[%swap3A_672, %swap3A_673], %swap3A_676 {add = true, strides = array<i32>} : memref<32x768xf32, #tpu.memory_space<vmem>>, vector<1x16xf32>,
      %swap3A_677 = arith.index_cast %scan3A_586 : i32 to index
      %swap3A_678 = arith.constant 288 : index
      %swap3A_679 = tpu.vector_load %arg18[%swap3A_677, %swap3A_678] {strides = array<i32>} : memref<32x768xf32, #tpu.memory_space<vmem>>, vector<1x16xf32>,
      %swap3A_680 = vector.shape_cast %swap3A_679 : vector<1x16xf32> to vector<16xf32>
      %swap3A_681 = vector.shape_cast %get3A_336 : vector<16xf32> to vector<1x16xf32>
      tpu.vector_store %arg18[%swap3A_677, %swap3A_678], %swap3A_681 {add = true, strides = array<i32>} : memref<32x768xf32, #tpu.memory_space<vmem>>, vector<1x16xf32>,
      %swap3A_682 = arith.index_cast %scan3A_586 : i32 to index
      %swap3A_683 = arith.constant 304 : index
      %swap3A_684 = tpu.vector_load %arg18[%swap3A_682, %swap3A_683] {strides = array<i32>} : memref<32x768xf32, #tpu.memory_space<vmem>>, vector<1x16xf32>,
      %swap3A_685 = vector.shape_cast %swap3A_684 : vector<1x16xf32> to vector<16xf32>
      %swap3A_686 = vector.shape_cast %get3A_339 : vector<16xf32> to vector<1x16xf32>
      tpu.vector_store %arg18[%swap3A_682, %swap3A_683], %swap3A_686 {add = true, strides = array<i32>} : memref<32x768xf32, #tpu.memory_space<vmem>>, vector<1x16xf32>,
      %swap3A_687 = arith.index_cast %scan3A_586 : i32 to index
      %swap3A_688 = arith.constant 320 : index
      %swap3A_689 = tpu.vector_load %arg18[%swap3A_687, %swap3A_688] {strides = array<i32>} : memref<32x768xf32, #tpu.memory_space<vmem>>, vector<1x16xf32>,
      %swap3A_690 = vector.shape_cast %swap3A_689 : vector<1x16xf32> to vector<16xf32>
      %swap3A_691 = vector.shape_cast %get3A_342 : vector<16xf32> to vector<1x16xf32>
      tpu.vector_store %arg18[%swap3A_687, %swap3A_688], %swap3A_691 {add = true, strides = array<i32>} : memref<32x768xf32, #tpu.memory_space<vmem>>, vector<1x16xf32>,
      %swap3A_692 = arith.index_cast %scan3A_586 : i32 to index
      %swap3A_693 = arith.constant 336 : index
      %swap3A_694 = tpu.vector_load %arg18[%swap3A_692, %swap3A_693] {strides = array<i32>} : memref<32x768xf32, #tpu.memory_space<vmem>>, vector<1x16xf32>,
      %swap3A_695 = vector.shape_cast %swap3A_694 : vector<1x16xf32> to vector<16xf32>
      %swap3A_696 = vector.shape_cast %get3A_345 : vector<16xf32> to vector<1x16xf32>
      tpu.vector_store %arg18[%swap3A_692, %swap3A_693], %swap3A_696 {add = true, strides = array<i32>} : memref<32x768xf32, #tpu.memory_space<vmem>>, vector<1x16xf32>,
      %swap3A_697 = arith.index_cast %scan3A_586 : i32 to index
      %swap3A_698 = arith.constant 352 : index
      %swap3A_699 = tpu.vector_load %arg18[%swap3A_697, %swap3A_698] {strides = array<i32>} : memref<32x768xf32, #tpu.memory_space<vmem>>, vector<1x16xf32>,
      %swap3A_700 = vector.shape_cast %swap3A_699 : vector<1x16xf32> to vector<16xf32>
      %swap3A_701 = vector.shape_cast %get3A_348 : vector<16xf32> to vector<1x16xf32>
      tpu.vector_store %arg18[%swap3A_697, %swap3A_698], %swap3A_701 {add = true, strides = array<i32>} : memref<32x768xf32, #tpu.memory_space<vmem>>, vector<1x16xf32>,
      %swap3A_702 = arith.index_cast %scan3A_586 : i32 to index
      %swap3A_703 = arith.constant 368 : index
      %swap3A_704 = tpu.vector_load %arg18[%swap3A_702, %swap3A_703] {strides = array<i32>} : memref<32x768xf32, #tpu.memory_space<vmem>>, vector<1x16xf32>,
      %swap3A_705 = vector.shape_cast %swap3A_704 : vector<1x16xf32> to vector<16xf32>
      %swap3A_706 = vector.shape_cast %get3A_351 : vector<16xf32> to vector<1x16xf32>
      tpu.vector_store %arg18[%swap3A_702, %swap3A_703], %swap3A_706 {add = true, strides = array<i32>} : memref<32x768xf32, #tpu.memory_space<vmem>>, vector<1x16xf32>,
      %swap3A_707 = arith.index_cast %scan3A_586 : i32 to index
      %swap3A_708 = arith.constant 384 : index
      %swap3A_709 = tpu.vector_load %arg18[%swap3A_707, %swap3A_708] {strides = array<i32>} : memref<32x768xf32, #tpu.memory_space<vmem>>, vector<1x16xf32>,
      %swap3A_710 = vector.shape_cast %swap3A_709 : vector<1x16xf32> to vector<16xf32>
      %swap3A_711 = vector.shape_cast %get3A_354 : vector<16xf32> to vector<1x16xf32>
      tpu.vector_store %arg18[%swap3A_707, %swap3A_708], %swap3A_711 {add = true, strides = array<i32>} : memref<32x768xf32, #tpu.memory_space<vmem>>, vector<1x16xf32>,
      %swap3A_712 = arith.index_cast %scan3A_586 : i32 to index
      %swap3A_713 = arith.constant 400 : index
      %swap3A_714 = tpu.vector_load %arg18[%swap3A_712, %swap3A_713] {strides = array<i32>} : memref<32x768xf32, #tpu.memory_space<vmem>>, vector<1x16xf32>,
      %swap3A_715 = vector.shape_cast %swap3A_714 : vector<1x16xf32> to vector<16xf32>
      %swap3A_716 = vector.shape_cast %get3A_357 : vector<16xf32> to vector<1x16xf32>
      tpu.vector_store %arg18[%swap3A_712, %swap3A_713], %swap3A_716 {add = true, strides = array<i32>} : memref<32x768xf32, #tpu.memory_space<vmem>>, vector<1x16xf32>,
      %swap3A_717 = arith.index_cast %scan3A_586 : i32 to index
      %swap3A_718 = arith.constant 416 : index
      %swap3A_719 = tpu.vector_load %arg18[%swap3A_717, %swap3A_718] {strides = array<i32>} : memref<32x768xf32, #tpu.memory_space<vmem>>, vector<1x16xf32>,
      %swap3A_720 = vector.shape_cast %swap3A_719 : vector<1x16xf32> to vector<16xf32>
      %swap3A_721 = vector.shape_cast %get3A_360 : vector<16xf32> to vector<1x16xf32>
      tpu.vector_store %arg18[%swap3A_717, %swap3A_718], %swap3A_721 {add = true, strides = array<i32>} : memref<32x768xf32, #tpu.memory_space<vmem>>, vector<1x16xf32>,
      %swap3A_722 = arith.index_cast %scan3A_586 : i32 to index
      %swap3A_723 = arith.constant 432 : index
      %swap3A_724 = tpu.vector_load %arg18[%swap3A_722, %swap3A_723] {strides = array<i32>} : memref<32x768xf32, #tpu.memory_space<vmem>>, vector<1x16xf32>,
      %swap3A_725 = vector.shape_cast %swap3A_724 : vector<1x16xf32> to vector<16xf32>
      %swap3A_726 = vector.shape_cast %get3A_363 : vector<16xf32> to vector<1x16xf32>
      tpu.vector_store %arg18[%swap3A_722, %swap3A_723], %swap3A_726 {add = true, strides = array<i32>} : memref<32x768xf32, #tpu.memory_space<vmem>>, vector<1x16xf32>,
      %swap3A_727 = arith.index_cast %scan3A_586 : i32 to index
      %swap3A_728 = arith.constant 448 : index
      %swap3A_729 = tpu.vector_load %arg18[%swap3A_727, %swap3A_728] {strides = array<i32>} : memref<32x768xf32, #tpu.memory_space<vmem>>, vector<1x16xf32>,
      %swap3A_730 = vector.shape_cast %swap3A_729 : vector<1x16xf32> to vector<16xf32>
      %swap3A_731 = vector.shape_cast %get3A_366 : vector<16xf32> to vector<1x16xf32>
      tpu.vector_store %arg18[%swap3A_727, %swap3A_728], %swap3A_731 {add = true, strides = array<i32>} : memref<32x768xf32, #tpu.memory_space<vmem>>, vector<1x16xf32>,
      %swap3A_732 = arith.index_cast %scan3A_586 : i32 to index
      %swap3A_733 = arith.constant 464 : index
      %swap3A_734 = tpu.vector_load %arg18[%swap3A_732, %swap3A_733] {strides = array<i32>} : memref<32x768xf32, #tpu.memory_space<vmem>>, vector<1x16xf32>,
      %swap3A_735 = vector.shape_cast %swap3A_734 : vector<1x16xf32> to vector<16xf32>
      %swap3A_736 = vector.shape_cast %get3A_369 : vector<16xf32> to vector<1x16xf32>
      tpu.vector_store %arg18[%swap3A_732, %swap3A_733], %swap3A_736 {add = true, strides = array<i32>} : memref<32x768xf32, #tpu.memory_space<vmem>>, vector<1x16xf32>,
      %swap3A_737 = arith.index_cast %scan3A_586 : i32 to index
      %swap3A_738 = arith.constant 480 : index
      %swap3A_739 = tpu.vector_load %arg18[%swap3A_737, %swap3A_738] {strides = array<i32>} : memref<32x768xf32, #tpu.memory_space<vmem>>, vector<1x16xf32>,
      %swap3A_740 = vector.shape_cast %swap3A_739 : vector<1x16xf32> to vector<16xf32>
      %swap3A_741 = vector.shape_cast %get3A_372 : vector<16xf32> to vector<1x16xf32>
      tpu.vector_store %arg18[%swap3A_737, %swap3A_738], %swap3A_741 {add = true, strides = array<i32>} : memref<32x768xf32, #tpu.memory_space<vmem>>, vector<1x16xf32>,
      %swap3A_742 = arith.index_cast %scan3A_586 : i32 to index
      %swap3A_743 = arith.constant 496 : index
      %swap3A_744 = tpu.vector_load %arg18[%swap3A_742, %swap3A_743] {strides = array<i32>} : memref<32x768xf32, #tpu.memory_space<vmem>>, vector<1x16xf32>,
      %swap3A_745 = vector.shape_cast %swap3A_744 : vector<1x16xf32> to vector<16xf32>
      %swap3A_746 = vector.shape_cast %get3A_375 : vector<16xf32> to vector<1x16xf32>
      tpu.vector_store %arg18[%swap3A_742, %swap3A_743], %swap3A_746 {add = true, strides = array<i32>} : memref<32x768xf32, #tpu.memory_space<vmem>>, vector<1x16xf32>,
      %swap3A_747 = arith.index_cast %scan3A_586 : i32 to index
      %swap3A_748 = arith.constant 512 : index
      %swap3A_749 = tpu.vector_load %arg18[%swap3A_747, %swap3A_748] {strides = array<i32>} : memref<32x768xf32, #tpu.memory_space<vmem>>, vector<1x16xf32>,
      %swap3A_750 = vector.shape_cast %swap3A_749 : vector<1x16xf32> to vector<16xf32>
      %swap3A_751 = vector.shape_cast %get3A_378 : vector<16xf32> to vector<1x16xf32>
      tpu.vector_store %arg18[%swap3A_747, %swap3A_748], %swap3A_751 {add = true, strides = array<i32>} : memref<32x768xf32, #tpu.memory_space<vmem>>, vector<1x16xf32>,
      %swap3A_752 = arith.index_cast %scan3A_586 : i32 to index
      %swap3A_753 = arith.constant 528 : index
      %swap3A_754 = tpu.vector_load %arg18[%swap3A_752, %swap3A_753] {strides = array<i32>} : memref<32x768xf32, #tpu.memory_space<vmem>>, vector<1x16xf32>,
      %swap3A_755 = vector.shape_cast %swap3A_754 : vector<1x16xf32> to vector<16xf32>
      %swap3A_756 = vector.shape_cast %get3A_381 : vector<16xf32> to vector<1x16xf32>
      tpu.vector_store %arg18[%swap3A_752, %swap3A_753], %swap3A_756 {add = true, strides = array<i32>} : memref<32x768xf32, #tpu.memory_space<vmem>>, vector<1x16xf32>,
      %swap3A_757 = arith.index_cast %scan3A_586 : i32 to index
      %swap3A_758 = arith.constant 544 : index
      %swap3A_759 = tpu.vector_load %arg18[%swap3A_757, %swap3A_758] {strides = array<i32>} : memref<32x768xf32, #tpu.memory_space<vmem>>, vector<1x16xf32>,
      %swap3A_760 = vector.shape_cast %swap3A_759 : vector<1x16xf32> to vector<16xf32>
      %swap3A_761 = vector.shape_cast %get3A_384 : vector<16xf32> to vector<1x16xf32>
      tpu.vector_store %arg18[%swap3A_757, %swap3A_758], %swap3A_761 {add = true, strides = array<i32>} : memref<32x768xf32, #tpu.memory_space<vmem>>, vector<1x16xf32>,
      %swap3A_762 = arith.index_cast %scan3A_586 : i32 to index
      %swap3A_763 = arith.constant 560 : index
      %swap3A_764 = tpu.vector_load %arg18[%swap3A_762, %swap3A_763] {strides = array<i32>} : memref<32x768xf32, #tpu.memory_space<vmem>>, vector<1x16xf32>,
      %swap3A_765 = vector.shape_cast %swap3A_764 : vector<1x16xf32> to vector<16xf32>
      %swap3A_766 = vector.shape_cast %get3A_387 : vector<16xf32> to vector<1x16xf32>
      tpu.vector_store %arg18[%swap3A_762, %swap3A_763], %swap3A_766 {add = true, strides = array<i32>} : memref<32x768xf32, #tpu.memory_space<vmem>>, vector<1x16xf32>,
      %swap3A_767 = arith.index_cast %scan3A_586 : i32 to index
      %swap3A_768 = arith.constant 576 : index
      %swap3A_769 = tpu.vector_load %arg18[%swap3A_767, %swap3A_768] {strides = array<i32>} : memref<32x768xf32, #tpu.memory_space<vmem>>, vector<1x16xf32>,
      %swap3A_770 = vector.shape_cast %swap3A_769 : vector<1x16xf32> to vector<16xf32>
      %swap3A_771 = vector.shape_cast %get3A_390 : vector<16xf32> to vector<1x16xf32>
      tpu.vector_store %arg18[%swap3A_767, %swap3A_768], %swap3A_771 {add = true, strides = array<i32>} : memref<32x768xf32, #tpu.memory_space<vmem>>, vector<1x16xf32>,
      %swap3A_772 = arith.index_cast %scan3A_586 : i32 to index
      %swap3A_773 = arith.constant 592 : index
      %swap3A_774 = tpu.vector_load %arg18[%swap3A_772, %swap3A_773] {strides = array<i32>} : memref<32x768xf32, #tpu.memory_space<vmem>>, vector<1x16xf32>,
      %swap3A_775 = vector.shape_cast %swap3A_774 : vector<1x16xf32> to vector<16xf32>
      %swap3A_776 = vector.shape_cast %get3A_393 : vector<16xf32> to vector<1x16xf32>
      tpu.vector_store %arg18[%swap3A_772, %swap3A_773], %swap3A_776 {add = true, strides = array<i32>} : memref<32x768xf32, #tpu.memory_space<vmem>>, vector<1x16xf32>,
      %swap3A_777 = arith.index_cast %scan3A_586 : i32 to index
      %swap3A_778 = arith.constant 608 : index
      %swap3A_779 = tpu.vector_load %arg18[%swap3A_777, %swap3A_778] {strides = array<i32>} : memref<32x768xf32, #tpu.memory_space<vmem>>, vector<1x16xf32>,
      %swap3A_780 = vector.shape_cast %swap3A_779 : vector<1x16xf32> to vector<16xf32>
      %swap3A_781 = vector.shape_cast %get3A_396 : vector<16xf32> to vector<1x16xf32>
      tpu.vector_store %arg18[%swap3A_777, %swap3A_778], %swap3A_781 {add = true, strides = array<i32>} : memref<32x768xf32, #tpu.memory_space<vmem>>, vector<1x16xf32>,
      %swap3A_782 = arith.index_cast %scan3A_586 : i32 to index
      %swap3A_783 = arith.constant 624 : index
      %swap3A_784 = tpu.vector_load %arg18[%swap3A_782, %swap3A_783] {strides = array<i32>} : memref<32x768xf32, #tpu.memory_space<vmem>>, vector<1x16xf32>,
      %swap3A_785 = vector.shape_cast %swap3A_784 : vector<1x16xf32> to vector<16xf32>
      %swap3A_786 = vector.shape_cast %get3A_399 : vector<16xf32> to vector<1x16xf32>
      tpu.vector_store %arg18[%swap3A_782, %swap3A_783], %swap3A_786 {add = true, strides = array<i32>} : memref<32x768xf32, #tpu.memory_space<vmem>>, vector<1x16xf32>,
      %swap3A_787 = arith.index_cast %scan3A_586 : i32 to index
      %swap3A_788 = arith.constant 640 : index
      %swap3A_789 = tpu.vector_load %arg18[%swap3A_787, %swap3A_788] {strides = array<i32>} : memref<32x768xf32, #tpu.memory_space<vmem>>, vector<1x16xf32>,
      %swap3A_790 = vector.shape_cast %swap3A_789 : vector<1x16xf32> to vector<16xf32>
      %swap3A_791 = vector.shape_cast %get3A_402 : vector<16xf32> to vector<1x16xf32>
      tpu.vector_store %arg18[%swap3A_787, %swap3A_788], %swap3A_791 {add = true, strides = array<i32>} : memref<32x768xf32, #tpu.memory_space<vmem>>, vector<1x16xf32>,
      %swap3A_792 = arith.index_cast %scan3A_586 : i32 to index
      %swap3A_793 = arith.constant 656 : index
      %swap3A_794 = tpu.vector_load %arg18[%swap3A_792, %swap3A_793] {strides = array<i32>} : memref<32x768xf32, #tpu.memory_space<vmem>>, vector<1x16xf32>,
      %swap3A_795 = vector.shape_cast %swap3A_794 : vector<1x16xf32> to vector<16xf32>
      %swap3A_796 = vector.shape_cast %get3A_405 : vector<16xf32> to vector<1x16xf32>
      tpu.vector_store %arg18[%swap3A_792, %swap3A_793], %swap3A_796 {add = true, strides = array<i32>} : memref<32x768xf32, #tpu.memory_space<vmem>>, vector<1x16xf32>,
      %swap3A_797 = arith.index_cast %scan3A_586 : i32 to index
      %swap3A_798 = arith.constant 672 : index
      %swap3A_799 = tpu.vector_load %arg18[%swap3A_797, %swap3A_798] {strides = array<i32>} : memref<32x768xf32, #tpu.memory_space<vmem>>, vector<1x16xf32>,
      %swap3A_800 = vector.shape_cast %swap3A_799 : vector<1x16xf32> to vector<16xf32>
      %swap3A_801 = vector.shape_cast %get3A_408 : vector<16xf32> to vector<1x16xf32>
      tpu.vector_store %arg18[%swap3A_797, %swap3A_798], %swap3A_801 {add = true, strides = array<i32>} : memref<32x768xf32, #tpu.memory_space<vmem>>, vector<1x16xf32>,
      %swap3A_802 = arith.index_cast %scan3A_586 : i32 to index
      %swap3A_803 = arith.constant 688 : index
      %swap3A_804 = tpu.vector_load %arg18[%swap3A_802, %swap3A_803] {strides = array<i32>} : memref<32x768xf32, #tpu.memory_space<vmem>>, vector<1x16xf32>,
      %swap3A_805 = vector.shape_cast %swap3A_804 : vector<1x16xf32> to vector<16xf32>
      %swap3A_806 = vector.shape_cast %get3A_411 : vector<16xf32> to vector<1x16xf32>
      tpu.vector_store %arg18[%swap3A_802, %swap3A_803], %swap3A_806 {add = true, strides = array<i32>} : memref<32x768xf32, #tpu.memory_space<vmem>>, vector<1x16xf32>,
      %swap3A_807 = arith.index_cast %scan3A_586 : i32 to index
      %swap3A_808 = arith.constant 704 : index
      %swap3A_809 = tpu.vector_load %arg18[%swap3A_807, %swap3A_808] {strides = array<i32>} : memref<32x768xf32, #tpu.memory_space<vmem>>, vector<1x16xf32>,
      %swap3A_810 = vector.shape_cast %swap3A_809 : vector<1x16xf32> to vector<16xf32>
      %swap3A_811 = vector.shape_cast %get3A_414 : vector<16xf32> to vector<1x16xf32>
      tpu.vector_store %arg18[%swap3A_807, %swap3A_808], %swap3A_811 {add = true, strides = array<i32>} : memref<32x768xf32, #tpu.memory_space<vmem>>, vector<1x16xf32>,
      %swap3A_812 = arith.index_cast %scan3A_586 : i32 to index
      %swap3A_813 = arith.constant 720 : index
      %swap3A_814 = tpu.vector_load %arg18[%swap3A_812, %swap3A_813] {strides = array<i32>} : memref<32x768xf32, #tpu.memory_space<vmem>>, vector<1x16xf32>,
      %swap3A_815 = vector.shape_cast %swap3A_814 : vector<1x16xf32> to vector<16xf32>
      %swap3A_816 = vector.shape_cast %get3A_417 : vector<16xf32> to vector<1x16xf32>
      tpu.vector_store %arg18[%swap3A_812, %swap3A_813], %swap3A_816 {add = true, strides = array<i32>} : memref<32x768xf32, #tpu.memory_space<vmem>>, vector<1x16xf32>,
      %swap3A_817 = arith.index_cast %scan3A_586 : i32 to index
      %swap3A_818 = arith.constant 736 : index
      %swap3A_819 = tpu.vector_load %arg18[%swap3A_817, %swap3A_818] {strides = array<i32>} : memref<32x768xf32, #tpu.memory_space<vmem>>, vector<1x16xf32>,
      %swap3A_820 = vector.shape_cast %swap3A_819 : vector<1x16xf32> to vector<16xf32>
      %swap3A_821 = vector.shape_cast %get3A_420 : vector<16xf32> to vector<1x16xf32>
      tpu.vector_store %arg18[%swap3A_817, %swap3A_818], %swap3A_821 {add = true, strides = array<i32>} : memref<32x768xf32, #tpu.memory_space<vmem>>, vector<1x16xf32>,
      %swap3A_822 = arith.index_cast %scan3A_586 : i32 to index
      %swap3A_823 = arith.constant 752 : index
      %swap3A_824 = tpu.vector_load %arg18[%swap3A_822, %swap3A_823] {strides = array<i32>} : memref<32x768xf32, #tpu.memory_space<vmem>>, vector<1x16xf32>,
      %swap3A_825 = vector.shape_cast %swap3A_824 : vector<1x16xf32> to vector<16xf32>
      %swap3A_826 = vector.shape_cast %get3A_423 : vector<16xf32> to vector<1x16xf32>
      tpu.vector_store %arg18[%swap3A_822, %swap3A_823], %swap3A_826 {add = true, strides = array<i32>} : memref<32x768xf32, #tpu.memory_space<vmem>>, vector<1x16xf32>,
    }
    %scan3A_448 = arith.constant 32 : i32
    %add3A_449 = arith.constant 32 : i32
    %add3A_450 = arith.addi %mul3A_2, %add3A_449 : i32
    %dma_start3A_451 = arith.constant 0 : i32
    %dma_start3A_452 = tpu.memref_slice %arg5[%add3A_450, %dma_start3A_451] : memref<8192x768xf32, #tpu.memory_space<hbm>> -> memref<32x768xf32, #tpu.memory_space<hbm>>
    %dma_start3A_453 = arith.constant 0 : i32
    %dma_start3A_454 = tpu.memref_slice %arg5[%add3A_450, %dma_start3A_453] : memref<8192x768xf32, #tpu.memory_space<hbm>> -> memref<32x768xf32, #tpu.memory_space<hbm>>
    tpu.enqueue_dma source(%arg18 : memref<32x768xf32, #tpu.memory_space<vmem>>) target(%dma_start3A_454 : memref<32x768xf32, #tpu.memory_space<hbm>>) target_semaphore(%arg28 : memref<!tpu.dma_semaphore, #tpu.memory_space<semaphore_mem>>)
    %dma_wait3A_455 = arith.constant 0 : i32
    %dma_wait3A_456 = tpu.memref_slice %arg5[%add3A_432, %dma_wait3A_455] : memref<8192x768xf32, #tpu.memory_space<hbm>> -> memref<32x768xf32, #tpu.memory_space<hbm>>
    %dma_wait3A_457 = arith.constant 0 : i32
    %dma_wait3A_458 = tpu.memref_slice %arg5[%add3A_432, %dma_wait3A_457] : memref<8192x768xf32, #tpu.memory_space<hbm>> -> memref<32x768xf32, #tpu.memory_space<hbm>>
    tpu.wait_dma2 semaphore(%arg27 : memref<!tpu.dma_semaphore, #tpu.memory_space<semaphore_mem>>) src(%arg17 : memref<32x768xf32, #tpu.memory_space<vmem>>) dst(%dma_wait3A_458 : memref<32x768xf32, #tpu.memory_space<hbm>>)
    %dma_start3A_459 = arith.constant 0 : i32
    %dma_start3A_460 = arith.constant 0 : i32
    %dma_start3A_461 = tpu.memref_slice %arg3[%dma_start3A_459, %dma_start3A_460] : memref<100000x768xf32, #tpu.memory_space<hbm>> -> memref<100000x768xf32, #tpu.memory_space<hbm>>
    tpu.enqueue_indirect_dma source(%dma_start3A_461 : memref<100000x768xf32, #tpu.memory_space<hbm>>) target(%arg17 : memref<32x768xf32, #tpu.memory_space<vmem>>) offsets(%arg12 : memref<32xi32, #tpu.memory_space<vmem>>) semaphore(%arg22 : memref<!tpu.dma_semaphore, #tpu.memory_space<semaphore_mem>>)
    %dma_wait3A_462 = arith.constant 0 : i32
    %dma_wait3A_463 = arith.constant 0 : i32
    %dma_wait3A_464 = tpu.memref_slice %arg3[%dma_wait3A_462, %dma_wait3A_463] : memref<100000x768xf32, #tpu.memory_space<hbm>> -> memref<100000x768xf32, #tpu.memory_space<hbm>>
    tpu.wait_indirect_dma semaphore(%arg24 : memref<!tpu.dma_semaphore, #tpu.memory_space<semaphore_mem>>) src(%dma_wait3A_464 : memref<100000x768xf32, #tpu.memory_space<hbm>>) dst(%arg19 : memref<32x768xf32, #tpu.memory_space<vmem>>)
    %scan3A_465 = arith.constant 0 : i32
    %scan3A_466 = arith.constant 0 : i32
    %scan3A_467 = arith.constant 32 : i32
    %scan3A_468 = arith.addi %scan3A_466, %scan3A_467 : i32
    %scan3A_469 = arith.constant 1 : i32
    scf.for %scan3A_586 = %scan3A_466 to %scan3A_468 step %scan3A_469  : i32 {
      %swap3A_587 = arith.index_cast %scan3A_586 : i32 to index
      %swap3A_588 = arith.constant 0 : index
      %swap3A_589 = tpu.vector_load %arg19[%swap3A_587, %swap3A_588] {strides = array<i32>} : memref<32x768xf32, #tpu.memory_space<vmem>>, vector<1x16xf32>,
      %swap3A_590 = vector.shape_cast %swap3A_589 : vector<1x16xf32> to vector<16xf32>
      %swap3A_591 = vector.shape_cast %get3A_282 : vector<16xf32> to vector<1x16xf32>
      tpu.vector_store %arg19[%swap3A_587, %swap3A_588], %swap3A_591 {add = true, strides = array<i32>} : memref<32x768xf32, #tpu.memory_space<vmem>>, vector<1x16xf32>,
      %swap3A_592 = arith.index_cast %scan3A_586 : i32 to index
      %swap3A_593 = arith.constant 16 : index
      %swap3A_594 = tpu.vector_load %arg19[%swap3A_592, %swap3A_593] {strides = array<i32>} : memref<32x768xf32, #tpu.memory_space<vmem>>, vector<1x16xf32>,
      %swap3A_595 = vector.shape_cast %swap3A_594 : vector<1x16xf32> to vector<16xf32>
      %swap3A_596 = vector.shape_cast %get3A_285 : vector<16xf32> to vector<1x16xf32>
      tpu.vector_store %arg19[%swap3A_592, %swap3A_593], %swap3A_596 {add = true, strides = array<i32>} : memref<32x768xf32, #tpu.memory_space<vmem>>, vector<1x16xf32>,
      %swap3A_597 = arith.index_cast %scan3A_586 : i32 to index
      %swap3A_598 = arith.constant 32 : index
      %swap3A_599 = tpu.vector_load %arg19[%swap3A_597, %swap3A_598] {strides = array<i32>} : memref<32x768xf32, #tpu.memory_space<vmem>>, vector<1x16xf32>,
      %swap3A_600 = vector.shape_cast %swap3A_599 : vector<1x16xf32> to vector<16xf32>
      %swap3A_601 = vector.shape_cast %get3A_288 : vector<16xf32> to vector<1x16xf32>
      tpu.vector_store %arg19[%swap3A_597, %swap3A_598], %swap3A_601 {add = true, strides = array<i32>} : memref<32x768xf32, #tpu.memory_space<vmem>>, vector<1x16xf32>,
      %swap3A_602 = arith.index_cast %scan3A_586 : i32 to index
      %swap3A_603 = arith.constant 48 : index
      %swap3A_604 = tpu.vector_load %arg19[%swap3A_602, %swap3A_603] {strides = array<i32>} : memref<32x768xf32, #tpu.memory_space<vmem>>, vector<1x16xf32>,
      %swap3A_605 = vector.shape_cast %swap3A_604 : vector<1x16xf32> to vector<16xf32>
      %swap3A_606 = vector.shape_cast %get3A_291 : vector<16xf32> to vector<1x16xf32>
      tpu.vector_store %arg19[%swap3A_602, %swap3A_603], %swap3A_606 {add = true, strides = array<i32>} : memref<32x768xf32, #tpu.memory_space<vmem>>, vector<1x16xf32>,
      %swap3A_607 = arith.index_cast %scan3A_586 : i32 to index
      %swap3A_608 = arith.constant 64 : index
      %swap3A_609 = tpu.vector_load %arg19[%swap3A_607, %swap3A_608] {strides = array<i32>} : memref<32x768xf32, #tpu.memory_space<vmem>>, vector<1x16xf32>,
      %swap3A_610 = vector.shape_cast %swap3A_609 : vector<1x16xf32> to vector<16xf32>
      %swap3A_611 = vector.shape_cast %get3A_294 : vector<16xf32> to vector<1x16xf32>
      tpu.vector_store %arg19[%swap3A_607, %swap3A_608], %swap3A_611 {add = true, strides = array<i32>} : memref<32x768xf32, #tpu.memory_space<vmem>>, vector<1x16xf32>,
      %swap3A_612 = arith.index_cast %scan3A_586 : i32 to index
      %swap3A_613 = arith.constant 80 : index
      %swap3A_614 = tpu.vector_load %arg19[%swap3A_612, %swap3A_613] {strides = array<i32>} : memref<32x768xf32, #tpu.memory_space<vmem>>, vector<1x16xf32>,
      %swap3A_615 = vector.shape_cast %swap3A_614 : vector<1x16xf32> to vector<16xf32>
      %swap3A_616 = vector.shape_cast %get3A_297 : vector<16xf32> to vector<1x16xf32>
      tpu.vector_store %arg19[%swap3A_612, %swap3A_613], %swap3A_616 {add = true, strides = array<i32>} : memref<32x768xf32, #tpu.memory_space<vmem>>, vector<1x16xf32>,
      %swap3A_617 = arith.index_cast %scan3A_586 : i32 to index
      %swap3A_618 = arith.constant 96 : index
      %swap3A_619 = tpu.vector_load %arg19[%swap3A_617, %swap3A_618] {strides = array<i32>} : memref<32x768xf32, #tpu.memory_space<vmem>>, vector<1x16xf32>,
      %swap3A_620 = vector.shape_cast %swap3A_619 : vector<1x16xf32> to vector<16xf32>
      %swap3A_621 = vector.shape_cast %get3A_300 : vector<16xf32> to vector<1x16xf32>
      tpu.vector_store %arg19[%swap3A_617, %swap3A_618], %swap3A_621 {add = true, strides = array<i32>} : memref<32x768xf32, #tpu.memory_space<vmem>>, vector<1x16xf32>,
      %swap3A_622 = arith.index_cast %scan3A_586 : i32 to index
      %swap3A_623 = arith.constant 112 : index
      %swap3A_624 = tpu.vector_load %arg19[%swap3A_622, %swap3A_623] {strides = array<i32>} : memref<32x768xf32, #tpu.memory_space<vmem>>, vector<1x16xf32>,
      %swap3A_625 = vector.shape_cast %swap3A_624 : vector<1x16xf32> to vector<16xf32>
      %swap3A_626 = vector.shape_cast %get3A_303 : vector<16xf32> to vector<1x16xf32>
      tpu.vector_store %arg19[%swap3A_622, %swap3A_623], %swap3A_626 {add = true, strides = array<i32>} : memref<32x768xf32, #tpu.memory_space<vmem>>, vector<1x16xf32>,
      %swap3A_627 = arith.index_cast %scan3A_586 : i32 to index
      %swap3A_628 = arith.constant 128 : index
      %swap3A_629 = tpu.vector_load %arg19[%swap3A_627, %swap3A_628] {strides = array<i32>} : memref<32x768xf32, #tpu.memory_space<vmem>>, vector<1x16xf32>,
      %swap3A_630 = vector.shape_cast %swap3A_629 : vector<1x16xf32> to vector<16xf32>
      %swap3A_631 = vector.shape_cast %get3A_306 : vector<16xf32> to vector<1x16xf32>
      tpu.vector_store %arg19[%swap3A_627, %swap3A_628], %swap3A_631 {add = true, strides = array<i32>} : memref<32x768xf32, #tpu.memory_space<vmem>>, vector<1x16xf32>,
      %swap3A_632 = arith.index_cast %scan3A_586 : i32 to index
      %swap3A_633 = arith.constant 144 : index
      %swap3A_634 = tpu.vector_load %arg19[%swap3A_632, %swap3A_633] {strides = array<i32>} : memref<32x768xf32, #tpu.memory_space<vmem>>, vector<1x16xf32>,
      %swap3A_635 = vector.shape_cast %swap3A_634 : vector<1x16xf32> to vector<16xf32>
      %swap3A_636 = vector.shape_cast %get3A_309 : vector<16xf32> to vector<1x16xf32>
      tpu.vector_store %arg19[%swap3A_632, %swap3A_633], %swap3A_636 {add = true, strides = array<i32>} : memref<32x768xf32, #tpu.memory_space<vmem>>, vector<1x16xf32>,
      %swap3A_637 = arith.index_cast %scan3A_586 : i32 to index
      %swap3A_638 = arith.constant 160 : index
      %swap3A_639 = tpu.vector_load %arg19[%swap3A_637, %swap3A_638] {strides = array<i32>} : memref<32x768xf32, #tpu.memory_space<vmem>>, vector<1x16xf32>,
      %swap3A_640 = vector.shape_cast %swap3A_639 : vector<1x16xf32> to vector<16xf32>
      %swap3A_641 = vector.shape_cast %get3A_312 : vector<16xf32> to vector<1x16xf32>
      tpu.vector_store %arg19[%swap3A_637, %swap3A_638], %swap3A_641 {add = true, strides = array<i32>} : memref<32x768xf32, #tpu.memory_space<vmem>>, vector<1x16xf32>,
      %swap3A_642 = arith.index_cast %scan3A_586 : i32 to index
      %swap3A_643 = arith.constant 176 : index
      %swap3A_644 = tpu.vector_load %arg19[%swap3A_642, %swap3A_643] {strides = array<i32>} : memref<32x768xf32, #tpu.memory_space<vmem>>, vector<1x16xf32>,
      %swap3A_645 = vector.shape_cast %swap3A_644 : vector<1x16xf32> to vector<16xf32>
      %swap3A_646 = vector.shape_cast %get3A_315 : vector<16xf32> to vector<1x16xf32>
      tpu.vector_store %arg19[%swap3A_642, %swap3A_643], %swap3A_646 {add = true, strides = array<i32>} : memref<32x768xf32, #tpu.memory_space<vmem>>, vector<1x16xf32>,
      %swap3A_647 = arith.index_cast %scan3A_586 : i32 to index
      %swap3A_648 = arith.constant 192 : index
      %swap3A_649 = tpu.vector_load %arg19[%swap3A_647, %swap3A_648] {strides = array<i32>} : memref<32x768xf32, #tpu.memory_space<vmem>>, vector<1x16xf32>,
      %swap3A_650 = vector.shape_cast %swap3A_649 : vector<1x16xf32> to vector<16xf32>
      %swap3A_651 = vector.shape_cast %get3A_318 : vector<16xf32> to vector<1x16xf32>
      tpu.vector_store %arg19[%swap3A_647, %swap3A_648], %swap3A_651 {add = true, strides = array<i32>} : memref<32x768xf32, #tpu.memory_space<vmem>>, vector<1x16xf32>,
      %swap3A_652 = arith.index_cast %scan3A_586 : i32 to index
      %swap3A_653 = arith.constant 208 : index
      %swap3A_654 = tpu.vector_load %arg19[%swap3A_652, %swap3A_653] {strides = array<i32>} : memref<32x768xf32, #tpu.memory_space<vmem>>, vector<1x16xf32>,
      %swap3A_655 = vector.shape_cast %swap3A_654 : vector<1x16xf32> to vector<16xf32>
      %swap3A_656 = vector.shape_cast %get3A_321 : vector<16xf32> to vector<1x16xf32>
      tpu.vector_store %arg19[%swap3A_652, %swap3A_653], %swap3A_656 {add = true, strides = array<i32>} : memref<32x768xf32, #tpu.memory_space<vmem>>, vector<1x16xf32>,
      %swap3A_657 = arith.index_cast %scan3A_586 : i32 to index
      %swap3A_658 = arith.constant 224 : index
      %swap3A_659 = tpu.vector_load %arg19[%swap3A_657, %swap3A_658] {strides = array<i32>} : memref<32x768xf32, #tpu.memory_space<vmem>>, vector<1x16xf32>,
      %swap3A_660 = vector.shape_cast %swap3A_659 : vector<1x16xf32> to vector<16xf32>
      %swap3A_661 = vector.shape_cast %get3A_324 : vector<16xf32> to vector<1x16xf32>
      tpu.vector_store %arg19[%swap3A_657, %swap3A_658], %swap3A_661 {add = true, strides = array<i32>} : memref<32x768xf32, #tpu.memory_space<vmem>>, vector<1x16xf32>,
      %swap3A_662 = arith.index_cast %scan3A_586 : i32 to index
      %swap3A_663 = arith.constant 240 : index
      %swap3A_664 = tpu.vector_load %arg19[%swap3A_662, %swap3A_663] {strides = array<i32>} : memref<32x768xf32, #tpu.memory_space<vmem>>, vector<1x16xf32>,
      %swap3A_665 = vector.shape_cast %swap3A_664 : vector<1x16xf32> to vector<16xf32>
      %swap3A_666 = vector.shape_cast %get3A_327 : vector<16xf32> to vector<1x16xf32>
      tpu.vector_store %arg19[%swap3A_662, %swap3A_663], %swap3A_666 {add = true, strides = array<i32>} : memref<32x768xf32, #tpu.memory_space<vmem>>, vector<1x16xf32>,
      %swap3A_667 = arith.index_cast %scan3A_586 : i32 to index
      %swap3A_668 = arith.constant 256 : index
      %swap3A_669 = tpu.vector_load %arg19[%swap3A_667, %swap3A_668] {strides = array<i32>} : memref<32x768xf32, #tpu.memory_space<vmem>>, vector<1x16xf32>,
      %swap3A_670 = vector.shape_cast %swap3A_669 : vector<1x16xf32> to vector<16xf32>
      %swap3A_671 = vector.shape_cast %get3A_330 : vector<16xf32> to vector<1x16xf32>
      tpu.vector_store %arg19[%swap3A_667, %swap3A_668], %swap3A_671 {add = true, strides = array<i32>} : memref<32x768xf32, #tpu.memory_space<vmem>>, vector<1x16xf32>,
      %swap3A_672 = arith.index_cast %scan3A_586 : i32 to index
      %swap3A_673 = arith.constant 272 : index
      %swap3A_674 = tpu.vector_load %arg19[%swap3A_672, %swap3A_673] {strides = array<i32>} : memref<32x768xf32, #tpu.memory_space<vmem>>, vector<1x16xf32>,
      %swap3A_675 = vector.shape_cast %swap3A_674 : vector<1x16xf32> to vector<16xf32>
      %swap3A_676 = vector.shape_cast %get3A_333 : vector<16xf32> to vector<1x16xf32>
      tpu.vector_store %arg19[%swap3A_672, %swap3A_673], %swap3A_676 {add = true, strides = array<i32>} : memref<32x768xf32, #tpu.memory_space<vmem>>, vector<1x16xf32>,
      %swap3A_677 = arith.index_cast %scan3A_586 : i32 to index
      %swap3A_678 = arith.constant 288 : index
      %swap3A_679 = tpu.vector_load %arg19[%swap3A_677, %swap3A_678] {strides = array<i32>} : memref<32x768xf32, #tpu.memory_space<vmem>>, vector<1x16xf32>,
      %swap3A_680 = vector.shape_cast %swap3A_679 : vector<1x16xf32> to vector<16xf32>
      %swap3A_681 = vector.shape_cast %get3A_336 : vector<16xf32> to vector<1x16xf32>
      tpu.vector_store %arg19[%swap3A_677, %swap3A_678], %swap3A_681 {add = true, strides = array<i32>} : memref<32x768xf32, #tpu.memory_space<vmem>>, vector<1x16xf32>,
      %swap3A_682 = arith.index_cast %scan3A_586 : i32 to index
      %swap3A_683 = arith.constant 304 : index
      %swap3A_684 = tpu.vector_load %arg19[%swap3A_682, %swap3A_683] {strides = array<i32>} : memref<32x768xf32, #tpu.memory_space<vmem>>, vector<1x16xf32>,
      %swap3A_685 = vector.shape_cast %swap3A_684 : vector<1x16xf32> to vector<16xf32>
      %swap3A_686 = vector.shape_cast %get3A_339 : vector<16xf32> to vector<1x16xf32>
      tpu.vector_store %arg19[%swap3A_682, %swap3A_683], %swap3A_686 {add = true, strides = array<i32>} : memref<32x768xf32, #tpu.memory_space<vmem>>, vector<1x16xf32>,
      %swap3A_687 = arith.index_cast %scan3A_586 : i32 to index
      %swap3A_688 = arith.constant 320 : index
      %swap3A_689 = tpu.vector_load %arg19[%swap3A_687, %swap3A_688] {strides = array<i32>} : memref<32x768xf32, #tpu.memory_space<vmem>>, vector<1x16xf32>,
      %swap3A_690 = vector.shape_cast %swap3A_689 : vector<1x16xf32> to vector<16xf32>
      %swap3A_691 = vector.shape_cast %get3A_342 : vector<16xf32> to vector<1x16xf32>
      tpu.vector_store %arg19[%swap3A_687, %swap3A_688], %swap3A_691 {add = true, strides = array<i32>} : memref<32x768xf32, #tpu.memory_space<vmem>>, vector<1x16xf32>,
      %swap3A_692 = arith.index_cast %scan3A_586 : i32 to index
      %swap3A_693 = arith.constant 336 : index
      %swap3A_694 = tpu.vector_load %arg19[%swap3A_692, %swap3A_693] {strides = array<i32>} : memref<32x768xf32, #tpu.memory_space<vmem>>, vector<1x16xf32>,
      %swap3A_695 = vector.shape_cast %swap3A_694 : vector<1x16xf32> to vector<16xf32>
      %swap3A_696 = vector.shape_cast %get3A_345 : vector<16xf32> to vector<1x16xf32>
      tpu.vector_store %arg19[%swap3A_692, %swap3A_693], %swap3A_696 {add = true, strides = array<i32>} : memref<32x768xf32, #tpu.memory_space<vmem>>, vector<1x16xf32>,
      %swap3A_697 = arith.index_cast %scan3A_586 : i32 to index
      %swap3A_698 = arith.constant 352 : index
      %swap3A_699 = tpu.vector_load %arg19[%swap3A_697, %swap3A_698] {strides = array<i32>} : memref<32x768xf32, #tpu.memory_space<vmem>>, vector<1x16xf32>,
      %swap3A_700 = vector.shape_cast %swap3A_699 : vector<1x16xf32> to vector<16xf32>
      %swap3A_701 = vector.shape_cast %get3A_348 : vector<16xf32> to vector<1x16xf32>
      tpu.vector_store %arg19[%swap3A_697, %swap3A_698], %swap3A_701 {add = true, strides = array<i32>} : memref<32x768xf32, #tpu.memory_space<vmem>>, vector<1x16xf32>,
      %swap3A_702 = arith.index_cast %scan3A_586 : i32 to index
      %swap3A_703 = arith.constant 368 : index
      %swap3A_704 = tpu.vector_load %arg19[%swap3A_702, %swap3A_703] {strides = array<i32>} : memref<32x768xf32, #tpu.memory_space<vmem>>, vector<1x16xf32>,
      %swap3A_705 = vector.shape_cast %swap3A_704 : vector<1x16xf32> to vector<16xf32>
      %swap3A_706 = vector.shape_cast %get3A_351 : vector<16xf32> to vector<1x16xf32>
      tpu.vector_store %arg19[%swap3A_702, %swap3A_703], %swap3A_706 {add = true, strides = array<i32>} : memref<32x768xf32, #tpu.memory_space<vmem>>, vector<1x16xf32>,
      %swap3A_707 = arith.index_cast %scan3A_586 : i32 to index
      %swap3A_708 = arith.constant 384 : index
      %swap3A_709 = tpu.vector_load %arg19[%swap3A_707, %swap3A_708] {strides = array<i32>} : memref<32x768xf32, #tpu.memory_space<vmem>>, vector<1x16xf32>,
      %swap3A_710 = vector.shape_cast %swap3A_709 : vector<1x16xf32> to vector<16xf32>
      %swap3A_711 = vector.shape_cast %get3A_354 : vector<16xf32> to vector<1x16xf32>
      tpu.vector_store %arg19[%swap3A_707, %swap3A_708], %swap3A_711 {add = true, strides = array<i32>} : memref<32x768xf32, #tpu.memory_space<vmem>>, vector<1x16xf32>,
      %swap3A_712 = arith.index_cast %scan3A_586 : i32 to index
      %swap3A_713 = arith.constant 400 : index
      %swap3A_714 = tpu.vector_load %arg19[%swap3A_712, %swap3A_713] {strides = array<i32>} : memref<32x768xf32, #tpu.memory_space<vmem>>, vector<1x16xf32>,
      %swap3A_715 = vector.shape_cast %swap3A_714 : vector<1x16xf32> to vector<16xf32>
      %swap3A_716 = vector.shape_cast %get3A_357 : vector<16xf32> to vector<1x16xf32>
      tpu.vector_store %arg19[%swap3A_712, %swap3A_713], %swap3A_716 {add = true, strides = array<i32>} : memref<32x768xf32, #tpu.memory_space<vmem>>, vector<1x16xf32>,
      %swap3A_717 = arith.index_cast %scan3A_586 : i32 to index
      %swap3A_718 = arith.constant 416 : index
      %swap3A_719 = tpu.vector_load %arg19[%swap3A_717, %swap3A_718] {strides = array<i32>} : memref<32x768xf32, #tpu.memory_space<vmem>>, vector<1x16xf32>,
      %swap3A_720 = vector.shape_cast %swap3A_719 : vector<1x16xf32> to vector<16xf32>
      %swap3A_721 = vector.shape_cast %get3A_360 : vector<16xf32> to vector<1x16xf32>
      tpu.vector_store %arg19[%swap3A_717, %swap3A_718], %swap3A_721 {add = true, strides = array<i32>} : memref<32x768xf32, #tpu.memory_space<vmem>>, vector<1x16xf32>,
      %swap3A_722 = arith.index_cast %scan3A_586 : i32 to index
      %swap3A_723 = arith.constant 432 : index
      %swap3A_724 = tpu.vector_load %arg19[%swap3A_722, %swap3A_723] {strides = array<i32>} : memref<32x768xf32, #tpu.memory_space<vmem>>, vector<1x16xf32>,
      %swap3A_725 = vector.shape_cast %swap3A_724 : vector<1x16xf32> to vector<16xf32>
      %swap3A_726 = vector.shape_cast %get3A_363 : vector<16xf32> to vector<1x16xf32>
      tpu.vector_store %arg19[%swap3A_722, %swap3A_723], %swap3A_726 {add = true, strides = array<i32>} : memref<32x768xf32, #tpu.memory_space<vmem>>, vector<1x16xf32>,
      %swap3A_727 = arith.index_cast %scan3A_586 : i32 to index
      %swap3A_728 = arith.constant 448 : index
      %swap3A_729 = tpu.vector_load %arg19[%swap3A_727, %swap3A_728] {strides = array<i32>} : memref<32x768xf32, #tpu.memory_space<vmem>>, vector<1x16xf32>,
      %swap3A_730 = vector.shape_cast %swap3A_729 : vector<1x16xf32> to vector<16xf32>
      %swap3A_731 = vector.shape_cast %get3A_366 : vector<16xf32> to vector<1x16xf32>
      tpu.vector_store %arg19[%swap3A_727, %swap3A_728], %swap3A_731 {add = true, strides = array<i32>} : memref<32x768xf32, #tpu.memory_space<vmem>>, vector<1x16xf32>,
      %swap3A_732 = arith.index_cast %scan3A_586 : i32 to index
      %swap3A_733 = arith.constant 464 : index
      %swap3A_734 = tpu.vector_load %arg19[%swap3A_732, %swap3A_733] {strides = array<i32>} : memref<32x768xf32, #tpu.memory_space<vmem>>, vector<1x16xf32>,
      %swap3A_735 = vector.shape_cast %swap3A_734 : vector<1x16xf32> to vector<16xf32>
      %swap3A_736 = vector.shape_cast %get3A_369 : vector<16xf32> to vector<1x16xf32>
      tpu.vector_store %arg19[%swap3A_732, %swap3A_733], %swap3A_736 {add = true, strides = array<i32>} : memref<32x768xf32, #tpu.memory_space<vmem>>, vector<1x16xf32>,
      %swap3A_737 = arith.index_cast %scan3A_586 : i32 to index
      %swap3A_738 = arith.constant 480 : index
      %swap3A_739 = tpu.vector_load %arg19[%swap3A_737, %swap3A_738] {strides = array<i32>} : memref<32x768xf32, #tpu.memory_space<vmem>>, vector<1x16xf32>,
      %swap3A_740 = vector.shape_cast %swap3A_739 : vector<1x16xf32> to vector<16xf32>
      %swap3A_741 = vector.shape_cast %get3A_372 : vector<16xf32> to vector<1x16xf32>
      tpu.vector_store %arg19[%swap3A_737, %swap3A_738], %swap3A_741 {add = true, strides = array<i32>} : memref<32x768xf32, #tpu.memory_space<vmem>>, vector<1x16xf32>,
      %swap3A_742 = arith.index_cast %scan3A_586 : i32 to index
      %swap3A_743 = arith.constant 496 : index
      %swap3A_744 = tpu.vector_load %arg19[%swap3A_742, %swap3A_743] {strides = array<i32>} : memref<32x768xf32, #tpu.memory_space<vmem>>, vector<1x16xf32>,
      %swap3A_745 = vector.shape_cast %swap3A_744 : vector<1x16xf32> to vector<16xf32>
      %swap3A_746 = vector.shape_cast %get3A_375 : vector<16xf32> to vector<1x16xf32>
      tpu.vector_store %arg19[%swap3A_742, %swap3A_743], %swap3A_746 {add = true, strides = array<i32>} : memref<32x768xf32, #tpu.memory_space<vmem>>, vector<1x16xf32>,
      %swap3A_747 = arith.index_cast %scan3A_586 : i32 to index
      %swap3A_748 = arith.constant 512 : index
      %swap3A_749 = tpu.vector_load %arg19[%swap3A_747, %swap3A_748] {strides = array<i32>} : memref<32x768xf32, #tpu.memory_space<vmem>>, vector<1x16xf32>,
      %swap3A_750 = vector.shape_cast %swap3A_749 : vector<1x16xf32> to vector<16xf32>
      %swap3A_751 = vector.shape_cast %get3A_378 : vector<16xf32> to vector<1x16xf32>
      tpu.vector_store %arg19[%swap3A_747, %swap3A_748], %swap3A_751 {add = true, strides = array<i32>} : memref<32x768xf32, #tpu.memory_space<vmem>>, vector<1x16xf32>,
      %swap3A_752 = arith.index_cast %scan3A_586 : i32 to index
      %swap3A_753 = arith.constant 528 : index
      %swap3A_754 = tpu.vector_load %arg19[%swap3A_752, %swap3A_753] {strides = array<i32>} : memref<32x768xf32, #tpu.memory_space<vmem>>, vector<1x16xf32>,
      %swap3A_755 = vector.shape_cast %swap3A_754 : vector<1x16xf32> to vector<16xf32>
      %swap3A_756 = vector.shape_cast %get3A_381 : vector<16xf32> to vector<1x16xf32>
      tpu.vector_store %arg19[%swap3A_752, %swap3A_753], %swap3A_756 {add = true, strides = array<i32>} : memref<32x768xf32, #tpu.memory_space<vmem>>, vector<1x16xf32>,
      %swap3A_757 = arith.index_cast %scan3A_586 : i32 to index
      %swap3A_758 = arith.constant 544 : index
      %swap3A_759 = tpu.vector_load %arg19[%swap3A_757, %swap3A_758] {strides = array<i32>} : memref<32x768xf32, #tpu.memory_space<vmem>>, vector<1x16xf32>,
      %swap3A_760 = vector.shape_cast %swap3A_759 : vector<1x16xf32> to vector<16xf32>
      %swap3A_761 = vector.shape_cast %get3A_384 : vector<16xf32> to vector<1x16xf32>
      tpu.vector_store %arg19[%swap3A_757, %swap3A_758], %swap3A_761 {add = true, strides = array<i32>} : memref<32x768xf32, #tpu.memory_space<vmem>>, vector<1x16xf32>,
      %swap3A_762 = arith.index_cast %scan3A_586 : i32 to index
      %swap3A_763 = arith.constant 560 : index
      %swap3A_764 = tpu.vector_load %arg19[%swap3A_762, %swap3A_763] {strides = array<i32>} : memref<32x768xf32, #tpu.memory_space<vmem>>, vector<1x16xf32>,
      %swap3A_765 = vector.shape_cast %swap3A_764 : vector<1x16xf32> to vector<16xf32>
      %swap3A_766 = vector.shape_cast %get3A_387 : vector<16xf32> to vector<1x16xf32>
      tpu.vector_store %arg19[%swap3A_762, %swap3A_763], %swap3A_766 {add = true, strides = array<i32>} : memref<32x768xf32, #tpu.memory_space<vmem>>, vector<1x16xf32>,
      %swap3A_767 = arith.index_cast %scan3A_586 : i32 to index
      %swap3A_768 = arith.constant 576 : index
      %swap3A_769 = tpu.vector_load %arg19[%swap3A_767, %swap3A_768] {strides = array<i32>} : memref<32x768xf32, #tpu.memory_space<vmem>>, vector<1x16xf32>,
      %swap3A_770 = vector.shape_cast %swap3A_769 : vector<1x16xf32> to vector<16xf32>
      %swap3A_771 = vector.shape_cast %get3A_390 : vector<16xf32> to vector<1x16xf32>
      tpu.vector_store %arg19[%swap3A_767, %swap3A_768], %swap3A_771 {add = true, strides = array<i32>} : memref<32x768xf32, #tpu.memory_space<vmem>>, vector<1x16xf32>,
      %swap3A_772 = arith.index_cast %scan3A_586 : i32 to index
      %swap3A_773 = arith.constant 592 : index
      %swap3A_774 = tpu.vector_load %arg19[%swap3A_772, %swap3A_773] {strides = array<i32>} : memref<32x768xf32, #tpu.memory_space<vmem>>, vector<1x16xf32>,
      %swap3A_775 = vector.shape_cast %swap3A_774 : vector<1x16xf32> to vector<16xf32>
      %swap3A_776 = vector.shape_cast %get3A_393 : vector<16xf32> to vector<1x16xf32>
      tpu.vector_store %arg19[%swap3A_772, %swap3A_773], %swap3A_776 {add = true, strides = array<i32>} : memref<32x768xf32, #tpu.memory_space<vmem>>, vector<1x16xf32>,
      %swap3A_777 = arith.index_cast %scan3A_586 : i32 to index
      %swap3A_778 = arith.constant 608 : index
      %swap3A_779 = tpu.vector_load %arg19[%swap3A_777, %swap3A_778] {strides = array<i32>} : memref<32x768xf32, #tpu.memory_space<vmem>>, vector<1x16xf32>,
      %swap3A_780 = vector.shape_cast %swap3A_779 : vector<1x16xf32> to vector<16xf32>
      %swap3A_781 = vector.shape_cast %get3A_396 : vector<16xf32> to vector<1x16xf32>
      tpu.vector_store %arg19[%swap3A_777, %swap3A_778], %swap3A_781 {add = true, strides = array<i32>} : memref<32x768xf32, #tpu.memory_space<vmem>>, vector<1x16xf32>,
      %swap3A_782 = arith.index_cast %scan3A_586 : i32 to index
      %swap3A_783 = arith.constant 624 : index
      %swap3A_784 = tpu.vector_load %arg19[%swap3A_782, %swap3A_783] {strides = array<i32>} : memref<32x768xf32, #tpu.memory_space<vmem>>, vector<1x16xf32>,
      %swap3A_785 = vector.shape_cast %swap3A_784 : vector<1x16xf32> to vector<16xf32>
      %swap3A_786 = vector.shape_cast %get3A_399 : vector<16xf32> to vector<1x16xf32>
      tpu.vector_store %arg19[%swap3A_782, %swap3A_783], %swap3A_786 {add = true, strides = array<i32>} : memref<32x768xf32, #tpu.memory_space<vmem>>, vector<1x16xf32>,
      %swap3A_787 = arith.index_cast %scan3A_586 : i32 to index
      %swap3A_788 = arith.constant 640 : index
      %swap3A_789 = tpu.vector_load %arg19[%swap3A_787, %swap3A_788] {strides = array<i32>} : memref<32x768xf32, #tpu.memory_space<vmem>>, vector<1x16xf32>,
      %swap3A_790 = vector.shape_cast %swap3A_789 : vector<1x16xf32> to vector<16xf32>
      %swap3A_791 = vector.shape_cast %get3A_402 : vector<16xf32> to vector<1x16xf32>
      tpu.vector_store %arg19[%swap3A_787, %swap3A_788], %swap3A_791 {add = true, strides = array<i32>} : memref<32x768xf32, #tpu.memory_space<vmem>>, vector<1x16xf32>,
      %swap3A_792 = arith.index_cast %scan3A_586 : i32 to index
      %swap3A_793 = arith.constant 656 : index
      %swap3A_794 = tpu.vector_load %arg19[%swap3A_792, %swap3A_793] {strides = array<i32>} : memref<32x768xf32, #tpu.memory_space<vmem>>, vector<1x16xf32>,
      %swap3A_795 = vector.shape_cast %swap3A_794 : vector<1x16xf32> to vector<16xf32>
      %swap3A_796 = vector.shape_cast %get3A_405 : vector<16xf32> to vector<1x16xf32>
      tpu.vector_store %arg19[%swap3A_792, %swap3A_793], %swap3A_796 {add = true, strides = array<i32>} : memref<32x768xf32, #tpu.memory_space<vmem>>, vector<1x16xf32>,
      %swap3A_797 = arith.index_cast %scan3A_586 : i32 to index
      %swap3A_798 = arith.constant 672 : index
      %swap3A_799 = tpu.vector_load %arg19[%swap3A_797, %swap3A_798] {strides = array<i32>} : memref<32x768xf32, #tpu.memory_space<vmem>>, vector<1x16xf32>,
      %swap3A_800 = vector.shape_cast %swap3A_799 : vector<1x16xf32> to vector<16xf32>
      %swap3A_801 = vector.shape_cast %get3A_408 : vector<16xf32> to vector<1x16xf32>
      tpu.vector_store %arg19[%swap3A_797, %swap3A_798], %swap3A_801 {add = true, strides = array<i32>} : memref<32x768xf32, #tpu.memory_space<vmem>>, vector<1x16xf32>,
      %swap3A_802 = arith.index_cast %scan3A_586 : i32 to index
      %swap3A_803 = arith.constant 688 : index
      %swap3A_804 = tpu.vector_load %arg19[%swap3A_802, %swap3A_803] {strides = array<i32>} : memref<32x768xf32, #tpu.memory_space<vmem>>, vector<1x16xf32>,
      %swap3A_805 = vector.shape_cast %swap3A_804 : vector<1x16xf32> to vector<16xf32>
      %swap3A_806 = vector.shape_cast %get3A_411 : vector<16xf32> to vector<1x16xf32>
      tpu.vector_store %arg19[%swap3A_802, %swap3A_803], %swap3A_806 {add = true, strides = array<i32>} : memref<32x768xf32, #tpu.memory_space<vmem>>, vector<1x16xf32>,
      %swap3A_807 = arith.index_cast %scan3A_586 : i32 to index
      %swap3A_808 = arith.constant 704 : index
      %swap3A_809 = tpu.vector_load %arg19[%swap3A_807, %swap3A_808] {strides = array<i32>} : memref<32x768xf32, #tpu.memory_space<vmem>>, vector<1x16xf32>,
      %swap3A_810 = vector.shape_cast %swap3A_809 : vector<1x16xf32> to vector<16xf32>
      %swap3A_811 = vector.shape_cast %get3A_414 : vector<16xf32> to vector<1x16xf32>
      tpu.vector_store %arg19[%swap3A_807, %swap3A_808], %swap3A_811 {add = true, strides = array<i32>} : memref<32x768xf32, #tpu.memory_space<vmem>>, vector<1x16xf32>,
      %swap3A_812 = arith.index_cast %scan3A_586 : i32 to index
      %swap3A_813 = arith.constant 720 : index
      %swap3A_814 = tpu.vector_load %arg19[%swap3A_812, %swap3A_813] {strides = array<i32>} : memref<32x768xf32, #tpu.memory_space<vmem>>, vector<1x16xf32>,
      %swap3A_815 = vector.shape_cast %swap3A_814 : vector<1x16xf32> to vector<16xf32>
      %swap3A_816 = vector.shape_cast %get3A_417 : vector<16xf32> to vector<1x16xf32>
      tpu.vector_store %arg19[%swap3A_812, %swap3A_813], %swap3A_816 {add = true, strides = array<i32>} : memref<32x768xf32, #tpu.memory_space<vmem>>, vector<1x16xf32>,
      %swap3A_817 = arith.index_cast %scan3A_586 : i32 to index
      %swap3A_818 = arith.constant 736 : index
      %swap3A_819 = tpu.vector_load %arg19[%swap3A_817, %swap3A_818] {strides = array<i32>} : memref<32x768xf32, #tpu.memory_space<vmem>>, vector<1x16xf32>,
      %swap3A_820 = vector.shape_cast %swap3A_819 : vector<1x16xf32> to vector<16xf32>
      %swap3A_821 = vector.shape_cast %get3A_420 : vector<16xf32> to vector<1x16xf32>
      tpu.vector_store %arg19[%swap3A_817, %swap3A_818], %swap3A_821 {add = true, strides = array<i32>} : memref<32x768xf32, #tpu.memory_space<vmem>>, vector<1x16xf32>,
      %swap3A_822 = arith.index_cast %scan3A_586 : i32 to index
      %swap3A_823 = arith.constant 752 : index
      %swap3A_824 = tpu.vector_load %arg19[%swap3A_822, %swap3A_823] {strides = array<i32>} : memref<32x768xf32, #tpu.memory_space<vmem>>, vector<1x16xf32>,
      %swap3A_825 = vector.shape_cast %swap3A_824 : vector<1x16xf32> to vector<16xf32>
      %swap3A_826 = vector.shape_cast %get3A_423 : vector<16xf32> to vector<1x16xf32>
      tpu.vector_store %arg19[%swap3A_822, %swap3A_823], %swap3A_826 {add = true, strides = array<i32>} : memref<32x768xf32, #tpu.memory_space<vmem>>, vector<1x16xf32>,
    }
    %scan3A_470 = arith.constant 32 : i32
    %add3A_471 = arith.constant 64 : i32
    %add3A_472 = arith.addi %mul3A_2, %add3A_471 : i32
    %dma_start3A_473 = arith.constant 0 : i32
    %dma_start3A_474 = tpu.memref_slice %arg5[%add3A_472, %dma_start3A_473] : memref<8192x768xf32, #tpu.memory_space<hbm>> -> memref<32x768xf32, #tpu.memory_space<hbm>>
    %dma_start3A_475 = arith.constant 0 : i32
    %dma_start3A_476 = tpu.memref_slice %arg5[%add3A_472, %dma_start3A_475] : memref<8192x768xf32, #tpu.memory_space<hbm>> -> memref<32x768xf32, #tpu.memory_space<hbm>>
    tpu.enqueue_dma source(%arg19 : memref<32x768xf32, #tpu.memory_space<vmem>>) target(%dma_start3A_476 : memref<32x768xf32, #tpu.memory_space<hbm>>) target_semaphore(%arg29 : memref<!tpu.dma_semaphore, #tpu.memory_space<semaphore_mem>>)
    %dma_wait3A_477 = arith.constant 0 : i32
    %dma_wait3A_478 = tpu.memref_slice %arg5[%add3A_450, %dma_wait3A_477] : memref<8192x768xf32, #tpu.memory_space<hbm>> -> memref<32x768xf32, #tpu.memory_space<hbm>>
    %dma_wait3A_479 = arith.constant 0 : i32
    %dma_wait3A_480 = tpu.memref_slice %arg5[%add3A_450, %dma_wait3A_479] : memref<8192x768xf32, #tpu.memory_space<hbm>> -> memref<32x768xf32, #tpu.memory_space<hbm>>
    tpu.wait_dma2 semaphore(%arg28 : memref<!tpu.dma_semaphore, #tpu.memory_space<semaphore_mem>>) src(%arg18 : memref<32x768xf32, #tpu.memory_space<vmem>>) dst(%dma_wait3A_480 : memref<32x768xf32, #tpu.memory_space<hbm>>)
    %dma_start3A_481 = arith.constant 0 : i32
    %dma_start3A_482 = arith.constant 0 : i32
    %dma_start3A_483 = tpu.memref_slice %arg3[%dma_start3A_481, %dma_start3A_482] : memref<100000x768xf32, #tpu.memory_space<hbm>> -> memref<100000x768xf32, #tpu.memory_space<hbm>>
    tpu.enqueue_indirect_dma source(%dma_start3A_483 : memref<100000x768xf32, #tpu.memory_space<hbm>>) target(%arg18 : memref<32x768xf32, #tpu.memory_space<vmem>>) offsets(%arg13 : memref<32xi32, #tpu.memory_space<vmem>>) semaphore(%arg23 : memref<!tpu.dma_semaphore, #tpu.memory_space<semaphore_mem>>)
    %dma_wait3A_484 = arith.constant 0 : i32
    %dma_wait3A_485 = arith.constant 0 : i32
    %dma_wait3A_486 = tpu.memref_slice %arg3[%dma_wait3A_484, %dma_wait3A_485] : memref<100000x768xf32, #tpu.memory_space<hbm>> -> memref<100000x768xf32, #tpu.memory_space<hbm>>
    tpu.wait_indirect_dma semaphore(%arg25 : memref<!tpu.dma_semaphore, #tpu.memory_space<semaphore_mem>>) src(%dma_wait3A_486 : memref<100000x768xf32, #tpu.memory_space<hbm>>) dst(%arg20 : memref<32x768xf32, #tpu.memory_space<vmem>>)
    %scan3A_487 = arith.constant 0 : i32
    %scan3A_488 = arith.constant 0 : i32
    %scan3A_489 = arith.constant 32 : i32
    %scan3A_490 = arith.addi %scan3A_488, %scan3A_489 : i32
    %scan3A_491 = arith.constant 1 : i32
    scf.for %scan3A_586 = %scan3A_488 to %scan3A_490 step %scan3A_491  : i32 {
      %swap3A_587 = arith.index_cast %scan3A_586 : i32 to index
      %swap3A_588 = arith.constant 0 : index
      %swap3A_589 = tpu.vector_load %arg20[%swap3A_587, %swap3A_588] {strides = array<i32>} : memref<32x768xf32, #tpu.memory_space<vmem>>, vector<1x16xf32>,
      %swap3A_590 = vector.shape_cast %swap3A_589 : vector<1x16xf32> to vector<16xf32>
      %swap3A_591 = vector.shape_cast %get3A_282 : vector<16xf32> to vector<1x16xf32>
      tpu.vector_store %arg20[%swap3A_587, %swap3A_588], %swap3A_591 {add = true, strides = array<i32>} : memref<32x768xf32, #tpu.memory_space<vmem>>, vector<1x16xf32>,
      %swap3A_592 = arith.index_cast %scan3A_586 : i32 to index
      %swap3A_593 = arith.constant 16 : index
      %swap3A_594 = tpu.vector_load %arg20[%swap3A_592, %swap3A_593] {strides = array<i32>} : memref<32x768xf32, #tpu.memory_space<vmem>>, vector<1x16xf32>,
      %swap3A_595 = vector.shape_cast %swap3A_594 : vector<1x16xf32> to vector<16xf32>
      %swap3A_596 = vector.shape_cast %get3A_285 : vector<16xf32> to vector<1x16xf32>
      tpu.vector_store %arg20[%swap3A_592, %swap3A_593], %swap3A_596 {add = true, strides = array<i32>} : memref<32x768xf32, #tpu.memory_space<vmem>>, vector<1x16xf32>,
      %swap3A_597 = arith.index_cast %scan3A_586 : i32 to index
      %swap3A_598 = arith.constant 32 : index
      %swap3A_599 = tpu.vector_load %arg20[%swap3A_597, %swap3A_598] {strides = array<i32>} : memref<32x768xf32, #tpu.memory_space<vmem>>, vector<1x16xf32>,
      %swap3A_600 = vector.shape_cast %swap3A_599 : vector<1x16xf32> to vector<16xf32>
      %swap3A_601 = vector.shape_cast %get3A_288 : vector<16xf32> to vector<1x16xf32>
      tpu.vector_store %arg20[%swap3A_597, %swap3A_598], %swap3A_601 {add = true, strides = array<i32>} : memref<32x768xf32, #tpu.memory_space<vmem>>, vector<1x16xf32>,
      %swap3A_602 = arith.index_cast %scan3A_586 : i32 to index
      %swap3A_603 = arith.constant 48 : index
      %swap3A_604 = tpu.vector_load %arg20[%swap3A_602, %swap3A_603] {strides = array<i32>} : memref<32x768xf32, #tpu.memory_space<vmem>>, vector<1x16xf32>,
      %swap3A_605 = vector.shape_cast %swap3A_604 : vector<1x16xf32> to vector<16xf32>
      %swap3A_606 = vector.shape_cast %get3A_291 : vector<16xf32> to vector<1x16xf32>
      tpu.vector_store %arg20[%swap3A_602, %swap3A_603], %swap3A_606 {add = true, strides = array<i32>} : memref<32x768xf32, #tpu.memory_space<vmem>>, vector<1x16xf32>,
      %swap3A_607 = arith.index_cast %scan3A_586 : i32 to index
      %swap3A_608 = arith.constant 64 : index
      %swap3A_609 = tpu.vector_load %arg20[%swap3A_607, %swap3A_608] {strides = array<i32>} : memref<32x768xf32, #tpu.memory_space<vmem>>, vector<1x16xf32>,
      %swap3A_610 = vector.shape_cast %swap3A_609 : vector<1x16xf32> to vector<16xf32>
      %swap3A_611 = vector.shape_cast %get3A_294 : vector<16xf32> to vector<1x16xf32>
      tpu.vector_store %arg20[%swap3A_607, %swap3A_608], %swap3A_611 {add = true, strides = array<i32>} : memref<32x768xf32, #tpu.memory_space<vmem>>, vector<1x16xf32>,
      %swap3A_612 = arith.index_cast %scan3A_586 : i32 to index
      %swap3A_613 = arith.constant 80 : index
      %swap3A_614 = tpu.vector_load %arg20[%swap3A_612, %swap3A_613] {strides = array<i32>} : memref<32x768xf32, #tpu.memory_space<vmem>>, vector<1x16xf32>,
      %swap3A_615 = vector.shape_cast %swap3A_614 : vector<1x16xf32> to vector<16xf32>
      %swap3A_616 = vector.shape_cast %get3A_297 : vector<16xf32> to vector<1x16xf32>
      tpu.vector_store %arg20[%swap3A_612, %swap3A_613], %swap3A_616 {add = true, strides = array<i32>} : memref<32x768xf32, #tpu.memory_space<vmem>>, vector<1x16xf32>,
      %swap3A_617 = arith.index_cast %scan3A_586 : i32 to index
      %swap3A_618 = arith.constant 96 : index
      %swap3A_619 = tpu.vector_load %arg20[%swap3A_617, %swap3A_618] {strides = array<i32>} : memref<32x768xf32, #tpu.memory_space<vmem>>, vector<1x16xf32>,
      %swap3A_620 = vector.shape_cast %swap3A_619 : vector<1x16xf32> to vector<16xf32>
      %swap3A_621 = vector.shape_cast %get3A_300 : vector<16xf32> to vector<1x16xf32>
      tpu.vector_store %arg20[%swap3A_617, %swap3A_618], %swap3A_621 {add = true, strides = array<i32>} : memref<32x768xf32, #tpu.memory_space<vmem>>, vector<1x16xf32>,
      %swap3A_622 = arith.index_cast %scan3A_586 : i32 to index
      %swap3A_623 = arith.constant 112 : index
      %swap3A_624 = tpu.vector_load %arg20[%swap3A_622, %swap3A_623] {strides = array<i32>} : memref<32x768xf32, #tpu.memory_space<vmem>>, vector<1x16xf32>,
      %swap3A_625 = vector.shape_cast %swap3A_624 : vector<1x16xf32> to vector<16xf32>
      %swap3A_626 = vector.shape_cast %get3A_303 : vector<16xf32> to vector<1x16xf32>
      tpu.vector_store %arg20[%swap3A_622, %swap3A_623], %swap3A_626 {add = true, strides = array<i32>} : memref<32x768xf32, #tpu.memory_space<vmem>>, vector<1x16xf32>,
      %swap3A_627 = arith.index_cast %scan3A_586 : i32 to index
      %swap3A_628 = arith.constant 128 : index
      %swap3A_629 = tpu.vector_load %arg20[%swap3A_627, %swap3A_628] {strides = array<i32>} : memref<32x768xf32, #tpu.memory_space<vmem>>, vector<1x16xf32>,
      %swap3A_630 = vector.shape_cast %swap3A_629 : vector<1x16xf32> to vector<16xf32>
      %swap3A_631 = vector.shape_cast %get3A_306 : vector<16xf32> to vector<1x16xf32>
      tpu.vector_store %arg20[%swap3A_627, %swap3A_628], %swap3A_631 {add = true, strides = array<i32>} : memref<32x768xf32, #tpu.memory_space<vmem>>, vector<1x16xf32>,
      %swap3A_632 = arith.index_cast %scan3A_586 : i32 to index
      %swap3A_633 = arith.constant 144 : index
      %swap3A_634 = tpu.vector_load %arg20[%swap3A_632, %swap3A_633] {strides = array<i32>} : memref<32x768xf32, #tpu.memory_space<vmem>>, vector<1x16xf32>,
      %swap3A_635 = vector.shape_cast %swap3A_634 : vector<1x16xf32> to vector<16xf32>
      %swap3A_636 = vector.shape_cast %get3A_309 : vector<16xf32> to vector<1x16xf32>
      tpu.vector_store %arg20[%swap3A_632, %swap3A_633], %swap3A_636 {add = true, strides = array<i32>} : memref<32x768xf32, #tpu.memory_space<vmem>>, vector<1x16xf32>,
      %swap3A_637 = arith.index_cast %scan3A_586 : i32 to index
      %swap3A_638 = arith.constant 160 : index
      %swap3A_639 = tpu.vector_load %arg20[%swap3A_637, %swap3A_638] {strides = array<i32>} : memref<32x768xf32, #tpu.memory_space<vmem>>, vector<1x16xf32>,
      %swap3A_640 = vector.shape_cast %swap3A_639 : vector<1x16xf32> to vector<16xf32>
      %swap3A_641 = vector.shape_cast %get3A_312 : vector<16xf32> to vector<1x16xf32>
      tpu.vector_store %arg20[%swap3A_637, %swap3A_638], %swap3A_641 {add = true, strides = array<i32>} : memref<32x768xf32, #tpu.memory_space<vmem>>, vector<1x16xf32>,
      %swap3A_642 = arith.index_cast %scan3A_586 : i32 to index
      %swap3A_643 = arith.constant 176 : index
      %swap3A_644 = tpu.vector_load %arg20[%swap3A_642, %swap3A_643] {strides = array<i32>} : memref<32x768xf32, #tpu.memory_space<vmem>>, vector<1x16xf32>,
      %swap3A_645 = vector.shape_cast %swap3A_644 : vector<1x16xf32> to vector<16xf32>
      %swap3A_646 = vector.shape_cast %get3A_315 : vector<16xf32> to vector<1x16xf32>
      tpu.vector_store %arg20[%swap3A_642, %swap3A_643], %swap3A_646 {add = true, strides = array<i32>} : memref<32x768xf32, #tpu.memory_space<vmem>>, vector<1x16xf32>,
      %swap3A_647 = arith.index_cast %scan3A_586 : i32 to index
      %swap3A_648 = arith.constant 192 : index
      %swap3A_649 = tpu.vector_load %arg20[%swap3A_647, %swap3A_648] {strides = array<i32>} : memref<32x768xf32, #tpu.memory_space<vmem>>, vector<1x16xf32>,
      %swap3A_650 = vector.shape_cast %swap3A_649 : vector<1x16xf32> to vector<16xf32>
      %swap3A_651 = vector.shape_cast %get3A_318 : vector<16xf32> to vector<1x16xf32>
      tpu.vector_store %arg20[%swap3A_647, %swap3A_648], %swap3A_651 {add = true, strides = array<i32>} : memref<32x768xf32, #tpu.memory_space<vmem>>, vector<1x16xf32>,
      %swap3A_652 = arith.index_cast %scan3A_586 : i32 to index
      %swap3A_653 = arith.constant 208 : index
      %swap3A_654 = tpu.vector_load %arg20[%swap3A_652, %swap3A_653] {strides = array<i32>} : memref<32x768xf32, #tpu.memory_space<vmem>>, vector<1x16xf32>,
      %swap3A_655 = vector.shape_cast %swap3A_654 : vector<1x16xf32> to vector<16xf32>
      %swap3A_656 = vector.shape_cast %get3A_321 : vector<16xf32> to vector<1x16xf32>
      tpu.vector_store %arg20[%swap3A_652, %swap3A_653], %swap3A_656 {add = true, strides = array<i32>} : memref<32x768xf32, #tpu.memory_space<vmem>>, vector<1x16xf32>,
      %swap3A_657 = arith.index_cast %scan3A_586 : i32 to index
      %swap3A_658 = arith.constant 224 : index
      %swap3A_659 = tpu.vector_load %arg20[%swap3A_657, %swap3A_658] {strides = array<i32>} : memref<32x768xf32, #tpu.memory_space<vmem>>, vector<1x16xf32>,
      %swap3A_660 = vector.shape_cast %swap3A_659 : vector<1x16xf32> to vector<16xf32>
      %swap3A_661 = vector.shape_cast %get3A_324 : vector<16xf32> to vector<1x16xf32>
      tpu.vector_store %arg20[%swap3A_657, %swap3A_658], %swap3A_661 {add = true, strides = array<i32>} : memref<32x768xf32, #tpu.memory_space<vmem>>, vector<1x16xf32>,
      %swap3A_662 = arith.index_cast %scan3A_586 : i32 to index
      %swap3A_663 = arith.constant 240 : index
      %swap3A_664 = tpu.vector_load %arg20[%swap3A_662, %swap3A_663] {strides = array<i32>} : memref<32x768xf32, #tpu.memory_space<vmem>>, vector<1x16xf32>,
      %swap3A_665 = vector.shape_cast %swap3A_664 : vector<1x16xf32> to vector<16xf32>
      %swap3A_666 = vector.shape_cast %get3A_327 : vector<16xf32> to vector<1x16xf32>
      tpu.vector_store %arg20[%swap3A_662, %swap3A_663], %swap3A_666 {add = true, strides = array<i32>} : memref<32x768xf32, #tpu.memory_space<vmem>>, vector<1x16xf32>,
      %swap3A_667 = arith.index_cast %scan3A_586 : i32 to index
      %swap3A_668 = arith.constant 256 : index
      %swap3A_669 = tpu.vector_load %arg20[%swap3A_667, %swap3A_668] {strides = array<i32>} : memref<32x768xf32, #tpu.memory_space<vmem>>, vector<1x16xf32>,
      %swap3A_670 = vector.shape_cast %swap3A_669 : vector<1x16xf32> to vector<16xf32>
      %swap3A_671 = vector.shape_cast %get3A_330 : vector<16xf32> to vector<1x16xf32>
      tpu.vector_store %arg20[%swap3A_667, %swap3A_668], %swap3A_671 {add = true, strides = array<i32>} : memref<32x768xf32, #tpu.memory_space<vmem>>, vector<1x16xf32>,
      %swap3A_672 = arith.index_cast %scan3A_586 : i32 to index
      %swap3A_673 = arith.constant 272 : index
      %swap3A_674 = tpu.vector_load %arg20[%swap3A_672, %swap3A_673] {strides = array<i32>} : memref<32x768xf32, #tpu.memory_space<vmem>>, vector<1x16xf32>,
      %swap3A_675 = vector.shape_cast %swap3A_674 : vector<1x16xf32> to vector<16xf32>
      %swap3A_676 = vector.shape_cast %get3A_333 : vector<16xf32> to vector<1x16xf32>
      tpu.vector_store %arg20[%swap3A_672, %swap3A_673], %swap3A_676 {add = true, strides = array<i32>} : memref<32x768xf32, #tpu.memory_space<vmem>>, vector<1x16xf32>,
      %swap3A_677 = arith.index_cast %scan3A_586 : i32 to index
      %swap3A_678 = arith.constant 288 : index
      %swap3A_679 = tpu.vector_load %arg20[%swap3A_677, %swap3A_678] {strides = array<i32>} : memref<32x768xf32, #tpu.memory_space<vmem>>, vector<1x16xf32>,
      %swap3A_680 = vector.shape_cast %swap3A_679 : vector<1x16xf32> to vector<16xf32>
      %swap3A_681 = vector.shape_cast %get3A_336 : vector<16xf32> to vector<1x16xf32>
      tpu.vector_store %arg20[%swap3A_677, %swap3A_678], %swap3A_681 {add = true, strides = array<i32>} : memref<32x768xf32, #tpu.memory_space<vmem>>, vector<1x16xf32>,
      %swap3A_682 = arith.index_cast %scan3A_586 : i32 to index
      %swap3A_683 = arith.constant 304 : index
      %swap3A_684 = tpu.vector_load %arg20[%swap3A_682, %swap3A_683] {strides = array<i32>} : memref<32x768xf32, #tpu.memory_space<vmem>>, vector<1x16xf32>,
      %swap3A_685 = vector.shape_cast %swap3A_684 : vector<1x16xf32> to vector<16xf32>
      %swap3A_686 = vector.shape_cast %get3A_339 : vector<16xf32> to vector<1x16xf32>
      tpu.vector_store %arg20[%swap3A_682, %swap3A_683], %swap3A_686 {add = true, strides = array<i32>} : memref<32x768xf32, #tpu.memory_space<vmem>>, vector<1x16xf32>,
      %swap3A_687 = arith.index_cast %scan3A_586 : i32 to index
      %swap3A_688 = arith.constant 320 : index
      %swap3A_689 = tpu.vector_load %arg20[%swap3A_687, %swap3A_688] {strides = array<i32>} : memref<32x768xf32, #tpu.memory_space<vmem>>, vector<1x16xf32>,
      %swap3A_690 = vector.shape_cast %swap3A_689 : vector<1x16xf32> to vector<16xf32>
      %swap3A_691 = vector.shape_cast %get3A_342 : vector<16xf32> to vector<1x16xf32>
      tpu.vector_store %arg20[%swap3A_687, %swap3A_688], %swap3A_691 {add = true, strides = array<i32>} : memref<32x768xf32, #tpu.memory_space<vmem>>, vector<1x16xf32>,
      %swap3A_692 = arith.index_cast %scan3A_586 : i32 to index
      %swap3A_693 = arith.constant 336 : index
      %swap3A_694 = tpu.vector_load %arg20[%swap3A_692, %swap3A_693] {strides = array<i32>} : memref<32x768xf32, #tpu.memory_space<vmem>>, vector<1x16xf32>,
      %swap3A_695 = vector.shape_cast %swap3A_694 : vector<1x16xf32> to vector<16xf32>
      %swap3A_696 = vector.shape_cast %get3A_345 : vector<16xf32> to vector<1x16xf32>
      tpu.vector_store %arg20[%swap3A_692, %swap3A_693], %swap3A_696 {add = true, strides = array<i32>} : memref<32x768xf32, #tpu.memory_space<vmem>>, vector<1x16xf32>,
      %swap3A_697 = arith.index_cast %scan3A_586 : i32 to index
      %swap3A_698 = arith.constant 352 : index
      %swap3A_699 = tpu.vector_load %arg20[%swap3A_697, %swap3A_698] {strides = array<i32>} : memref<32x768xf32, #tpu.memory_space<vmem>>, vector<1x16xf32>,
      %swap3A_700 = vector.shape_cast %swap3A_699 : vector<1x16xf32> to vector<16xf32>
      %swap3A_701 = vector.shape_cast %get3A_348 : vector<16xf32> to vector<1x16xf32>
      tpu.vector_store %arg20[%swap3A_697, %swap3A_698], %swap3A_701 {add = true, strides = array<i32>} : memref<32x768xf32, #tpu.memory_space<vmem>>, vector<1x16xf32>,
      %swap3A_702 = arith.index_cast %scan3A_586 : i32 to index
      %swap3A_703 = arith.constant 368 : index
      %swap3A_704 = tpu.vector_load %arg20[%swap3A_702, %swap3A_703] {strides = array<i32>} : memref<32x768xf32, #tpu.memory_space<vmem>>, vector<1x16xf32>,
      %swap3A_705 = vector.shape_cast %swap3A_704 : vector<1x16xf32> to vector<16xf32>
      %swap3A_706 = vector.shape_cast %get3A_351 : vector<16xf32> to vector<1x16xf32>
      tpu.vector_store %arg20[%swap3A_702, %swap3A_703], %swap3A_706 {add = true, strides = array<i32>} : memref<32x768xf32, #tpu.memory_space<vmem>>, vector<1x16xf32>,
      %swap3A_707 = arith.index_cast %scan3A_586 : i32 to index
      %swap3A_708 = arith.constant 384 : index
      %swap3A_709 = tpu.vector_load %arg20[%swap3A_707, %swap3A_708] {strides = array<i32>} : memref<32x768xf32, #tpu.memory_space<vmem>>, vector<1x16xf32>,
      %swap3A_710 = vector.shape_cast %swap3A_709 : vector<1x16xf32> to vector<16xf32>
      %swap3A_711 = vector.shape_cast %get3A_354 : vector<16xf32> to vector<1x16xf32>
      tpu.vector_store %arg20[%swap3A_707, %swap3A_708], %swap3A_711 {add = true, strides = array<i32>} : memref<32x768xf32, #tpu.memory_space<vmem>>, vector<1x16xf32>,
      %swap3A_712 = arith.index_cast %scan3A_586 : i32 to index
      %swap3A_713 = arith.constant 400 : index
      %swap3A_714 = tpu.vector_load %arg20[%swap3A_712, %swap3A_713] {strides = array<i32>} : memref<32x768xf32, #tpu.memory_space<vmem>>, vector<1x16xf32>,
      %swap3A_715 = vector.shape_cast %swap3A_714 : vector<1x16xf32> to vector<16xf32>
      %swap3A_716 = vector.shape_cast %get3A_357 : vector<16xf32> to vector<1x16xf32>
      tpu.vector_store %arg20[%swap3A_712, %swap3A_713], %swap3A_716 {add = true, strides = array<i32>} : memref<32x768xf32, #tpu.memory_space<vmem>>, vector<1x16xf32>,
      %swap3A_717 = arith.index_cast %scan3A_586 : i32 to index
      %swap3A_718 = arith.constant 416 : index
      %swap3A_719 = tpu.vector_load %arg20[%swap3A_717, %swap3A_718] {strides = array<i32>} : memref<32x768xf32, #tpu.memory_space<vmem>>, vector<1x16xf32>,
      %swap3A_720 = vector.shape_cast %swap3A_719 : vector<1x16xf32> to vector<16xf32>
      %swap3A_721 = vector.shape_cast %get3A_360 : vector<16xf32> to vector<1x16xf32>
      tpu.vector_store %arg20[%swap3A_717, %swap3A_718], %swap3A_721 {add = true, strides = array<i32>} : memref<32x768xf32, #tpu.memory_space<vmem>>, vector<1x16xf32>,
      %swap3A_722 = arith.index_cast %scan3A_586 : i32 to index
      %swap3A_723 = arith.constant 432 : index
      %swap3A_724 = tpu.vector_load %arg20[%swap3A_722, %swap3A_723] {strides = array<i32>} : memref<32x768xf32, #tpu.memory_space<vmem>>, vector<1x16xf32>,
      %swap3A_725 = vector.shape_cast %swap3A_724 : vector<1x16xf32> to vector<16xf32>
      %swap3A_726 = vector.shape_cast %get3A_363 : vector<16xf32> to vector<1x16xf32>
      tpu.vector_store %arg20[%swap3A_722, %swap3A_723], %swap3A_726 {add = true, strides = array<i32>} : memref<32x768xf32, #tpu.memory_space<vmem>>, vector<1x16xf32>,
      %swap3A_727 = arith.index_cast %scan3A_586 : i32 to index
      %swap3A_728 = arith.constant 448 : index
      %swap3A_729 = tpu.vector_load %arg20[%swap3A_727, %swap3A_728] {strides = array<i32>} : memref<32x768xf32, #tpu.memory_space<vmem>>, vector<1x16xf32>,
      %swap3A_730 = vector.shape_cast %swap3A_729 : vector<1x16xf32> to vector<16xf32>
      %swap3A_731 = vector.shape_cast %get3A_366 : vector<16xf32> to vector<1x16xf32>
      tpu.vector_store %arg20[%swap3A_727, %swap3A_728], %swap3A_731 {add = true, strides = array<i32>} : memref<32x768xf32, #tpu.memory_space<vmem>>, vector<1x16xf32>,
      %swap3A_732 = arith.index_cast %scan3A_586 : i32 to index
      %swap3A_733 = arith.constant 464 : index
      %swap3A_734 = tpu.vector_load %arg20[%swap3A_732, %swap3A_733] {strides = array<i32>} : memref<32x768xf32, #tpu.memory_space<vmem>>, vector<1x16xf32>,
      %swap3A_735 = vector.shape_cast %swap3A_734 : vector<1x16xf32> to vector<16xf32>
      %swap3A_736 = vector.shape_cast %get3A_369 : vector<16xf32> to vector<1x16xf32>
      tpu.vector_store %arg20[%swap3A_732, %swap3A_733], %swap3A_736 {add = true, strides = array<i32>} : memref<32x768xf32, #tpu.memory_space<vmem>>, vector<1x16xf32>,
      %swap3A_737 = arith.index_cast %scan3A_586 : i32 to index
      %swap3A_738 = arith.constant 480 : index
      %swap3A_739 = tpu.vector_load %arg20[%swap3A_737, %swap3A_738] {strides = array<i32>} : memref<32x768xf32, #tpu.memory_space<vmem>>, vector<1x16xf32>,
      %swap3A_740 = vector.shape_cast %swap3A_739 : vector<1x16xf32> to vector<16xf32>
      %swap3A_741 = vector.shape_cast %get3A_372 : vector<16xf32> to vector<1x16xf32>
      tpu.vector_store %arg20[%swap3A_737, %swap3A_738], %swap3A_741 {add = true, strides = array<i32>} : memref<32x768xf32, #tpu.memory_space<vmem>>, vector<1x16xf32>,
      %swap3A_742 = arith.index_cast %scan3A_586 : i32 to index
      %swap3A_743 = arith.constant 496 : index
      %swap3A_744 = tpu.vector_load %arg20[%swap3A_742, %swap3A_743] {strides = array<i32>} : memref<32x768xf32, #tpu.memory_space<vmem>>, vector<1x16xf32>,
      %swap3A_745 = vector.shape_cast %swap3A_744 : vector<1x16xf32> to vector<16xf32>
      %swap3A_746 = vector.shape_cast %get3A_375 : vector<16xf32> to vector<1x16xf32>
      tpu.vector_store %arg20[%swap3A_742, %swap3A_743], %swap3A_746 {add = true, strides = array<i32>} : memref<32x768xf32, #tpu.memory_space<vmem>>, vector<1x16xf32>,
      %swap3A_747 = arith.index_cast %scan3A_586 : i32 to index
      %swap3A_748 = arith.constant 512 : index
      %swap3A_749 = tpu.vector_load %arg20[%swap3A_747, %swap3A_748] {strides = array<i32>} : memref<32x768xf32, #tpu.memory_space<vmem>>, vector<1x16xf32>,
      %swap3A_750 = vector.shape_cast %swap3A_749 : vector<1x16xf32> to vector<16xf32>
      %swap3A_751 = vector.shape_cast %get3A_378 : vector<16xf32> to vector<1x16xf32>
      tpu.vector_store %arg20[%swap3A_747, %swap3A_748], %swap3A_751 {add = true, strides = array<i32>} : memref<32x768xf32, #tpu.memory_space<vmem>>, vector<1x16xf32>,
      %swap3A_752 = arith.index_cast %scan3A_586 : i32 to index
      %swap3A_753 = arith.constant 528 : index
      %swap3A_754 = tpu.vector_load %arg20[%swap3A_752, %swap3A_753] {strides = array<i32>} : memref<32x768xf32, #tpu.memory_space<vmem>>, vector<1x16xf32>,
      %swap3A_755 = vector.shape_cast %swap3A_754 : vector<1x16xf32> to vector<16xf32>
      %swap3A_756 = vector.shape_cast %get3A_381 : vector<16xf32> to vector<1x16xf32>
      tpu.vector_store %arg20[%swap3A_752, %swap3A_753], %swap3A_756 {add = true, strides = array<i32>} : memref<32x768xf32, #tpu.memory_space<vmem>>, vector<1x16xf32>,
      %swap3A_757 = arith.index_cast %scan3A_586 : i32 to index
      %swap3A_758 = arith.constant 544 : index
      %swap3A_759 = tpu.vector_load %arg20[%swap3A_757, %swap3A_758] {strides = array<i32>} : memref<32x768xf32, #tpu.memory_space<vmem>>, vector<1x16xf32>,
      %swap3A_760 = vector.shape_cast %swap3A_759 : vector<1x16xf32> to vector<16xf32>
      %swap3A_761 = vector.shape_cast %get3A_384 : vector<16xf32> to vector<1x16xf32>
      tpu.vector_store %arg20[%swap3A_757, %swap3A_758], %swap3A_761 {add = true, strides = array<i32>} : memref<32x768xf32, #tpu.memory_space<vmem>>, vector<1x16xf32>,
      %swap3A_762 = arith.index_cast %scan3A_586 : i32 to index
      %swap3A_763 = arith.constant 560 : index
      %swap3A_764 = tpu.vector_load %arg20[%swap3A_762, %swap3A_763] {strides = array<i32>} : memref<32x768xf32, #tpu.memory_space<vmem>>, vector<1x16xf32>,
      %swap3A_765 = vector.shape_cast %swap3A_764 : vector<1x16xf32> to vector<16xf32>
      %swap3A_766 = vector.shape_cast %get3A_387 : vector<16xf32> to vector<1x16xf32>
      tpu.vector_store %arg20[%swap3A_762, %swap3A_763], %swap3A_766 {add = true, strides = array<i32>} : memref<32x768xf32, #tpu.memory_space<vmem>>, vector<1x16xf32>,
      %swap3A_767 = arith.index_cast %scan3A_586 : i32 to index
      %swap3A_768 = arith.constant 576 : index
      %swap3A_769 = tpu.vector_load %arg20[%swap3A_767, %swap3A_768] {strides = array<i32>} : memref<32x768xf32, #tpu.memory_space<vmem>>, vector<1x16xf32>,
      %swap3A_770 = vector.shape_cast %swap3A_769 : vector<1x16xf32> to vector<16xf32>
      %swap3A_771 = vector.shape_cast %get3A_390 : vector<16xf32> to vector<1x16xf32>
      tpu.vector_store %arg20[%swap3A_767, %swap3A_768], %swap3A_771 {add = true, strides = array<i32>} : memref<32x768xf32, #tpu.memory_space<vmem>>, vector<1x16xf32>,
      %swap3A_772 = arith.index_cast %scan3A_586 : i32 to index
      %swap3A_773 = arith.constant 592 : index
      %swap3A_774 = tpu.vector_load %arg20[%swap3A_772, %swap3A_773] {strides = array<i32>} : memref<32x768xf32, #tpu.memory_space<vmem>>, vector<1x16xf32>,
      %swap3A_775 = vector.shape_cast %swap3A_774 : vector<1x16xf32> to vector<16xf32>
      %swap3A_776 = vector.shape_cast %get3A_393 : vector<16xf32> to vector<1x16xf32>
      tpu.vector_store %arg20[%swap3A_772, %swap3A_773], %swap3A_776 {add = true, strides = array<i32>} : memref<32x768xf32, #tpu.memory_space<vmem>>, vector<1x16xf32>,
      %swap3A_777 = arith.index_cast %scan3A_586 : i32 to index
      %swap3A_778 = arith.constant 608 : index
      %swap3A_779 = tpu.vector_load %arg20[%swap3A_777, %swap3A_778] {strides = array<i32>} : memref<32x768xf32, #tpu.memory_space<vmem>>, vector<1x16xf32>,
      %swap3A_780 = vector.shape_cast %swap3A_779 : vector<1x16xf32> to vector<16xf32>
      %swap3A_781 = vector.shape_cast %get3A_396 : vector<16xf32> to vector<1x16xf32>
      tpu.vector_store %arg20[%swap3A_777, %swap3A_778], %swap3A_781 {add = true, strides = array<i32>} : memref<32x768xf32, #tpu.memory_space<vmem>>, vector<1x16xf32>,
      %swap3A_782 = arith.index_cast %scan3A_586 : i32 to index
      %swap3A_783 = arith.constant 624 : index
      %swap3A_784 = tpu.vector_load %arg20[%swap3A_782, %swap3A_783] {strides = array<i32>} : memref<32x768xf32, #tpu.memory_space<vmem>>, vector<1x16xf32>,
      %swap3A_785 = vector.shape_cast %swap3A_784 : vector<1x16xf32> to vector<16xf32>
      %swap3A_786 = vector.shape_cast %get3A_399 : vector<16xf32> to vector<1x16xf32>
      tpu.vector_store %arg20[%swap3A_782, %swap3A_783], %swap3A_786 {add = true, strides = array<i32>} : memref<32x768xf32, #tpu.memory_space<vmem>>, vector<1x16xf32>,
      %swap3A_787 = arith.index_cast %scan3A_586 : i32 to index
      %swap3A_788 = arith.constant 640 : index
      %swap3A_789 = tpu.vector_load %arg20[%swap3A_787, %swap3A_788] {strides = array<i32>} : memref<32x768xf32, #tpu.memory_space<vmem>>, vector<1x16xf32>,
      %swap3A_790 = vector.shape_cast %swap3A_789 : vector<1x16xf32> to vector<16xf32>
      %swap3A_791 = vector.shape_cast %get3A_402 : vector<16xf32> to vector<1x16xf32>
      tpu.vector_store %arg20[%swap3A_787, %swap3A_788], %swap3A_791 {add = true, strides = array<i32>} : memref<32x768xf32, #tpu.memory_space<vmem>>, vector<1x16xf32>,
      %swap3A_792 = arith.index_cast %scan3A_586 : i32 to index
      %swap3A_793 = arith.constant 656 : index
      %swap3A_794 = tpu.vector_load %arg20[%swap3A_792, %swap3A_793] {strides = array<i32>} : memref<32x768xf32, #tpu.memory_space<vmem>>, vector<1x16xf32>,
      %swap3A_795 = vector.shape_cast %swap3A_794 : vector<1x16xf32> to vector<16xf32>
      %swap3A_796 = vector.shape_cast %get3A_405 : vector<16xf32> to vector<1x16xf32>
      tpu.vector_store %arg20[%swap3A_792, %swap3A_793], %swap3A_796 {add = true, strides = array<i32>} : memref<32x768xf32, #tpu.memory_space<vmem>>, vector<1x16xf32>,
      %swap3A_797 = arith.index_cast %scan3A_586 : i32 to index
      %swap3A_798 = arith.constant 672 : index
      %swap3A_799 = tpu.vector_load %arg20[%swap3A_797, %swap3A_798] {strides = array<i32>} : memref<32x768xf32, #tpu.memory_space<vmem>>, vector<1x16xf32>,
      %swap3A_800 = vector.shape_cast %swap3A_799 : vector<1x16xf32> to vector<16xf32>
      %swap3A_801 = vector.shape_cast %get3A_408 : vector<16xf32> to vector<1x16xf32>
      tpu.vector_store %arg20[%swap3A_797, %swap3A_798], %swap3A_801 {add = true, strides = array<i32>} : memref<32x768xf32, #tpu.memory_space<vmem>>, vector<1x16xf32>,
      %swap3A_802 = arith.index_cast %scan3A_586 : i32 to index
      %swap3A_803 = arith.constant 688 : index
      %swap3A_804 = tpu.vector_load %arg20[%swap3A_802, %swap3A_803] {strides = array<i32>} : memref<32x768xf32, #tpu.memory_space<vmem>>, vector<1x16xf32>,
      %swap3A_805 = vector.shape_cast %swap3A_804 : vector<1x16xf32> to vector<16xf32>
      %swap3A_806 = vector.shape_cast %get3A_411 : vector<16xf32> to vector<1x16xf32>
      tpu.vector_store %arg20[%swap3A_802, %swap3A_803], %swap3A_806 {add = true, strides = array<i32>} : memref<32x768xf32, #tpu.memory_space<vmem>>, vector<1x16xf32>,
      %swap3A_807 = arith.index_cast %scan3A_586 : i32 to index
      %swap3A_808 = arith.constant 704 : index
      %swap3A_809 = tpu.vector_load %arg20[%swap3A_807, %swap3A_808] {strides = array<i32>} : memref<32x768xf32, #tpu.memory_space<vmem>>, vector<1x16xf32>,
      %swap3A_810 = vector.shape_cast %swap3A_809 : vector<1x16xf32> to vector<16xf32>
      %swap3A_811 = vector.shape_cast %get3A_414 : vector<16xf32> to vector<1x16xf32>
      tpu.vector_store %arg20[%swap3A_807, %swap3A_808], %swap3A_811 {add = true, strides = array<i32>} : memref<32x768xf32, #tpu.memory_space<vmem>>, vector<1x16xf32>,
      %swap3A_812 = arith.index_cast %scan3A_586 : i32 to index
      %swap3A_813 = arith.constant 720 : index
      %swap3A_814 = tpu.vector_load %arg20[%swap3A_812, %swap3A_813] {strides = array<i32>} : memref<32x768xf32, #tpu.memory_space<vmem>>, vector<1x16xf32>,
      %swap3A_815 = vector.shape_cast %swap3A_814 : vector<1x16xf32> to vector<16xf32>
      %swap3A_816 = vector.shape_cast %get3A_417 : vector<16xf32> to vector<1x16xf32>
      tpu.vector_store %arg20[%swap3A_812, %swap3A_813], %swap3A_816 {add = true, strides = array<i32>} : memref<32x768xf32, #tpu.memory_space<vmem>>, vector<1x16xf32>,
      %swap3A_817 = arith.index_cast %scan3A_586 : i32 to index
      %swap3A_818 = arith.constant 736 : index
      %swap3A_819 = tpu.vector_load %arg20[%swap3A_817, %swap3A_818] {strides = array<i32>} : memref<32x768xf32, #tpu.memory_space<vmem>>, vector<1x16xf32>,
      %swap3A_820 = vector.shape_cast %swap3A_819 : vector<1x16xf32> to vector<16xf32>
      %swap3A_821 = vector.shape_cast %get3A_420 : vector<16xf32> to vector<1x16xf32>
      tpu.vector_store %arg20[%swap3A_817, %swap3A_818], %swap3A_821 {add = true, strides = array<i32>} : memref<32x768xf32, #tpu.memory_space<vmem>>, vector<1x16xf32>,
      %swap3A_822 = arith.index_cast %scan3A_586 : i32 to index
      %swap3A_823 = arith.constant 752 : index
      %swap3A_824 = tpu.vector_load %arg20[%swap3A_822, %swap3A_823] {strides = array<i32>} : memref<32x768xf32, #tpu.memory_space<vmem>>, vector<1x16xf32>,
      %swap3A_825 = vector.shape_cast %swap3A_824 : vector<1x16xf32> to vector<16xf32>
      %swap3A_826 = vector.shape_cast %get3A_423 : vector<16xf32> to vector<1x16xf32>
      tpu.vector_store %arg20[%swap3A_822, %swap3A_823], %swap3A_826 {add = true, strides = array<i32>} : memref<32x768xf32, #tpu.memory_space<vmem>>, vector<1x16xf32>,
    }
    %scan3A_492 = arith.constant 32 : i32
    %add3A_493 = arith.constant 96 : i32
    %add3A_494 = arith.addi %mul3A_2, %add3A_493 : i32
    %dma_start3A_495 = arith.constant 0 : i32
    %dma_start3A_496 = tpu.memref_slice %arg5[%add3A_494, %dma_start3A_495] : memref<8192x768xf32, #tpu.memory_space<hbm>> -> memref<32x768xf32, #tpu.memory_space<hbm>>
    %dma_start3A_497 = arith.constant 0 : i32
    %dma_start3A_498 = tpu.memref_slice %arg5[%add3A_494, %dma_start3A_497] : memref<8192x768xf32, #tpu.memory_space<hbm>> -> memref<32x768xf32, #tpu.memory_space<hbm>>
    tpu.enqueue_dma source(%arg20 : memref<32x768xf32, #tpu.memory_space<vmem>>) target(%dma_start3A_498 : memref<32x768xf32, #tpu.memory_space<hbm>>) target_semaphore(%arg30 : memref<!tpu.dma_semaphore, #tpu.memory_space<semaphore_mem>>)
    %dma_wait3A_499 = arith.constant 0 : i32
    %dma_wait3A_500 = tpu.memref_slice %arg5[%add3A_472, %dma_wait3A_499] : memref<8192x768xf32, #tpu.memory_space<hbm>> -> memref<32x768xf32, #tpu.memory_space<hbm>>
    %dma_wait3A_501 = arith.constant 0 : i32
    %dma_wait3A_502 = tpu.memref_slice %arg5[%add3A_472, %dma_wait3A_501] : memref<8192x768xf32, #tpu.memory_space<hbm>> -> memref<32x768xf32, #tpu.memory_space<hbm>>
    tpu.wait_dma2 semaphore(%arg29 : memref<!tpu.dma_semaphore, #tpu.memory_space<semaphore_mem>>) src(%arg19 : memref<32x768xf32, #tpu.memory_space<vmem>>) dst(%dma_wait3A_502 : memref<32x768xf32, #tpu.memory_space<hbm>>)
    %dma_start3A_503 = arith.constant 0 : i32
    %dma_start3A_504 = arith.constant 0 : i32
    %dma_start3A_505 = tpu.memref_slice %arg3[%dma_start3A_503, %dma_start3A_504] : memref<100000x768xf32, #tpu.memory_space<hbm>> -> memref<100000x768xf32, #tpu.memory_space<hbm>>
    tpu.enqueue_indirect_dma source(%dma_start3A_505 : memref<100000x768xf32, #tpu.memory_space<hbm>>) target(%arg19 : memref<32x768xf32, #tpu.memory_space<vmem>>) offsets(%arg14 : memref<32xi32, #tpu.memory_space<vmem>>) semaphore(%arg24 : memref<!tpu.dma_semaphore, #tpu.memory_space<semaphore_mem>>)
    %dma_wait3A_506 = arith.constant 0 : i32
    %dma_wait3A_507 = arith.constant 0 : i32
    %dma_wait3A_508 = tpu.memref_slice %arg3[%dma_wait3A_506, %dma_wait3A_507] : memref<100000x768xf32, #tpu.memory_space<hbm>> -> memref<100000x768xf32, #tpu.memory_space<hbm>>
    tpu.wait_indirect_dma semaphore(%arg26 : memref<!tpu.dma_semaphore, #tpu.memory_space<semaphore_mem>>) src(%dma_wait3A_508 : memref<100000x768xf32, #tpu.memory_space<hbm>>) dst(%arg21 : memref<32x768xf32, #tpu.memory_space<vmem>>)
    %scan3A_509 = arith.constant 0 : i32
    %scan3A_510 = arith.constant 0 : i32
    %scan3A_511 = arith.constant 32 : i32
    %scan3A_512 = arith.addi %scan3A_510, %scan3A_511 : i32
    %scan3A_513 = arith.constant 1 : i32
    scf.for %scan3A_586 = %scan3A_510 to %scan3A_512 step %scan3A_513  : i32 {
      %swap3A_587 = arith.index_cast %scan3A_586 : i32 to index
      %swap3A_588 = arith.constant 0 : index
      %swap3A_589 = tpu.vector_load %arg21[%swap3A_587, %swap3A_588] {strides = array<i32>} : memref<32x768xf32, #tpu.memory_space<vmem>>, vector<1x16xf32>,
      %swap3A_590 = vector.shape_cast %swap3A_589 : vector<1x16xf32> to vector<16xf32>
      %swap3A_591 = vector.shape_cast %get3A_282 : vector<16xf32> to vector<1x16xf32>
      tpu.vector_store %arg21[%swap3A_587, %swap3A_588], %swap3A_591 {add = true, strides = array<i32>} : memref<32x768xf32, #tpu.memory_space<vmem>>, vector<1x16xf32>,
      %swap3A_592 = arith.index_cast %scan3A_586 : i32 to index
      %swap3A_593 = arith.constant 16 : index
      %swap3A_594 = tpu.vector_load %arg21[%swap3A_592, %swap3A_593] {strides = array<i32>} : memref<32x768xf32, #tpu.memory_space<vmem>>, vector<1x16xf32>,
      %swap3A_595 = vector.shape_cast %swap3A_594 : vector<1x16xf32> to vector<16xf32>
      %swap3A_596 = vector.shape_cast %get3A_285 : vector<16xf32> to vector<1x16xf32>
      tpu.vector_store %arg21[%swap3A_592, %swap3A_593], %swap3A_596 {add = true, strides = array<i32>} : memref<32x768xf32, #tpu.memory_space<vmem>>, vector<1x16xf32>,
      %swap3A_597 = arith.index_cast %scan3A_586 : i32 to index
      %swap3A_598 = arith.constant 32 : index
      %swap3A_599 = tpu.vector_load %arg21[%swap3A_597, %swap3A_598] {strides = array<i32>} : memref<32x768xf32, #tpu.memory_space<vmem>>, vector<1x16xf32>,
      %swap3A_600 = vector.shape_cast %swap3A_599 : vector<1x16xf32> to vector<16xf32>
      %swap3A_601 = vector.shape_cast %get3A_288 : vector<16xf32> to vector<1x16xf32>
      tpu.vector_store %arg21[%swap3A_597, %swap3A_598], %swap3A_601 {add = true, strides = array<i32>} : memref<32x768xf32, #tpu.memory_space<vmem>>, vector<1x16xf32>,
      %swap3A_602 = arith.index_cast %scan3A_586 : i32 to index
      %swap3A_603 = arith.constant 48 : index
      %swap3A_604 = tpu.vector_load %arg21[%swap3A_602, %swap3A_603] {strides = array<i32>} : memref<32x768xf32, #tpu.memory_space<vmem>>, vector<1x16xf32>,
      %swap3A_605 = vector.shape_cast %swap3A_604 : vector<1x16xf32> to vector<16xf32>
      %swap3A_606 = vector.shape_cast %get3A_291 : vector<16xf32> to vector<1x16xf32>
      tpu.vector_store %arg21[%swap3A_602, %swap3A_603], %swap3A_606 {add = true, strides = array<i32>} : memref<32x768xf32, #tpu.memory_space<vmem>>, vector<1x16xf32>,
      %swap3A_607 = arith.index_cast %scan3A_586 : i32 to index
      %swap3A_608 = arith.constant 64 : index
      %swap3A_609 = tpu.vector_load %arg21[%swap3A_607, %swap3A_608] {strides = array<i32>} : memref<32x768xf32, #tpu.memory_space<vmem>>, vector<1x16xf32>,
      %swap3A_610 = vector.shape_cast %swap3A_609 : vector<1x16xf32> to vector<16xf32>
      %swap3A_611 = vector.shape_cast %get3A_294 : vector<16xf32> to vector<1x16xf32>
      tpu.vector_store %arg21[%swap3A_607, %swap3A_608], %swap3A_611 {add = true, strides = array<i32>} : memref<32x768xf32, #tpu.memory_space<vmem>>, vector<1x16xf32>,
      %swap3A_612 = arith.index_cast %scan3A_586 : i32 to index
      %swap3A_613 = arith.constant 80 : index
      %swap3A_614 = tpu.vector_load %arg21[%swap3A_612, %swap3A_613] {strides = array<i32>} : memref<32x768xf32, #tpu.memory_space<vmem>>, vector<1x16xf32>,
      %swap3A_615 = vector.shape_cast %swap3A_614 : vector<1x16xf32> to vector<16xf32>
      %swap3A_616 = vector.shape_cast %get3A_297 : vector<16xf32> to vector<1x16xf32>
      tpu.vector_store %arg21[%swap3A_612, %swap3A_613], %swap3A_616 {add = true, strides = array<i32>} : memref<32x768xf32, #tpu.memory_space<vmem>>, vector<1x16xf32>,
      %swap3A_617 = arith.index_cast %scan3A_586 : i32 to index
      %swap3A_618 = arith.constant 96 : index
      %swap3A_619 = tpu.vector_load %arg21[%swap3A_617, %swap3A_618] {strides = array<i32>} : memref<32x768xf32, #tpu.memory_space<vmem>>, vector<1x16xf32>,
      %swap3A_620 = vector.shape_cast %swap3A_619 : vector<1x16xf32> to vector<16xf32>
      %swap3A_621 = vector.shape_cast %get3A_300 : vector<16xf32> to vector<1x16xf32>
      tpu.vector_store %arg21[%swap3A_617, %swap3A_618], %swap3A_621 {add = true, strides = array<i32>} : memref<32x768xf32, #tpu.memory_space<vmem>>, vector<1x16xf32>,
      %swap3A_622 = arith.index_cast %scan3A_586 : i32 to index
      %swap3A_623 = arith.constant 112 : index
      %swap3A_624 = tpu.vector_load %arg21[%swap3A_622, %swap3A_623] {strides = array<i32>} : memref<32x768xf32, #tpu.memory_space<vmem>>, vector<1x16xf32>,
      %swap3A_625 = vector.shape_cast %swap3A_624 : vector<1x16xf32> to vector<16xf32>
      %swap3A_626 = vector.shape_cast %get3A_303 : vector<16xf32> to vector<1x16xf32>
      tpu.vector_store %arg21[%swap3A_622, %swap3A_623], %swap3A_626 {add = true, strides = array<i32>} : memref<32x768xf32, #tpu.memory_space<vmem>>, vector<1x16xf32>,
      %swap3A_627 = arith.index_cast %scan3A_586 : i32 to index
      %swap3A_628 = arith.constant 128 : index
      %swap3A_629 = tpu.vector_load %arg21[%swap3A_627, %swap3A_628] {strides = array<i32>} : memref<32x768xf32, #tpu.memory_space<vmem>>, vector<1x16xf32>,
      %swap3A_630 = vector.shape_cast %swap3A_629 : vector<1x16xf32> to vector<16xf32>
      %swap3A_631 = vector.shape_cast %get3A_306 : vector<16xf32> to vector<1x16xf32>
      tpu.vector_store %arg21[%swap3A_627, %swap3A_628], %swap3A_631 {add = true, strides = array<i32>} : memref<32x768xf32, #tpu.memory_space<vmem>>, vector<1x16xf32>,
      %swap3A_632 = arith.index_cast %scan3A_586 : i32 to index
      %swap3A_633 = arith.constant 144 : index
      %swap3A_634 = tpu.vector_load %arg21[%swap3A_632, %swap3A_633] {strides = array<i32>} : memref<32x768xf32, #tpu.memory_space<vmem>>, vector<1x16xf32>,
      %swap3A_635 = vector.shape_cast %swap3A_634 : vector<1x16xf32> to vector<16xf32>
      %swap3A_636 = vector.shape_cast %get3A_309 : vector<16xf32> to vector<1x16xf32>
      tpu.vector_store %arg21[%swap3A_632, %swap3A_633], %swap3A_636 {add = true, strides = array<i32>} : memref<32x768xf32, #tpu.memory_space<vmem>>, vector<1x16xf32>,
      %swap3A_637 = arith.index_cast %scan3A_586 : i32 to index
      %swap3A_638 = arith.constant 160 : index
      %swap3A_639 = tpu.vector_load %arg21[%swap3A_637, %swap3A_638] {strides = array<i32>} : memref<32x768xf32, #tpu.memory_space<vmem>>, vector<1x16xf32>,
      %swap3A_640 = vector.shape_cast %swap3A_639 : vector<1x16xf32> to vector<16xf32>
      %swap3A_641 = vector.shape_cast %get3A_312 : vector<16xf32> to vector<1x16xf32>
      tpu.vector_store %arg21[%swap3A_637, %swap3A_638], %swap3A_641 {add = true, strides = array<i32>} : memref<32x768xf32, #tpu.memory_space<vmem>>, vector<1x16xf32>,
      %swap3A_642 = arith.index_cast %scan3A_586 : i32 to index
      %swap3A_643 = arith.constant 176 : index
      %swap3A_644 = tpu.vector_load %arg21[%swap3A_642, %swap3A_643] {strides = array<i32>} : memref<32x768xf32, #tpu.memory_space<vmem>>, vector<1x16xf32>,
      %swap3A_645 = vector.shape_cast %swap3A_644 : vector<1x16xf32> to vector<16xf32>
      %swap3A_646 = vector.shape_cast %get3A_315 : vector<16xf32> to vector<1x16xf32>
      tpu.vector_store %arg21[%swap3A_642, %swap3A_643], %swap3A_646 {add = true, strides = array<i32>} : memref<32x768xf32, #tpu.memory_space<vmem>>, vector<1x16xf32>,
      %swap3A_647 = arith.index_cast %scan3A_586 : i32 to index
      %swap3A_648 = arith.constant 192 : index
      %swap3A_649 = tpu.vector_load %arg21[%swap3A_647, %swap3A_648] {strides = array<i32>} : memref<32x768xf32, #tpu.memory_space<vmem>>, vector<1x16xf32>,
      %swap3A_650 = vector.shape_cast %swap3A_649 : vector<1x16xf32> to vector<16xf32>
      %swap3A_651 = vector.shape_cast %get3A_318 : vector<16xf32> to vector<1x16xf32>
      tpu.vector_store %arg21[%swap3A_647, %swap3A_648], %swap3A_651 {add = true, strides = array<i32>} : memref<32x768xf32, #tpu.memory_space<vmem>>, vector<1x16xf32>,
      %swap3A_652 = arith.index_cast %scan3A_586 : i32 to index
      %swap3A_653 = arith.constant 208 : index
      %swap3A_654 = tpu.vector_load %arg21[%swap3A_652, %swap3A_653] {strides = array<i32>} : memref<32x768xf32, #tpu.memory_space<vmem>>, vector<1x16xf32>,
      %swap3A_655 = vector.shape_cast %swap3A_654 : vector<1x16xf32> to vector<16xf32>
      %swap3A_656 = vector.shape_cast %get3A_321 : vector<16xf32> to vector<1x16xf32>
      tpu.vector_store %arg21[%swap3A_652, %swap3A_653], %swap3A_656 {add = true, strides = array<i32>} : memref<32x768xf32, #tpu.memory_space<vmem>>, vector<1x16xf32>,
      %swap3A_657 = arith.index_cast %scan3A_586 : i32 to index
      %swap3A_658 = arith.constant 224 : index
      %swap3A_659 = tpu.vector_load %arg21[%swap3A_657, %swap3A_658] {strides = array<i32>} : memref<32x768xf32, #tpu.memory_space<vmem>>, vector<1x16xf32>,
      %swap3A_660 = vector.shape_cast %swap3A_659 : vector<1x16xf32> to vector<16xf32>
      %swap3A_661 = vector.shape_cast %get3A_324 : vector<16xf32> to vector<1x16xf32>
      tpu.vector_store %arg21[%swap3A_657, %swap3A_658], %swap3A_661 {add = true, strides = array<i32>} : memref<32x768xf32, #tpu.memory_space<vmem>>, vector<1x16xf32>,
      %swap3A_662 = arith.index_cast %scan3A_586 : i32 to index
      %swap3A_663 = arith.constant 240 : index
      %swap3A_664 = tpu.vector_load %arg21[%swap3A_662, %swap3A_663] {strides = array<i32>} : memref<32x768xf32, #tpu.memory_space<vmem>>, vector<1x16xf32>,
      %swap3A_665 = vector.shape_cast %swap3A_664 : vector<1x16xf32> to vector<16xf32>
      %swap3A_666 = vector.shape_cast %get3A_327 : vector<16xf32> to vector<1x16xf32>
      tpu.vector_store %arg21[%swap3A_662, %swap3A_663], %swap3A_666 {add = true, strides = array<i32>} : memref<32x768xf32, #tpu.memory_space<vmem>>, vector<1x16xf32>,
      %swap3A_667 = arith.index_cast %scan3A_586 : i32 to index
      %swap3A_668 = arith.constant 256 : index
      %swap3A_669 = tpu.vector_load %arg21[%swap3A_667, %swap3A_668] {strides = array<i32>} : memref<32x768xf32, #tpu.memory_space<vmem>>, vector<1x16xf32>,
      %swap3A_670 = vector.shape_cast %swap3A_669 : vector<1x16xf32> to vector<16xf32>
      %swap3A_671 = vector.shape_cast %get3A_330 : vector<16xf32> to vector<1x16xf32>
      tpu.vector_store %arg21[%swap3A_667, %swap3A_668], %swap3A_671 {add = true, strides = array<i32>} : memref<32x768xf32, #tpu.memory_space<vmem>>, vector<1x16xf32>,
      %swap3A_672 = arith.index_cast %scan3A_586 : i32 to index
      %swap3A_673 = arith.constant 272 : index
      %swap3A_674 = tpu.vector_load %arg21[%swap3A_672, %swap3A_673] {strides = array<i32>} : memref<32x768xf32, #tpu.memory_space<vmem>>, vector<1x16xf32>,
      %swap3A_675 = vector.shape_cast %swap3A_674 : vector<1x16xf32> to vector<16xf32>
      %swap3A_676 = vector.shape_cast %get3A_333 : vector<16xf32> to vector<1x16xf32>
      tpu.vector_store %arg21[%swap3A_672, %swap3A_673], %swap3A_676 {add = true, strides = array<i32>} : memref<32x768xf32, #tpu.memory_space<vmem>>, vector<1x16xf32>,
      %swap3A_677 = arith.index_cast %scan3A_586 : i32 to index
      %swap3A_678 = arith.constant 288 : index
      %swap3A_679 = tpu.vector_load %arg21[%swap3A_677, %swap3A_678] {strides = array<i32>} : memref<32x768xf32, #tpu.memory_space<vmem>>, vector<1x16xf32>,
      %swap3A_680 = vector.shape_cast %swap3A_679 : vector<1x16xf32> to vector<16xf32>
      %swap3A_681 = vector.shape_cast %get3A_336 : vector<16xf32> to vector<1x16xf32>
      tpu.vector_store %arg21[%swap3A_677, %swap3A_678], %swap3A_681 {add = true, strides = array<i32>} : memref<32x768xf32, #tpu.memory_space<vmem>>, vector<1x16xf32>,
      %swap3A_682 = arith.index_cast %scan3A_586 : i32 to index
      %swap3A_683 = arith.constant 304 : index
      %swap3A_684 = tpu.vector_load %arg21[%swap3A_682, %swap3A_683] {strides = array<i32>} : memref<32x768xf32, #tpu.memory_space<vmem>>, vector<1x16xf32>,
      %swap3A_685 = vector.shape_cast %swap3A_684 : vector<1x16xf32> to vector<16xf32>
      %swap3A_686 = vector.shape_cast %get3A_339 : vector<16xf32> to vector<1x16xf32>
      tpu.vector_store %arg21[%swap3A_682, %swap3A_683], %swap3A_686 {add = true, strides = array<i32>} : memref<32x768xf32, #tpu.memory_space<vmem>>, vector<1x16xf32>,
      %swap3A_687 = arith.index_cast %scan3A_586 : i32 to index
      %swap3A_688 = arith.constant 320 : index
      %swap3A_689 = tpu.vector_load %arg21[%swap3A_687, %swap3A_688] {strides = array<i32>} : memref<32x768xf32, #tpu.memory_space<vmem>>, vector<1x16xf32>,
      %swap3A_690 = vector.shape_cast %swap3A_689 : vector<1x16xf32> to vector<16xf32>
      %swap3A_691 = vector.shape_cast %get3A_342 : vector<16xf32> to vector<1x16xf32>
      tpu.vector_store %arg21[%swap3A_687, %swap3A_688], %swap3A_691 {add = true, strides = array<i32>} : memref<32x768xf32, #tpu.memory_space<vmem>>, vector<1x16xf32>,
      %swap3A_692 = arith.index_cast %scan3A_586 : i32 to index
      %swap3A_693 = arith.constant 336 : index
      %swap3A_694 = tpu.vector_load %arg21[%swap3A_692, %swap3A_693] {strides = array<i32>} : memref<32x768xf32, #tpu.memory_space<vmem>>, vector<1x16xf32>,
      %swap3A_695 = vector.shape_cast %swap3A_694 : vector<1x16xf32> to vector<16xf32>
      %swap3A_696 = vector.shape_cast %get3A_345 : vector<16xf32> to vector<1x16xf32>
      tpu.vector_store %arg21[%swap3A_692, %swap3A_693], %swap3A_696 {add = true, strides = array<i32>} : memref<32x768xf32, #tpu.memory_space<vmem>>, vector<1x16xf32>,
      %swap3A_697 = arith.index_cast %scan3A_586 : i32 to index
      %swap3A_698 = arith.constant 352 : index
      %swap3A_699 = tpu.vector_load %arg21[%swap3A_697, %swap3A_698] {strides = array<i32>} : memref<32x768xf32, #tpu.memory_space<vmem>>, vector<1x16xf32>,
      %swap3A_700 = vector.shape_cast %swap3A_699 : vector<1x16xf32> to vector<16xf32>
      %swap3A_701 = vector.shape_cast %get3A_348 : vector<16xf32> to vector<1x16xf32>
      tpu.vector_store %arg21[%swap3A_697, %swap3A_698], %swap3A_701 {add = true, strides = array<i32>} : memref<32x768xf32, #tpu.memory_space<vmem>>, vector<1x16xf32>,
      %swap3A_702 = arith.index_cast %scan3A_586 : i32 to index
      %swap3A_703 = arith.constant 368 : index
      %swap3A_704 = tpu.vector_load %arg21[%swap3A_702, %swap3A_703] {strides = array<i32>} : memref<32x768xf32, #tpu.memory_space<vmem>>, vector<1x16xf32>,
      %swap3A_705 = vector.shape_cast %swap3A_704 : vector<1x16xf32> to vector<16xf32>
      %swap3A_706 = vector.shape_cast %get3A_351 : vector<16xf32> to vector<1x16xf32>
      tpu.vector_store %arg21[%swap3A_702, %swap3A_703], %swap3A_706 {add = true, strides = array<i32>} : memref<32x768xf32, #tpu.memory_space<vmem>>, vector<1x16xf32>,
      %swap3A_707 = arith.index_cast %scan3A_586 : i32 to index
      %swap3A_708 = arith.constant 384 : index
      %swap3A_709 = tpu.vector_load %arg21[%swap3A_707, %swap3A_708] {strides = array<i32>} : memref<32x768xf32, #tpu.memory_space<vmem>>, vector<1x16xf32>,
      %swap3A_710 = vector.shape_cast %swap3A_709 : vector<1x16xf32> to vector<16xf32>
      %swap3A_711 = vector.shape_cast %get3A_354 : vector<16xf32> to vector<1x16xf32>
      tpu.vector_store %arg21[%swap3A_707, %swap3A_708], %swap3A_711 {add = true, strides = array<i32>} : memref<32x768xf32, #tpu.memory_space<vmem>>, vector<1x16xf32>,
      %swap3A_712 = arith.index_cast %scan3A_586 : i32 to index
      %swap3A_713 = arith.constant 400 : index
      %swap3A_714 = tpu.vector_load %arg21[%swap3A_712, %swap3A_713] {strides = array<i32>} : memref<32x768xf32, #tpu.memory_space<vmem>>, vector<1x16xf32>,
      %swap3A_715 = vector.shape_cast %swap3A_714 : vector<1x16xf32> to vector<16xf32>
      %swap3A_716 = vector.shape_cast %get3A_357 : vector<16xf32> to vector<1x16xf32>
      tpu.vector_store %arg21[%swap3A_712, %swap3A_713], %swap3A_716 {add = true, strides = array<i32>} : memref<32x768xf32, #tpu.memory_space<vmem>>, vector<1x16xf32>,
      %swap3A_717 = arith.index_cast %scan3A_586 : i32 to index
      %swap3A_718 = arith.constant 416 : index
      %swap3A_719 = tpu.vector_load %arg21[%swap3A_717, %swap3A_718] {strides = array<i32>} : memref<32x768xf32, #tpu.memory_space<vmem>>, vector<1x16xf32>,
      %swap3A_720 = vector.shape_cast %swap3A_719 : vector<1x16xf32> to vector<16xf32>
      %swap3A_721 = vector.shape_cast %get3A_360 : vector<16xf32> to vector<1x16xf32>
      tpu.vector_store %arg21[%swap3A_717, %swap3A_718], %swap3A_721 {add = true, strides = array<i32>} : memref<32x768xf32, #tpu.memory_space<vmem>>, vector<1x16xf32>,
      %swap3A_722 = arith.index_cast %scan3A_586 : i32 to index
      %swap3A_723 = arith.constant 432 : index
      %swap3A_724 = tpu.vector_load %arg21[%swap3A_722, %swap3A_723] {strides = array<i32>} : memref<32x768xf32, #tpu.memory_space<vmem>>, vector<1x16xf32>,
      %swap3A_725 = vector.shape_cast %swap3A_724 : vector<1x16xf32> to vector<16xf32>
      %swap3A_726 = vector.shape_cast %get3A_363 : vector<16xf32> to vector<1x16xf32>
      tpu.vector_store %arg21[%swap3A_722, %swap3A_723], %swap3A_726 {add = true, strides = array<i32>} : memref<32x768xf32, #tpu.memory_space<vmem>>, vector<1x16xf32>,
      %swap3A_727 = arith.index_cast %scan3A_586 : i32 to index
      %swap3A_728 = arith.constant 448 : index
      %swap3A_729 = tpu.vector_load %arg21[%swap3A_727, %swap3A_728] {strides = array<i32>} : memref<32x768xf32, #tpu.memory_space<vmem>>, vector<1x16xf32>,
      %swap3A_730 = vector.shape_cast %swap3A_729 : vector<1x16xf32> to vector<16xf32>
      %swap3A_731 = vector.shape_cast %get3A_366 : vector<16xf32> to vector<1x16xf32>
      tpu.vector_store %arg21[%swap3A_727, %swap3A_728], %swap3A_731 {add = true, strides = array<i32>} : memref<32x768xf32, #tpu.memory_space<vmem>>, vector<1x16xf32>,
      %swap3A_732 = arith.index_cast %scan3A_586 : i32 to index
      %swap3A_733 = arith.constant 464 : index
      %swap3A_734 = tpu.vector_load %arg21[%swap3A_732, %swap3A_733] {strides = array<i32>} : memref<32x768xf32, #tpu.memory_space<vmem>>, vector<1x16xf32>,
      %swap3A_735 = vector.shape_cast %swap3A_734 : vector<1x16xf32> to vector<16xf32>
      %swap3A_736 = vector.shape_cast %get3A_369 : vector<16xf32> to vector<1x16xf32>
      tpu.vector_store %arg21[%swap3A_732, %swap3A_733], %swap3A_736 {add = true, strides = array<i32>} : memref<32x768xf32, #tpu.memory_space<vmem>>, vector<1x16xf32>,
      %swap3A_737 = arith.index_cast %scan3A_586 : i32 to index
      %swap3A_738 = arith.constant 480 : index
      %swap3A_739 = tpu.vector_load %arg21[%swap3A_737, %swap3A_738] {strides = array<i32>} : memref<32x768xf32, #tpu.memory_space<vmem>>, vector<1x16xf32>,
      %swap3A_740 = vector.shape_cast %swap3A_739 : vector<1x16xf32> to vector<16xf32>
      %swap3A_741 = vector.shape_cast %get3A_372 : vector<16xf32> to vector<1x16xf32>
      tpu.vector_store %arg21[%swap3A_737, %swap3A_738], %swap3A_741 {add = true, strides = array<i32>} : memref<32x768xf32, #tpu.memory_space<vmem>>, vector<1x16xf32>,
      %swap3A_742 = arith.index_cast %scan3A_586 : i32 to index
      %swap3A_743 = arith.constant 496 : index
      %swap3A_744 = tpu.vector_load %arg21[%swap3A_742, %swap3A_743] {strides = array<i32>} : memref<32x768xf32, #tpu.memory_space<vmem>>, vector<1x16xf32>,
      %swap3A_745 = vector.shape_cast %swap3A_744 : vector<1x16xf32> to vector<16xf32>
      %swap3A_746 = vector.shape_cast %get3A_375 : vector<16xf32> to vector<1x16xf32>
      tpu.vector_store %arg21[%swap3A_742, %swap3A_743], %swap3A_746 {add = true, strides = array<i32>} : memref<32x768xf32, #tpu.memory_space<vmem>>, vector<1x16xf32>,
      %swap3A_747 = arith.index_cast %scan3A_586 : i32 to index
      %swap3A_748 = arith.constant 512 : index
      %swap3A_749 = tpu.vector_load %arg21[%swap3A_747, %swap3A_748] {strides = array<i32>} : memref<32x768xf32, #tpu.memory_space<vmem>>, vector<1x16xf32>,
      %swap3A_750 = vector.shape_cast %swap3A_749 : vector<1x16xf32> to vector<16xf32>
      %swap3A_751 = vector.shape_cast %get3A_378 : vector<16xf32> to vector<1x16xf32>
      tpu.vector_store %arg21[%swap3A_747, %swap3A_748], %swap3A_751 {add = true, strides = array<i32>} : memref<32x768xf32, #tpu.memory_space<vmem>>, vector<1x16xf32>,
      %swap3A_752 = arith.index_cast %scan3A_586 : i32 to index
      %swap3A_753 = arith.constant 528 : index
      %swap3A_754 = tpu.vector_load %arg21[%swap3A_752, %swap3A_753] {strides = array<i32>} : memref<32x768xf32, #tpu.memory_space<vmem>>, vector<1x16xf32>,
      %swap3A_755 = vector.shape_cast %swap3A_754 : vector<1x16xf32> to vector<16xf32>
      %swap3A_756 = vector.shape_cast %get3A_381 : vector<16xf32> to vector<1x16xf32>
      tpu.vector_store %arg21[%swap3A_752, %swap3A_753], %swap3A_756 {add = true, strides = array<i32>} : memref<32x768xf32, #tpu.memory_space<vmem>>, vector<1x16xf32>,
      %swap3A_757 = arith.index_cast %scan3A_586 : i32 to index
      %swap3A_758 = arith.constant 544 : index
      %swap3A_759 = tpu.vector_load %arg21[%swap3A_757, %swap3A_758] {strides = array<i32>} : memref<32x768xf32, #tpu.memory_space<vmem>>, vector<1x16xf32>,
      %swap3A_760 = vector.shape_cast %swap3A_759 : vector<1x16xf32> to vector<16xf32>
      %swap3A_761 = vector.shape_cast %get3A_384 : vector<16xf32> to vector<1x16xf32>
      tpu.vector_store %arg21[%swap3A_757, %swap3A_758], %swap3A_761 {add = true, strides = array<i32>} : memref<32x768xf32, #tpu.memory_space<vmem>>, vector<1x16xf32>,
      %swap3A_762 = arith.index_cast %scan3A_586 : i32 to index
      %swap3A_763 = arith.constant 560 : index
      %swap3A_764 = tpu.vector_load %arg21[%swap3A_762, %swap3A_763] {strides = array<i32>} : memref<32x768xf32, #tpu.memory_space<vmem>>, vector<1x16xf32>,
      %swap3A_765 = vector.shape_cast %swap3A_764 : vector<1x16xf32> to vector<16xf32>
      %swap3A_766 = vector.shape_cast %get3A_387 : vector<16xf32> to vector<1x16xf32>
      tpu.vector_store %arg21[%swap3A_762, %swap3A_763], %swap3A_766 {add = true, strides = array<i32>} : memref<32x768xf32, #tpu.memory_space<vmem>>, vector<1x16xf32>,
      %swap3A_767 = arith.index_cast %scan3A_586 : i32 to index
      %swap3A_768 = arith.constant 576 : index
      %swap3A_769 = tpu.vector_load %arg21[%swap3A_767, %swap3A_768] {strides = array<i32>} : memref<32x768xf32, #tpu.memory_space<vmem>>, vector<1x16xf32>,
      %swap3A_770 = vector.shape_cast %swap3A_769 : vector<1x16xf32> to vector<16xf32>
      %swap3A_771 = vector.shape_cast %get3A_390 : vector<16xf32> to vector<1x16xf32>
      tpu.vector_store %arg21[%swap3A_767, %swap3A_768], %swap3A_771 {add = true, strides = array<i32>} : memref<32x768xf32, #tpu.memory_space<vmem>>, vector<1x16xf32>,
      %swap3A_772 = arith.index_cast %scan3A_586 : i32 to index
      %swap3A_773 = arith.constant 592 : index
      %swap3A_774 = tpu.vector_load %arg21[%swap3A_772, %swap3A_773] {strides = array<i32>} : memref<32x768xf32, #tpu.memory_space<vmem>>, vector<1x16xf32>,
      %swap3A_775 = vector.shape_cast %swap3A_774 : vector<1x16xf32> to vector<16xf32>
      %swap3A_776 = vector.shape_cast %get3A_393 : vector<16xf32> to vector<1x16xf32>
      tpu.vector_store %arg21[%swap3A_772, %swap3A_773], %swap3A_776 {add = true, strides = array<i32>} : memref<32x768xf32, #tpu.memory_space<vmem>>, vector<1x16xf32>,
      %swap3A_777 = arith.index_cast %scan3A_586 : i32 to index
      %swap3A_778 = arith.constant 608 : index
      %swap3A_779 = tpu.vector_load %arg21[%swap3A_777, %swap3A_778] {strides = array<i32>} : memref<32x768xf32, #tpu.memory_space<vmem>>, vector<1x16xf32>,
      %swap3A_780 = vector.shape_cast %swap3A_779 : vector<1x16xf32> to vector<16xf32>
      %swap3A_781 = vector.shape_cast %get3A_396 : vector<16xf32> to vector<1x16xf32>
      tpu.vector_store %arg21[%swap3A_777, %swap3A_778], %swap3A_781 {add = true, strides = array<i32>} : memref<32x768xf32, #tpu.memory_space<vmem>>, vector<1x16xf32>,
      %swap3A_782 = arith.index_cast %scan3A_586 : i32 to index
      %swap3A_783 = arith.constant 624 : index
      %swap3A_784 = tpu.vector_load %arg21[%swap3A_782, %swap3A_783] {strides = array<i32>} : memref<32x768xf32, #tpu.memory_space<vmem>>, vector<1x16xf32>,
      %swap3A_785 = vector.shape_cast %swap3A_784 : vector<1x16xf32> to vector<16xf32>
      %swap3A_786 = vector.shape_cast %get3A_399 : vector<16xf32> to vector<1x16xf32>
      tpu.vector_store %arg21[%swap3A_782, %swap3A_783], %swap3A_786 {add = true, strides = array<i32>} : memref<32x768xf32, #tpu.memory_space<vmem>>, vector<1x16xf32>,
      %swap3A_787 = arith.index_cast %scan3A_586 : i32 to index
      %swap3A_788 = arith.constant 640 : index
      %swap3A_789 = tpu.vector_load %arg21[%swap3A_787, %swap3A_788] {strides = array<i32>} : memref<32x768xf32, #tpu.memory_space<vmem>>, vector<1x16xf32>,
      %swap3A_790 = vector.shape_cast %swap3A_789 : vector<1x16xf32> to vector<16xf32>
      %swap3A_791 = vector.shape_cast %get3A_402 : vector<16xf32> to vector<1x16xf32>
      tpu.vector_store %arg21[%swap3A_787, %swap3A_788], %swap3A_791 {add = true, strides = array<i32>} : memref<32x768xf32, #tpu.memory_space<vmem>>, vector<1x16xf32>,
      %swap3A_792 = arith.index_cast %scan3A_586 : i32 to index
      %swap3A_793 = arith.constant 656 : index
      %swap3A_794 = tpu.vector_load %arg21[%swap3A_792, %swap3A_793] {strides = array<i32>} : memref<32x768xf32, #tpu.memory_space<vmem>>, vector<1x16xf32>,
      %swap3A_795 = vector.shape_cast %swap3A_794 : vector<1x16xf32> to vector<16xf32>
      %swap3A_796 = vector.shape_cast %get3A_405 : vector<16xf32> to vector<1x16xf32>
      tpu.vector_store %arg21[%swap3A_792, %swap3A_793], %swap3A_796 {add = true, strides = array<i32>} : memref<32x768xf32, #tpu.memory_space<vmem>>, vector<1x16xf32>,
      %swap3A_797 = arith.index_cast %scan3A_586 : i32 to index
      %swap3A_798 = arith.constant 672 : index
      %swap3A_799 = tpu.vector_load %arg21[%swap3A_797, %swap3A_798] {strides = array<i32>} : memref<32x768xf32, #tpu.memory_space<vmem>>, vector<1x16xf32>,
      %swap3A_800 = vector.shape_cast %swap3A_799 : vector<1x16xf32> to vector<16xf32>
      %swap3A_801 = vector.shape_cast %get3A_408 : vector<16xf32> to vector<1x16xf32>
      tpu.vector_store %arg21[%swap3A_797, %swap3A_798], %swap3A_801 {add = true, strides = array<i32>} : memref<32x768xf32, #tpu.memory_space<vmem>>, vector<1x16xf32>,
      %swap3A_802 = arith.index_cast %scan3A_586 : i32 to index
      %swap3A_803 = arith.constant 688 : index
      %swap3A_804 = tpu.vector_load %arg21[%swap3A_802, %swap3A_803] {strides = array<i32>} : memref<32x768xf32, #tpu.memory_space<vmem>>, vector<1x16xf32>,
      %swap3A_805 = vector.shape_cast %swap3A_804 : vector<1x16xf32> to vector<16xf32>
      %swap3A_806 = vector.shape_cast %get3A_411 : vector<16xf32> to vector<1x16xf32>
      tpu.vector_store %arg21[%swap3A_802, %swap3A_803], %swap3A_806 {add = true, strides = array<i32>} : memref<32x768xf32, #tpu.memory_space<vmem>>, vector<1x16xf32>,
      %swap3A_807 = arith.index_cast %scan3A_586 : i32 to index
      %swap3A_808 = arith.constant 704 : index
      %swap3A_809 = tpu.vector_load %arg21[%swap3A_807, %swap3A_808] {strides = array<i32>} : memref<32x768xf32, #tpu.memory_space<vmem>>, vector<1x16xf32>,
      %swap3A_810 = vector.shape_cast %swap3A_809 : vector<1x16xf32> to vector<16xf32>
      %swap3A_811 = vector.shape_cast %get3A_414 : vector<16xf32> to vector<1x16xf32>
      tpu.vector_store %arg21[%swap3A_807, %swap3A_808], %swap3A_811 {add = true, strides = array<i32>} : memref<32x768xf32, #tpu.memory_space<vmem>>, vector<1x16xf32>,
      %swap3A_812 = arith.index_cast %scan3A_586 : i32 to index
      %swap3A_813 = arith.constant 720 : index
      %swap3A_814 = tpu.vector_load %arg21[%swap3A_812, %swap3A_813] {strides = array<i32>} : memref<32x768xf32, #tpu.memory_space<vmem>>, vector<1x16xf32>,
      %swap3A_815 = vector.shape_cast %swap3A_814 : vector<1x16xf32> to vector<16xf32>
      %swap3A_816 = vector.shape_cast %get3A_417 : vector<16xf32> to vector<1x16xf32>
      tpu.vector_store %arg21[%swap3A_812, %swap3A_813], %swap3A_816 {add = true, strides = array<i32>} : memref<32x768xf32, #tpu.memory_space<vmem>>, vector<1x16xf32>,
      %swap3A_817 = arith.index_cast %scan3A_586 : i32 to index
      %swap3A_818 = arith.constant 736 : index
      %swap3A_819 = tpu.vector_load %arg21[%swap3A_817, %swap3A_818] {strides = array<i32>} : memref<32x768xf32, #tpu.memory_space<vmem>>, vector<1x16xf32>,
      %swap3A_820 = vector.shape_cast %swap3A_819 : vector<1x16xf32> to vector<16xf32>
      %swap3A_821 = vector.shape_cast %get3A_420 : vector<16xf32> to vector<1x16xf32>
      tpu.vector_store %arg21[%swap3A_817, %swap3A_818], %swap3A_821 {add = true, strides = array<i32>} : memref<32x768xf32, #tpu.memory_space<vmem>>, vector<1x16xf32>,
      %swap3A_822 = arith.index_cast %scan3A_586 : i32 to index
      %swap3A_823 = arith.constant 752 : index
      %swap3A_824 = tpu.vector_load %arg21[%swap3A_822, %swap3A_823] {strides = array<i32>} : memref<32x768xf32, #tpu.memory_space<vmem>>, vector<1x16xf32>,
      %swap3A_825 = vector.shape_cast %swap3A_824 : vector<1x16xf32> to vector<16xf32>
      %swap3A_826 = vector.shape_cast %get3A_423 : vector<16xf32> to vector<1x16xf32>
      tpu.vector_store %arg21[%swap3A_822, %swap3A_823], %swap3A_826 {add = true, strides = array<i32>} : memref<32x768xf32, #tpu.memory_space<vmem>>, vector<1x16xf32>,
    }
    %scan3A_514 = arith.constant 32 : i32
    %add3A_515 = arith.constant 128 : i32
    %add3A_516 = arith.addi %mul3A_2, %add3A_515 : i32
    %dma_start3A_517 = arith.constant 0 : i32
    %dma_start3A_518 = tpu.memref_slice %arg5[%add3A_516, %dma_start3A_517] : memref<8192x768xf32, #tpu.memory_space<hbm>> -> memref<32x768xf32, #tpu.memory_space<hbm>>
    %dma_start3A_519 = arith.constant 0 : i32
    %dma_start3A_520 = tpu.memref_slice %arg5[%add3A_516, %dma_start3A_519] : memref<8192x768xf32, #tpu.memory_space<hbm>> -> memref<32x768xf32, #tpu.memory_space<hbm>>
    tpu.enqueue_dma source(%arg21 : memref<32x768xf32, #tpu.memory_space<vmem>>) target(%dma_start3A_520 : memref<32x768xf32, #tpu.memory_space<hbm>>) target_semaphore(%arg31 : memref<!tpu.dma_semaphore, #tpu.memory_space<semaphore_mem>>)
    %dma_wait3A_521 = arith.constant 0 : i32
    %dma_wait3A_522 = arith.constant 0 : i32
    %dma_wait3A_523 = tpu.memref_slice %arg3[%dma_wait3A_521, %dma_wait3A_522] : memref<100000x768xf32, #tpu.memory_space<hbm>> -> memref<100000x768xf32, #tpu.memory_space<hbm>>
    tpu.wait_indirect_dma semaphore(%arg22 : memref<!tpu.dma_semaphore, #tpu.memory_space<semaphore_mem>>) src(%dma_wait3A_523 : memref<100000x768xf32, #tpu.memory_space<hbm>>) dst(%arg17 : memref<32x768xf32, #tpu.memory_space<vmem>>)
    %scan3A_524 = arith.constant 0 : i32
    %scan3A_525 = arith.constant 0 : i32
    %scan3A_526 = arith.constant 32 : i32
    %scan3A_527 = arith.addi %scan3A_525, %scan3A_526 : i32
    %scan3A_528 = arith.constant 1 : i32
    scf.for %scan3A_586 = %scan3A_525 to %scan3A_527 step %scan3A_528  : i32 {
      %swap3A_587 = arith.index_cast %scan3A_586 : i32 to index
      %swap3A_588 = arith.constant 0 : index
      %swap3A_589 = tpu.vector_load %arg17[%swap3A_587, %swap3A_588] {strides = array<i32>} : memref<32x768xf32, #tpu.memory_space<vmem>>, vector<1x16xf32>,
      %swap3A_590 = vector.shape_cast %swap3A_589 : vector<1x16xf32> to vector<16xf32>
      %swap3A_591 = vector.shape_cast %get3A_282 : vector<16xf32> to vector<1x16xf32>
      tpu.vector_store %arg17[%swap3A_587, %swap3A_588], %swap3A_591 {add = true, strides = array<i32>} : memref<32x768xf32, #tpu.memory_space<vmem>>, vector<1x16xf32>,
      %swap3A_592 = arith.index_cast %scan3A_586 : i32 to index
      %swap3A_593 = arith.constant 16 : index
      %swap3A_594 = tpu.vector_load %arg17[%swap3A_592, %swap3A_593] {strides = array<i32>} : memref<32x768xf32, #tpu.memory_space<vmem>>, vector<1x16xf32>,
      %swap3A_595 = vector.shape_cast %swap3A_594 : vector<1x16xf32> to vector<16xf32>
      %swap3A_596 = vector.shape_cast %get3A_285 : vector<16xf32> to vector<1x16xf32>
      tpu.vector_store %arg17[%swap3A_592, %swap3A_593], %swap3A_596 {add = true, strides = array<i32>} : memref<32x768xf32, #tpu.memory_space<vmem>>, vector<1x16xf32>,
      %swap3A_597 = arith.index_cast %scan3A_586 : i32 to index
      %swap3A_598 = arith.constant 32 : index
      %swap3A_599 = tpu.vector_load %arg17[%swap3A_597, %swap3A_598] {strides = array<i32>} : memref<32x768xf32, #tpu.memory_space<vmem>>, vector<1x16xf32>,
      %swap3A_600 = vector.shape_cast %swap3A_599 : vector<1x16xf32> to vector<16xf32>
      %swap3A_601 = vector.shape_cast %get3A_288 : vector<16xf32> to vector<1x16xf32>
      tpu.vector_store %arg17[%swap3A_597, %swap3A_598], %swap3A_601 {add = true, strides = array<i32>} : memref<32x768xf32, #tpu.memory_space<vmem>>, vector<1x16xf32>,
      %swap3A_602 = arith.index_cast %scan3A_586 : i32 to index
      %swap3A_603 = arith.constant 48 : index
      %swap3A_604 = tpu.vector_load %arg17[%swap3A_602, %swap3A_603] {strides = array<i32>} : memref<32x768xf32, #tpu.memory_space<vmem>>, vector<1x16xf32>,
      %swap3A_605 = vector.shape_cast %swap3A_604 : vector<1x16xf32> to vector<16xf32>
      %swap3A_606 = vector.shape_cast %get3A_291 : vector<16xf32> to vector<1x16xf32>
      tpu.vector_store %arg17[%swap3A_602, %swap3A_603], %swap3A_606 {add = true, strides = array<i32>} : memref<32x768xf32, #tpu.memory_space<vmem>>, vector<1x16xf32>,
      %swap3A_607 = arith.index_cast %scan3A_586 : i32 to index
      %swap3A_608 = arith.constant 64 : index
      %swap3A_609 = tpu.vector_load %arg17[%swap3A_607, %swap3A_608] {strides = array<i32>} : memref<32x768xf32, #tpu.memory_space<vmem>>, vector<1x16xf32>,
      %swap3A_610 = vector.shape_cast %swap3A_609 : vector<1x16xf32> to vector<16xf32>
      %swap3A_611 = vector.shape_cast %get3A_294 : vector<16xf32> to vector<1x16xf32>
      tpu.vector_store %arg17[%swap3A_607, %swap3A_608], %swap3A_611 {add = true, strides = array<i32>} : memref<32x768xf32, #tpu.memory_space<vmem>>, vector<1x16xf32>,
      %swap3A_612 = arith.index_cast %scan3A_586 : i32 to index
      %swap3A_613 = arith.constant 80 : index
      %swap3A_614 = tpu.vector_load %arg17[%swap3A_612, %swap3A_613] {strides = array<i32>} : memref<32x768xf32, #tpu.memory_space<vmem>>, vector<1x16xf32>,
      %swap3A_615 = vector.shape_cast %swap3A_614 : vector<1x16xf32> to vector<16xf32>
      %swap3A_616 = vector.shape_cast %get3A_297 : vector<16xf32> to vector<1x16xf32>
      tpu.vector_store %arg17[%swap3A_612, %swap3A_613], %swap3A_616 {add = true, strides = array<i32>} : memref<32x768xf32, #tpu.memory_space<vmem>>, vector<1x16xf32>,
      %swap3A_617 = arith.index_cast %scan3A_586 : i32 to index
      %swap3A_618 = arith.constant 96 : index
      %swap3A_619 = tpu.vector_load %arg17[%swap3A_617, %swap3A_618] {strides = array<i32>} : memref<32x768xf32, #tpu.memory_space<vmem>>, vector<1x16xf32>,
      %swap3A_620 = vector.shape_cast %swap3A_619 : vector<1x16xf32> to vector<16xf32>
      %swap3A_621 = vector.shape_cast %get3A_300 : vector<16xf32> to vector<1x16xf32>
      tpu.vector_store %arg17[%swap3A_617, %swap3A_618], %swap3A_621 {add = true, strides = array<i32>} : memref<32x768xf32, #tpu.memory_space<vmem>>, vector<1x16xf32>,
      %swap3A_622 = arith.index_cast %scan3A_586 : i32 to index
      %swap3A_623 = arith.constant 112 : index
      %swap3A_624 = tpu.vector_load %arg17[%swap3A_622, %swap3A_623] {strides = array<i32>} : memref<32x768xf32, #tpu.memory_space<vmem>>, vector<1x16xf32>,
      %swap3A_625 = vector.shape_cast %swap3A_624 : vector<1x16xf32> to vector<16xf32>
      %swap3A_626 = vector.shape_cast %get3A_303 : vector<16xf32> to vector<1x16xf32>
      tpu.vector_store %arg17[%swap3A_622, %swap3A_623], %swap3A_626 {add = true, strides = array<i32>} : memref<32x768xf32, #tpu.memory_space<vmem>>, vector<1x16xf32>,
      %swap3A_627 = arith.index_cast %scan3A_586 : i32 to index
      %swap3A_628 = arith.constant 128 : index
      %swap3A_629 = tpu.vector_load %arg17[%swap3A_627, %swap3A_628] {strides = array<i32>} : memref<32x768xf32, #tpu.memory_space<vmem>>, vector<1x16xf32>,
      %swap3A_630 = vector.shape_cast %swap3A_629 : vector<1x16xf32> to vector<16xf32>
      %swap3A_631 = vector.shape_cast %get3A_306 : vector<16xf32> to vector<1x16xf32>
      tpu.vector_store %arg17[%swap3A_627, %swap3A_628], %swap3A_631 {add = true, strides = array<i32>} : memref<32x768xf32, #tpu.memory_space<vmem>>, vector<1x16xf32>,
      %swap3A_632 = arith.index_cast %scan3A_586 : i32 to index
      %swap3A_633 = arith.constant 144 : index
      %swap3A_634 = tpu.vector_load %arg17[%swap3A_632, %swap3A_633] {strides = array<i32>} : memref<32x768xf32, #tpu.memory_space<vmem>>, vector<1x16xf32>,
      %swap3A_635 = vector.shape_cast %swap3A_634 : vector<1x16xf32> to vector<16xf32>
      %swap3A_636 = vector.shape_cast %get3A_309 : vector<16xf32> to vector<1x16xf32>
      tpu.vector_store %arg17[%swap3A_632, %swap3A_633], %swap3A_636 {add = true, strides = array<i32>} : memref<32x768xf32, #tpu.memory_space<vmem>>, vector<1x16xf32>,
      %swap3A_637 = arith.index_cast %scan3A_586 : i32 to index
      %swap3A_638 = arith.constant 160 : index
      %swap3A_639 = tpu.vector_load %arg17[%swap3A_637, %swap3A_638] {strides = array<i32>} : memref<32x768xf32, #tpu.memory_space<vmem>>, vector<1x16xf32>,
      %swap3A_640 = vector.shape_cast %swap3A_639 : vector<1x16xf32> to vector<16xf32>
      %swap3A_641 = vector.shape_cast %get3A_312 : vector<16xf32> to vector<1x16xf32>
      tpu.vector_store %arg17[%swap3A_637, %swap3A_638], %swap3A_641 {add = true, strides = array<i32>} : memref<32x768xf32, #tpu.memory_space<vmem>>, vector<1x16xf32>,
      %swap3A_642 = arith.index_cast %scan3A_586 : i32 to index
      %swap3A_643 = arith.constant 176 : index
      %swap3A_644 = tpu.vector_load %arg17[%swap3A_642, %swap3A_643] {strides = array<i32>} : memref<32x768xf32, #tpu.memory_space<vmem>>, vector<1x16xf32>,
      %swap3A_645 = vector.shape_cast %swap3A_644 : vector<1x16xf32> to vector<16xf32>
      %swap3A_646 = vector.shape_cast %get3A_315 : vector<16xf32> to vector<1x16xf32>
      tpu.vector_store %arg17[%swap3A_642, %swap3A_643], %swap3A_646 {add = true, strides = array<i32>} : memref<32x768xf32, #tpu.memory_space<vmem>>, vector<1x16xf32>,
      %swap3A_647 = arith.index_cast %scan3A_586 : i32 to index
      %swap3A_648 = arith.constant 192 : index
      %swap3A_649 = tpu.vector_load %arg17[%swap3A_647, %swap3A_648] {strides = array<i32>} : memref<32x768xf32, #tpu.memory_space<vmem>>, vector<1x16xf32>,
      %swap3A_650 = vector.shape_cast %swap3A_649 : vector<1x16xf32> to vector<16xf32>
      %swap3A_651 = vector.shape_cast %get3A_318 : vector<16xf32> to vector<1x16xf32>
      tpu.vector_store %arg17[%swap3A_647, %swap3A_648], %swap3A_651 {add = true, strides = array<i32>} : memref<32x768xf32, #tpu.memory_space<vmem>>, vector<1x16xf32>,
      %swap3A_652 = arith.index_cast %scan3A_586 : i32 to index
      %swap3A_653 = arith.constant 208 : index
      %swap3A_654 = tpu.vector_load %arg17[%swap3A_652, %swap3A_653] {strides = array<i32>} : memref<32x768xf32, #tpu.memory_space<vmem>>, vector<1x16xf32>,
      %swap3A_655 = vector.shape_cast %swap3A_654 : vector<1x16xf32> to vector<16xf32>
      %swap3A_656 = vector.shape_cast %get3A_321 : vector<16xf32> to vector<1x16xf32>
      tpu.vector_store %arg17[%swap3A_652, %swap3A_653], %swap3A_656 {add = true, strides = array<i32>} : memref<32x768xf32, #tpu.memory_space<vmem>>, vector<1x16xf32>,
      %swap3A_657 = arith.index_cast %scan3A_586 : i32 to index
      %swap3A_658 = arith.constant 224 : index
      %swap3A_659 = tpu.vector_load %arg17[%swap3A_657, %swap3A_658] {strides = array<i32>} : memref<32x768xf32, #tpu.memory_space<vmem>>, vector<1x16xf32>,
      %swap3A_660 = vector.shape_cast %swap3A_659 : vector<1x16xf32> to vector<16xf32>
      %swap3A_661 = vector.shape_cast %get3A_324 : vector<16xf32> to vector<1x16xf32>
      tpu.vector_store %arg17[%swap3A_657, %swap3A_658], %swap3A_661 {add = true, strides = array<i32>} : memref<32x768xf32, #tpu.memory_space<vmem>>, vector<1x16xf32>,
      %swap3A_662 = arith.index_cast %scan3A_586 : i32 to index
      %swap3A_663 = arith.constant 240 : index
      %swap3A_664 = tpu.vector_load %arg17[%swap3A_662, %swap3A_663] {strides = array<i32>} : memref<32x768xf32, #tpu.memory_space<vmem>>, vector<1x16xf32>,
      %swap3A_665 = vector.shape_cast %swap3A_664 : vector<1x16xf32> to vector<16xf32>
      %swap3A_666 = vector.shape_cast %get3A_327 : vector<16xf32> to vector<1x16xf32>
      tpu.vector_store %arg17[%swap3A_662, %swap3A_663], %swap3A_666 {add = true, strides = array<i32>} : memref<32x768xf32, #tpu.memory_space<vmem>>, vector<1x16xf32>,
      %swap3A_667 = arith.index_cast %scan3A_586 : i32 to index
      %swap3A_668 = arith.constant 256 : index
      %swap3A_669 = tpu.vector_load %arg17[%swap3A_667, %swap3A_668] {strides = array<i32>} : memref<32x768xf32, #tpu.memory_space<vmem>>, vector<1x16xf32>,
      %swap3A_670 = vector.shape_cast %swap3A_669 : vector<1x16xf32> to vector<16xf32>
      %swap3A_671 = vector.shape_cast %get3A_330 : vector<16xf32> to vector<1x16xf32>
      tpu.vector_store %arg17[%swap3A_667, %swap3A_668], %swap3A_671 {add = true, strides = array<i32>} : memref<32x768xf32, #tpu.memory_space<vmem>>, vector<1x16xf32>,
      %swap3A_672 = arith.index_cast %scan3A_586 : i32 to index
      %swap3A_673 = arith.constant 272 : index
      %swap3A_674 = tpu.vector_load %arg17[%swap3A_672, %swap3A_673] {strides = array<i32>} : memref<32x768xf32, #tpu.memory_space<vmem>>, vector<1x16xf32>,
      %swap3A_675 = vector.shape_cast %swap3A_674 : vector<1x16xf32> to vector<16xf32>
      %swap3A_676 = vector.shape_cast %get3A_333 : vector<16xf32> to vector<1x16xf32>
      tpu.vector_store %arg17[%swap3A_672, %swap3A_673], %swap3A_676 {add = true, strides = array<i32>} : memref<32x768xf32, #tpu.memory_space<vmem>>, vector<1x16xf32>,
      %swap3A_677 = arith.index_cast %scan3A_586 : i32 to index
      %swap3A_678 = arith.constant 288 : index
      %swap3A_679 = tpu.vector_load %arg17[%swap3A_677, %swap3A_678] {strides = array<i32>} : memref<32x768xf32, #tpu.memory_space<vmem>>, vector<1x16xf32>,
      %swap3A_680 = vector.shape_cast %swap3A_679 : vector<1x16xf32> to vector<16xf32>
      %swap3A_681 = vector.shape_cast %get3A_336 : vector<16xf32> to vector<1x16xf32>
      tpu.vector_store %arg17[%swap3A_677, %swap3A_678], %swap3A_681 {add = true, strides = array<i32>} : memref<32x768xf32, #tpu.memory_space<vmem>>, vector<1x16xf32>,
      %swap3A_682 = arith.index_cast %scan3A_586 : i32 to index
      %swap3A_683 = arith.constant 304 : index
      %swap3A_684 = tpu.vector_load %arg17[%swap3A_682, %swap3A_683] {strides = array<i32>} : memref<32x768xf32, #tpu.memory_space<vmem>>, vector<1x16xf32>,
      %swap3A_685 = vector.shape_cast %swap3A_684 : vector<1x16xf32> to vector<16xf32>
      %swap3A_686 = vector.shape_cast %get3A_339 : vector<16xf32> to vector<1x16xf32>
      tpu.vector_store %arg17[%swap3A_682, %swap3A_683], %swap3A_686 {add = true, strides = array<i32>} : memref<32x768xf32, #tpu.memory_space<vmem>>, vector<1x16xf32>,
      %swap3A_687 = arith.index_cast %scan3A_586 : i32 to index
      %swap3A_688 = arith.constant 320 : index
      %swap3A_689 = tpu.vector_load %arg17[%swap3A_687, %swap3A_688] {strides = array<i32>} : memref<32x768xf32, #tpu.memory_space<vmem>>, vector<1x16xf32>,
      %swap3A_690 = vector.shape_cast %swap3A_689 : vector<1x16xf32> to vector<16xf32>
      %swap3A_691 = vector.shape_cast %get3A_342 : vector<16xf32> to vector<1x16xf32>
      tpu.vector_store %arg17[%swap3A_687, %swap3A_688], %swap3A_691 {add = true, strides = array<i32>} : memref<32x768xf32, #tpu.memory_space<vmem>>, vector<1x16xf32>,
      %swap3A_692 = arith.index_cast %scan3A_586 : i32 to index
      %swap3A_693 = arith.constant 336 : index
      %swap3A_694 = tpu.vector_load %arg17[%swap3A_692, %swap3A_693] {strides = array<i32>} : memref<32x768xf32, #tpu.memory_space<vmem>>, vector<1x16xf32>,
      %swap3A_695 = vector.shape_cast %swap3A_694 : vector<1x16xf32> to vector<16xf32>
      %swap3A_696 = vector.shape_cast %get3A_345 : vector<16xf32> to vector<1x16xf32>
      tpu.vector_store %arg17[%swap3A_692, %swap3A_693], %swap3A_696 {add = true, strides = array<i32>} : memref<32x768xf32, #tpu.memory_space<vmem>>, vector<1x16xf32>,
      %swap3A_697 = arith.index_cast %scan3A_586 : i32 to index
      %swap3A_698 = arith.constant 352 : index
      %swap3A_699 = tpu.vector_load %arg17[%swap3A_697, %swap3A_698] {strides = array<i32>} : memref<32x768xf32, #tpu.memory_space<vmem>>, vector<1x16xf32>,
      %swap3A_700 = vector.shape_cast %swap3A_699 : vector<1x16xf32> to vector<16xf32>
      %swap3A_701 = vector.shape_cast %get3A_348 : vector<16xf32> to vector<1x16xf32>
      tpu.vector_store %arg17[%swap3A_697, %swap3A_698], %swap3A_701 {add = true, strides = array<i32>} : memref<32x768xf32, #tpu.memory_space<vmem>>, vector<1x16xf32>,
      %swap3A_702 = arith.index_cast %scan3A_586 : i32 to index
      %swap3A_703 = arith.constant 368 : index
      %swap3A_704 = tpu.vector_load %arg17[%swap3A_702, %swap3A_703] {strides = array<i32>} : memref<32x768xf32, #tpu.memory_space<vmem>>, vector<1x16xf32>,
      %swap3A_705 = vector.shape_cast %swap3A_704 : vector<1x16xf32> to vector<16xf32>
      %swap3A_706 = vector.shape_cast %get3A_351 : vector<16xf32> to vector<1x16xf32>
      tpu.vector_store %arg17[%swap3A_702, %swap3A_703], %swap3A_706 {add = true, strides = array<i32>} : memref<32x768xf32, #tpu.memory_space<vmem>>, vector<1x16xf32>,
      %swap3A_707 = arith.index_cast %scan3A_586 : i32 to index
      %swap3A_708 = arith.constant 384 : index
      %swap3A_709 = tpu.vector_load %arg17[%swap3A_707, %swap3A_708] {strides = array<i32>} : memref<32x768xf32, #tpu.memory_space<vmem>>, vector<1x16xf32>,
      %swap3A_710 = vector.shape_cast %swap3A_709 : vector<1x16xf32> to vector<16xf32>
      %swap3A_711 = vector.shape_cast %get3A_354 : vector<16xf32> to vector<1x16xf32>
      tpu.vector_store %arg17[%swap3A_707, %swap3A_708], %swap3A_711 {add = true, strides = array<i32>} : memref<32x768xf32, #tpu.memory_space<vmem>>, vector<1x16xf32>,
      %swap3A_712 = arith.index_cast %scan3A_586 : i32 to index
      %swap3A_713 = arith.constant 400 : index
      %swap3A_714 = tpu.vector_load %arg17[%swap3A_712, %swap3A_713] {strides = array<i32>} : memref<32x768xf32, #tpu.memory_space<vmem>>, vector<1x16xf32>,
      %swap3A_715 = vector.shape_cast %swap3A_714 : vector<1x16xf32> to vector<16xf32>
      %swap3A_716 = vector.shape_cast %get3A_357 : vector<16xf32> to vector<1x16xf32>
      tpu.vector_store %arg17[%swap3A_712, %swap3A_713], %swap3A_716 {add = true, strides = array<i32>} : memref<32x768xf32, #tpu.memory_space<vmem>>, vector<1x16xf32>,
      %swap3A_717 = arith.index_cast %scan3A_586 : i32 to index
      %swap3A_718 = arith.constant 416 : index
      %swap3A_719 = tpu.vector_load %arg17[%swap3A_717, %swap3A_718] {strides = array<i32>} : memref<32x768xf32, #tpu.memory_space<vmem>>, vector<1x16xf32>,
      %swap3A_720 = vector.shape_cast %swap3A_719 : vector<1x16xf32> to vector<16xf32>
      %swap3A_721 = vector.shape_cast %get3A_360 : vector<16xf32> to vector<1x16xf32>
      tpu.vector_store %arg17[%swap3A_717, %swap3A_718], %swap3A_721 {add = true, strides = array<i32>} : memref<32x768xf32, #tpu.memory_space<vmem>>, vector<1x16xf32>,
      %swap3A_722 = arith.index_cast %scan3A_586 : i32 to index
      %swap3A_723 = arith.constant 432 : index
      %swap3A_724 = tpu.vector_load %arg17[%swap3A_722, %swap3A_723] {strides = array<i32>} : memref<32x768xf32, #tpu.memory_space<vmem>>, vector<1x16xf32>,
      %swap3A_725 = vector.shape_cast %swap3A_724 : vector<1x16xf32> to vector<16xf32>
      %swap3A_726 = vector.shape_cast %get3A_363 : vector<16xf32> to vector<1x16xf32>
      tpu.vector_store %arg17[%swap3A_722, %swap3A_723], %swap3A_726 {add = true, strides = array<i32>} : memref<32x768xf32, #tpu.memory_space<vmem>>, vector<1x16xf32>,
      %swap3A_727 = arith.index_cast %scan3A_586 : i32 to index
      %swap3A_728 = arith.constant 448 : index
      %swap3A_729 = tpu.vector_load %arg17[%swap3A_727, %swap3A_728] {strides = array<i32>} : memref<32x768xf32, #tpu.memory_space<vmem>>, vector<1x16xf32>,
      %swap3A_730 = vector.shape_cast %swap3A_729 : vector<1x16xf32> to vector<16xf32>
      %swap3A_731 = vector.shape_cast %get3A_366 : vector<16xf32> to vector<1x16xf32>
      tpu.vector_store %arg17[%swap3A_727, %swap3A_728], %swap3A_731 {add = true, strides = array<i32>} : memref<32x768xf32, #tpu.memory_space<vmem>>, vector<1x16xf32>,
      %swap3A_732 = arith.index_cast %scan3A_586 : i32 to index
      %swap3A_733 = arith.constant 464 : index
      %swap3A_734 = tpu.vector_load %arg17[%swap3A_732, %swap3A_733] {strides = array<i32>} : memref<32x768xf32, #tpu.memory_space<vmem>>, vector<1x16xf32>,
      %swap3A_735 = vector.shape_cast %swap3A_734 : vector<1x16xf32> to vector<16xf32>
      %swap3A_736 = vector.shape_cast %get3A_369 : vector<16xf32> to vector<1x16xf32>
      tpu.vector_store %arg17[%swap3A_732, %swap3A_733], %swap3A_736 {add = true, strides = array<i32>} : memref<32x768xf32, #tpu.memory_space<vmem>>, vector<1x16xf32>,
      %swap3A_737 = arith.index_cast %scan3A_586 : i32 to index
      %swap3A_738 = arith.constant 480 : index
      %swap3A_739 = tpu.vector_load %arg17[%swap3A_737, %swap3A_738] {strides = array<i32>} : memref<32x768xf32, #tpu.memory_space<vmem>>, vector<1x16xf32>,
      %swap3A_740 = vector.shape_cast %swap3A_739 : vector<1x16xf32> to vector<16xf32>
      %swap3A_741 = vector.shape_cast %get3A_372 : vector<16xf32> to vector<1x16xf32>
      tpu.vector_store %arg17[%swap3A_737, %swap3A_738], %swap3A_741 {add = true, strides = array<i32>} : memref<32x768xf32, #tpu.memory_space<vmem>>, vector<1x16xf32>,
      %swap3A_742 = arith.index_cast %scan3A_586 : i32 to index
      %swap3A_743 = arith.constant 496 : index
      %swap3A_744 = tpu.vector_load %arg17[%swap3A_742, %swap3A_743] {strides = array<i32>} : memref<32x768xf32, #tpu.memory_space<vmem>>, vector<1x16xf32>,
      %swap3A_745 = vector.shape_cast %swap3A_744 : vector<1x16xf32> to vector<16xf32>
      %swap3A_746 = vector.shape_cast %get3A_375 : vector<16xf32> to vector<1x16xf32>
      tpu.vector_store %arg17[%swap3A_742, %swap3A_743], %swap3A_746 {add = true, strides = array<i32>} : memref<32x768xf32, #tpu.memory_space<vmem>>, vector<1x16xf32>,
      %swap3A_747 = arith.index_cast %scan3A_586 : i32 to index
      %swap3A_748 = arith.constant 512 : index
      %swap3A_749 = tpu.vector_load %arg17[%swap3A_747, %swap3A_748] {strides = array<i32>} : memref<32x768xf32, #tpu.memory_space<vmem>>, vector<1x16xf32>,
      %swap3A_750 = vector.shape_cast %swap3A_749 : vector<1x16xf32> to vector<16xf32>
      %swap3A_751 = vector.shape_cast %get3A_378 : vector<16xf32> to vector<1x16xf32>
      tpu.vector_store %arg17[%swap3A_747, %swap3A_748], %swap3A_751 {add = true, strides = array<i32>} : memref<32x768xf32, #tpu.memory_space<vmem>>, vector<1x16xf32>,
      %swap3A_752 = arith.index_cast %scan3A_586 : i32 to index
      %swap3A_753 = arith.constant 528 : index
      %swap3A_754 = tpu.vector_load %arg17[%swap3A_752, %swap3A_753] {strides = array<i32>} : memref<32x768xf32, #tpu.memory_space<vmem>>, vector<1x16xf32>,
      %swap3A_755 = vector.shape_cast %swap3A_754 : vector<1x16xf32> to vector<16xf32>
      %swap3A_756 = vector.shape_cast %get3A_381 : vector<16xf32> to vector<1x16xf32>
      tpu.vector_store %arg17[%swap3A_752, %swap3A_753], %swap3A_756 {add = true, strides = array<i32>} : memref<32x768xf32, #tpu.memory_space<vmem>>, vector<1x16xf32>,
      %swap3A_757 = arith.index_cast %scan3A_586 : i32 to index
      %swap3A_758 = arith.constant 544 : index
      %swap3A_759 = tpu.vector_load %arg17[%swap3A_757, %swap3A_758] {strides = array<i32>} : memref<32x768xf32, #tpu.memory_space<vmem>>, vector<1x16xf32>,
      %swap3A_760 = vector.shape_cast %swap3A_759 : vector<1x16xf32> to vector<16xf32>
      %swap3A_761 = vector.shape_cast %get3A_384 : vector<16xf32> to vector<1x16xf32>
      tpu.vector_store %arg17[%swap3A_757, %swap3A_758], %swap3A_761 {add = true, strides = array<i32>} : memref<32x768xf32, #tpu.memory_space<vmem>>, vector<1x16xf32>,
      %swap3A_762 = arith.index_cast %scan3A_586 : i32 to index
      %swap3A_763 = arith.constant 560 : index
      %swap3A_764 = tpu.vector_load %arg17[%swap3A_762, %swap3A_763] {strides = array<i32>} : memref<32x768xf32, #tpu.memory_space<vmem>>, vector<1x16xf32>,
      %swap3A_765 = vector.shape_cast %swap3A_764 : vector<1x16xf32> to vector<16xf32>
      %swap3A_766 = vector.shape_cast %get3A_387 : vector<16xf32> to vector<1x16xf32>
      tpu.vector_store %arg17[%swap3A_762, %swap3A_763], %swap3A_766 {add = true, strides = array<i32>} : memref<32x768xf32, #tpu.memory_space<vmem>>, vector<1x16xf32>,
      %swap3A_767 = arith.index_cast %scan3A_586 : i32 to index
      %swap3A_768 = arith.constant 576 : index
      %swap3A_769 = tpu.vector_load %arg17[%swap3A_767, %swap3A_768] {strides = array<i32>} : memref<32x768xf32, #tpu.memory_space<vmem>>, vector<1x16xf32>,
      %swap3A_770 = vector.shape_cast %swap3A_769 : vector<1x16xf32> to vector<16xf32>
      %swap3A_771 = vector.shape_cast %get3A_390 : vector<16xf32> to vector<1x16xf32>
      tpu.vector_store %arg17[%swap3A_767, %swap3A_768], %swap3A_771 {add = true, strides = array<i32>} : memref<32x768xf32, #tpu.memory_space<vmem>>, vector<1x16xf32>,
      %swap3A_772 = arith.index_cast %scan3A_586 : i32 to index
      %swap3A_773 = arith.constant 592 : index
      %swap3A_774 = tpu.vector_load %arg17[%swap3A_772, %swap3A_773] {strides = array<i32>} : memref<32x768xf32, #tpu.memory_space<vmem>>, vector<1x16xf32>,
      %swap3A_775 = vector.shape_cast %swap3A_774 : vector<1x16xf32> to vector<16xf32>
      %swap3A_776 = vector.shape_cast %get3A_393 : vector<16xf32> to vector<1x16xf32>
      tpu.vector_store %arg17[%swap3A_772, %swap3A_773], %swap3A_776 {add = true, strides = array<i32>} : memref<32x768xf32, #tpu.memory_space<vmem>>, vector<1x16xf32>,
      %swap3A_777 = arith.index_cast %scan3A_586 : i32 to index
      %swap3A_778 = arith.constant 608 : index
      %swap3A_779 = tpu.vector_load %arg17[%swap3A_777, %swap3A_778] {strides = array<i32>} : memref<32x768xf32, #tpu.memory_space<vmem>>, vector<1x16xf32>,
      %swap3A_780 = vector.shape_cast %swap3A_779 : vector<1x16xf32> to vector<16xf32>
      %swap3A_781 = vector.shape_cast %get3A_396 : vector<16xf32> to vector<1x16xf32>
      tpu.vector_store %arg17[%swap3A_777, %swap3A_778], %swap3A_781 {add = true, strides = array<i32>} : memref<32x768xf32, #tpu.memory_space<vmem>>, vector<1x16xf32>,
      %swap3A_782 = arith.index_cast %scan3A_586 : i32 to index
      %swap3A_783 = arith.constant 624 : index
      %swap3A_784 = tpu.vector_load %arg17[%swap3A_782, %swap3A_783] {strides = array<i32>} : memref<32x768xf32, #tpu.memory_space<vmem>>, vector<1x16xf32>,
      %swap3A_785 = vector.shape_cast %swap3A_784 : vector<1x16xf32> to vector<16xf32>
      %swap3A_786 = vector.shape_cast %get3A_399 : vector<16xf32> to vector<1x16xf32>
      tpu.vector_store %arg17[%swap3A_782, %swap3A_783], %swap3A_786 {add = true, strides = array<i32>} : memref<32x768xf32, #tpu.memory_space<vmem>>, vector<1x16xf32>,
      %swap3A_787 = arith.index_cast %scan3A_586 : i32 to index
      %swap3A_788 = arith.constant 640 : index
      %swap3A_789 = tpu.vector_load %arg17[%swap3A_787, %swap3A_788] {strides = array<i32>} : memref<32x768xf32, #tpu.memory_space<vmem>>, vector<1x16xf32>,
      %swap3A_790 = vector.shape_cast %swap3A_789 : vector<1x16xf32> to vector<16xf32>
      %swap3A_791 = vector.shape_cast %get3A_402 : vector<16xf32> to vector<1x16xf32>
      tpu.vector_store %arg17[%swap3A_787, %swap3A_788], %swap3A_791 {add = true, strides = array<i32>} : memref<32x768xf32, #tpu.memory_space<vmem>>, vector<1x16xf32>,
      %swap3A_792 = arith.index_cast %scan3A_586 : i32 to index
      %swap3A_793 = arith.constant 656 : index
      %swap3A_794 = tpu.vector_load %arg17[%swap3A_792, %swap3A_793] {strides = array<i32>} : memref<32x768xf32, #tpu.memory_space<vmem>>, vector<1x16xf32>,
      %swap3A_795 = vector.shape_cast %swap3A_794 : vector<1x16xf32> to vector<16xf32>
      %swap3A_796 = vector.shape_cast %get3A_405 : vector<16xf32> to vector<1x16xf32>
      tpu.vector_store %arg17[%swap3A_792, %swap3A_793], %swap3A_796 {add = true, strides = array<i32>} : memref<32x768xf32, #tpu.memory_space<vmem>>, vector<1x16xf32>,
      %swap3A_797 = arith.index_cast %scan3A_586 : i32 to index
      %swap3A_798 = arith.constant 672 : index
      %swap3A_799 = tpu.vector_load %arg17[%swap3A_797, %swap3A_798] {strides = array<i32>} : memref<32x768xf32, #tpu.memory_space<vmem>>, vector<1x16xf32>,
      %swap3A_800 = vector.shape_cast %swap3A_799 : vector<1x16xf32> to vector<16xf32>
      %swap3A_801 = vector.shape_cast %get3A_408 : vector<16xf32> to vector<1x16xf32>
      tpu.vector_store %arg17[%swap3A_797, %swap3A_798], %swap3A_801 {add = true, strides = array<i32>} : memref<32x768xf32, #tpu.memory_space<vmem>>, vector<1x16xf32>,
      %swap3A_802 = arith.index_cast %scan3A_586 : i32 to index
      %swap3A_803 = arith.constant 688 : index
      %swap3A_804 = tpu.vector_load %arg17[%swap3A_802, %swap3A_803] {strides = array<i32>} : memref<32x768xf32, #tpu.memory_space<vmem>>, vector<1x16xf32>,
      %swap3A_805 = vector.shape_cast %swap3A_804 : vector<1x16xf32> to vector<16xf32>
      %swap3A_806 = vector.shape_cast %get3A_411 : vector<16xf32> to vector<1x16xf32>
      tpu.vector_store %arg17[%swap3A_802, %swap3A_803], %swap3A_806 {add = true, strides = array<i32>} : memref<32x768xf32, #tpu.memory_space<vmem>>, vector<1x16xf32>,
      %swap3A_807 = arith.index_cast %scan3A_586 : i32 to index
      %swap3A_808 = arith.constant 704 : index
      %swap3A_809 = tpu.vector_load %arg17[%swap3A_807, %swap3A_808] {strides = array<i32>} : memref<32x768xf32, #tpu.memory_space<vmem>>, vector<1x16xf32>,
      %swap3A_810 = vector.shape_cast %swap3A_809 : vector<1x16xf32> to vector<16xf32>
      %swap3A_811 = vector.shape_cast %get3A_414 : vector<16xf32> to vector<1x16xf32>
      tpu.vector_store %arg17[%swap3A_807, %swap3A_808], %swap3A_811 {add = true, strides = array<i32>} : memref<32x768xf32, #tpu.memory_space<vmem>>, vector<1x16xf32>,
      %swap3A_812 = arith.index_cast %scan3A_586 : i32 to index
      %swap3A_813 = arith.constant 720 : index
      %swap3A_814 = tpu.vector_load %arg17[%swap3A_812, %swap3A_813] {strides = array<i32>} : memref<32x768xf32, #tpu.memory_space<vmem>>, vector<1x16xf32>,
      %swap3A_815 = vector.shape_cast %swap3A_814 : vector<1x16xf32> to vector<16xf32>
      %swap3A_816 = vector.shape_cast %get3A_417 : vector<16xf32> to vector<1x16xf32>
      tpu.vector_store %arg17[%swap3A_812, %swap3A_813], %swap3A_816 {add = true, strides = array<i32>} : memref<32x768xf32, #tpu.memory_space<vmem>>, vector<1x16xf32>,
      %swap3A_817 = arith.index_cast %scan3A_586 : i32 to index
      %swap3A_818 = arith.constant 736 : index
      %swap3A_819 = tpu.vector_load %arg17[%swap3A_817, %swap3A_818] {strides = array<i32>} : memref<32x768xf32, #tpu.memory_space<vmem>>, vector<1x16xf32>,
      %swap3A_820 = vector.shape_cast %swap3A_819 : vector<1x16xf32> to vector<16xf32>
      %swap3A_821 = vector.shape_cast %get3A_420 : vector<16xf32> to vector<1x16xf32>
      tpu.vector_store %arg17[%swap3A_817, %swap3A_818], %swap3A_821 {add = true, strides = array<i32>} : memref<32x768xf32, #tpu.memory_space<vmem>>, vector<1x16xf32>,
      %swap3A_822 = arith.index_cast %scan3A_586 : i32 to index
      %swap3A_823 = arith.constant 752 : index
      %swap3A_824 = tpu.vector_load %arg17[%swap3A_822, %swap3A_823] {strides = array<i32>} : memref<32x768xf32, #tpu.memory_space<vmem>>, vector<1x16xf32>,
      %swap3A_825 = vector.shape_cast %swap3A_824 : vector<1x16xf32> to vector<16xf32>
      %swap3A_826 = vector.shape_cast %get3A_423 : vector<16xf32> to vector<1x16xf32>
      tpu.vector_store %arg17[%swap3A_822, %swap3A_823], %swap3A_826 {add = true, strides = array<i32>} : memref<32x768xf32, #tpu.memory_space<vmem>>, vector<1x16xf32>,
    }
    %scan3A_529 = arith.constant 32 : i32
    %add3A_530 = arith.constant 160 : i32
    %add3A_531 = arith.addi %mul3A_2, %add3A_530 : i32
    %dma_start3A_532 = arith.constant 0 : i32
    %dma_start3A_533 = tpu.memref_slice %arg5[%add3A_531, %dma_start3A_532] : memref<8192x768xf32, #tpu.memory_space<hbm>> -> memref<32x768xf32, #tpu.memory_space<hbm>>
    %dma_start3A_534 = arith.constant 0 : i32
    %dma_start3A_535 = tpu.memref_slice %arg5[%add3A_531, %dma_start3A_534] : memref<8192x768xf32, #tpu.memory_space<hbm>> -> memref<32x768xf32, #tpu.memory_space<hbm>>
    tpu.enqueue_dma source(%arg17 : memref<32x768xf32, #tpu.memory_space<vmem>>) target(%dma_start3A_535 : memref<32x768xf32, #tpu.memory_space<hbm>>) target_semaphore(%arg27 : memref<!tpu.dma_semaphore, #tpu.memory_space<semaphore_mem>>)
    %dma_wait3A_536 = arith.constant 0 : i32
    %dma_wait3A_537 = arith.constant 0 : i32
    %dma_wait3A_538 = tpu.memref_slice %arg3[%dma_wait3A_536, %dma_wait3A_537] : memref<100000x768xf32, #tpu.memory_space<hbm>> -> memref<100000x768xf32, #tpu.memory_space<hbm>>
    tpu.wait_indirect_dma semaphore(%arg23 : memref<!tpu.dma_semaphore, #tpu.memory_space<semaphore_mem>>) src(%dma_wait3A_538 : memref<100000x768xf32, #tpu.memory_space<hbm>>) dst(%arg18 : memref<32x768xf32, #tpu.memory_space<vmem>>)
    %scan3A_539 = arith.constant 0 : i32
    %scan3A_540 = arith.constant 0 : i32
    %scan3A_541 = arith.constant 32 : i32
    %scan3A_542 = arith.addi %scan3A_540, %scan3A_541 : i32
    %scan3A_543 = arith.constant 1 : i32
    scf.for %scan3A_586 = %scan3A_540 to %scan3A_542 step %scan3A_543  : i32 {
      %swap3A_587 = arith.index_cast %scan3A_586 : i32 to index
      %swap3A_588 = arith.constant 0 : index
      %swap3A_589 = tpu.vector_load %arg18[%swap3A_587, %swap3A_588] {strides = array<i32>} : memref<32x768xf32, #tpu.memory_space<vmem>>, vector<1x16xf32>,
      %swap3A_590 = vector.shape_cast %swap3A_589 : vector<1x16xf32> to vector<16xf32>
      %swap3A_591 = vector.shape_cast %get3A_282 : vector<16xf32> to vector<1x16xf32>
      tpu.vector_store %arg18[%swap3A_587, %swap3A_588], %swap3A_591 {add = true, strides = array<i32>} : memref<32x768xf32, #tpu.memory_space<vmem>>, vector<1x16xf32>,
      %swap3A_592 = arith.index_cast %scan3A_586 : i32 to index
      %swap3A_593 = arith.constant 16 : index
      %swap3A_594 = tpu.vector_load %arg18[%swap3A_592, %swap3A_593] {strides = array<i32>} : memref<32x768xf32, #tpu.memory_space<vmem>>, vector<1x16xf32>,
      %swap3A_595 = vector.shape_cast %swap3A_594 : vector<1x16xf32> to vector<16xf32>
      %swap3A_596 = vector.shape_cast %get3A_285 : vector<16xf32> to vector<1x16xf32>
      tpu.vector_store %arg18[%swap3A_592, %swap3A_593], %swap3A_596 {add = true, strides = array<i32>} : memref<32x768xf32, #tpu.memory_space<vmem>>, vector<1x16xf32>,
      %swap3A_597 = arith.index_cast %scan3A_586 : i32 to index
      %swap3A_598 = arith.constant 32 : index
      %swap3A_599 = tpu.vector_load %arg18[%swap3A_597, %swap3A_598] {strides = array<i32>} : memref<32x768xf32, #tpu.memory_space<vmem>>, vector<1x16xf32>,
      %swap3A_600 = vector.shape_cast %swap3A_599 : vector<1x16xf32> to vector<16xf32>
      %swap3A_601 = vector.shape_cast %get3A_288 : vector<16xf32> to vector<1x16xf32>
      tpu.vector_store %arg18[%swap3A_597, %swap3A_598], %swap3A_601 {add = true, strides = array<i32>} : memref<32x768xf32, #tpu.memory_space<vmem>>, vector<1x16xf32>,
      %swap3A_602 = arith.index_cast %scan3A_586 : i32 to index
      %swap3A_603 = arith.constant 48 : index
      %swap3A_604 = tpu.vector_load %arg18[%swap3A_602, %swap3A_603] {strides = array<i32>} : memref<32x768xf32, #tpu.memory_space<vmem>>, vector<1x16xf32>,
      %swap3A_605 = vector.shape_cast %swap3A_604 : vector<1x16xf32> to vector<16xf32>
      %swap3A_606 = vector.shape_cast %get3A_291 : vector<16xf32> to vector<1x16xf32>
      tpu.vector_store %arg18[%swap3A_602, %swap3A_603], %swap3A_606 {add = true, strides = array<i32>} : memref<32x768xf32, #tpu.memory_space<vmem>>, vector<1x16xf32>,
      %swap3A_607 = arith.index_cast %scan3A_586 : i32 to index
      %swap3A_608 = arith.constant 64 : index
      %swap3A_609 = tpu.vector_load %arg18[%swap3A_607, %swap3A_608] {strides = array<i32>} : memref<32x768xf32, #tpu.memory_space<vmem>>, vector<1x16xf32>,
      %swap3A_610 = vector.shape_cast %swap3A_609 : vector<1x16xf32> to vector<16xf32>
      %swap3A_611 = vector.shape_cast %get3A_294 : vector<16xf32> to vector<1x16xf32>
      tpu.vector_store %arg18[%swap3A_607, %swap3A_608], %swap3A_611 {add = true, strides = array<i32>} : memref<32x768xf32, #tpu.memory_space<vmem>>, vector<1x16xf32>,
      %swap3A_612 = arith.index_cast %scan3A_586 : i32 to index
      %swap3A_613 = arith.constant 80 : index
      %swap3A_614 = tpu.vector_load %arg18[%swap3A_612, %swap3A_613] {strides = array<i32>} : memref<32x768xf32, #tpu.memory_space<vmem>>, vector<1x16xf32>,
      %swap3A_615 = vector.shape_cast %swap3A_614 : vector<1x16xf32> to vector<16xf32>
      %swap3A_616 = vector.shape_cast %get3A_297 : vector<16xf32> to vector<1x16xf32>
      tpu.vector_store %arg18[%swap3A_612, %swap3A_613], %swap3A_616 {add = true, strides = array<i32>} : memref<32x768xf32, #tpu.memory_space<vmem>>, vector<1x16xf32>,
      %swap3A_617 = arith.index_cast %scan3A_586 : i32 to index
      %swap3A_618 = arith.constant 96 : index
      %swap3A_619 = tpu.vector_load %arg18[%swap3A_617, %swap3A_618] {strides = array<i32>} : memref<32x768xf32, #tpu.memory_space<vmem>>, vector<1x16xf32>,
      %swap3A_620 = vector.shape_cast %swap3A_619 : vector<1x16xf32> to vector<16xf32>
      %swap3A_621 = vector.shape_cast %get3A_300 : vector<16xf32> to vector<1x16xf32>
      tpu.vector_store %arg18[%swap3A_617, %swap3A_618], %swap3A_621 {add = true, strides = array<i32>} : memref<32x768xf32, #tpu.memory_space<vmem>>, vector<1x16xf32>,
      %swap3A_622 = arith.index_cast %scan3A_586 : i32 to index
      %swap3A_623 = arith.constant 112 : index
      %swap3A_624 = tpu.vector_load %arg18[%swap3A_622, %swap3A_623] {strides = array<i32>} : memref<32x768xf32, #tpu.memory_space<vmem>>, vector<1x16xf32>,
      %swap3A_625 = vector.shape_cast %swap3A_624 : vector<1x16xf32> to vector<16xf32>
      %swap3A_626 = vector.shape_cast %get3A_303 : vector<16xf32> to vector<1x16xf32>
      tpu.vector_store %arg18[%swap3A_622, %swap3A_623], %swap3A_626 {add = true, strides = array<i32>} : memref<32x768xf32, #tpu.memory_space<vmem>>, vector<1x16xf32>,
      %swap3A_627 = arith.index_cast %scan3A_586 : i32 to index
      %swap3A_628 = arith.constant 128 : index
      %swap3A_629 = tpu.vector_load %arg18[%swap3A_627, %swap3A_628] {strides = array<i32>} : memref<32x768xf32, #tpu.memory_space<vmem>>, vector<1x16xf32>,
      %swap3A_630 = vector.shape_cast %swap3A_629 : vector<1x16xf32> to vector<16xf32>
      %swap3A_631 = vector.shape_cast %get3A_306 : vector<16xf32> to vector<1x16xf32>
      tpu.vector_store %arg18[%swap3A_627, %swap3A_628], %swap3A_631 {add = true, strides = array<i32>} : memref<32x768xf32, #tpu.memory_space<vmem>>, vector<1x16xf32>,
      %swap3A_632 = arith.index_cast %scan3A_586 : i32 to index
      %swap3A_633 = arith.constant 144 : index
      %swap3A_634 = tpu.vector_load %arg18[%swap3A_632, %swap3A_633] {strides = array<i32>} : memref<32x768xf32, #tpu.memory_space<vmem>>, vector<1x16xf32>,
      %swap3A_635 = vector.shape_cast %swap3A_634 : vector<1x16xf32> to vector<16xf32>
      %swap3A_636 = vector.shape_cast %get3A_309 : vector<16xf32> to vector<1x16xf32>
      tpu.vector_store %arg18[%swap3A_632, %swap3A_633], %swap3A_636 {add = true, strides = array<i32>} : memref<32x768xf32, #tpu.memory_space<vmem>>, vector<1x16xf32>,
      %swap3A_637 = arith.index_cast %scan3A_586 : i32 to index
      %swap3A_638 = arith.constant 160 : index
      %swap3A_639 = tpu.vector_load %arg18[%swap3A_637, %swap3A_638] {strides = array<i32>} : memref<32x768xf32, #tpu.memory_space<vmem>>, vector<1x16xf32>,
      %swap3A_640 = vector.shape_cast %swap3A_639 : vector<1x16xf32> to vector<16xf32>
      %swap3A_641 = vector.shape_cast %get3A_312 : vector<16xf32> to vector<1x16xf32>
      tpu.vector_store %arg18[%swap3A_637, %swap3A_638], %swap3A_641 {add = true, strides = array<i32>} : memref<32x768xf32, #tpu.memory_space<vmem>>, vector<1x16xf32>,
      %swap3A_642 = arith.index_cast %scan3A_586 : i32 to index
      %swap3A_643 = arith.constant 176 : index
      %swap3A_644 = tpu.vector_load %arg18[%swap3A_642, %swap3A_643] {strides = array<i32>} : memref<32x768xf32, #tpu.memory_space<vmem>>, vector<1x16xf32>,
      %swap3A_645 = vector.shape_cast %swap3A_644 : vector<1x16xf32> to vector<16xf32>
      %swap3A_646 = vector.shape_cast %get3A_315 : vector<16xf32> to vector<1x16xf32>
      tpu.vector_store %arg18[%swap3A_642, %swap3A_643], %swap3A_646 {add = true, strides = array<i32>} : memref<32x768xf32, #tpu.memory_space<vmem>>, vector<1x16xf32>,
      %swap3A_647 = arith.index_cast %scan3A_586 : i32 to index
      %swap3A_648 = arith.constant 192 : index
      %swap3A_649 = tpu.vector_load %arg18[%swap3A_647, %swap3A_648] {strides = array<i32>} : memref<32x768xf32, #tpu.memory_space<vmem>>, vector<1x16xf32>,
      %swap3A_650 = vector.shape_cast %swap3A_649 : vector<1x16xf32> to vector<16xf32>
      %swap3A_651 = vector.shape_cast %get3A_318 : vector<16xf32> to vector<1x16xf32>
      tpu.vector_store %arg18[%swap3A_647, %swap3A_648], %swap3A_651 {add = true, strides = array<i32>} : memref<32x768xf32, #tpu.memory_space<vmem>>, vector<1x16xf32>,
      %swap3A_652 = arith.index_cast %scan3A_586 : i32 to index
      %swap3A_653 = arith.constant 208 : index
      %swap3A_654 = tpu.vector_load %arg18[%swap3A_652, %swap3A_653] {strides = array<i32>} : memref<32x768xf32, #tpu.memory_space<vmem>>, vector<1x16xf32>,
      %swap3A_655 = vector.shape_cast %swap3A_654 : vector<1x16xf32> to vector<16xf32>
      %swap3A_656 = vector.shape_cast %get3A_321 : vector<16xf32> to vector<1x16xf32>
      tpu.vector_store %arg18[%swap3A_652, %swap3A_653], %swap3A_656 {add = true, strides = array<i32>} : memref<32x768xf32, #tpu.memory_space<vmem>>, vector<1x16xf32>,
      %swap3A_657 = arith.index_cast %scan3A_586 : i32 to index
      %swap3A_658 = arith.constant 224 : index
      %swap3A_659 = tpu.vector_load %arg18[%swap3A_657, %swap3A_658] {strides = array<i32>} : memref<32x768xf32, #tpu.memory_space<vmem>>, vector<1x16xf32>,
      %swap3A_660 = vector.shape_cast %swap3A_659 : vector<1x16xf32> to vector<16xf32>
      %swap3A_661 = vector.shape_cast %get3A_324 : vector<16xf32> to vector<1x16xf32>
      tpu.vector_store %arg18[%swap3A_657, %swap3A_658], %swap3A_661 {add = true, strides = array<i32>} : memref<32x768xf32, #tpu.memory_space<vmem>>, vector<1x16xf32>,
      %swap3A_662 = arith.index_cast %scan3A_586 : i32 to index
      %swap3A_663 = arith.constant 240 : index
      %swap3A_664 = tpu.vector_load %arg18[%swap3A_662, %swap3A_663] {strides = array<i32>} : memref<32x768xf32, #tpu.memory_space<vmem>>, vector<1x16xf32>,
      %swap3A_665 = vector.shape_cast %swap3A_664 : vector<1x16xf32> to vector<16xf32>
      %swap3A_666 = vector.shape_cast %get3A_327 : vector<16xf32> to vector<1x16xf32>
      tpu.vector_store %arg18[%swap3A_662, %swap3A_663], %swap3A_666 {add = true, strides = array<i32>} : memref<32x768xf32, #tpu.memory_space<vmem>>, vector<1x16xf32>,
      %swap3A_667 = arith.index_cast %scan3A_586 : i32 to index
      %swap3A_668 = arith.constant 256 : index
      %swap3A_669 = tpu.vector_load %arg18[%swap3A_667, %swap3A_668] {strides = array<i32>} : memref<32x768xf32, #tpu.memory_space<vmem>>, vector<1x16xf32>,
      %swap3A_670 = vector.shape_cast %swap3A_669 : vector<1x16xf32> to vector<16xf32>
      %swap3A_671 = vector.shape_cast %get3A_330 : vector<16xf32> to vector<1x16xf32>
      tpu.vector_store %arg18[%swap3A_667, %swap3A_668], %swap3A_671 {add = true, strides = array<i32>} : memref<32x768xf32, #tpu.memory_space<vmem>>, vector<1x16xf32>,
      %swap3A_672 = arith.index_cast %scan3A_586 : i32 to index
      %swap3A_673 = arith.constant 272 : index
      %swap3A_674 = tpu.vector_load %arg18[%swap3A_672, %swap3A_673] {strides = array<i32>} : memref<32x768xf32, #tpu.memory_space<vmem>>, vector<1x16xf32>,
      %swap3A_675 = vector.shape_cast %swap3A_674 : vector<1x16xf32> to vector<16xf32>
      %swap3A_676 = vector.shape_cast %get3A_333 : vector<16xf32> to vector<1x16xf32>
      tpu.vector_store %arg18[%swap3A_672, %swap3A_673], %swap3A_676 {add = true, strides = array<i32>} : memref<32x768xf32, #tpu.memory_space<vmem>>, vector<1x16xf32>,
      %swap3A_677 = arith.index_cast %scan3A_586 : i32 to index
      %swap3A_678 = arith.constant 288 : index
      %swap3A_679 = tpu.vector_load %arg18[%swap3A_677, %swap3A_678] {strides = array<i32>} : memref<32x768xf32, #tpu.memory_space<vmem>>, vector<1x16xf32>,
      %swap3A_680 = vector.shape_cast %swap3A_679 : vector<1x16xf32> to vector<16xf32>
      %swap3A_681 = vector.shape_cast %get3A_336 : vector<16xf32> to vector<1x16xf32>
      tpu.vector_store %arg18[%swap3A_677, %swap3A_678], %swap3A_681 {add = true, strides = array<i32>} : memref<32x768xf32, #tpu.memory_space<vmem>>, vector<1x16xf32>,
      %swap3A_682 = arith.index_cast %scan3A_586 : i32 to index
      %swap3A_683 = arith.constant 304 : index
      %swap3A_684 = tpu.vector_load %arg18[%swap3A_682, %swap3A_683] {strides = array<i32>} : memref<32x768xf32, #tpu.memory_space<vmem>>, vector<1x16xf32>,
      %swap3A_685 = vector.shape_cast %swap3A_684 : vector<1x16xf32> to vector<16xf32>
      %swap3A_686 = vector.shape_cast %get3A_339 : vector<16xf32> to vector<1x16xf32>
      tpu.vector_store %arg18[%swap3A_682, %swap3A_683], %swap3A_686 {add = true, strides = array<i32>} : memref<32x768xf32, #tpu.memory_space<vmem>>, vector<1x16xf32>,
      %swap3A_687 = arith.index_cast %scan3A_586 : i32 to index
      %swap3A_688 = arith.constant 320 : index
      %swap3A_689 = tpu.vector_load %arg18[%swap3A_687, %swap3A_688] {strides = array<i32>} : memref<32x768xf32, #tpu.memory_space<vmem>>, vector<1x16xf32>,
      %swap3A_690 = vector.shape_cast %swap3A_689 : vector<1x16xf32> to vector<16xf32>
      %swap3A_691 = vector.shape_cast %get3A_342 : vector<16xf32> to vector<1x16xf32>
      tpu.vector_store %arg18[%swap3A_687, %swap3A_688], %swap3A_691 {add = true, strides = array<i32>} : memref<32x768xf32, #tpu.memory_space<vmem>>, vector<1x16xf32>,
      %swap3A_692 = arith.index_cast %scan3A_586 : i32 to index
      %swap3A_693 = arith.constant 336 : index
      %swap3A_694 = tpu.vector_load %arg18[%swap3A_692, %swap3A_693] {strides = array<i32>} : memref<32x768xf32, #tpu.memory_space<vmem>>, vector<1x16xf32>,
      %swap3A_695 = vector.shape_cast %swap3A_694 : vector<1x16xf32> to vector<16xf32>
      %swap3A_696 = vector.shape_cast %get3A_345 : vector<16xf32> to vector<1x16xf32>
      tpu.vector_store %arg18[%swap3A_692, %swap3A_693], %swap3A_696 {add = true, strides = array<i32>} : memref<32x768xf32, #tpu.memory_space<vmem>>, vector<1x16xf32>,
      %swap3A_697 = arith.index_cast %scan3A_586 : i32 to index
      %swap3A_698 = arith.constant 352 : index
      %swap3A_699 = tpu.vector_load %arg18[%swap3A_697, %swap3A_698] {strides = array<i32>} : memref<32x768xf32, #tpu.memory_space<vmem>>, vector<1x16xf32>,
      %swap3A_700 = vector.shape_cast %swap3A_699 : vector<1x16xf32> to vector<16xf32>
      %swap3A_701 = vector.shape_cast %get3A_348 : vector<16xf32> to vector<1x16xf32>
      tpu.vector_store %arg18[%swap3A_697, %swap3A_698], %swap3A_701 {add = true, strides = array<i32>} : memref<32x768xf32, #tpu.memory_space<vmem>>, vector<1x16xf32>,
      %swap3A_702 = arith.index_cast %scan3A_586 : i32 to index
      %swap3A_703 = arith.constant 368 : index
      %swap3A_704 = tpu.vector_load %arg18[%swap3A_702, %swap3A_703] {strides = array<i32>} : memref<32x768xf32, #tpu.memory_space<vmem>>, vector<1x16xf32>,
      %swap3A_705 = vector.shape_cast %swap3A_704 : vector<1x16xf32> to vector<16xf32>
      %swap3A_706 = vector.shape_cast %get3A_351 : vector<16xf32> to vector<1x16xf32>
      tpu.vector_store %arg18[%swap3A_702, %swap3A_703], %swap3A_706 {add = true, strides = array<i32>} : memref<32x768xf32, #tpu.memory_space<vmem>>, vector<1x16xf32>,
      %swap3A_707 = arith.index_cast %scan3A_586 : i32 to index
      %swap3A_708 = arith.constant 384 : index
      %swap3A_709 = tpu.vector_load %arg18[%swap3A_707, %swap3A_708] {strides = array<i32>} : memref<32x768xf32, #tpu.memory_space<vmem>>, vector<1x16xf32>,
      %swap3A_710 = vector.shape_cast %swap3A_709 : vector<1x16xf32> to vector<16xf32>
      %swap3A_711 = vector.shape_cast %get3A_354 : vector<16xf32> to vector<1x16xf32>
      tpu.vector_store %arg18[%swap3A_707, %swap3A_708], %swap3A_711 {add = true, strides = array<i32>} : memref<32x768xf32, #tpu.memory_space<vmem>>, vector<1x16xf32>,
      %swap3A_712 = arith.index_cast %scan3A_586 : i32 to index
      %swap3A_713 = arith.constant 400 : index
      %swap3A_714 = tpu.vector_load %arg18[%swap3A_712, %swap3A_713] {strides = array<i32>} : memref<32x768xf32, #tpu.memory_space<vmem>>, vector<1x16xf32>,
      %swap3A_715 = vector.shape_cast %swap3A_714 : vector<1x16xf32> to vector<16xf32>
      %swap3A_716 = vector.shape_cast %get3A_357 : vector<16xf32> to vector<1x16xf32>
      tpu.vector_store %arg18[%swap3A_712, %swap3A_713], %swap3A_716 {add = true, strides = array<i32>} : memref<32x768xf32, #tpu.memory_space<vmem>>, vector<1x16xf32>,
      %swap3A_717 = arith.index_cast %scan3A_586 : i32 to index
      %swap3A_718 = arith.constant 416 : index
      %swap3A_719 = tpu.vector_load %arg18[%swap3A_717, %swap3A_718] {strides = array<i32>} : memref<32x768xf32, #tpu.memory_space<vmem>>, vector<1x16xf32>,
      %swap3A_720 = vector.shape_cast %swap3A_719 : vector<1x16xf32> to vector<16xf32>
      %swap3A_721 = vector.shape_cast %get3A_360 : vector<16xf32> to vector<1x16xf32>
      tpu.vector_store %arg18[%swap3A_717, %swap3A_718], %swap3A_721 {add = true, strides = array<i32>} : memref<32x768xf32, #tpu.memory_space<vmem>>, vector<1x16xf32>,
      %swap3A_722 = arith.index_cast %scan3A_586 : i32 to index
      %swap3A_723 = arith.constant 432 : index
      %swap3A_724 = tpu.vector_load %arg18[%swap3A_722, %swap3A_723] {strides = array<i32>} : memref<32x768xf32, #tpu.memory_space<vmem>>, vector<1x16xf32>,
      %swap3A_725 = vector.shape_cast %swap3A_724 : vector<1x16xf32> to vector<16xf32>
      %swap3A_726 = vector.shape_cast %get3A_363 : vector<16xf32> to vector<1x16xf32>
      tpu.vector_store %arg18[%swap3A_722, %swap3A_723], %swap3A_726 {add = true, strides = array<i32>} : memref<32x768xf32, #tpu.memory_space<vmem>>, vector<1x16xf32>,
      %swap3A_727 = arith.index_cast %scan3A_586 : i32 to index
      %swap3A_728 = arith.constant 448 : index
      %swap3A_729 = tpu.vector_load %arg18[%swap3A_727, %swap3A_728] {strides = array<i32>} : memref<32x768xf32, #tpu.memory_space<vmem>>, vector<1x16xf32>,
      %swap3A_730 = vector.shape_cast %swap3A_729 : vector<1x16xf32> to vector<16xf32>
      %swap3A_731 = vector.shape_cast %get3A_366 : vector<16xf32> to vector<1x16xf32>
      tpu.vector_store %arg18[%swap3A_727, %swap3A_728], %swap3A_731 {add = true, strides = array<i32>} : memref<32x768xf32, #tpu.memory_space<vmem>>, vector<1x16xf32>,
      %swap3A_732 = arith.index_cast %scan3A_586 : i32 to index
      %swap3A_733 = arith.constant 464 : index
      %swap3A_734 = tpu.vector_load %arg18[%swap3A_732, %swap3A_733] {strides = array<i32>} : memref<32x768xf32, #tpu.memory_space<vmem>>, vector<1x16xf32>,
      %swap3A_735 = vector.shape_cast %swap3A_734 : vector<1x16xf32> to vector<16xf32>
      %swap3A_736 = vector.shape_cast %get3A_369 : vector<16xf32> to vector<1x16xf32>
      tpu.vector_store %arg18[%swap3A_732, %swap3A_733], %swap3A_736 {add = true, strides = array<i32>} : memref<32x768xf32, #tpu.memory_space<vmem>>, vector<1x16xf32>,
      %swap3A_737 = arith.index_cast %scan3A_586 : i32 to index
      %swap3A_738 = arith.constant 480 : index
      %swap3A_739 = tpu.vector_load %arg18[%swap3A_737, %swap3A_738] {strides = array<i32>} : memref<32x768xf32, #tpu.memory_space<vmem>>, vector<1x16xf32>,
      %swap3A_740 = vector.shape_cast %swap3A_739 : vector<1x16xf32> to vector<16xf32>
      %swap3A_741 = vector.shape_cast %get3A_372 : vector<16xf32> to vector<1x16xf32>
      tpu.vector_store %arg18[%swap3A_737, %swap3A_738], %swap3A_741 {add = true, strides = array<i32>} : memref<32x768xf32, #tpu.memory_space<vmem>>, vector<1x16xf32>,
      %swap3A_742 = arith.index_cast %scan3A_586 : i32 to index
      %swap3A_743 = arith.constant 496 : index
      %swap3A_744 = tpu.vector_load %arg18[%swap3A_742, %swap3A_743] {strides = array<i32>} : memref<32x768xf32, #tpu.memory_space<vmem>>, vector<1x16xf32>,
      %swap3A_745 = vector.shape_cast %swap3A_744 : vector<1x16xf32> to vector<16xf32>
      %swap3A_746 = vector.shape_cast %get3A_375 : vector<16xf32> to vector<1x16xf32>
      tpu.vector_store %arg18[%swap3A_742, %swap3A_743], %swap3A_746 {add = true, strides = array<i32>} : memref<32x768xf32, #tpu.memory_space<vmem>>, vector<1x16xf32>,
      %swap3A_747 = arith.index_cast %scan3A_586 : i32 to index
      %swap3A_748 = arith.constant 512 : index
      %swap3A_749 = tpu.vector_load %arg18[%swap3A_747, %swap3A_748] {strides = array<i32>} : memref<32x768xf32, #tpu.memory_space<vmem>>, vector<1x16xf32>,
      %swap3A_750 = vector.shape_cast %swap3A_749 : vector<1x16xf32> to vector<16xf32>
      %swap3A_751 = vector.shape_cast %get3A_378 : vector<16xf32> to vector<1x16xf32>
      tpu.vector_store %arg18[%swap3A_747, %swap3A_748], %swap3A_751 {add = true, strides = array<i32>} : memref<32x768xf32, #tpu.memory_space<vmem>>, vector<1x16xf32>,
      %swap3A_752 = arith.index_cast %scan3A_586 : i32 to index
      %swap3A_753 = arith.constant 528 : index
      %swap3A_754 = tpu.vector_load %arg18[%swap3A_752, %swap3A_753] {strides = array<i32>} : memref<32x768xf32, #tpu.memory_space<vmem>>, vector<1x16xf32>,
      %swap3A_755 = vector.shape_cast %swap3A_754 : vector<1x16xf32> to vector<16xf32>
      %swap3A_756 = vector.shape_cast %get3A_381 : vector<16xf32> to vector<1x16xf32>
      tpu.vector_store %arg18[%swap3A_752, %swap3A_753], %swap3A_756 {add = true, strides = array<i32>} : memref<32x768xf32, #tpu.memory_space<vmem>>, vector<1x16xf32>,
      %swap3A_757 = arith.index_cast %scan3A_586 : i32 to index
      %swap3A_758 = arith.constant 544 : index
      %swap3A_759 = tpu.vector_load %arg18[%swap3A_757, %swap3A_758] {strides = array<i32>} : memref<32x768xf32, #tpu.memory_space<vmem>>, vector<1x16xf32>,
      %swap3A_760 = vector.shape_cast %swap3A_759 : vector<1x16xf32> to vector<16xf32>
      %swap3A_761 = vector.shape_cast %get3A_384 : vector<16xf32> to vector<1x16xf32>
      tpu.vector_store %arg18[%swap3A_757, %swap3A_758], %swap3A_761 {add = true, strides = array<i32>} : memref<32x768xf32, #tpu.memory_space<vmem>>, vector<1x16xf32>,
      %swap3A_762 = arith.index_cast %scan3A_586 : i32 to index
      %swap3A_763 = arith.constant 560 : index
      %swap3A_764 = tpu.vector_load %arg18[%swap3A_762, %swap3A_763] {strides = array<i32>} : memref<32x768xf32, #tpu.memory_space<vmem>>, vector<1x16xf32>,
      %swap3A_765 = vector.shape_cast %swap3A_764 : vector<1x16xf32> to vector<16xf32>
      %swap3A_766 = vector.shape_cast %get3A_387 : vector<16xf32> to vector<1x16xf32>
      tpu.vector_store %arg18[%swap3A_762, %swap3A_763], %swap3A_766 {add = true, strides = array<i32>} : memref<32x768xf32, #tpu.memory_space<vmem>>, vector<1x16xf32>,
      %swap3A_767 = arith.index_cast %scan3A_586 : i32 to index
      %swap3A_768 = arith.constant 576 : index
      %swap3A_769 = tpu.vector_load %arg18[%swap3A_767, %swap3A_768] {strides = array<i32>} : memref<32x768xf32, #tpu.memory_space<vmem>>, vector<1x16xf32>,
      %swap3A_770 = vector.shape_cast %swap3A_769 : vector<1x16xf32> to vector<16xf32>
      %swap3A_771 = vector.shape_cast %get3A_390 : vector<16xf32> to vector<1x16xf32>
      tpu.vector_store %arg18[%swap3A_767, %swap3A_768], %swap3A_771 {add = true, strides = array<i32>} : memref<32x768xf32, #tpu.memory_space<vmem>>, vector<1x16xf32>,
      %swap3A_772 = arith.index_cast %scan3A_586 : i32 to index
      %swap3A_773 = arith.constant 592 : index
      %swap3A_774 = tpu.vector_load %arg18[%swap3A_772, %swap3A_773] {strides = array<i32>} : memref<32x768xf32, #tpu.memory_space<vmem>>, vector<1x16xf32>,
      %swap3A_775 = vector.shape_cast %swap3A_774 : vector<1x16xf32> to vector<16xf32>
      %swap3A_776 = vector.shape_cast %get3A_393 : vector<16xf32> to vector<1x16xf32>
      tpu.vector_store %arg18[%swap3A_772, %swap3A_773], %swap3A_776 {add = true, strides = array<i32>} : memref<32x768xf32, #tpu.memory_space<vmem>>, vector<1x16xf32>,
      %swap3A_777 = arith.index_cast %scan3A_586 : i32 to index
      %swap3A_778 = arith.constant 608 : index
      %swap3A_779 = tpu.vector_load %arg18[%swap3A_777, %swap3A_778] {strides = array<i32>} : memref<32x768xf32, #tpu.memory_space<vmem>>, vector<1x16xf32>,
      %swap3A_780 = vector.shape_cast %swap3A_779 : vector<1x16xf32> to vector<16xf32>
      %swap3A_781 = vector.shape_cast %get3A_396 : vector<16xf32> to vector<1x16xf32>
      tpu.vector_store %arg18[%swap3A_777, %swap3A_778], %swap3A_781 {add = true, strides = array<i32>} : memref<32x768xf32, #tpu.memory_space<vmem>>, vector<1x16xf32>,
      %swap3A_782 = arith.index_cast %scan3A_586 : i32 to index
      %swap3A_783 = arith.constant 624 : index
      %swap3A_784 = tpu.vector_load %arg18[%swap3A_782, %swap3A_783] {strides = array<i32>} : memref<32x768xf32, #tpu.memory_space<vmem>>, vector<1x16xf32>,
      %swap3A_785 = vector.shape_cast %swap3A_784 : vector<1x16xf32> to vector<16xf32>
      %swap3A_786 = vector.shape_cast %get3A_399 : vector<16xf32> to vector<1x16xf32>
      tpu.vector_store %arg18[%swap3A_782, %swap3A_783], %swap3A_786 {add = true, strides = array<i32>} : memref<32x768xf32, #tpu.memory_space<vmem>>, vector<1x16xf32>,
      %swap3A_787 = arith.index_cast %scan3A_586 : i32 to index
      %swap3A_788 = arith.constant 640 : index
      %swap3A_789 = tpu.vector_load %arg18[%swap3A_787, %swap3A_788] {strides = array<i32>} : memref<32x768xf32, #tpu.memory_space<vmem>>, vector<1x16xf32>,
      %swap3A_790 = vector.shape_cast %swap3A_789 : vector<1x16xf32> to vector<16xf32>
      %swap3A_791 = vector.shape_cast %get3A_402 : vector<16xf32> to vector<1x16xf32>
      tpu.vector_store %arg18[%swap3A_787, %swap3A_788], %swap3A_791 {add = true, strides = array<i32>} : memref<32x768xf32, #tpu.memory_space<vmem>>, vector<1x16xf32>,
      %swap3A_792 = arith.index_cast %scan3A_586 : i32 to index
      %swap3A_793 = arith.constant 656 : index
      %swap3A_794 = tpu.vector_load %arg18[%swap3A_792, %swap3A_793] {strides = array<i32>} : memref<32x768xf32, #tpu.memory_space<vmem>>, vector<1x16xf32>,
      %swap3A_795 = vector.shape_cast %swap3A_794 : vector<1x16xf32> to vector<16xf32>
      %swap3A_796 = vector.shape_cast %get3A_405 : vector<16xf32> to vector<1x16xf32>
      tpu.vector_store %arg18[%swap3A_792, %swap3A_793], %swap3A_796 {add = true, strides = array<i32>} : memref<32x768xf32, #tpu.memory_space<vmem>>, vector<1x16xf32>,
      %swap3A_797 = arith.index_cast %scan3A_586 : i32 to index
      %swap3A_798 = arith.constant 672 : index
      %swap3A_799 = tpu.vector_load %arg18[%swap3A_797, %swap3A_798] {strides = array<i32>} : memref<32x768xf32, #tpu.memory_space<vmem>>, vector<1x16xf32>,
      %swap3A_800 = vector.shape_cast %swap3A_799 : vector<1x16xf32> to vector<16xf32>
      %swap3A_801 = vector.shape_cast %get3A_408 : vector<16xf32> to vector<1x16xf32>
      tpu.vector_store %arg18[%swap3A_797, %swap3A_798], %swap3A_801 {add = true, strides = array<i32>} : memref<32x768xf32, #tpu.memory_space<vmem>>, vector<1x16xf32>,
      %swap3A_802 = arith.index_cast %scan3A_586 : i32 to index
      %swap3A_803 = arith.constant 688 : index
      %swap3A_804 = tpu.vector_load %arg18[%swap3A_802, %swap3A_803] {strides = array<i32>} : memref<32x768xf32, #tpu.memory_space<vmem>>, vector<1x16xf32>,
      %swap3A_805 = vector.shape_cast %swap3A_804 : vector<1x16xf32> to vector<16xf32>
      %swap3A_806 = vector.shape_cast %get3A_411 : vector<16xf32> to vector<1x16xf32>
      tpu.vector_store %arg18[%swap3A_802, %swap3A_803], %swap3A_806 {add = true, strides = array<i32>} : memref<32x768xf32, #tpu.memory_space<vmem>>, vector<1x16xf32>,
      %swap3A_807 = arith.index_cast %scan3A_586 : i32 to index
      %swap3A_808 = arith.constant 704 : index
      %swap3A_809 = tpu.vector_load %arg18[%swap3A_807, %swap3A_808] {strides = array<i32>} : memref<32x768xf32, #tpu.memory_space<vmem>>, vector<1x16xf32>,
      %swap3A_810 = vector.shape_cast %swap3A_809 : vector<1x16xf32> to vector<16xf32>
      %swap3A_811 = vector.shape_cast %get3A_414 : vector<16xf32> to vector<1x16xf32>
      tpu.vector_store %arg18[%swap3A_807, %swap3A_808], %swap3A_811 {add = true, strides = array<i32>} : memref<32x768xf32, #tpu.memory_space<vmem>>, vector<1x16xf32>,
      %swap3A_812 = arith.index_cast %scan3A_586 : i32 to index
      %swap3A_813 = arith.constant 720 : index
      %swap3A_814 = tpu.vector_load %arg18[%swap3A_812, %swap3A_813] {strides = array<i32>} : memref<32x768xf32, #tpu.memory_space<vmem>>, vector<1x16xf32>,
      %swap3A_815 = vector.shape_cast %swap3A_814 : vector<1x16xf32> to vector<16xf32>
      %swap3A_816 = vector.shape_cast %get3A_417 : vector<16xf32> to vector<1x16xf32>
      tpu.vector_store %arg18[%swap3A_812, %swap3A_813], %swap3A_816 {add = true, strides = array<i32>} : memref<32x768xf32, #tpu.memory_space<vmem>>, vector<1x16xf32>,
      %swap3A_817 = arith.index_cast %scan3A_586 : i32 to index
      %swap3A_818 = arith.constant 736 : index
      %swap3A_819 = tpu.vector_load %arg18[%swap3A_817, %swap3A_818] {strides = array<i32>} : memref<32x768xf32, #tpu.memory_space<vmem>>, vector<1x16xf32>,
      %swap3A_820 = vector.shape_cast %swap3A_819 : vector<1x16xf32> to vector<16xf32>
      %swap3A_821 = vector.shape_cast %get3A_420 : vector<16xf32> to vector<1x16xf32>
      tpu.vector_store %arg18[%swap3A_817, %swap3A_818], %swap3A_821 {add = true, strides = array<i32>} : memref<32x768xf32, #tpu.memory_space<vmem>>, vector<1x16xf32>,
      %swap3A_822 = arith.index_cast %scan3A_586 : i32 to index
      %swap3A_823 = arith.constant 752 : index
      %swap3A_824 = tpu.vector_load %arg18[%swap3A_822, %swap3A_823] {strides = array<i32>} : memref<32x768xf32, #tpu.memory_space<vmem>>, vector<1x16xf32>,
      %swap3A_825 = vector.shape_cast %swap3A_824 : vector<1x16xf32> to vector<16xf32>
      %swap3A_826 = vector.shape_cast %get3A_423 : vector<16xf32> to vector<1x16xf32>
      tpu.vector_store %arg18[%swap3A_822, %swap3A_823], %swap3A_826 {add = true, strides = array<i32>} : memref<32x768xf32, #tpu.memory_space<vmem>>, vector<1x16xf32>,
    }
    %scan3A_544 = arith.constant 32 : i32
    %add3A_545 = arith.constant 192 : i32
    %add3A_546 = arith.addi %mul3A_2, %add3A_545 : i32
    %dma_start3A_547 = arith.constant 0 : i32
    %dma_start3A_548 = tpu.memref_slice %arg5[%add3A_546, %dma_start3A_547] : memref<8192x768xf32, #tpu.memory_space<hbm>> -> memref<32x768xf32, #tpu.memory_space<hbm>>
    %dma_start3A_549 = arith.constant 0 : i32
    %dma_start3A_550 = tpu.memref_slice %arg5[%add3A_546, %dma_start3A_549] : memref<8192x768xf32, #tpu.memory_space<hbm>> -> memref<32x768xf32, #tpu.memory_space<hbm>>
    tpu.enqueue_dma source(%arg18 : memref<32x768xf32, #tpu.memory_space<vmem>>) target(%dma_start3A_550 : memref<32x768xf32, #tpu.memory_space<hbm>>) target_semaphore(%arg28 : memref<!tpu.dma_semaphore, #tpu.memory_space<semaphore_mem>>)
    %dma_wait3A_551 = arith.constant 0 : i32
    %dma_wait3A_552 = arith.constant 0 : i32
    %dma_wait3A_553 = tpu.memref_slice %arg3[%dma_wait3A_551, %dma_wait3A_552] : memref<100000x768xf32, #tpu.memory_space<hbm>> -> memref<100000x768xf32, #tpu.memory_space<hbm>>
    tpu.wait_indirect_dma semaphore(%arg24 : memref<!tpu.dma_semaphore, #tpu.memory_space<semaphore_mem>>) src(%dma_wait3A_553 : memref<100000x768xf32, #tpu.memory_space<hbm>>) dst(%arg19 : memref<32x768xf32, #tpu.memory_space<vmem>>)
    %scan3A_554 = arith.constant 0 : i32
    %scan3A_555 = arith.constant 0 : i32
    %scan3A_556 = arith.constant 32 : i32
    %scan3A_557 = arith.addi %scan3A_555, %scan3A_556 : i32
    %scan3A_558 = arith.constant 1 : i32
    scf.for %scan3A_586 = %scan3A_555 to %scan3A_557 step %scan3A_558  : i32 {
      %swap3A_587 = arith.index_cast %scan3A_586 : i32 to index
      %swap3A_588 = arith.constant 0 : index
      %swap3A_589 = tpu.vector_load %arg19[%swap3A_587, %swap3A_588] {strides = array<i32>} : memref<32x768xf32, #tpu.memory_space<vmem>>, vector<1x16xf32>,
      %swap3A_590 = vector.shape_cast %swap3A_589 : vector<1x16xf32> to vector<16xf32>
      %swap3A_591 = vector.shape_cast %get3A_282 : vector<16xf32> to vector<1x16xf32>
      tpu.vector_store %arg19[%swap3A_587, %swap3A_588], %swap3A_591 {add = true, strides = array<i32>} : memref<32x768xf32, #tpu.memory_space<vmem>>, vector<1x16xf32>,
      %swap3A_592 = arith.index_cast %scan3A_586 : i32 to index
      %swap3A_593 = arith.constant 16 : index
      %swap3A_594 = tpu.vector_load %arg19[%swap3A_592, %swap3A_593] {strides = array<i32>} : memref<32x768xf32, #tpu.memory_space<vmem>>, vector<1x16xf32>,
      %swap3A_595 = vector.shape_cast %swap3A_594 : vector<1x16xf32> to vector<16xf32>
      %swap3A_596 = vector.shape_cast %get3A_285 : vector<16xf32> to vector<1x16xf32>
      tpu.vector_store %arg19[%swap3A_592, %swap3A_593], %swap3A_596 {add = true, strides = array<i32>} : memref<32x768xf32, #tpu.memory_space<vmem>>, vector<1x16xf32>,
      %swap3A_597 = arith.index_cast %scan3A_586 : i32 to index
      %swap3A_598 = arith.constant 32 : index
      %swap3A_599 = tpu.vector_load %arg19[%swap3A_597, %swap3A_598] {strides = array<i32>} : memref<32x768xf32, #tpu.memory_space<vmem>>, vector<1x16xf32>,
      %swap3A_600 = vector.shape_cast %swap3A_599 : vector<1x16xf32> to vector<16xf32>
      %swap3A_601 = vector.shape_cast %get3A_288 : vector<16xf32> to vector<1x16xf32>
      tpu.vector_store %arg19[%swap3A_597, %swap3A_598], %swap3A_601 {add = true, strides = array<i32>} : memref<32x768xf32, #tpu.memory_space<vmem>>, vector<1x16xf32>,
      %swap3A_602 = arith.index_cast %scan3A_586 : i32 to index
      %swap3A_603 = arith.constant 48 : index
      %swap3A_604 = tpu.vector_load %arg19[%swap3A_602, %swap3A_603] {strides = array<i32>} : memref<32x768xf32, #tpu.memory_space<vmem>>, vector<1x16xf32>,
      %swap3A_605 = vector.shape_cast %swap3A_604 : vector<1x16xf32> to vector<16xf32>
      %swap3A_606 = vector.shape_cast %get3A_291 : vector<16xf32> to vector<1x16xf32>
      tpu.vector_store %arg19[%swap3A_602, %swap3A_603], %swap3A_606 {add = true, strides = array<i32>} : memref<32x768xf32, #tpu.memory_space<vmem>>, vector<1x16xf32>,
      %swap3A_607 = arith.index_cast %scan3A_586 : i32 to index
      %swap3A_608 = arith.constant 64 : index
      %swap3A_609 = tpu.vector_load %arg19[%swap3A_607, %swap3A_608] {strides = array<i32>} : memref<32x768xf32, #tpu.memory_space<vmem>>, vector<1x16xf32>,
      %swap3A_610 = vector.shape_cast %swap3A_609 : vector<1x16xf32> to vector<16xf32>
      %swap3A_611 = vector.shape_cast %get3A_294 : vector<16xf32> to vector<1x16xf32>
      tpu.vector_store %arg19[%swap3A_607, %swap3A_608], %swap3A_611 {add = true, strides = array<i32>} : memref<32x768xf32, #tpu.memory_space<vmem>>, vector<1x16xf32>,
      %swap3A_612 = arith.index_cast %scan3A_586 : i32 to index
      %swap3A_613 = arith.constant 80 : index
      %swap3A_614 = tpu.vector_load %arg19[%swap3A_612, %swap3A_613] {strides = array<i32>} : memref<32x768xf32, #tpu.memory_space<vmem>>, vector<1x16xf32>,
      %swap3A_615 = vector.shape_cast %swap3A_614 : vector<1x16xf32> to vector<16xf32>
      %swap3A_616 = vector.shape_cast %get3A_297 : vector<16xf32> to vector<1x16xf32>
      tpu.vector_store %arg19[%swap3A_612, %swap3A_613], %swap3A_616 {add = true, strides = array<i32>} : memref<32x768xf32, #tpu.memory_space<vmem>>, vector<1x16xf32>,
      %swap3A_617 = arith.index_cast %scan3A_586 : i32 to index
      %swap3A_618 = arith.constant 96 : index
      %swap3A_619 = tpu.vector_load %arg19[%swap3A_617, %swap3A_618] {strides = array<i32>} : memref<32x768xf32, #tpu.memory_space<vmem>>, vector<1x16xf32>,
      %swap3A_620 = vector.shape_cast %swap3A_619 : vector<1x16xf32> to vector<16xf32>
      %swap3A_621 = vector.shape_cast %get3A_300 : vector<16xf32> to vector<1x16xf32>
      tpu.vector_store %arg19[%swap3A_617, %swap3A_618], %swap3A_621 {add = true, strides = array<i32>} : memref<32x768xf32, #tpu.memory_space<vmem>>, vector<1x16xf32>,
      %swap3A_622 = arith.index_cast %scan3A_586 : i32 to index
      %swap3A_623 = arith.constant 112 : index
      %swap3A_624 = tpu.vector_load %arg19[%swap3A_622, %swap3A_623] {strides = array<i32>} : memref<32x768xf32, #tpu.memory_space<vmem>>, vector<1x16xf32>,
      %swap3A_625 = vector.shape_cast %swap3A_624 : vector<1x16xf32> to vector<16xf32>
      %swap3A_626 = vector.shape_cast %get3A_303 : vector<16xf32> to vector<1x16xf32>
      tpu.vector_store %arg19[%swap3A_622, %swap3A_623], %swap3A_626 {add = true, strides = array<i32>} : memref<32x768xf32, #tpu.memory_space<vmem>>, vector<1x16xf32>,
      %swap3A_627 = arith.index_cast %scan3A_586 : i32 to index
      %swap3A_628 = arith.constant 128 : index
      %swap3A_629 = tpu.vector_load %arg19[%swap3A_627, %swap3A_628] {strides = array<i32>} : memref<32x768xf32, #tpu.memory_space<vmem>>, vector<1x16xf32>,
      %swap3A_630 = vector.shape_cast %swap3A_629 : vector<1x16xf32> to vector<16xf32>
      %swap3A_631 = vector.shape_cast %get3A_306 : vector<16xf32> to vector<1x16xf32>
      tpu.vector_store %arg19[%swap3A_627, %swap3A_628], %swap3A_631 {add = true, strides = array<i32>} : memref<32x768xf32, #tpu.memory_space<vmem>>, vector<1x16xf32>,
      %swap3A_632 = arith.index_cast %scan3A_586 : i32 to index
      %swap3A_633 = arith.constant 144 : index
      %swap3A_634 = tpu.vector_load %arg19[%swap3A_632, %swap3A_633] {strides = array<i32>} : memref<32x768xf32, #tpu.memory_space<vmem>>, vector<1x16xf32>,
      %swap3A_635 = vector.shape_cast %swap3A_634 : vector<1x16xf32> to vector<16xf32>
      %swap3A_636 = vector.shape_cast %get3A_309 : vector<16xf32> to vector<1x16xf32>
      tpu.vector_store %arg19[%swap3A_632, %swap3A_633], %swap3A_636 {add = true, strides = array<i32>} : memref<32x768xf32, #tpu.memory_space<vmem>>, vector<1x16xf32>,
      %swap3A_637 = arith.index_cast %scan3A_586 : i32 to index
      %swap3A_638 = arith.constant 160 : index
      %swap3A_639 = tpu.vector_load %arg19[%swap3A_637, %swap3A_638] {strides = array<i32>} : memref<32x768xf32, #tpu.memory_space<vmem>>, vector<1x16xf32>,
      %swap3A_640 = vector.shape_cast %swap3A_639 : vector<1x16xf32> to vector<16xf32>
      %swap3A_641 = vector.shape_cast %get3A_312 : vector<16xf32> to vector<1x16xf32>
      tpu.vector_store %arg19[%swap3A_637, %swap3A_638], %swap3A_641 {add = true, strides = array<i32>} : memref<32x768xf32, #tpu.memory_space<vmem>>, vector<1x16xf32>,
      %swap3A_642 = arith.index_cast %scan3A_586 : i32 to index
      %swap3A_643 = arith.constant 176 : index
      %swap3A_644 = tpu.vector_load %arg19[%swap3A_642, %swap3A_643] {strides = array<i32>} : memref<32x768xf32, #tpu.memory_space<vmem>>, vector<1x16xf32>,
      %swap3A_645 = vector.shape_cast %swap3A_644 : vector<1x16xf32> to vector<16xf32>
      %swap3A_646 = vector.shape_cast %get3A_315 : vector<16xf32> to vector<1x16xf32>
      tpu.vector_store %arg19[%swap3A_642, %swap3A_643], %swap3A_646 {add = true, strides = array<i32>} : memref<32x768xf32, #tpu.memory_space<vmem>>, vector<1x16xf32>,
      %swap3A_647 = arith.index_cast %scan3A_586 : i32 to index
      %swap3A_648 = arith.constant 192 : index
      %swap3A_649 = tpu.vector_load %arg19[%swap3A_647, %swap3A_648] {strides = array<i32>} : memref<32x768xf32, #tpu.memory_space<vmem>>, vector<1x16xf32>,
      %swap3A_650 = vector.shape_cast %swap3A_649 : vector<1x16xf32> to vector<16xf32>
      %swap3A_651 = vector.shape_cast %get3A_318 : vector<16xf32> to vector<1x16xf32>
      tpu.vector_store %arg19[%swap3A_647, %swap3A_648], %swap3A_651 {add = true, strides = array<i32>} : memref<32x768xf32, #tpu.memory_space<vmem>>, vector<1x16xf32>,
      %swap3A_652 = arith.index_cast %scan3A_586 : i32 to index
      %swap3A_653 = arith.constant 208 : index
      %swap3A_654 = tpu.vector_load %arg19[%swap3A_652, %swap3A_653] {strides = array<i32>} : memref<32x768xf32, #tpu.memory_space<vmem>>, vector<1x16xf32>,
      %swap3A_655 = vector.shape_cast %swap3A_654 : vector<1x16xf32> to vector<16xf32>
      %swap3A_656 = vector.shape_cast %get3A_321 : vector<16xf32> to vector<1x16xf32>
      tpu.vector_store %arg19[%swap3A_652, %swap3A_653], %swap3A_656 {add = true, strides = array<i32>} : memref<32x768xf32, #tpu.memory_space<vmem>>, vector<1x16xf32>,
      %swap3A_657 = arith.index_cast %scan3A_586 : i32 to index
      %swap3A_658 = arith.constant 224 : index
      %swap3A_659 = tpu.vector_load %arg19[%swap3A_657, %swap3A_658] {strides = array<i32>} : memref<32x768xf32, #tpu.memory_space<vmem>>, vector<1x16xf32>,
      %swap3A_660 = vector.shape_cast %swap3A_659 : vector<1x16xf32> to vector<16xf32>
      %swap3A_661 = vector.shape_cast %get3A_324 : vector<16xf32> to vector<1x16xf32>
      tpu.vector_store %arg19[%swap3A_657, %swap3A_658], %swap3A_661 {add = true, strides = array<i32>} : memref<32x768xf32, #tpu.memory_space<vmem>>, vector<1x16xf32>,
      %swap3A_662 = arith.index_cast %scan3A_586 : i32 to index
      %swap3A_663 = arith.constant 240 : index
      %swap3A_664 = tpu.vector_load %arg19[%swap3A_662, %swap3A_663] {strides = array<i32>} : memref<32x768xf32, #tpu.memory_space<vmem>>, vector<1x16xf32>,
      %swap3A_665 = vector.shape_cast %swap3A_664 : vector<1x16xf32> to vector<16xf32>
      %swap3A_666 = vector.shape_cast %get3A_327 : vector<16xf32> to vector<1x16xf32>
      tpu.vector_store %arg19[%swap3A_662, %swap3A_663], %swap3A_666 {add = true, strides = array<i32>} : memref<32x768xf32, #tpu.memory_space<vmem>>, vector<1x16xf32>,
      %swap3A_667 = arith.index_cast %scan3A_586 : i32 to index
      %swap3A_668 = arith.constant 256 : index
      %swap3A_669 = tpu.vector_load %arg19[%swap3A_667, %swap3A_668] {strides = array<i32>} : memref<32x768xf32, #tpu.memory_space<vmem>>, vector<1x16xf32>,
      %swap3A_670 = vector.shape_cast %swap3A_669 : vector<1x16xf32> to vector<16xf32>
      %swap3A_671 = vector.shape_cast %get3A_330 : vector<16xf32> to vector<1x16xf32>
      tpu.vector_store %arg19[%swap3A_667, %swap3A_668], %swap3A_671 {add = true, strides = array<i32>} : memref<32x768xf32, #tpu.memory_space<vmem>>, vector<1x16xf32>,
      %swap3A_672 = arith.index_cast %scan3A_586 : i32 to index
      %swap3A_673 = arith.constant 272 : index
      %swap3A_674 = tpu.vector_load %arg19[%swap3A_672, %swap3A_673] {strides = array<i32>} : memref<32x768xf32, #tpu.memory_space<vmem>>, vector<1x16xf32>,
      %swap3A_675 = vector.shape_cast %swap3A_674 : vector<1x16xf32> to vector<16xf32>
      %swap3A_676 = vector.shape_cast %get3A_333 : vector<16xf32> to vector<1x16xf32>
      tpu.vector_store %arg19[%swap3A_672, %swap3A_673], %swap3A_676 {add = true, strides = array<i32>} : memref<32x768xf32, #tpu.memory_space<vmem>>, vector<1x16xf32>,
      %swap3A_677 = arith.index_cast %scan3A_586 : i32 to index
      %swap3A_678 = arith.constant 288 : index
      %swap3A_679 = tpu.vector_load %arg19[%swap3A_677, %swap3A_678] {strides = array<i32>} : memref<32x768xf32, #tpu.memory_space<vmem>>, vector<1x16xf32>,
      %swap3A_680 = vector.shape_cast %swap3A_679 : vector<1x16xf32> to vector<16xf32>
      %swap3A_681 = vector.shape_cast %get3A_336 : vector<16xf32> to vector<1x16xf32>
      tpu.vector_store %arg19[%swap3A_677, %swap3A_678], %swap3A_681 {add = true, strides = array<i32>} : memref<32x768xf32, #tpu.memory_space<vmem>>, vector<1x16xf32>,
      %swap3A_682 = arith.index_cast %scan3A_586 : i32 to index
      %swap3A_683 = arith.constant 304 : index
      %swap3A_684 = tpu.vector_load %arg19[%swap3A_682, %swap3A_683] {strides = array<i32>} : memref<32x768xf32, #tpu.memory_space<vmem>>, vector<1x16xf32>,
      %swap3A_685 = vector.shape_cast %swap3A_684 : vector<1x16xf32> to vector<16xf32>
      %swap3A_686 = vector.shape_cast %get3A_339 : vector<16xf32> to vector<1x16xf32>
      tpu.vector_store %arg19[%swap3A_682, %swap3A_683], %swap3A_686 {add = true, strides = array<i32>} : memref<32x768xf32, #tpu.memory_space<vmem>>, vector<1x16xf32>,
      %swap3A_687 = arith.index_cast %scan3A_586 : i32 to index
      %swap3A_688 = arith.constant 320 : index
      %swap3A_689 = tpu.vector_load %arg19[%swap3A_687, %swap3A_688] {strides = array<i32>} : memref<32x768xf32, #tpu.memory_space<vmem>>, vector<1x16xf32>,
      %swap3A_690 = vector.shape_cast %swap3A_689 : vector<1x16xf32> to vector<16xf32>
      %swap3A_691 = vector.shape_cast %get3A_342 : vector<16xf32> to vector<1x16xf32>
      tpu.vector_store %arg19[%swap3A_687, %swap3A_688], %swap3A_691 {add = true, strides = array<i32>} : memref<32x768xf32, #tpu.memory_space<vmem>>, vector<1x16xf32>,
      %swap3A_692 = arith.index_cast %scan3A_586 : i32 to index
      %swap3A_693 = arith.constant 336 : index
      %swap3A_694 = tpu.vector_load %arg19[%swap3A_692, %swap3A_693] {strides = array<i32>} : memref<32x768xf32, #tpu.memory_space<vmem>>, vector<1x16xf32>,
      %swap3A_695 = vector.shape_cast %swap3A_694 : vector<1x16xf32> to vector<16xf32>
      %swap3A_696 = vector.shape_cast %get3A_345 : vector<16xf32> to vector<1x16xf32>
      tpu.vector_store %arg19[%swap3A_692, %swap3A_693], %swap3A_696 {add = true, strides = array<i32>} : memref<32x768xf32, #tpu.memory_space<vmem>>, vector<1x16xf32>,
      %swap3A_697 = arith.index_cast %scan3A_586 : i32 to index
      %swap3A_698 = arith.constant 352 : index
      %swap3A_699 = tpu.vector_load %arg19[%swap3A_697, %swap3A_698] {strides = array<i32>} : memref<32x768xf32, #tpu.memory_space<vmem>>, vector<1x16xf32>,
      %swap3A_700 = vector.shape_cast %swap3A_699 : vector<1x16xf32> to vector<16xf32>
      %swap3A_701 = vector.shape_cast %get3A_348 : vector<16xf32> to vector<1x16xf32>
      tpu.vector_store %arg19[%swap3A_697, %swap3A_698], %swap3A_701 {add = true, strides = array<i32>} : memref<32x768xf32, #tpu.memory_space<vmem>>, vector<1x16xf32>,
      %swap3A_702 = arith.index_cast %scan3A_586 : i32 to index
      %swap3A_703 = arith.constant 368 : index
      %swap3A_704 = tpu.vector_load %arg19[%swap3A_702, %swap3A_703] {strides = array<i32>} : memref<32x768xf32, #tpu.memory_space<vmem>>, vector<1x16xf32>,
      %swap3A_705 = vector.shape_cast %swap3A_704 : vector<1x16xf32> to vector<16xf32>
      %swap3A_706 = vector.shape_cast %get3A_351 : vector<16xf32> to vector<1x16xf32>
      tpu.vector_store %arg19[%swap3A_702, %swap3A_703], %swap3A_706 {add = true, strides = array<i32>} : memref<32x768xf32, #tpu.memory_space<vmem>>, vector<1x16xf32>,
      %swap3A_707 = arith.index_cast %scan3A_586 : i32 to index
      %swap3A_708 = arith.constant 384 : index
      %swap3A_709 = tpu.vector_load %arg19[%swap3A_707, %swap3A_708] {strides = array<i32>} : memref<32x768xf32, #tpu.memory_space<vmem>>, vector<1x16xf32>,
      %swap3A_710 = vector.shape_cast %swap3A_709 : vector<1x16xf32> to vector<16xf32>
      %swap3A_711 = vector.shape_cast %get3A_354 : vector<16xf32> to vector<1x16xf32>
      tpu.vector_store %arg19[%swap3A_707, %swap3A_708], %swap3A_711 {add = true, strides = array<i32>} : memref<32x768xf32, #tpu.memory_space<vmem>>, vector<1x16xf32>,
      %swap3A_712 = arith.index_cast %scan3A_586 : i32 to index
      %swap3A_713 = arith.constant 400 : index
      %swap3A_714 = tpu.vector_load %arg19[%swap3A_712, %swap3A_713] {strides = array<i32>} : memref<32x768xf32, #tpu.memory_space<vmem>>, vector<1x16xf32>,
      %swap3A_715 = vector.shape_cast %swap3A_714 : vector<1x16xf32> to vector<16xf32>
      %swap3A_716 = vector.shape_cast %get3A_357 : vector<16xf32> to vector<1x16xf32>
      tpu.vector_store %arg19[%swap3A_712, %swap3A_713], %swap3A_716 {add = true, strides = array<i32>} : memref<32x768xf32, #tpu.memory_space<vmem>>, vector<1x16xf32>,
      %swap3A_717 = arith.index_cast %scan3A_586 : i32 to index
      %swap3A_718 = arith.constant 416 : index
      %swap3A_719 = tpu.vector_load %arg19[%swap3A_717, %swap3A_718] {strides = array<i32>} : memref<32x768xf32, #tpu.memory_space<vmem>>, vector<1x16xf32>,
      %swap3A_720 = vector.shape_cast %swap3A_719 : vector<1x16xf32> to vector<16xf32>
      %swap3A_721 = vector.shape_cast %get3A_360 : vector<16xf32> to vector<1x16xf32>
      tpu.vector_store %arg19[%swap3A_717, %swap3A_718], %swap3A_721 {add = true, strides = array<i32>} : memref<32x768xf32, #tpu.memory_space<vmem>>, vector<1x16xf32>,
      %swap3A_722 = arith.index_cast %scan3A_586 : i32 to index
      %swap3A_723 = arith.constant 432 : index
      %swap3A_724 = tpu.vector_load %arg19[%swap3A_722, %swap3A_723] {strides = array<i32>} : memref<32x768xf32, #tpu.memory_space<vmem>>, vector<1x16xf32>,
      %swap3A_725 = vector.shape_cast %swap3A_724 : vector<1x16xf32> to vector<16xf32>
      %swap3A_726 = vector.shape_cast %get3A_363 : vector<16xf32> to vector<1x16xf32>
      tpu.vector_store %arg19[%swap3A_722, %swap3A_723], %swap3A_726 {add = true, strides = array<i32>} : memref<32x768xf32, #tpu.memory_space<vmem>>, vector<1x16xf32>,
      %swap3A_727 = arith.index_cast %scan3A_586 : i32 to index
      %swap3A_728 = arith.constant 448 : index
      %swap3A_729 = tpu.vector_load %arg19[%swap3A_727, %swap3A_728] {strides = array<i32>} : memref<32x768xf32, #tpu.memory_space<vmem>>, vector<1x16xf32>,
      %swap3A_730 = vector.shape_cast %swap3A_729 : vector<1x16xf32> to vector<16xf32>
      %swap3A_731 = vector.shape_cast %get3A_366 : vector<16xf32> to vector<1x16xf32>
      tpu.vector_store %arg19[%swap3A_727, %swap3A_728], %swap3A_731 {add = true, strides = array<i32>} : memref<32x768xf32, #tpu.memory_space<vmem>>, vector<1x16xf32>,
      %swap3A_732 = arith.index_cast %scan3A_586 : i32 to index
      %swap3A_733 = arith.constant 464 : index
      %swap3A_734 = tpu.vector_load %arg19[%swap3A_732, %swap3A_733] {strides = array<i32>} : memref<32x768xf32, #tpu.memory_space<vmem>>, vector<1x16xf32>,
      %swap3A_735 = vector.shape_cast %swap3A_734 : vector<1x16xf32> to vector<16xf32>
      %swap3A_736 = vector.shape_cast %get3A_369 : vector<16xf32> to vector<1x16xf32>
      tpu.vector_store %arg19[%swap3A_732, %swap3A_733], %swap3A_736 {add = true, strides = array<i32>} : memref<32x768xf32, #tpu.memory_space<vmem>>, vector<1x16xf32>,
      %swap3A_737 = arith.index_cast %scan3A_586 : i32 to index
      %swap3A_738 = arith.constant 480 : index
      %swap3A_739 = tpu.vector_load %arg19[%swap3A_737, %swap3A_738] {strides = array<i32>} : memref<32x768xf32, #tpu.memory_space<vmem>>, vector<1x16xf32>,
      %swap3A_740 = vector.shape_cast %swap3A_739 : vector<1x16xf32> to vector<16xf32>
      %swap3A_741 = vector.shape_cast %get3A_372 : vector<16xf32> to vector<1x16xf32>
      tpu.vector_store %arg19[%swap3A_737, %swap3A_738], %swap3A_741 {add = true, strides = array<i32>} : memref<32x768xf32, #tpu.memory_space<vmem>>, vector<1x16xf32>,
      %swap3A_742 = arith.index_cast %scan3A_586 : i32 to index
      %swap3A_743 = arith.constant 496 : index
      %swap3A_744 = tpu.vector_load %arg19[%swap3A_742, %swap3A_743] {strides = array<i32>} : memref<32x768xf32, #tpu.memory_space<vmem>>, vector<1x16xf32>,
      %swap3A_745 = vector.shape_cast %swap3A_744 : vector<1x16xf32> to vector<16xf32>
      %swap3A_746 = vector.shape_cast %get3A_375 : vector<16xf32> to vector<1x16xf32>
      tpu.vector_store %arg19[%swap3A_742, %swap3A_743], %swap3A_746 {add = true, strides = array<i32>} : memref<32x768xf32, #tpu.memory_space<vmem>>, vector<1x16xf32>,
      %swap3A_747 = arith.index_cast %scan3A_586 : i32 to index
      %swap3A_748 = arith.constant 512 : index
      %swap3A_749 = tpu.vector_load %arg19[%swap3A_747, %swap3A_748] {strides = array<i32>} : memref<32x768xf32, #tpu.memory_space<vmem>>, vector<1x16xf32>,
      %swap3A_750 = vector.shape_cast %swap3A_749 : vector<1x16xf32> to vector<16xf32>
      %swap3A_751 = vector.shape_cast %get3A_378 : vector<16xf32> to vector<1x16xf32>
      tpu.vector_store %arg19[%swap3A_747, %swap3A_748], %swap3A_751 {add = true, strides = array<i32>} : memref<32x768xf32, #tpu.memory_space<vmem>>, vector<1x16xf32>,
      %swap3A_752 = arith.index_cast %scan3A_586 : i32 to index
      %swap3A_753 = arith.constant 528 : index
      %swap3A_754 = tpu.vector_load %arg19[%swap3A_752, %swap3A_753] {strides = array<i32>} : memref<32x768xf32, #tpu.memory_space<vmem>>, vector<1x16xf32>,
      %swap3A_755 = vector.shape_cast %swap3A_754 : vector<1x16xf32> to vector<16xf32>
      %swap3A_756 = vector.shape_cast %get3A_381 : vector<16xf32> to vector<1x16xf32>
      tpu.vector_store %arg19[%swap3A_752, %swap3A_753], %swap3A_756 {add = true, strides = array<i32>} : memref<32x768xf32, #tpu.memory_space<vmem>>, vector<1x16xf32>,
      %swap3A_757 = arith.index_cast %scan3A_586 : i32 to index
      %swap3A_758 = arith.constant 544 : index
      %swap3A_759 = tpu.vector_load %arg19[%swap3A_757, %swap3A_758] {strides = array<i32>} : memref<32x768xf32, #tpu.memory_space<vmem>>, vector<1x16xf32>,
      %swap3A_760 = vector.shape_cast %swap3A_759 : vector<1x16xf32> to vector<16xf32>
      %swap3A_761 = vector.shape_cast %get3A_384 : vector<16xf32> to vector<1x16xf32>
      tpu.vector_store %arg19[%swap3A_757, %swap3A_758], %swap3A_761 {add = true, strides = array<i32>} : memref<32x768xf32, #tpu.memory_space<vmem>>, vector<1x16xf32>,
      %swap3A_762 = arith.index_cast %scan3A_586 : i32 to index
      %swap3A_763 = arith.constant 560 : index
      %swap3A_764 = tpu.vector_load %arg19[%swap3A_762, %swap3A_763] {strides = array<i32>} : memref<32x768xf32, #tpu.memory_space<vmem>>, vector<1x16xf32>,
      %swap3A_765 = vector.shape_cast %swap3A_764 : vector<1x16xf32> to vector<16xf32>
      %swap3A_766 = vector.shape_cast %get3A_387 : vector<16xf32> to vector<1x16xf32>
      tpu.vector_store %arg19[%swap3A_762, %swap3A_763], %swap3A_766 {add = true, strides = array<i32>} : memref<32x768xf32, #tpu.memory_space<vmem>>, vector<1x16xf32>,
      %swap3A_767 = arith.index_cast %scan3A_586 : i32 to index
      %swap3A_768 = arith.constant 576 : index
      %swap3A_769 = tpu.vector_load %arg19[%swap3A_767, %swap3A_768] {strides = array<i32>} : memref<32x768xf32, #tpu.memory_space<vmem>>, vector<1x16xf32>,
      %swap3A_770 = vector.shape_cast %swap3A_769 : vector<1x16xf32> to vector<16xf32>
      %swap3A_771 = vector.shape_cast %get3A_390 : vector<16xf32> to vector<1x16xf32>
      tpu.vector_store %arg19[%swap3A_767, %swap3A_768], %swap3A_771 {add = true, strides = array<i32>} : memref<32x768xf32, #tpu.memory_space<vmem>>, vector<1x16xf32>,
      %swap3A_772 = arith.index_cast %scan3A_586 : i32 to index
      %swap3A_773 = arith.constant 592 : index
      %swap3A_774 = tpu.vector_load %arg19[%swap3A_772, %swap3A_773] {strides = array<i32>} : memref<32x768xf32, #tpu.memory_space<vmem>>, vector<1x16xf32>,
      %swap3A_775 = vector.shape_cast %swap3A_774 : vector<1x16xf32> to vector<16xf32>
      %swap3A_776 = vector.shape_cast %get3A_393 : vector<16xf32> to vector<1x16xf32>
      tpu.vector_store %arg19[%swap3A_772, %swap3A_773], %swap3A_776 {add = true, strides = array<i32>} : memref<32x768xf32, #tpu.memory_space<vmem>>, vector<1x16xf32>,
      %swap3A_777 = arith.index_cast %scan3A_586 : i32 to index
      %swap3A_778 = arith.constant 608 : index
      %swap3A_779 = tpu.vector_load %arg19[%swap3A_777, %swap3A_778] {strides = array<i32>} : memref<32x768xf32, #tpu.memory_space<vmem>>, vector<1x16xf32>,
      %swap3A_780 = vector.shape_cast %swap3A_779 : vector<1x16xf32> to vector<16xf32>
      %swap3A_781 = vector.shape_cast %get3A_396 : vector<16xf32> to vector<1x16xf32>
      tpu.vector_store %arg19[%swap3A_777, %swap3A_778], %swap3A_781 {add = true, strides = array<i32>} : memref<32x768xf32, #tpu.memory_space<vmem>>, vector<1x16xf32>,
      %swap3A_782 = arith.index_cast %scan3A_586 : i32 to index
      %swap3A_783 = arith.constant 624 : index
      %swap3A_784 = tpu.vector_load %arg19[%swap3A_782, %swap3A_783] {strides = array<i32>} : memref<32x768xf32, #tpu.memory_space<vmem>>, vector<1x16xf32>,
      %swap3A_785 = vector.shape_cast %swap3A_784 : vector<1x16xf32> to vector<16xf32>
      %swap3A_786 = vector.shape_cast %get3A_399 : vector<16xf32> to vector<1x16xf32>
      tpu.vector_store %arg19[%swap3A_782, %swap3A_783], %swap3A_786 {add = true, strides = array<i32>} : memref<32x768xf32, #tpu.memory_space<vmem>>, vector<1x16xf32>,
      %swap3A_787 = arith.index_cast %scan3A_586 : i32 to index
      %swap3A_788 = arith.constant 640 : index
      %swap3A_789 = tpu.vector_load %arg19[%swap3A_787, %swap3A_788] {strides = array<i32>} : memref<32x768xf32, #tpu.memory_space<vmem>>, vector<1x16xf32>,
      %swap3A_790 = vector.shape_cast %swap3A_789 : vector<1x16xf32> to vector<16xf32>
      %swap3A_791 = vector.shape_cast %get3A_402 : vector<16xf32> to vector<1x16xf32>
      tpu.vector_store %arg19[%swap3A_787, %swap3A_788], %swap3A_791 {add = true, strides = array<i32>} : memref<32x768xf32, #tpu.memory_space<vmem>>, vector<1x16xf32>,
      %swap3A_792 = arith.index_cast %scan3A_586 : i32 to index
      %swap3A_793 = arith.constant 656 : index
      %swap3A_794 = tpu.vector_load %arg19[%swap3A_792, %swap3A_793] {strides = array<i32>} : memref<32x768xf32, #tpu.memory_space<vmem>>, vector<1x16xf32>,
      %swap3A_795 = vector.shape_cast %swap3A_794 : vector<1x16xf32> to vector<16xf32>
      %swap3A_796 = vector.shape_cast %get3A_405 : vector<16xf32> to vector<1x16xf32>
      tpu.vector_store %arg19[%swap3A_792, %swap3A_793], %swap3A_796 {add = true, strides = array<i32>} : memref<32x768xf32, #tpu.memory_space<vmem>>, vector<1x16xf32>,
      %swap3A_797 = arith.index_cast %scan3A_586 : i32 to index
      %swap3A_798 = arith.constant 672 : index
      %swap3A_799 = tpu.vector_load %arg19[%swap3A_797, %swap3A_798] {strides = array<i32>} : memref<32x768xf32, #tpu.memory_space<vmem>>, vector<1x16xf32>,
      %swap3A_800 = vector.shape_cast %swap3A_799 : vector<1x16xf32> to vector<16xf32>
      %swap3A_801 = vector.shape_cast %get3A_408 : vector<16xf32> to vector<1x16xf32>
      tpu.vector_store %arg19[%swap3A_797, %swap3A_798], %swap3A_801 {add = true, strides = array<i32>} : memref<32x768xf32, #tpu.memory_space<vmem>>, vector<1x16xf32>,
      %swap3A_802 = arith.index_cast %scan3A_586 : i32 to index
      %swap3A_803 = arith.constant 688 : index
      %swap3A_804 = tpu.vector_load %arg19[%swap3A_802, %swap3A_803] {strides = array<i32>} : memref<32x768xf32, #tpu.memory_space<vmem>>, vector<1x16xf32>,
      %swap3A_805 = vector.shape_cast %swap3A_804 : vector<1x16xf32> to vector<16xf32>
      %swap3A_806 = vector.shape_cast %get3A_411 : vector<16xf32> to vector<1x16xf32>
      tpu.vector_store %arg19[%swap3A_802, %swap3A_803], %swap3A_806 {add = true, strides = array<i32>} : memref<32x768xf32, #tpu.memory_space<vmem>>, vector<1x16xf32>,
      %swap3A_807 = arith.index_cast %scan3A_586 : i32 to index
      %swap3A_808 = arith.constant 704 : index
      %swap3A_809 = tpu.vector_load %arg19[%swap3A_807, %swap3A_808] {strides = array<i32>} : memref<32x768xf32, #tpu.memory_space<vmem>>, vector<1x16xf32>,
      %swap3A_810 = vector.shape_cast %swap3A_809 : vector<1x16xf32> to vector<16xf32>
      %swap3A_811 = vector.shape_cast %get3A_414 : vector<16xf32> to vector<1x16xf32>
      tpu.vector_store %arg19[%swap3A_807, %swap3A_808], %swap3A_811 {add = true, strides = array<i32>} : memref<32x768xf32, #tpu.memory_space<vmem>>, vector<1x16xf32>,
      %swap3A_812 = arith.index_cast %scan3A_586 : i32 to index
      %swap3A_813 = arith.constant 720 : index
      %swap3A_814 = tpu.vector_load %arg19[%swap3A_812, %swap3A_813] {strides = array<i32>} : memref<32x768xf32, #tpu.memory_space<vmem>>, vector<1x16xf32>,
      %swap3A_815 = vector.shape_cast %swap3A_814 : vector<1x16xf32> to vector<16xf32>
      %swap3A_816 = vector.shape_cast %get3A_417 : vector<16xf32> to vector<1x16xf32>
      tpu.vector_store %arg19[%swap3A_812, %swap3A_813], %swap3A_816 {add = true, strides = array<i32>} : memref<32x768xf32, #tpu.memory_space<vmem>>, vector<1x16xf32>,
      %swap3A_817 = arith.index_cast %scan3A_586 : i32 to index
      %swap3A_818 = arith.constant 736 : index
      %swap3A_819 = tpu.vector_load %arg19[%swap3A_817, %swap3A_818] {strides = array<i32>} : memref<32x768xf32, #tpu.memory_space<vmem>>, vector<1x16xf32>,
      %swap3A_820 = vector.shape_cast %swap3A_819 : vector<1x16xf32> to vector<16xf32>
      %swap3A_821 = vector.shape_cast %get3A_420 : vector<16xf32> to vector<1x16xf32>
      tpu.vector_store %arg19[%swap3A_817, %swap3A_818], %swap3A_821 {add = true, strides = array<i32>} : memref<32x768xf32, #tpu.memory_space<vmem>>, vector<1x16xf32>,
      %swap3A_822 = arith.index_cast %scan3A_586 : i32 to index
      %swap3A_823 = arith.constant 752 : index
      %swap3A_824 = tpu.vector_load %arg19[%swap3A_822, %swap3A_823] {strides = array<i32>} : memref<32x768xf32, #tpu.memory_space<vmem>>, vector<1x16xf32>,
      %swap3A_825 = vector.shape_cast %swap3A_824 : vector<1x16xf32> to vector<16xf32>
      %swap3A_826 = vector.shape_cast %get3A_423 : vector<16xf32> to vector<1x16xf32>
      tpu.vector_store %arg19[%swap3A_822, %swap3A_823], %swap3A_826 {add = true, strides = array<i32>} : memref<32x768xf32, #tpu.memory_space<vmem>>, vector<1x16xf32>,
    }
    %scan3A_559 = arith.constant 32 : i32
    %add3A_560 = arith.constant 224 : i32
    %add3A_561 = arith.addi %mul3A_2, %add3A_560 : i32
    %dma_start3A_562 = arith.constant 0 : i32
    %dma_start3A_563 = tpu.memref_slice %arg5[%add3A_561, %dma_start3A_562] : memref<8192x768xf32, #tpu.memory_space<hbm>> -> memref<32x768xf32, #tpu.memory_space<hbm>>
    %dma_start3A_564 = arith.constant 0 : i32
    %dma_start3A_565 = tpu.memref_slice %arg5[%add3A_561, %dma_start3A_564] : memref<8192x768xf32, #tpu.memory_space<hbm>> -> memref<32x768xf32, #tpu.memory_space<hbm>>
    tpu.enqueue_dma source(%arg19 : memref<32x768xf32, #tpu.memory_space<vmem>>) target(%dma_start3A_565 : memref<32x768xf32, #tpu.memory_space<hbm>>) target_semaphore(%arg29 : memref<!tpu.dma_semaphore, #tpu.memory_space<semaphore_mem>>)
    %dma_wait3A_566 = arith.constant 0 : i32
    %dma_wait3A_567 = tpu.memref_slice %arg5[%add3A_494, %dma_wait3A_566] : memref<8192x768xf32, #tpu.memory_space<hbm>> -> memref<32x768xf32, #tpu.memory_space<hbm>>
    %dma_wait3A_568 = arith.constant 0 : i32
    %dma_wait3A_569 = tpu.memref_slice %arg5[%add3A_494, %dma_wait3A_568] : memref<8192x768xf32, #tpu.memory_space<hbm>> -> memref<32x768xf32, #tpu.memory_space<hbm>>
    tpu.wait_dma2 semaphore(%arg30 : memref<!tpu.dma_semaphore, #tpu.memory_space<semaphore_mem>>) src(%arg20 : memref<32x768xf32, #tpu.memory_space<vmem>>) dst(%dma_wait3A_569 : memref<32x768xf32, #tpu.memory_space<hbm>>)
    %dma_wait3A_570 = arith.constant 0 : i32
    %dma_wait3A_571 = tpu.memref_slice %arg5[%add3A_516, %dma_wait3A_570] : memref<8192x768xf32, #tpu.memory_space<hbm>> -> memref<32x768xf32, #tpu.memory_space<hbm>>
    %dma_wait3A_572 = arith.constant 0 : i32
    %dma_wait3A_573 = tpu.memref_slice %arg5[%add3A_516, %dma_wait3A_572] : memref<8192x768xf32, #tpu.memory_space<hbm>> -> memref<32x768xf32, #tpu.memory_space<hbm>>
    tpu.wait_dma2 semaphore(%arg31 : memref<!tpu.dma_semaphore, #tpu.memory_space<semaphore_mem>>) src(%arg21 : memref<32x768xf32, #tpu.memory_space<vmem>>) dst(%dma_wait3A_573 : memref<32x768xf32, #tpu.memory_space<hbm>>)
    %dma_wait3A_574 = arith.constant 0 : i32
    %dma_wait3A_575 = tpu.memref_slice %arg5[%add3A_531, %dma_wait3A_574] : memref<8192x768xf32, #tpu.memory_space<hbm>> -> memref<32x768xf32, #tpu.memory_space<hbm>>
    %dma_wait3A_576 = arith.constant 0 : i32
    %dma_wait3A_577 = tpu.memref_slice %arg5[%add3A_531, %dma_wait3A_576] : memref<8192x768xf32, #tpu.memory_space<hbm>> -> memref<32x768xf32, #tpu.memory_space<hbm>>
    tpu.wait_dma2 semaphore(%arg27 : memref<!tpu.dma_semaphore, #tpu.memory_space<semaphore_mem>>) src(%arg17 : memref<32x768xf32, #tpu.memory_space<vmem>>) dst(%dma_wait3A_577 : memref<32x768xf32, #tpu.memory_space<hbm>>)
    %dma_wait3A_578 = arith.constant 0 : i32
    %dma_wait3A_579 = tpu.memref_slice %arg5[%add3A_546, %dma_wait3A_578] : memref<8192x768xf32, #tpu.memory_space<hbm>> -> memref<32x768xf32, #tpu.memory_space<hbm>>
    %dma_wait3A_580 = arith.constant 0 : i32
    %dma_wait3A_581 = tpu.memref_slice %arg5[%add3A_546, %dma_wait3A_580] : memref<8192x768xf32, #tpu.memory_space<hbm>> -> memref<32x768xf32, #tpu.memory_space<hbm>>
    tpu.wait_dma2 semaphore(%arg28 : memref<!tpu.dma_semaphore, #tpu.memory_space<semaphore_mem>>) src(%arg18 : memref<32x768xf32, #tpu.memory_space<vmem>>) dst(%dma_wait3A_581 : memref<32x768xf32, #tpu.memory_space<hbm>>)
    %dma_wait3A_582 = arith.constant 0 : i32
    %dma_wait3A_583 = tpu.memref_slice %arg5[%add3A_561, %dma_wait3A_582] : memref<8192x768xf32, #tpu.memory_space<hbm>> -> memref<32x768xf32, #tpu.memory_space<hbm>>
    %dma_wait3A_584 = arith.constant 0 : i32
    %dma_wait3A_585 = tpu.memref_slice %arg5[%add3A_561, %dma_wait3A_584] : memref<8192x768xf32, #tpu.memory_space<hbm>> -> memref<32x768xf32, #tpu.memory_space<hbm>>
    tpu.wait_dma2 semaphore(%arg29 : memref<!tpu.dma_semaphore, #tpu.memory_space<semaphore_mem>>) src(%arg19 : memref<32x768xf32, #tpu.memory_space<vmem>>) dst(%dma_wait3A_585 : memref<32x768xf32, #tpu.memory_space<hbm>>)
    return
  }
}

module attributes {stable_mosaic.version = 14 : i64} {
  func.func @_pos_body(%arg0: i32, %arg1: memref<1024x768xf32, #tpu.memory_space<vmem>>, %arg2: memref<4x1024x768xf32, #tpu.memory_space<vmem>>) attributes {dimension_semantics = [#tpu.dimension_semantics<arbitrary>], iteration_bounds = array<i64: 2>, scalar_prefetch = 0 : i64, scratch_operands = 0 : i64, tpu.core_type = #tpu.core_type<tc>, window_params = [{transform_indices = @transform_0, window_bounds = array<i64: 1024, 768>}, {transform_indices = @transform_1, window_bounds = array<i64: 4, 1024, 768>}]} {
    %get3A = arith.constant 0 : index
    %get3A_0 = arith.constant 0 : index
    %get3A_1 = vector.load %arg1[%get3A, %get3A_0] : memref<1024x768xf32, #tpu.memory_space<vmem>>, vector<1024x768xf32>
    %broadcast_in_dim3A = vector.shape_cast %get3A_1 : vector<1024x768xf32> to vector<1x1024x768xf32>
    %broadcast_in_dim3A_2 = vector.shape_cast %broadcast_in_dim3A : vector<1x1024x768xf32> to vector<1x1024x768xf32>
    %broadcast_in_dim3A_3 = vector.broadcast %broadcast_in_dim3A_2 : vector<1x1024x768xf32> to vector<4x1024x768xf32>
    %swap3A = arith.constant 0 : index
    %swap3A_4 = arith.constant 0 : index
    %swap3A_5 = arith.constant 0 : index
    %swap3A_6 = vector.load %arg2[%swap3A, %swap3A_4, %swap3A_5] : memref<4x1024x768xf32, #tpu.memory_space<vmem>>, vector<4x1024x768xf32>
    tpu.vector_store %arg2[%swap3A, %swap3A_4, %swap3A_5], %broadcast_in_dim3A_3 {strides = array<i32>} : memref<4x1024x768xf32, #tpu.memory_space<vmem>>, vector<4x1024x768xf32>,
    return
  }
  func.func @transform_0(%arg0: i32) -> (i32, i32) {
    %c0_i32 = arith.constant 0 : i32
    %c0_i32_0 = arith.constant 0 : i32
    return %arg0, %c0_i32 : i32, i32
  }
  func.func @transform_1(%arg0: i32) -> (i32, i32, i32) {
    %c0_i32 = arith.constant 0 : i32
    %c0_i32_0 = arith.constant 0 : i32
    %c0_i32_1 = arith.constant 0 : i32
    return %c0_i32, %arg0, %c0_i32_0 : i32, i32, i32
  }
}

</mosaic_0001>

<sc_bundles>
// kernel: kernel.4.cloned.1.call-start
scs
__scs_entry_jumppad:
0x0: {  	(pc) =	sbr.rel $0x88, $3  }
0x1: {  	(tag) =	ssettag $0x0;
	lr =	simm.s32 $0x1  }
0x2: {  	[smem:$0x3F9D] =	sst lr;
	_ =	strace $0xD0000000  }
0x3: {  	_ = 	snop  }
0x4: {  	_ = 	snop  }
0x5: {  	_ = 	snop  }
0x6: {  	_ = 	snop  }
0x7: {  	_ = 	snop  }
__scs_overlays_trampoline_lowered:
0x8: {  	[smem:$0x3FAC] =	sst s0  }
0x9: {  	[smem:$0x3FAD] =	sst s1  }
0xa: {  	[smem:$0x3FAE] =	sst s2  }
0xb: {  	[smem:$0x3FAF] =	sst s3  }
0xc: {  	[smem:$0x3FB0] =	sst s4  }
0xd: {  	[smem:$0x3FB1] =	sst s5  }
0xe: {  	[smem:$0x3FB2] =	sst s6  }
0xf: {  	[smem:$0x3FB3] =	sst s7  }
0x10: {  	[smem:$0x3FB4] =	sst s8  }
0x11: {  	[smem:$0x3FB5] =	sst s9;
	s0 =	simm.s32 @!p0 $0x0  }
0x12: {  	s1 =	sld [smem:$0x3F9B];
	s0 =	simm.s32 @p0 $0x1  }
0x13: {  	[smem:$0x3FB6] =	sst s0;
	s0 =	simm.s32 @!p1 $0x0  }
0x14: {  	s2 =	sld [smem:$0x3F9A];
	s0 =	simm.s32 @p1 $0x1  }
0x15: {  	[smem:$0x3FB7] =	sst s0;
	s0 =	simm.s32 @!p2 $0x0  }
0x16: {  	s3 =	sld [smem:$0x3FDB];
	s0 =	simm.s32 @p2 $0x1  }
0x17: {  	s4 =	simm.s32 $0x1BF5;
	[smem:$0x3FB9] =	sst s0  }
0x18: {  	s0 =	sld [smem:$0x3F9C];
	_ =	swait.ge [sflag:s4], $0x0  }
0x19: {  	s7 =	sld [smem:$0x3F9D]  }
0x1a: {  	s8 =	sadd.s32 $0xFFFFE003, lr  }
0x1b: {  	s9 =	sadd.s32 $0xFFFFFEF7, lr;
	s5 =	simm.s32 $0xFFFFFFFF;
	p2 =	slt.u32 s8, $0xFFFFF086  }
0x1c: {  	p1 =	slt.u32 s9, $0xF7A;
	s5 =	simm.s32 @!p2 $0x0  }
0x1d: {  	s5 =	simm.s32 @p1 $0x1;
	p0 =	seq.s32 s7, s2  }
0x1e: {  	s7 =	smul.u32 @!p0 $0xF7A, s2;
	p2 =	seq.s32 @!p0 s5, $0x0  }
0x1f: {  	s9 =	smul.u32 $0xF7A, s1;
	s8 =	simm.s32 @!p0 $0x1BF5;
	p2 =	por !p2, p0  }
0x20: {  	[sflag:s8] =	ssyncset.s32 @!p0 $0xFFFFF086;
	s6 =	sadd.s32 @!p0 s3, s7;
	s7 =	simm.s32 @!p0 $0x108  }
0x21: {  	s3 =	sadd.s32 s3, s9;
	s6 =	sadd.s32 @!p0 $0x88, s6;
	s7 =	simm.s32 @p2 $0x1082  }
0x22: {  	[simem:s7], [sflag:s8] =	dma.local @!p0 [hbm:s6], $0xF7A  }
0x23: {  	s9 =	sor.u32 $0xD0000000, s2;
	s6 =	simm.s32 $0x108;
	_ =	swait.ge @!p0 [sflag:s8], $0x0  }
0x24: {  	s3 =	sadd.s32 $0x88, s3;
	s6 =	simm.s32 @!p1 $0x1082;
	[sflag:s4] =	ssyncset.s32 $0xFFFFF086  }
0x25: {  	[simem:s6], [sflag:s4] =	dma.local [hbm:s3], $0xF7A  }
0x26: {  	[smem:$0x3F9D] =	sst s1;
	(tag) =	ssettag s2;
	_ =	strace s9  }
0x27: {  	s1 =	sld [smem:$0x3FAD]  }
0x28: {  	s2 =	sld [smem:$0x3FAE]  }
0x29: {  	s4 =	sld [smem:$0x3FB0]  }
0x2a: {  	p0 =	seq.s32 s5, $0x0;
	s5 =	sld [smem:$0x3FB1]  }
0x2b: {  	s6 =	sld [smem:$0x3FB2]  }
0x2c: {  	s7 =	sld [smem:$0x3FB3]  }
0x2d: {  	s3 =	simm.s32 $0x108;
	s8 =	sld [smem:$0x3FB4]  }
0x2e: {  	s3 =	simm.s32 @!p0 $0x1082;
	s9 =	sld [smem:$0x3FB5]  }
0x2f: {  	lr =	sadd.s32 s0, s3;
	s0 =	sld [smem:$0x3FAC]  }
0x30: {  	s3 =	sld [smem:$0x3FAF]  }
0x31: {  	[smem:$0x3FB8] =	sst s10  }
0x32: {  	s10 =	sld [smem:$0x3FB6];
	_ =	sdelay $0x3  }
0x33: {  	p0 =	seq.s32 s10, $0x1;
	s10 =	sld [smem:$0x3FB8];
	_ =	sdelay $0x3  }
0x34: {  	[smem:$0x3FB8] =	sst s10  }
0x35: {  	s10 =	sld [smem:$0x3FB7];
	_ =	sdelay $0x3  }
0x36: {  	p1 =	seq.s32 s10, $0x1;
	s10 =	sld [smem:$0x3FB8];
	_ =	sdelay $0x3  }
0x37: {  	[smem:$0x3FB8] =	sst s10  }
0x38: {  	s10 =	sld [smem:$0x3FB9]  }
0x39: {  	_ = 	snop;
	(pc) =	sbr.ind lr, $3  }
0x3a: {  	_ = 	snop  }
0x3b: {  	_ = 	snop  }
0x3c: {  	p2 =	seq.s32 s10, $0x1;
	s10 =	sld [smem:$0x3FB8]  }
0x3d: {  	_ =	shalt  }
0x3e: {  	_ =	shalt  }
0x3f: {  	_ =	shalt  }
0x40: {  	_ =	shalt  }
0x41: {  	_ =	shalt  }
0x42: {  	_ =	shalt  }
0x43: {  	_ =	shalt  }
0x44: {  	_ =	shalt  }
0x45: {  	_ =	shalt  }
0x46: {  	_ =	shalt  }
0x47: {  	_ =	shalt  }
0x48: {  	_ =	shalt  }
0x49: {  	_ =	shalt  }
0x4a: {  	_ =	shalt  }
0x4b: {  	_ =	shalt  }
0x4c: {  	_ =	shalt  }
0x4d: {  	_ =	shalt  }
0x4e: {  	_ =	shalt  }
0x4f: {  	_ =	shalt  }
0x50: {  	_ =	shalt  }
0x51: {  	_ =	shalt  }
0x52: {  	_ =	shalt  }
0x53: {  	_ =	shalt  }
0x54: {  	_ =	shalt  }
0x55: {  	_ =	shalt  }
0x56: {  	_ =	shalt  }
0x57: {  	_ =	shalt  }
0x58: {  	_ =	shalt  }
0x59: {  	_ =	shalt  }
0x5a: {  	_ =	shalt  }
0x5b: {  	_ =	shalt  }
0x5c: {  	_ =	shalt  }
0x5d: {  	_ =	shalt  }
0x5e: {  	_ =	shalt  }
0x5f: {  	_ =	shalt  }
0x60: {  	_ =	shalt  }
0x61: {  	_ =	shalt  }
0x62: {  	_ =	shalt  }
0x63: {  	_ =	shalt  }
0x64: {  	_ =	shalt  }
0x65: {  	_ =	shalt  }
0x66: {  	_ =	shalt  }
0x67: {  	_ =	shalt  }
0x68: {  	_ =	shalt  }
0x69: {  	_ =	shalt  }
0x6a: {  	_ =	shalt  }
0x6b: {  	_ =	shalt  }
0x6c: {  	_ =	shalt  }
0x6d: {  	_ =	shalt  }
0x6e: {  	_ =	shalt  }
0x6f: {  	_ =	shalt  }
0x70: {  	_ =	shalt  }
0x71: {  	_ =	shalt  }
0x72: {  	_ =	shalt  }
0x73: {  	_ =	shalt  }
0x74: {  	_ =	shalt  }
0x75: {  	_ =	shalt  }
0x76: {  	_ =	shalt  }
0x77: {  	_ =	shalt  }
0x78: {  	_ =	shalt  }
0x79: {  	_ =	shalt  }
0x7a: {  	_ =	shalt  }
0x7b: {  	_ =	shalt  }
0x7c: {  	_ =	shalt  }
0x7d: {  	_ =	shalt  }
0x7e: {  	_ =	shalt  }
0x7f: {  	_ =	shalt  }
0x80: {  	_ =	shalt  }
0x81: {  	_ =	shalt  }
0x82: {  	_ =	shalt  }
0x83: {  	_ =	shalt  }
0x84: {  	_ =	shalt  }
0x85: {  	_ =	shalt  }
0x86: {  	_ =	shalt  }
0x87: {  	_ =	shalt  }
.Lfunc_end0:
.L_simem_size_0:
called_computation_lowered:
.L_overlay_start_0:
0x88: {  	s2 =	sld [smem:$0x3FD9]  }
0x89: {  	s3 =	sld [smem:$0x3FFE];
	_ =	sdelay $0x1  }
0x8a: {  	s1 =	srdreg.scid  }
0x8b: {  	s0 =	sand.u32 $0x1, s1  }
0x8c: {  	s14 =	sshll.u32 s0, $0xA;
	s2 =	sadd.s32 s3, s2  }
0x8d: {  	s2 =	sadd.s32 s2, s14  }
0x8e: {  	[smem:$0x3FC4] =	sst s2  }
0x8f: {  	_ = 	snop  }
0x90: {  	s2 =	sld [smem:$0x3FD0];
	_ =	sdelay $0x1  }
0x91: {  	s15 =	sld [smem:$0x3FC8]  }
0x92: {  	s5 =	simm.s32 $0xA;
	s6 =	simm.s32 $0x10;
	s4 =	sld [smem:$0x3FC6]  }
0x93: {  	[smem:s6], [sflag:s5] =	dma.local [hbm:s2], $0x1  }
0x94: {  	_ =	swait.eq [sflag:s5], $0x1  }
0x95: {  	[sflag:s5] =	ssyncset.done $0x0  }
0x96: {  	[sflag:s5] =	ssyncadd.s32 $0xFFFFFFFF  }
0x97: {  	s16 =	sld [smem:$0x10];
	(tm) =	ssettm $0x1  }
0x98: {  	s17 =	sld [smem:$0x3FFB];
	_ =	sdelay $0x3  }
0x99: {  	_ =	strace s17  }
0x9a: {  	s5 =	sld [smem:$0x3FFC];
	_ =	sdelay $0x3  }
0x9b: {  	_ =	strace s5  }
0x9c: {  	s5 =	sld [smem:$0x3FFD];
	_ =	sdelay $0x3  }
0x9d: {  	_ =	strace s5  }
0x9e: {  	_ =	strace $0x8FFFFFFF  }
0x9f: {  	s18 =	sld [smem:$0x3FDB];
	_ =	sdelay $0x1  }
0xa0: {  	s19 =	simm.s32 $_scs_section_size  }
0xa1: {  	s7 =	simm.s32 $_size__tile_overlayer_lowered;
	s8 =	simm.s32 $_tile_overlayer_lowered  }
0xa2: {  	s22 =	simm.s32 $0x1BFF;
	s21 =	sshll.u32 s8, $0x1;
	s5 =	sadd.s32 s19, s18  }
0xa3: {  	s9 =	simm.s32 $0x0;
	s20 =	sshll.u32 s7, $0x1;
	s7 =	sadd.s32 s21, s5  }
0xa4: {  	[timem:s9], [sflag:s22] =	dma.local [hbm:s7], s20  }
0xa5: {  	_ =	swait.ge [sflag:s22], s20  }
0xa6: {  	s6 =	ssub.s32 $0x0, s20;
	[sflag:s22] =	ssyncset.done $0x0  }
0xa7: {  	[sflag:s22] =	ssyncadd.s32 s6;
	_ =	sdelay $0x1  }
0xa8: {  	s23 =	simm.s32 $0x1B8B  }
0xa9: {  	_ =	swait.ge [sflag:s23], $0x1  }
0xaa: {  	[sflag:s23] =	ssyncset.done $0x0  }
0xab: {  	s25 =	simm.s32 $0x1B8E;
	s24 =	sld [smem:$0x3FFE];
	[sflag:s23] =	ssyncadd.s32 $0xFFFFFFFF  }
0xac: {  	s26 =	simm.s32 $execute0_lowered;
	[smem:$0x3FD2] =	sst s25  }
0xad: {  	s7 =	sshll.u32 s26, $0x1;
	_ =	strace $0x80000046;
	[dreg:$0x1] =	wrdreg $0xFFFFFFFF  }
0xae: {  	s28 =	simm.s32 $_size_execute0_lowered;
	s5 =	sadd.s32 s5, s7;
	[dreg:$0x0] =	wrdreg $0x0  }
0xaf: {  	s7 =	sshll.u32 s28, $0x1;
	[dreg:$0x2] =	wrdreg s5  }
0xb0: {  	[dreg:$0x3] =	wrdreg s7  }
0xb1: {  	[dreg:$0x4] =	wrdreg $0xC0  }
0xb2: {  	_ =	task [dreg:s9], $0x5FFFF  }
0xb3: {  	[dreg:$0x1] =	wrdreg $0xFFFFFFFF  }
0xb4: {  	[dreg:$0x0] =	wrdreg $0x60  }
0xb5: {  	[dreg:$0x2] =	wrdreg s24  }
0xb6: {  	[dreg:$0x3] =	wrdreg s15  }
0xb7: {  	[dreg:$0x4] =	wrdreg s4  }
0xb8: {  	[dreg:$0x5] =	wrdreg s16  }
0xb9: {  	[dreg:$0x6] =	wrdreg $0x9  }
0xba: {  	_ =	task.clear_ibuf [dreg:s9], $0x7FFFF;
	_ =	strace $0x90000046  }
0xbb: {  	s29 =	simm.s32 $0x9;
	_ =	strace $0x80000048  }
0xbc: {  	_ =	swait.ge [sflag:s29], $0x1  }
0xbd: {  	[sflag:s29] =	ssyncadd.s32 $0xFFFFFFFF  }
0xbe: {  	_ =	strace $0x90000048  }
0xbf: {  	_ =	sfence  }
0xc0: {  	s30 =	sld [smem:$0x0];
	_ =	sdelay $0x2  }
0xc1: {  	s31 =	sshll.u32 s1, $0xD;
	s1 =	sshrl.u32 s1, $0x2  }
0xc2: {  	s3 =	sand.u32 $0x4000, s31;
	s1 =	sadd.s32 s1, s30  }
0xc3: {  	s0 =	sor.u32 s3, s0;
	s1 =	sshll.u32 s1, $0x11  }
0xc4: {  	s0 =	sor.u32 s1, s0  }
0xc5: {  	s0 =	sadd.s32 $0x8F2B, s0  }
0xc6: {  	[sflag:s0] =	ssyncadd.remote.s32 $0x1  }
0xc7: {  	_ =	sfence.sel $0xFFFF  }
0xc8: {  	[dreg:$0x0] =	wrdreg $0xFFFFFFFF;
	(pc) =	sbr.abs _section_cstart, $3  }
0xc9: {  	[dreg:$0x1] =	wrdreg $0xFFFFFFFF  }
0xca: {  	_ =	task.clear_ibuf [dreg:s9], $0x2FFFF;
	_ =	strace $0x9FFFFFFF  }
0xcb: {  	(tm) =	ssettm $0x7FFFFFFF  }
tec
execute0_lowered:
.L_overlay_start_1:
0x0: {  	(tag) =	ssettag $0x1  }
0x1: {  	s0 =	rddreg [dreg:$0x0]  }
0x2: {  	s1 =	rddreg [dreg:$0x1]  }
0x3: {  	s2 =	rddreg [dreg:$0x3];
	s4 =	simm.s32 $0x0;
	s3 =	srdreg.scid  }
0x4: {  	s5 =	stileid.u32;
	s9 =	simm.s32 $0x1800;
	s31 =	simm.s32 $0x6800  }
0x5: {  	s11 =	simm.s32 $0xC800;
	s28 =	simm.s32 $0x1;
	s29 =	simm.s32 $0x18800  }
0x6: {  	s10 =	simm.s32 $0x6;
	s3 =	sand.u32 $0x1, s3;
	s5 =	sshll.u32 s5, $0x1  }
0x7: {  	s30 =	simm.s32 $0x7;
	[smem:$0x7FF] =	sst s4;
	s5 =	sor.u32 s3, s5  }
0x8: {  	_ =	strace $0x80000047;
	s3 =	ssub.s32 $0x2, s3;
	s6 =	sshll.u32 s5, $0x7  }
0x9: {  	s7 =	sshll.u32 s5, $0x5;
	s17 =	smul.u32 $0x6000, s5;
	s6 =	sadd.s32 s6, s0  }
0xa: {  	s8 =	sshrl.u32 s3, $0x1;
	s5 =	smul.u32 $0x30000, s5;
	s12 =	sadd.s32 $0xA00, s6  }
0xb: {  	s0 =	sadd.s32 s7, s0;
	s13 =	sadd.s32 $0xA10, s6;
	[dreg:$0x5] =	wrdreg s12  }
0xc: {  	s3 =	ssub.s32 s3, s8;
	s14 =	sadd.s32 $0xA20, s6;
	[dreg:$0x6] =	wrdreg s13  }
0xd: {  	s8 =	simm.s32 $0x1000;
	s15 =	sadd.s32 $0xA30, s6;
	[dreg:$0x7] =	wrdreg s14  }
0xe: {  	s16 =	sadd.s32 $0xA40, s6;
	s18 =	sadd.s32 $0xA50, s6;
	[dreg:$0x8] =	wrdreg s15  }
0xf: {  	s19 =	sadd.s32 $0xA60, s6;
	s6 =	sadd.s32 $0xA70, s6;
	[dreg:$0x9] =	wrdreg s16  }
0x10: {  	s0 =	sadd.s32 $0x1A00, s0;
	s20 =	sshrl.u32 s5, $0x3;
	[dreg:$0xa] =	wrdreg s18  }
0x11: {  	s26 =	smax.u32 s3, $0x1;
	s5 =	simm.s32 $0x5;
	[dreg:$0xb] =	wrdreg s19  }
0x12: {  	[dreg:$0xc] =	wrdreg s6;
	s13 =	sadd.s32 $0x100, s1;
	s14 =	sadd.s32 $0x200, s1  }
0x13: {  	[dreg:$0xd] =	wrdreg s0;
	s16 =	sadd.s32 s2, s17;
	s0 =	sadd.s32 s2, s20  }
0x14: {  	[dreg:$0x15] =	wrdreg s26;
	s26 =	simm.s32 $0x800;
	s21 =	sadd.s32 $0xC00, s16  }
0x15: {  	s15 =	simm.s32 $0x2000;
	s22 =	sadd.s32 $0x1800, s16;
	[dreg:$0xe] =	wrdreg s21  }
0x16: {  	s17 =	simm.s32 $0x2800;
	s2 =	sadd.s32 $0x2400, s0;
	[dreg:$0xf] =	wrdreg s22  }
0x17: {  	s18 =	simm.s32 $0x3000;
	s23 =	sadd.s32 $0x3000, s0;
	[dreg:$0x10] =	wrdreg s2  }
0x18: {  	s19 =	simm.s32 $0x2;
	s24 =	sadd.s32 $0x3C00, s0;
	[dreg:$0x11] =	wrdreg s23  }
0x19: {  	s20 =	simm.s32 $0x3;
	s25 =	sadd.s32 $0x4800, s0;
	[dreg:$0x12] =	wrdreg s24  }
0x1a: {  	v2 =	vlaneseq.u32;
	s12 =	simm.s32 $0xA;
	s0 =	sadd.s32 $0x5400, s0;
	[dreg:$0x13] =	wrdreg s25  }
0x1b: {  	vm0 =	vmmov $0xffff;
	v3 =	vimm.s32 $0x0;
	v1 =	vshrl.u32 v2, $0x3;
	[dreg:$0x14] =	wrdreg s0;
	s25 =	simm.s32 $0xB;
	s21 =	simm.s32 $0x4  }
0x1c: {  	v0 =	vand.u32 $0x7, v2;
	v2 =	vor.u32 $0x8, v2;
	v1 =	vmul.u32 $0x8, v1;
	s22 =	simm.s32 $0x8;
	s23 =	simm.s32 $0x9;
	s24 =	simm.s32 $0x0  }
.LBB2_1:
0x1d: {  	s0 =	rddreg [dreg:$0x5]  }
0x1e: {  	[tilespmem:s4], [sflag:$0xB] =	stream.linear.gather [hbm4b:s0+s4], $0x80, $0x38;
	[tilespmem:$0x1E800] =	vst v63  }
0x1f: {  	_ =	swait.ge [sflag:s25], $0x80  }
0x20: {  	[sflag:s25] =	ssyncset.done $0x0  }
0x21: {  	s2 =	simm.s32 $0x80;
	s3 =	rddreg [dreg:$0x6];
	[sflag:s25] =	ssyncadd.s32 $0xFFFFFF80  }
0x22: {  	[tilespmem:s2], [sflag:$0xB] =	stream.linear.gather [hbm4b:s3+s4], $0x80, $0x38;
	[tilespmem:$0x1E800] =	vst v63  }
0x23: {  	_ =	swait.ge [sflag:s25], $0x80  }
0x24: {  	[sflag:s25] =	ssyncset.done $0x0  }
0x25: {  	s7 =	simm.s32 $0x100;
	s6 =	rddreg [dreg:$0x7];
	[sflag:s25] =	ssyncadd.s32 $0xFFFFFF80  }
0x26: {  	[tilespmem:s7], [sflag:$0xB] =	stream.linear.gather [hbm4b:s6+s4], $0x80, $0x38;
	[tilespmem:$0x1E800] =	vst v63  }
0x27: {  	_ =	swait.ge [sflag:s25], $0x80  }
0x28: {  	[sflag:s25] =	ssyncset.done $0x0  }
0x29: {  	s3 =	simm.s32 $0x180;
	s2 =	rddreg [dreg:$0x8];
	[sflag:s25] =	ssyncadd.s32 $0xFFFFFF80  }
0x2a: {  	[tilespmem:s3], [sflag:$0xB] =	stream.linear.gather [hbm4b:s2+s4], $0x80, $0x38;
	[tilespmem:$0x1E800] =	vst v63  }
0x2b: {  	_ =	swait.ge [sflag:s25], $0x80  }
0x2c: {  	[sflag:s25] =	ssyncset.done $0x0  }
0x2d: {  	s7 =	simm.s32 $0x200;
	s6 =	rddreg [dreg:$0x9];
	[sflag:s25] =	ssyncadd.s32 $0xFFFFFF80  }
0x2e: {  	[tilespmem:s7], [sflag:$0xB] =	stream.linear.gather [hbm4b:s6+s4], $0x80, $0x38;
	[tilespmem:$0x1E800] =	vst v63  }
0x2f: {  	_ =	swait.ge [sflag:s25], $0x80  }
0x30: {  	[sflag:s25] =	ssyncset.done $0x0  }
0x31: {  	s3 =	simm.s32 $0x280;
	s2 =	rddreg [dreg:$0xa];
	[sflag:s25] =	ssyncadd.s32 $0xFFFFFF80  }
0x32: {  	[tilespmem:s3], [sflag:$0xB] =	stream.linear.gather [hbm4b:s2+s4], $0x80, $0x38;
	[tilespmem:$0x1E800] =	vst v63  }
0x33: {  	_ =	swait.ge [sflag:s25], $0x80  }
0x34: {  	[sflag:s25] =	ssyncset.done $0x0  }
0x35: {  	s7 =	simm.s32 $0x300;
	s6 =	rddreg [dreg:$0xb];
	[sflag:s25] =	ssyncadd.s32 $0xFFFFFF80  }
0x36: {  	[tilespmem:s7], [sflag:$0xB] =	stream.linear.gather [hbm4b:s6+s4], $0x80, $0x38;
	[tilespmem:$0x1E800] =	vst v63  }
0x37: {  	_ =	swait.ge [sflag:s25], $0x80  }
0x38: {  	[sflag:s25] =	ssyncset.done $0x0  }
0x39: {  	s3 =	simm.s32 $0x380;
	s2 =	rddreg [dreg:$0xc];
	[sflag:s25] =	ssyncadd.s32 $0xFFFFFF80  }
0x3a: {  	[tilespmem:s3], [sflag:$0xB] =	stream.linear.gather [hbm4b:s2+s4], $0x80, $0x38;
	[tilespmem:$0x1E800] =	vst v63  }
0x3b: {  	_ =	swait.ge [sflag:s25], $0x80  }
0x3c: {  	[sflag:s25] =	ssyncset.done $0x0  }
0x3d: {  	[sflag:s25] =	ssyncadd.s32 $0xFFFFFF80  }
0x3e: {  	s7 =	simm.s32 $0x500;
	s6 =	rddreg [dreg:$0x2]  }
0x3f: {  	[tilespmem:s7], [sflag:$0xB] =	stream.linear.gather [hbm4b:s6+s4], $0x300, $0x38;
	[tilespmem:$0x1E800] =	vst v63  }
0x40: {  	_ =	swait.ge [sflag:s25], $0x300  }
0x41: {  	[sflag:s25] =	ssyncset.done $0x0  }
0x42: {  	[sflag:s25] =	ssyncadd.s32 $0xFFFFFD00  }
0x43: {  	v4 =	vld [tilespmem:$0x0];
	_ =	sdelay $0x4  }
0x44: {  	v5 =	vshrl.u32 v4, $0x3  }
0x45: {  	v5 =	vmul.u32 $0x30, v5  }
0x46: {  	v4 =	vand.u32 $0x7, v4  }
0x47: {  	v4 =	vor.u32 v4, v5  }
0x48: {  	v5 =	vperm.xlane v4, v0;
	_ =	sdelay $0x1  }
0x49: {  	v5 =	vadd.s32 v1, v5;
	_ =	sdelay $0x3  }
0x4a: {  	v4 =	vperm.xlane v4, v2  }
0x4b: {  	[tilespmem:s26], [sflag:$0x1] =	stream.indirect_vreg.gather [hbm4b:s1+s4], $0x80, v5, vm0, $0xb8;
	[tilespmem:$0x1E800] =	vst v63  }
0x4c: {  	v4 =	vadd.s32 v1, v4  }
0x4d: {  	[tilespmem:s8], [sflag:$0x1] =	stream.indirect_vreg.gather [hbm4b:s13+s4], $0x80, v5, vm0, $0xb8;
	[tilespmem:$0x1E800] =	vst v63  }
0x4e: {  	_ = 	snop  }
0x4f: {  	[tilespmem:s9], [sflag:$0x1] =	stream.indirect_vreg.gather [hbm4b:s14+s4], $0x80, v5, vm0, $0xb8;
	[tilespmem:$0x1E800] =	vst v63  }
0x50: {  	_ = 	snop  }
0x51: {  	[tilespmem:s15], [sflag:$0x1] =	stream.indirect_vreg.gather [hbm4b:s1+s4], $0x80, v4, vm0, $0xb8;
	[tilespmem:$0x1E800] =	vst v63  }
0x52: {  	_ = 	snop  }
0x53: {  	[tilespmem:s17], [sflag:$0x1] =	stream.indirect_vreg.gather [hbm4b:s13+s4], $0x80, v4, vm0, $0xb8;
	[tilespmem:$0x1E800] =	vst v63  }
0x54: {  	_ = 	snop  }
0x55: {  	[tilespmem:s18], [sflag:$0x1] =	stream.indirect_vreg.gather [hbm4b:s14+s4], $0x80, v4, vm0, $0xb8;
	[tilespmem:$0x1E800] =	vst v63  }
0x56: {  	v4 =	vld [tilespmem:$0x10];
	_ =	sdelay $0x4  }
0x57: {  	v5 =	vshrl.u32 v4, $0x3  }
0x58: {  	v5 =	vmul.u32 $0x30, v5  }
0x59: {  	v4 =	vand.u32 $0x7, v4  }
0x5a: {  	v4 =	vor.u32 v4, v5  }
0x5b: {  	v5 =	vperm.xlane v4, v0;
	_ =	sdelay $0x1  }
0x5c: {  	v5 =	vadd.s32 v1, v5;
	_ =	sdelay $0x3  }
0x5d: {  	s2 =	simm.s32 $0x3800;
	v4 =	vperm.xlane v4, v2  }
0x5e: {  	[tilespmem:s2], [sflag:$0x1] =	stream.indirect_vreg.gather [hbm4b:s1+s4], $0x80, v5, vm0, $0xb8;
	[tilespmem:$0x1E800] =	vst v63  }
0x5f: {  	s3 =	simm.s32 $0x4000;
	v4 =	vadd.s32 v1, v4  }
0x60: {  	[tilespmem:s3], [sflag:$0x1] =	stream.indirect_vreg.gather [hbm4b:s13+s4], $0x80, v5, vm0, $0xb8;
	[tilespmem:$0x1E800] =	vst v63  }
0x61: {  	s6 =	simm.s32 $0x4800  }
0x62: {  	[tilespmem:s6], [sflag:$0x1] =	stream.indirect_vreg.gather [hbm4b:s14+s4], $0x80, v5, vm0, $0xb8;
	[tilespmem:$0x1E800] =	vst v63  }
0x63: {  	s7 =	simm.s32 $0x5000  }
0x64: {  	[tilespmem:s7], [sflag:$0x1] =	stream.indirect_vreg.gather [hbm4b:s1+s4], $0x80, v4, vm0, $0xb8;
	[tilespmem:$0x1E800] =	vst v63  }
0x65: {  	s2 =	simm.s32 $0x5800  }
0x66: {  	[tilespmem:s2], [sflag:$0x1] =	stream.indirect_vreg.gather [hbm4b:s13+s4], $0x80, v4, vm0, $0xb8;
	[tilespmem:$0x1E800] =	vst v63  }
0x67: {  	s3 =	simm.s32 $0x6000  }
0x68: {  	[tilespmem:s3], [sflag:$0x1] =	stream.indirect_vreg.gather [hbm4b:s14+s4], $0x80, v4, vm0, $0xb8;
	[tilespmem:$0x1E800] =	vst v63  }
0x69: {  	v4 =	vld [tilespmem:$0x80];
	_ =	sdelay $0x4  }
0x6a: {  	v5 =	vshrl.u32 v4, $0x3  }
0x6b: {  	v5 =	vmul.u32 $0x30, v5  }
0x6c: {  	v4 =	vand.u32 $0x7, v4  }
0x6d: {  	v4 =	vor.u32 v4, v5  }
0x6e: {  	v5 =	vperm.xlane v4, v0;
	_ =	sdelay $0x1  }
0x6f: {  	v5 =	vadd.s32 v1, v5;
	_ =	sdelay $0x3  }
0x70: {  	v4 =	vperm.xlane v4, v2  }
0x71: {  	[tilespmem:s31], [sflag:$0x2] =	stream.indirect_vreg.gather [hbm4b:s1+s4], $0x80, v5, vm0, $0xb8;
	[tilespmem:$0x1E800] =	vst v63  }
0x72: {  	s6 =	simm.s32 $0x7000;
	v4 =	vadd.s32 v1, v4  }
0x73: {  	[tilespmem:s6], [sflag:$0x2] =	stream.indirect_vreg.gather [hbm4b:s13+s4], $0x80, v5, vm0, $0xb8;
	[tilespmem:$0x1E800] =	vst v63  }
0x74: {  	s7 =	simm.s32 $0x7800  }
0x75: {  	[tilespmem:s7], [sflag:$0x2] =	stream.indirect_vreg.gather [hbm4b:s14+s4], $0x80, v5, vm0, $0xb8;
	[tilespmem:$0x1E800] =	vst v63  }
0x76: {  	s2 =	simm.s32 $0x8000  }
0x77: {  	[tilespmem:s2], [sflag:$0x2] =	stream.indirect_vreg.gather [hbm4b:s1+s4], $0x80, v4, vm0, $0xb8;
	[tilespmem:$0x1E800] =	vst v63  }
0x78: {  	s3 =	simm.s32 $0x8800  }
0x79: {  	[tilespmem:s3], [sflag:$0x2] =	stream.indirect_vreg.gather [hbm4b:s13+s4], $0x80, v4, vm0, $0xb8;
	[tilespmem:$0x1E800] =	vst v63  }
0x7a: {  	s6 =	simm.s32 $0x9000  }
0x7b: {  	[tilespmem:s6], [sflag:$0x2] =	stream.indirect_vreg.gather [hbm4b:s14+s4], $0x80, v4, vm0, $0xb8;
	[tilespmem:$0x1E800] =	vst v63  }
0x7c: {  	v4 =	vld [tilespmem:$0x90];
	_ =	sdelay $0x4  }
0x7d: {  	v5 =	vshrl.u32 v4, $0x3  }
0x7e: {  	v5 =	vmul.u32 $0x30, v5  }
0x7f: {  	v4 =	vand.u32 $0x7, v4  }
0x80: {  	v4 =	vor.u32 v4, v5  }
0x81: {  	v5 =	vperm.xlane v4, v0;
	_ =	sdelay $0x1  }
0x82: {  	v5 =	vadd.s32 v1, v5;
	_ =	sdelay $0x3  }
0x83: {  	s7 =	simm.s32 $0x9800;
	v4 =	vperm.xlane v4, v2  }
0x84: {  	[tilespmem:s7], [sflag:$0x2] =	stream.indirect_vreg.gather [hbm4b:s1+s4], $0x80, v5, vm0, $0xb8;
	[tilespmem:$0x1E800] =	vst v63  }
0x85: {  	s2 =	simm.s32 $0xA000;
	v4 =	vadd.s32 v1, v4  }
0x86: {  	[tilespmem:s2], [sflag:$0x2] =	stream.indirect_vreg.gather [hbm4b:s13+s4], $0x80, v5, vm0, $0xb8;
	[tilespmem:$0x1E800] =	vst v63  }
0x87: {  	s3 =	simm.s32 $0xA800  }
0x88: {  	[tilespmem:s3], [sflag:$0x2] =	stream.indirect_vreg.gather [hbm4b:s14+s4], $0x80, v5, vm0, $0xb8;
	[tilespmem:$0x1E800] =	vst v63  }
0x89: {  	s6 =	simm.s32 $0xB000  }
0x8a: {  	[tilespmem:s6], [sflag:$0x2] =	stream.indirect_vreg.gather [hbm4b:s1+s4], $0x80, v4, vm0, $0xb8;
	[tilespmem:$0x1E800] =	vst v63  }
0x8b: {  	s7 =	simm.s32 $0xB800  }
0x8c: {  	[tilespmem:s7], [sflag:$0x2] =	stream.indirect_vreg.gather [hbm4b:s13+s4], $0x80, v4, vm0, $0xb8;
	[tilespmem:$0x1E800] =	vst v63  }
0x8d: {  	s2 =	simm.s32 $0xC000  }
0x8e: {  	[tilespmem:s2], [sflag:$0x2] =	stream.indirect_vreg.gather [hbm4b:s14+s4], $0x80, v4, vm0, $0xb8;
	[tilespmem:$0x1E800] =	vst v63  }
0x8f: {  	v4 =	vld [tilespmem:$0x100];
	_ =	sdelay $0x4  }
0x90: {  	v5 =	vshrl.u32 v4, $0x3  }
0x91: {  	v5 =	vmul.u32 $0x30, v5  }
0x92: {  	v4 =	vand.u32 $0x7, v4  }
0x93: {  	v4 =	vor.u32 v4, v5  }
0x94: {  	v5 =	vperm.xlane v4, v0;
	_ =	sdelay $0x1  }
0x95: {  	v5 =	vadd.s32 v1, v5;
	_ =	sdelay $0x3  }
0x96: {  	v4 =	vperm.xlane v4, v2  }
0x97: {  	[tilespmem:s11], [sflag:$0x3] =	stream.indirect_vreg.gather [hbm4b:s1+s4], $0x80, v5, vm0, $0xb8;
	[tilespmem:$0x1E800] =	vst v63  }
0x98: {  	s3 =	simm.s32 $0xD000;
	v4 =	vadd.s32 v1, v4  }
0x99: {  	[tilespmem:s3], [sflag:$0x3] =	stream.indirect_vreg.gather [hbm4b:s13+s4], $0x80, v5, vm0, $0xb8;
	[tilespmem:$0x1E800] =	vst v63  }
0x9a: {  	s6 =	simm.s32 $0xD800  }
0x9b: {  	[tilespmem:s6], [sflag:$0x3] =	stream.indirect_vreg.gather [hbm4b:s14+s4], $0x80, v5, vm0, $0xb8;
	[tilespmem:$0x1E800] =	vst v63  }
0x9c: {  	s7 =	simm.s32 $0xE000  }
0x9d: {  	[tilespmem:s7], [sflag:$0x3] =	stream.indirect_vreg.gather [hbm4b:s1+s4], $0x80, v4, vm0, $0xb8;
	[tilespmem:$0x1E800] =	vst v63  }
0x9e: {  	s2 =	simm.s32 $0xE800  }
0x9f: {  	[tilespmem:s2], [sflag:$0x3] =	stream.indirect_vreg.gather [hbm4b:s13+s4], $0x80, v4, vm0, $0xb8;
	[tilespmem:$0x1E800] =	vst v63  }
0xa0: {  	s3 =	simm.s32 $0xF000  }
0xa1: {  	[tilespmem:s3], [sflag:$0x3] =	stream.indirect_vreg.gather [hbm4b:s14+s4], $0x80, v4, vm0, $0xb8;
	[tilespmem:$0x1E800] =	vst v63  }
0xa2: {  	v4 =	vld [tilespmem:$0x110];
	_ =	sdelay $0x4  }
0xa3: {  	v5 =	vshrl.u32 v4, $0x3  }
0xa4: {  	v5 =	vmul.u32 $0x30, v5  }
0xa5: {  	v4 =	vand.u32 $0x7, v4  }
0xa6: {  	v4 =	vor.u32 v4, v5  }
0xa7: {  	v5 =	vperm.xlane v4, v0;
	_ =	sdelay $0x1  }
0xa8: {  	v5 =	vadd.s32 v1, v5;
	_ =	sdelay $0x3  }
0xa9: {  	s6 =	simm.s32 $0xF800;
	v4 =	vperm.xlane v4, v2  }
0xaa: {  	[tilespmem:s6], [sflag:$0x3] =	stream.indirect_vreg.gather [hbm4b:s1+s4], $0x80, v5, vm0, $0xb8;
	[tilespmem:$0x1E800] =	vst v63  }
0xab: {  	s7 =	simm.s32 $0x10000;
	v4 =	vadd.s32 v1, v4  }
0xac: {  	[tilespmem:s7], [sflag:$0x3] =	stream.indirect_vreg.gather [hbm4b:s13+s4], $0x80, v5, vm0, $0xb8;
	[tilespmem:$0x1E800] =	vst v63  }
0xad: {  	s2 =	simm.s32 $0x10800  }
0xae: {  	[tilespmem:s2], [sflag:$0x3] =	stream.indirect_vreg.gather [hbm4b:s14+s4], $0x80, v5, vm0, $0xb8;
	[tilespmem:$0x1E800] =	vst v63  }
0xaf: {  	s3 =	simm.s32 $0x11000  }
0xb0: {  	[tilespmem:s3], [sflag:$0x3] =	stream.indirect_vreg.gather [hbm4b:s1+s4], $0x80, v4, vm0, $0xb8;
	[tilespmem:$0x1E800] =	vst v63  }
0xb1: {  	s6 =	simm.s32 $0x11800  }
0xb2: {  	[tilespmem:s6], [sflag:$0x3] =	stream.indirect_vreg.gather [hbm4b:s13+s4], $0x80, v4, vm0, $0xb8;
	[tilespmem:$0x1E800] =	vst v63  }
0xb3: {  	s7 =	simm.s32 $0x12000  }
0xb4: {  	[tilespmem:s7], [sflag:$0x3] =	stream.indirect_vreg.gather [hbm4b:s14+s4], $0x80, v4, vm0, $0xb8;
	[tilespmem:$0x1E800] =	vst v63  }
0xb5: {  	v4 =	vld [tilespmem:$0x180];
	_ =	sdelay $0x4  }
0xb6: {  	v5 =	vshrl.u32 v4, $0x3  }
0xb7: {  	v5 =	vmul.u32 $0x30, v5  }
0xb8: {  	v4 =	vand.u32 $0x7, v4  }
0xb9: {  	v4 =	vor.u32 v4, v5  }
0xba: {  	v5 =	vperm.xlane v4, v0;
	_ =	sdelay $0x1  }
0xbb: {  	v5 =	vadd.s32 v1, v5;
	_ =	sdelay $0x3  }
0xbc: {  	s2 =	simm.s32 $0x12800;
	v4 =	vperm.xlane v4, v2  }
0xbd: {  	[tilespmem:s2], [sflag:$0x4] =	stream.indirect_vreg.gather [hbm4b:s1+s4], $0x80, v5, vm0, $0xb8;
	[tilespmem:$0x1E800] =	vst v63  }
0xbe: {  	s3 =	simm.s32 $0x13000;
	v4 =	vadd.s32 v1, v4  }
0xbf: {  	[tilespmem:s3], [sflag:$0x4] =	stream.indirect_vreg.gather [hbm4b:s13+s4], $0x80, v5, vm0, $0xb8;
	[tilespmem:$0x1E800] =	vst v63  }
0xc0: {  	s6 =	simm.s32 $0x13800  }
0xc1: {  	[tilespmem:s6], [sflag:$0x4] =	stream.indirect_vreg.gather [hbm4b:s14+s4], $0x80, v5, vm0, $0xb8;
	[tilespmem:$0x1E800] =	vst v63  }
0xc2: {  	s7 =	simm.s32 $0x14000  }
0xc3: {  	[tilespmem:s7], [sflag:$0x4] =	stream.indirect_vreg.gather [hbm4b:s1+s4], $0x80, v4, vm0, $0xb8;
	[tilespmem:$0x1E800] =	vst v63  }
0xc4: {  	s2 =	simm.s32 $0x14800  }
0xc5: {  	[tilespmem:s2], [sflag:$0x4] =	stream.indirect_vreg.gather [hbm4b:s13+s4], $0x80, v4, vm0, $0xb8;
	[tilespmem:$0x1E800] =	vst v63  }
0xc6: {  	s3 =	simm.s32 $0x15000  }
0xc7: {  	[tilespmem:s3], [sflag:$0x4] =	stream.indirect_vreg.gather [hbm4b:s14+s4], $0x80, v4, vm0, $0xb8;
	[tilespmem:$0x1E800] =	vst v63  }
0xc8: {  	v4 =	vld [tilespmem:$0x190];
	_ =	sdelay $0x4  }
0xc9: {  	v5 =	vshrl.u32 v4, $0x3  }
0xca: {  	v5 =	vmul.u32 $0x30, v5  }
0xcb: {  	v4 =	vand.u32 $0x7, v4  }
0xcc: {  	v4 =	vor.u32 v4, v5  }
0xcd: {  	v5 =	vperm.xlane v4, v0;
	_ =	sdelay $0x1  }
0xce: {  	v5 =	vadd.s32 v1, v5;
	_ =	sdelay $0x3  }
0xcf: {  	s6 =	simm.s32 $0x15800;
	v4 =	vperm.xlane v4, v2  }
0xd0: {  	[tilespmem:s6], [sflag:$0x4] =	stream.indirect_vreg.gather [hbm4b:s1+s4], $0x80, v5, vm0, $0xb8;
	[tilespmem:$0x1E800] =	vst v63  }
0xd1: {  	s7 =	simm.s32 $0x16000;
	v4 =	vadd.s32 v1, v4  }
0xd2: {  	[tilespmem:s7], [sflag:$0x4] =	stream.indirect_vreg.gather [hbm4b:s13+s4], $0x80, v5, vm0, $0xb8;
	[tilespmem:$0x1E800] =	vst v63  }
0xd3: {  	s2 =	simm.s32 $0x16800  }
0xd4: {  	[tilespmem:s2], [sflag:$0x4] =	stream.indirect_vreg.gather [hbm4b:s14+s4], $0x80, v5, vm0, $0xb8;
	[tilespmem:$0x1E800] =	vst v63  }
0xd5: {  	s3 =	simm.s32 $0x17000  }
0xd6: {  	[tilespmem:s3], [sflag:$0x4] =	stream.indirect_vreg.gather [hbm4b:s1+s4], $0x80, v4, vm0, $0xb8;
	[tilespmem:$0x1E800] =	vst v63  }
0xd7: {  	s6 =	simm.s32 $0x17800  }
0xd8: {  	[tilespmem:s6], [sflag:$0x4] =	stream.indirect_vreg.gather [hbm4b:s13+s4], $0x80, v4, vm0, $0xb8;
	[tilespmem:$0x1E800] =	vst v63  }
0xd9: {  	s7 =	simm.s32 $0x18000  }
0xda: {  	[tilespmem:s7], [sflag:$0x4] =	stream.indirect_vreg.gather [hbm4b:s14+s4], $0x80, v4, vm0, $0xb8;
	[tilespmem:$0x1E800] =	vst v63  }
0xdb: {  	v4 =	vld [tilespmem:$0x0]  }
0xdc: {  	v5 =	vld [tilespmem:$0x10]  }
0xdd: {  	v6 =	vld [tilespmem:$0x80]  }
0xde: {  	v7 =	vld [tilespmem:$0x90]  }
0xdf: {  	v8 =	vld [tilespmem:$0x100]  }
0xe0: {  	vm1 =	vgt.s32 v4, $0x0;
	v4 =	vld [tilespmem:$0x110]  }
0xe1: {  	v9 =	vsel vm1, $0x1, v3;
	vm1 =	vgt.s32 v5, $0x0;
	v5 =	vld [tilespmem:$0x180]  }
0xe2: {  	[tilespmem:$0x400] =	vst v9;
	v9 =	vsel vm1, $0x1, v3;
	vm1 =	vgt.s32 v6, $0x0;
	v6 =	vld [tilespmem:$0x190]  }
0xe3: {  	[tilespmem:$0x410] =	vst v9;
	v9 =	vsel vm1, $0x1, v3;
	vm1 =	vgt.s32 v7, $0x0;
	v7 =	vld [tilespmem:$0x200]  }
0xe4: {  	[tilespmem:$0x420] =	vst v9;
	v9 =	vsel vm1, $0x1, v3;
	vm1 =	vgt.s32 v8, $0x0;
	v8 =	vld [tilespmem:$0x210]  }
0xe5: {  	[tilespmem:$0x430] =	vst v9;
	v9 =	vsel vm1, $0x1, v3;
	vm1 =	vgt.s32 v4, $0x0;
	v4 =	vld [tilespmem:$0x280]  }
0xe6: {  	[tilespmem:$0x440] =	vst v9;
	v9 =	vsel vm1, $0x1, v3;
	vm1 =	vgt.s32 v5, $0x0;
	v5 =	vld [tilespmem:$0x290]  }
0xe7: {  	[tilespmem:$0x450] =	vst v9;
	v9 =	vsel vm1, $0x1, v3;
	vm1 =	vgt.s32 v6, $0x0;
	v6 =	vld [tilespmem:$0x300]  }
0xe8: {  	[tilespmem:$0x460] =	vst v9;
	v9 =	vsel vm1, $0x1, v3;
	vm1 =	vgt.s32 v7, $0x0;
	v7 =	vld [tilespmem:$0x310]  }
0xe9: {  	[tilespmem:$0x470] =	vst v9;
	v9 =	vsel vm1, $0x1, v3;
	vm1 =	vgt.s32 v8, $0x0;
	v8 =	vld [tilespmem:$0x380]  }
0xea: {  	[tilespmem:$0x480] =	vst v9;
	v9 =	vsel vm1, $0x1, v3;
	vm1 =	vgt.s32 v4, $0x0;
	v4 =	vld [tilespmem:$0x390]  }
0xeb: {  	[tilespmem:$0x490] =	vst v9;
	v9 =	vsel vm1, $0x1, v3;
	vm1 =	vgt.s32 v5, $0x0  }
0xec: {  	[tilespmem:$0x4A0] =	vst v9;
	v5 =	vsel vm1, $0x1, v3;
	vm1 =	vgt.s32 v6, $0x0  }
0xed: {  	[tilespmem:$0x4B0] =	vst v5;
	v5 =	vsel vm1, $0x1, v3;
	vm1 =	vgt.s32 v7, $0x0  }
0xee: {  	[tilespmem:$0x4C0] =	vst v5;
	v5 =	vsel vm1, $0x1, v3;
	vm1 =	vgt.s32 v8, $0x0  }
0xef: {  	[tilespmem:$0x4D0] =	vst v5;
	v5 =	vsel vm1, $0x1, v3;
	vm1 =	vgt.s32 v4, $0x0  }
0xf0: {  	[tilespmem:$0x4E0] =	vst v5;
	v4 =	vsel vm1, $0x1, v3  }
0xf1: {  	s2 =	rddreg [dreg:$0xd];
	s3 =	simm.s32 $0x400;
	[tilespmem:$0x4F0] =	vst v4  }
0xf2: {  	[hbm4b:s2+s4] =	stream.linear.scatter [tilespmem:s3], [sflag:$0xB], $0x100, $0x38;
	[tilespmem:$0x1E800] =	vst v63  }
0xf3: {  	_ =	swait.ge [sflag:s25], $0x100  }
0xf4: {  	[sflag:s25] =	ssyncset.done $0x0  }
0xf5: {  	[sflag:s25] =	ssyncadd.s32 $0xFFFFFF00  }
0xf6: {  	v4 =	vld [tilespmem:$0x500]  }
0xf7: {  	v5 =	vld [tilespmem:$0x510]  }
0xf8: {  	v6 =	vld [tilespmem:$0x520]  }
0xf9: {  	v7 =	vld [tilespmem:$0x530]  }
0xfa: {  	v8 =	vld [tilespmem:$0x540]  }
0xfb: {  	v9 =	vld [tilespmem:$0x550]  }
0xfc: {  	v10 =	vld [tilespmem:$0x560]  }
0xfd: {  	v11 =	vld [tilespmem:$0x570]  }
0xfe: {  	v12 =	vld [tilespmem:$0x580]  }
0xff: {  	v13 =	vld [tilespmem:$0x590]  }
0x100: {  	v14 =	vld [tilespmem:$0x5A0]  }
0x101: {  	v15 =	vld [tilespmem:$0x5B0]  }
0x102: {  	v16 =	vld [tilespmem:$0x5C0]  }
0x103: {  	v17 =	vld [tilespmem:$0x5D0]  }
0x104: {  	v18 =	vld [tilespmem:$0x5E0]  }
0x105: {  	v19 =	vld [tilespmem:$0x5F0]  }
0x106: {  	v20 =	vld [tilespmem:$0x600]  }
0x107: {  	v21 =	vld [tilespmem:$0x610]  }
0x108: {  	v22 =	vld [tilespmem:$0x620]  }
0x109: {  	v23 =	vld [tilespmem:$0x630]  }
0x10a: {  	v24 =	vld [tilespmem:$0x640]  }
0x10b: {  	v25 =	vld [tilespmem:$0x650]  }
0x10c: {  	v26 =	vld [tilespmem:$0x660]  }
0x10d: {  	v27 =	vld [tilespmem:$0x670]  }
0x10e: {  	v28 =	vld [tilespmem:$0x680]  }
0x10f: {  	v29 =	vld [tilespmem:$0x690]  }
0x110: {  	v30 =	vld [tilespmem:$0x6A0]  }
0x111: {  	v31 =	vld [tilespmem:$0x6B0]  }
0x112: {  	v32 =	vld [tilespmem:$0x6C0]  }
0x113: {  	v33 =	vld [tilespmem:$0x6D0]  }
0x114: {  	v34 =	vld [tilespmem:$0x6E0]  }
0x115: {  	v35 =	vld [tilespmem:$0x6F0]  }
0x116: {  	v36 =	vld [tilespmem:$0x700]  }
0x117: {  	v37 =	vld [tilespmem:$0x710]  }
0x118: {  	v38 =	vld [tilespmem:$0x720]  }
0x119: {  	v39 =	vld [tilespmem:$0x730]  }
0x11a: {  	v40 =	vld [tilespmem:$0x740]  }
0x11b: {  	v41 =	vld [tilespmem:$0x750]  }
0x11c: {  	v42 =	vld [tilespmem:$0x760]  }
0x11d: {  	v43 =	vld [tilespmem:$0x770]  }
0x11e: {  	v44 =	vld [tilespmem:$0x780]  }
0x11f: {  	v45 =	vld [tilespmem:$0x790]  }
0x120: {  	v46 =	vld [tilespmem:$0x7A0]  }
0x121: {  	v47 =	vld [tilespmem:$0x7B0]  }
0x122: {  	v48 =	vld [tilespmem:$0x7C0]  }
0x123: {  	s6 =	simm.s32 $0x0;
	v51 =	vld [tilespmem:$0x7F0]  }
0x124: {  	s0 =	smul.u32 $0x6000, s6;
	v49 =	vld [tilespmem:$0x7D0]  }
0x125: {  	v50 =	vld [tilespmem:$0x7E0];
	_ =	swait.ge [sflag:s28], $0x6000  }
0x126: {  	s7 =	sand.u32 $0x380, s4;
	s0 =	sshra.s32 s0, $0x2;
	[sflag:s28] =	ssyncset.done $0x0  }
0x127: {  	s6 =	sor.u32 s7, s0;
	[sflag:s28] =	ssyncadd.s32 $0xFFFFA000  }
0x128: {  	[tilespmem:s6+$0x1C70] =	vst.add.f32.msk $0xffff, v51  }
0x129: {  	[tilespmem:s6+$0x800] =	vst.add.f32.msk $0xffff, v4  }
0x12a: {  	[tilespmem:s6+$0x810] =	vst.add.f32.msk $0xffff, v5  }
0x12b: {  	[tilespmem:s6+$0x820] =	vst.add.f32.msk $0xffff, v6  }
0x12c: {  	[tilespmem:s6+$0x830] =	vst.add.f32.msk $0xffff, v7  }
0x12d: {  	[tilespmem:s6+$0x840] =	vst.add.f32.msk $0xffff, v8  }
0x12e: {  	[tilespmem:s6+$0x850] =	vst.add.f32.msk $0xffff, v9  }
0x12f: {  	[tilespmem:s6+$0x860] =	vst.add.f32.msk $0xffff, v10  }
0x130: {  	[tilespmem:s6+$0x870] =	vst.add.f32.msk $0xffff, v11  }
0x131: {  	[tilespmem:s6+$0xC00] =	vst.add.f32.msk $0xffff, v12  }
0x132: {  	[tilespmem:s6+$0xC10] =	vst.add.f32.msk $0xffff, v13  }
0x133: {  	[tilespmem:s6+$0xC20] =	vst.add.f32.msk $0xffff, v14  }
0x134: {  	[tilespmem:s6+$0xC30] =	vst.add.f32.msk $0xffff, v15  }
0x135: {  	[tilespmem:s6+$0xC40] =	vst.add.f32.msk $0xffff, v16  }
0x136: {  	[tilespmem:s6+$0xC50] =	vst.add.f32.msk $0xffff, v17  }
0x137: {  	[tilespmem:s6+$0xC60] =	vst.add.f32.msk $0xffff, v18  }
0x138: {  	[tilespmem:s6+$0xC70] =	vst.add.f32.msk $0xffff, v19  }
0x139: {  	[tilespmem:s6+$0x1000] =	vst.add.f32.msk $0xffff, v20  }
0x13a: {  	[tilespmem:s6+$0x1010] =	vst.add.f32.msk $0xffff, v21  }
0x13b: {  	[tilespmem:s6+$0x1020] =	vst.add.f32.msk $0xffff, v22  }
0x13c: {  	[tilespmem:s6+$0x1030] =	vst.add.f32.msk $0xffff, v23  }
0x13d: {  	[tilespmem:s6+$0x1040] =	vst.add.f32.msk $0xffff, v24  }
0x13e: {  	[tilespmem:s6+$0x1050] =	vst.add.f32.msk $0xffff, v25  }
0x13f: {  	[tilespmem:s6+$0x1060] =	vst.add.f32.msk $0xffff, v26  }
0x140: {  	[tilespmem:s6+$0x1070] =	vst.add.f32.msk $0xffff, v27  }
0x141: {  	[tilespmem:s6+$0x1400] =	vst.add.f32.msk $0xffff, v28  }
0x142: {  	[tilespmem:s6+$0x1410] =	vst.add.f32.msk $0xffff, v29  }
0x143: {  	[tilespmem:s6+$0x1420] =	vst.add.f32.msk $0xffff, v30  }
0x144: {  	[tilespmem:s6+$0x1430] =	vst.add.f32.msk $0xffff, v31  }
0x145: {  	[tilespmem:s6+$0x1440] =	vst.add.f32.msk $0xffff, v32  }
0x146: {  	[tilespmem:s6+$0x1450] =	vst.add.f32.msk $0xffff, v33  }
0x147: {  	[tilespmem:s6+$0x1460] =	vst.add.f32.msk $0xffff, v34  }
0x148: {  	[tilespmem:s6+$0x1470] =	vst.add.f32.msk $0xffff, v35  }
0x149: {  	[tilespmem:s6+$0x1800] =	vst.add.f32.msk $0xffff, v36  }
0x14a: {  	[tilespmem:s6+$0x1810] =	vst.add.f32.msk $0xffff, v37  }
0x14b: {  	[tilespmem:s6+$0x1820] =	vst.add.f32.msk $0xffff, v38  }
0x14c: {  	[tilespmem:s6+$0x1830] =	vst.add.f32.msk $0xffff, v39  }
0x14d: {  	[tilespmem:s6+$0x1840] =	vst.add.f32.msk $0xffff, v40  }
0x14e: {  	[tilespmem:s6+$0x1850] =	vst.add.f32.msk $0xffff, v41  }
0x14f: {  	[tilespmem:s6+$0x1860] =	vst.add.f32.msk $0xffff, v42  }
0x150: {  	[tilespmem:s6+$0x1870] =	vst.add.f32.msk $0xffff, v43  }
0x151: {  	[tilespmem:s6+$0x1C00] =	vst.add.f32.msk $0xffff, v44  }
0x152: {  	[tilespmem:s6+$0x1C10] =	vst.add.f32.msk $0xffff, v45  }
0x153: {  	s0 =	simm.s32 $0x0;
	s2 =	simm.s32 $0x0;
	s3 =	simm.s32 $0x2;
	[tilespmem:s6+$0x1C20] =	vst.add.f32.msk $0xffff, v46  }
.LBB2_2:
0x154: {  	p0 =	sne.s32 s3, $0x1F;
	s2 =	smul.u32 $0x6000, s2;
	[tilespmem:s6+$0x1C30] =	vst.add.f32.msk $0xffff, v47  }
0x155: {  	s0 =	sadd.s32 $0x80, s0;
	[tilespmem:s6+$0x1C40] =	vst.add.f32.msk $0xffff, v48  }
0x156: {  	s7 =	sand.u32 $0x380, s0;
	s2 =	sshra.s32 s2, $0x2;
	[tilespmem:s6+$0x1C50] =	vst.add.f32.msk $0xffff, v49  }
0x157: {  	[tilespmem:s6+$0x1C60] =	vst.add.f32.msk $0xffff, v50;
	s6 =	sor.u32 s7, s2  }
0x158: {  	[tilespmem:s6+$0x1C70] =	vst.add.f32.msk $0xffff, v51  }
0x159: {  	[tilespmem:s6+$0x800] =	vst.add.f32.msk $0xffff, v4  }
0x15a: {  	[tilespmem:s6+$0x810] =	vst.add.f32.msk $0xffff, v5  }
0x15b: {  	[tilespmem:s6+$0x820] =	vst.add.f32.msk $0xffff, v6  }
0x15c: {  	[tilespmem:s6+$0x830] =	vst.add.f32.msk $0xffff, v7  }
0x15d: {  	[tilespmem:s6+$0x840] =	vst.add.f32.msk $0xffff, v8  }
0x15e: {  	[tilespmem:s6+$0x850] =	vst.add.f32.msk $0xffff, v9  }
0x15f: {  	[tilespmem:s6+$0x860] =	vst.add.f32.msk $0xffff, v10  }
0x160: {  	[tilespmem:s6+$0x870] =	vst.add.f32.msk $0xffff, v11  }
0x161: {  	[tilespmem:s6+$0xC00] =	vst.add.f32.msk $0xffff, v12  }
0x162: {  	[tilespmem:s6+$0xC10] =	vst.add.f32.msk $0xffff, v13  }
0x163: {  	[tilespmem:s6+$0xC20] =	vst.add.f32.msk $0xffff, v14  }
0x164: {  	[tilespmem:s6+$0xC30] =	vst.add.f32.msk $0xffff, v15  }
0x165: {  	[tilespmem:s6+$0xC40] =	vst.add.f32.msk $0xffff, v16  }
0x166: {  	[tilespmem:s6+$0xC50] =	vst.add.f32.msk $0xffff, v17  }
0x167: {  	[tilespmem:s6+$0xC60] =	vst.add.f32.msk $0xffff, v18  }
0x168: {  	[tilespmem:s6+$0xC70] =	vst.add.f32.msk $0xffff, v19  }
0x169: {  	[tilespmem:s6+$0x1000] =	vst.add.f32.msk $0xffff, v20  }
0x16a: {  	[tilespmem:s6+$0x1010] =	vst.add.f32.msk $0xffff, v21  }
0x16b: {  	[tilespmem:s6+$0x1020] =	vst.add.f32.msk $0xffff, v22  }
0x16c: {  	[tilespmem:s6+$0x1030] =	vst.add.f32.msk $0xffff, v23  }
0x16d: {  	[tilespmem:s6+$0x1040] =	vst.add.f32.msk $0xffff, v24  }
0x16e: {  	[tilespmem:s6+$0x1050] =	vst.add.f32.msk $0xffff, v25  }
0x16f: {  	[tilespmem:s6+$0x1060] =	vst.add.f32.msk $0xffff, v26  }
0x170: {  	[tilespmem:s6+$0x1070] =	vst.add.f32.msk $0xffff, v27  }
0x171: {  	[tilespmem:s6+$0x1400] =	vst.add.f32.msk $0xffff, v28  }
0x172: {  	[tilespmem:s6+$0x1410] =	vst.add.f32.msk $0xffff, v29  }
0x173: {  	[tilespmem:s6+$0x1420] =	vst.add.f32.msk $0xffff, v30  }
0x174: {  	[tilespmem:s6+$0x1430] =	vst.add.f32.msk $0xffff, v31  }
0x175: {  	[tilespmem:s6+$0x1440] =	vst.add.f32.msk $0xffff, v32  }
0x176: {  	[tilespmem:s6+$0x1450] =	vst.add.f32.msk $0xffff, v33  }
0x177: {  	[tilespmem:s6+$0x1460] =	vst.add.f32.msk $0xffff, v34  }
0x178: {  	[tilespmem:s6+$0x1470] =	vst.add.f32.msk $0xffff, v35  }
0x179: {  	[tilespmem:s6+$0x1800] =	vst.add.f32.msk $0xffff, v36  }
0x17a: {  	[tilespmem:s6+$0x1810] =	vst.add.f32.msk $0xffff, v37  }
0x17b: {  	[tilespmem:s6+$0x1820] =	vst.add.f32.msk $0xffff, v38  }
0x17c: {  	[tilespmem:s6+$0x1830] =	vst.add.f32.msk $0xffff, v39  }
0x17d: {  	[tilespmem:s6+$0x1840] =	vst.add.f32.msk $0xffff, v40  }
0x17e: {  	[tilespmem:s6+$0x1850] =	vst.add.f32.msk $0xffff, v41  }
.Ltmp0:
0x17f: {  	[tilespmem:s6+$0x1860] =	vst.add.f32.msk $0xffff, v42;
	(pc) =	sbr.rel @p0 .LBB2_2-.Ltmp0, $4  }
0x180: {  	[tilespmem:s6+$0x1870] =	vst.add.f32.msk $0xffff, v43  }
0x181: {  	[tilespmem:s6+$0x1C00] =	vst.add.f32.msk $0xffff, v44  }
0x182: {  	[tilespmem:s6+$0x1C10] =	vst.add.f32.msk $0xffff, v45  }
0x183: {  	s2 =	sshrl.u32 s3, $0x3;
	s3 =	sadd.s32 $0x1, s3;
	[tilespmem:s6+$0x1C20] =	vst.add.f32.msk $0xffff, v46  }
0x184: {  	s2 =	smul.u32 $0x6000, s2;
	[tilespmem:s6+$0x1C30] =	vst.add.f32.msk $0xffff, v47  }
0x185: {  	[tilespmem:s6+$0x1C40] =	vst.add.f32.msk $0xffff, v48;
	s0 =	sadd.s32 $0x80, s0  }
0x186: {  	[tilespmem:s6+$0x1C50] =	vst.add.f32.msk $0xffff, v49;
	s0 =	sand.u32 $0x380, s0;
	s2 =	sshra.s32 s2, $0x2  }
0x187: {  	[tilespmem:s6+$0x1C60] =	vst.add.f32.msk $0xffff, v50;
	s0 =	sor.u32 s0, s2  }
0x188: {  	[tilespmem:s0+$0x1C70] =	vst.add.f32.msk $0xffff, v51  }
0x189: {  	[tilespmem:s0+$0x800] =	vst.add.f32.msk $0xffff, v4  }
0x18a: {  	[tilespmem:s0+$0x810] =	vst.add.f32.msk $0xffff, v5  }
0x18b: {  	[tilespmem:s0+$0x820] =	vst.add.f32.msk $0xffff, v6  }
0x18c: {  	[tilespmem:s0+$0x830] =	vst.add.f32.msk $0xffff, v7  }
0x18d: {  	[tilespmem:s0+$0x840] =	vst.add.f32.msk $0xffff, v8  }
0x18e: {  	[tilespmem:s0+$0x850] =	vst.add.f32.msk $0xffff, v9  }
0x18f: {  	[tilespmem:s0+$0x860] =	vst.add.f32.msk $0xffff, v10  }
0x190: {  	[tilespmem:s0+$0x870] =	vst.add.f32.msk $0xffff, v11  }
0x191: {  	[tilespmem:s0+$0xC00] =	vst.add.f32.msk $0xffff, v12  }
0x192: {  	[tilespmem:s0+$0xC10] =	vst.add.f32.msk $0xffff, v13  }
0x193: {  	[tilespmem:s0+$0xC20] =	vst.add.f32.msk $0xffff, v14  }
0x194: {  	[tilespmem:s0+$0xC30] =	vst.add.f32.msk $0xffff, v15  }
0x195: {  	[tilespmem:s0+$0xC40] =	vst.add.f32.msk $0xffff, v16  }
0x196: {  	[tilespmem:s0+$0xC50] =	vst.add.f32.msk $0xffff, v17  }
0x197: {  	[tilespmem:s0+$0xC60] =	vst.add.f32.msk $0xffff, v18  }
0x198: {  	[tilespmem:s0+$0xC70] =	vst.add.f32.msk $0xffff, v19  }
0x199: {  	[tilespmem:s0+$0x1000] =	vst.add.f32.msk $0xffff, v20  }
0x19a: {  	[tilespmem:s0+$0x1010] =	vst.add.f32.msk $0xffff, v21  }
0x19b: {  	[tilespmem:s0+$0x1020] =	vst.add.f32.msk $0xffff, v22  }
0x19c: {  	[tilespmem:s0+$0x1030] =	vst.add.f32.msk $0xffff, v23  }
0x19d: {  	[tilespmem:s0+$0x1040] =	vst.add.f32.msk $0xffff, v24  }
0x19e: {  	[tilespmem:s0+$0x1050] =	vst.add.f32.msk $0xffff, v25  }
0x19f: {  	[tilespmem:s0+$0x1060] =	vst.add.f32.msk $0xffff, v26  }
0x1a0: {  	[tilespmem:s0+$0x1070] =	vst.add.f32.msk $0xffff, v27  }
0x1a1: {  	[tilespmem:s0+$0x1400] =	vst.add.f32.msk $0xffff, v28  }
0x1a2: {  	[tilespmem:s0+$0x1410] =	vst.add.f32.msk $0xffff, v29  }
0x1a3: {  	[tilespmem:s0+$0x1420] =	vst.add.f32.msk $0xffff, v30  }
0x1a4: {  	[tilespmem:s0+$0x1430] =	vst.add.f32.msk $0xffff, v31  }
0x1a5: {  	[tilespmem:s0+$0x1440] =	vst.add.f32.msk $0xffff, v32  }
0x1a6: {  	[tilespmem:s0+$0x1450] =	vst.add.f32.msk $0xffff, v33  }
0x1a7: {  	[tilespmem:s0+$0x1460] =	vst.add.f32.msk $0xffff, v34  }
0x1a8: {  	[tilespmem:s0+$0x1470] =	vst.add.f32.msk $0xffff, v35  }
0x1a9: {  	[tilespmem:s0+$0x1800] =	vst.add.f32.msk $0xffff, v36  }
0x1aa: {  	[tilespmem:s0+$0x1810] =	vst.add.f32.msk $0xffff, v37  }
0x1ab: {  	[tilespmem:s0+$0x1820] =	vst.add.f32.msk $0xffff, v38  }
0x1ac: {  	[tilespmem:s0+$0x1830] =	vst.add.f32.msk $0xffff, v39  }
0x1ad: {  	[tilespmem:s0+$0x1840] =	vst.add.f32.msk $0xffff, v40  }
0x1ae: {  	[tilespmem:s0+$0x1850] =	vst.add.f32.msk $0xffff, v41  }
0x1af: {  	[tilespmem:s0+$0x1860] =	vst.add.f32.msk $0xffff, v42  }
0x1b0: {  	[tilespmem:s0+$0x1870] =	vst.add.f32.msk $0xffff, v43  }
0x1b1: {  	[tilespmem:s0+$0x1C00] =	vst.add.f32.msk $0xffff, v44  }
0x1b2: {  	[tilespmem:s0+$0x1C10] =	vst.add.f32.msk $0xffff, v45  }
0x1b3: {  	[tilespmem:s0+$0x1C20] =	vst.add.f32.msk $0xffff, v46  }
0x1b4: {  	[tilespmem:s0+$0x1C30] =	vst.add.f32.msk $0xffff, v47  }
0x1b5: {  	[tilespmem:s0+$0x1C40] =	vst.add.f32.msk $0xffff, v48  }
0x1b6: {  	[tilespmem:s0+$0x1C50] =	vst.add.f32.msk $0xffff, v49  }
0x1b7: {  	s6 =	simm.s32 $0x0;
	[tilespmem:s0+$0x1C60] =	vst.add.f32.msk $0xffff, v50  }
0x1b8: {  	[hbm4b:s16+s6] =	stream.linear.scatter [tilespmem:s26], [sflag:$0x6], $0x6000, $0x38;
	[tilespmem:$0x1E800] =	vst v63  }
0x1b9: {  	v52 =	vld [tilespmem:$0x200];
	_ =	sdelay $0x4  }
0x1ba: {  	v53 =	vshrl.u32 v52, $0x3  }
0x1bb: {  	v53 =	vmul.u32 $0x30, v53  }
0x1bc: {  	v52 =	vand.u32 $0x7, v52  }
0x1bd: {  	v52 =	vor.u32 v52, v53  }
0x1be: {  	v53 =	vperm.xlane v52, v0;
	_ =	sdelay $0x1  }
0x1bf: {  	v53 =	vadd.s32 v1, v53;
	_ =	sdelay $0x3  }
0x1c0: {  	v52 =	vperm.xlane v52, v2  }
0x1c1: {  	[tilespmem:s29], [sflag:$0x5] =	stream.indirect_vreg.gather [hbm4b:s1+s6], $0x80, v53, vm0, $0xb8;
	[tilespmem:$0x1E800] =	vst v63  }
0x1c2: {  	s7 =	simm.s32 $0x19000;
	v52 =	vadd.s32 v1, v52  }
0x1c3: {  	[tilespmem:s7], [sflag:$0x5] =	stream.indirect_vreg.gather [hbm4b:s13+s6], $0x80, v53, vm0, $0xb8;
	[tilespmem:$0x1E800] =	vst v63  }
0x1c4: {  	s2 =	simm.s32 $0x19800  }
0x1c5: {  	[tilespmem:s2], [sflag:$0x5] =	stream.indirect_vreg.gather [hbm4b:s14+s6], $0x80, v53, vm0, $0xb8;
	[tilespmem:$0x1E800] =	vst v63  }
0x1c6: {  	s3 =	simm.s32 $0x1A000  }
0x1c7: {  	[tilespmem:s3], [sflag:$0x5] =	stream.indirect_vreg.gather [hbm4b:s1+s6], $0x80, v52, vm0, $0xb8;
	[tilespmem:$0x1E800] =	vst v63  }
0x1c8: {  	s7 =	simm.s32 $0x1A800  }
0x1c9: {  	[tilespmem:s7], [sflag:$0x5] =	stream.indirect_vreg.gather [hbm4b:s13+s6], $0x80, v52, vm0, $0xb8;
	[tilespmem:$0x1E800] =	vst v63  }
0x1ca: {  	s2 =	simm.s32 $0x1B000  }
0x1cb: {  	[tilespmem:s2], [sflag:$0x5] =	stream.indirect_vreg.gather [hbm4b:s14+s6], $0x80, v52, vm0, $0xb8;
	[tilespmem:$0x1E800] =	vst v63  }
0x1cc: {  	v52 =	vld [tilespmem:$0x210];
	_ =	sdelay $0x4  }
0x1cd: {  	v63 =	vshrl.u32 v52, $0x3  }
0x1ce: {  	v53 =	vmul.u32 $0x30, v63  }
0x1cf: {  	v52 =	vand.u32 $0x7, v52  }
0x1d0: {  	v52 =	vor.u32 v52, v53  }
0x1d1: {  	v53 =	vperm.xlane v52, v0;
	_ =	sdelay $0x1  }
0x1d2: {  	v53 =	vadd.s32 v1, v53;
	_ =	sdelay $0x3  }
0x1d3: {  	s3 =	simm.s32 $0x1B800;
	v52 =	vperm.xlane v52, v2  }
0x1d4: {  	[tilespmem:s3], [sflag:$0x5] =	stream.indirect_vreg.gather [hbm4b:s1+s6], $0x80, v53, vm0, $0xb8;
	[tilespmem:$0x1E800] =	vst v63  }
0x1d5: {  	s7 =	simm.s32 $0x1C000;
	v52 =	vadd.s32 v1, v52  }
0x1d6: {  	[tilespmem:s7], [sflag:$0x5] =	stream.indirect_vreg.gather [hbm4b:s13+s6], $0x80, v53, vm0, $0xb8;
	[tilespmem:$0x1E800] =	vst v63  }
0x1d7: {  	s2 =	simm.s32 $0x1C800  }
0x1d8: {  	[tilespmem:s2], [sflag:$0x5] =	stream.indirect_vreg.gather [hbm4b:s14+s6], $0x80, v53, vm0, $0xb8;
	[tilespmem:$0x1E800] =	vst v63  }
0x1d9: {  	s3 =	simm.s32 $0x1D000  }
0x1da: {  	[tilespmem:s3], [sflag:$0x5] =	stream.indirect_vreg.gather [hbm4b:s1+s6], $0x80, v52, vm0, $0xb8;
	[tilespmem:$0x1E800] =	vst v63  }
0x1db: {  	s7 =	simm.s32 $0x1D800;
	s3 =	simm.s32 $0x0  }
0x1dc: {  	[tilespmem:s7], [sflag:$0x5] =	stream.indirect_vreg.gather [hbm4b:s13+s6], $0x80, v52, vm0, $0xb8;
	[tilespmem:$0x1E800] =	vst v63  }
0x1dd: {  	s2 =	simm.s32 $0x1E000;
	s0 =	smul.u32 $0x6000, s3  }
0x1de: {  	[tilespmem:s2], [sflag:$0x5] =	stream.indirect_vreg.gather [hbm4b:s14+s6], $0x80, v52, vm0, $0xb8;
	[tilespmem:$0x1E800] =	vst v63  }
0x1df: {  	_ =	swait.ge [sflag:s19], $0x6000  }
0x1e0: {  	s7 =	sand.u32 $0x380, s6;
	s0 =	sshra.s32 s0, $0x2;
	[sflag:s19] =	ssyncset.done $0x0  }
0x1e1: {  	s0 =	sor.u32 s7, s0;
	[sflag:s19] =	ssyncadd.s32 $0xFFFFA000  }
0x1e2: {  	[tilespmem:s0+$0x7C70] =	vst.add.f32.msk $0xffff, v51  }
0x1e3: {  	[tilespmem:s0+$0x6800] =	vst.add.f32.msk $0xffff, v4  }
0x1e4: {  	[tilespmem:s0+$0x6810] =	vst.add.f32.msk $0xffff, v5  }
0x1e5: {  	[tilespmem:s0+$0x6820] =	vst.add.f32.msk $0xffff, v6  }
0x1e6: {  	[tilespmem:s0+$0x6830] =	vst.add.f32.msk $0xffff, v7  }
0x1e7: {  	[tilespmem:s0+$0x6840] =	vst.add.f32.msk $0xffff, v8  }
0x1e8: {  	[tilespmem:s0+$0x6850] =	vst.add.f32.msk $0xffff, v9  }
0x1e9: {  	[tilespmem:s0+$0x6860] =	vst.add.f32.msk $0xffff, v10  }
0x1ea: {  	[tilespmem:s0+$0x6870] =	vst.add.f32.msk $0xffff, v11  }
0x1eb: {  	[tilespmem:s0+$0x6C00] =	vst.add.f32.msk $0xffff, v12  }
0x1ec: {  	[tilespmem:s0+$0x6C10] =	vst.add.f32.msk $0xffff, v13  }
0x1ed: {  	[tilespmem:s0+$0x6C20] =	vst.add.f32.msk $0xffff, v14  }
0x1ee: {  	[tilespmem:s0+$0x6C30] =	vst.add.f32.msk $0xffff, v15  }
0x1ef: {  	[tilespmem:s0+$0x6C40] =	vst.add.f32.msk $0xffff, v16  }
0x1f0: {  	[tilespmem:s0+$0x6C50] =	vst.add.f32.msk $0xffff, v17  }
0x1f1: {  	[tilespmem:s0+$0x6C60] =	vst.add.f32.msk $0xffff, v18  }
0x1f2: {  	[tilespmem:s0+$0x6C70] =	vst.add.f32.msk $0xffff, v19  }
0x1f3: {  	[tilespmem:s0+$0x7000] =	vst.add.f32.msk $0xffff, v20  }
0x1f4: {  	[tilespmem:s0+$0x7010] =	vst.add.f32.msk $0xffff, v21  }
0x1f5: {  	[tilespmem:s0+$0x7020] =	vst.add.f32.msk $0xffff, v22  }
0x1f6: {  	[tilespmem:s0+$0x7030] =	vst.add.f32.msk $0xffff, v23  }
0x1f7: {  	[tilespmem:s0+$0x7040] =	vst.add.f32.msk $0xffff, v24  }
0x1f8: {  	[tilespmem:s0+$0x7050] =	vst.add.f32.msk $0xffff, v25  }
0x1f9: {  	[tilespmem:s0+$0x7060] =	vst.add.f32.msk $0xffff, v26  }
0x1fa: {  	[tilespmem:s0+$0x7070] =	vst.add.f32.msk $0xffff, v27  }
0x1fb: {  	[tilespmem:s0+$0x7400] =	vst.add.f32.msk $0xffff, v28  }
0x1fc: {  	[tilespmem:s0+$0x7410] =	vst.add.f32.msk $0xffff, v29  }
0x1fd: {  	[tilespmem:s0+$0x7420] =	vst.add.f32.msk $0xffff, v30  }
0x1fe: {  	[tilespmem:s0+$0x7430] =	vst.add.f32.msk $0xffff, v31  }
0x1ff: {  	[tilespmem:s0+$0x7440] =	vst.add.f32.msk $0xffff, v32  }
0x200: {  	[tilespmem:s0+$0x7450] =	vst.add.f32.msk $0xffff, v33  }
0x201: {  	[tilespmem:s0+$0x7460] =	vst.add.f32.msk $0xffff, v34  }
0x202: {  	[tilespmem:s0+$0x7470] =	vst.add.f32.msk $0xffff, v35  }
0x203: {  	[tilespmem:s0+$0x7800] =	vst.add.f32.msk $0xffff, v36  }
0x204: {  	[tilespmem:s0+$0x7810] =	vst.add.f32.msk $0xffff, v37  }
0x205: {  	[tilespmem:s0+$0x7820] =	vst.add.f32.msk $0xffff, v38  }
0x206: {  	[tilespmem:s0+$0x7830] =	vst.add.f32.msk $0xffff, v39  }
0x207: {  	[tilespmem:s0+$0x7840] =	vst.add.f32.msk $0xffff, v40  }
0x208: {  	[tilespmem:s0+$0x7850] =	vst.add.f32.msk $0xffff, v41  }
0x209: {  	[tilespmem:s0+$0x7860] =	vst.add.f32.msk $0xffff, v42  }
0x20a: {  	[tilespmem:s0+$0x7870] =	vst.add.f32.msk $0xffff, v43  }
0x20b: {  	[tilespmem:s0+$0x7C00] =	vst.add.f32.msk $0xffff, v44  }
0x20c: {  	[tilespmem:s0+$0x7C10] =	vst.add.f32.msk $0xffff, v45  }
0x20d: {  	s3 =	simm.s32 $0x2;
	s2 =	simm.s32 $0x0;
	[tilespmem:s0+$0x7C20] =	vst.add.f32.msk $0xffff, v46  }
.LBB2_4:
0x20e: {  	p0 =	sne.s32 s3, $0x1F;
	s2 =	smul.u32 $0x6000, s2;
	[tilespmem:s0+$0x7C30] =	vst.add.f32.msk $0xffff, v47  }
0x20f: {  	s6 =	sadd.s32 $0x80, s6;
	[tilespmem:s0+$0x7C40] =	vst.add.f32.msk $0xffff, v48  }
0x210: {  	s7 =	sand.u32 $0x380, s6;
	s2 =	sshra.s32 s2, $0x2;
	[tilespmem:s0+$0x7C50] =	vst.add.f32.msk $0xffff, v49  }
0x211: {  	[tilespmem:s0+$0x7C60] =	vst.add.f32.msk $0xffff, v50;
	s0 =	sor.u32 s7, s2  }
0x212: {  	[tilespmem:s0+$0x7C70] =	vst.add.f32.msk $0xffff, v51  }
0x213: {  	[tilespmem:s0+$0x6800] =	vst.add.f32.msk $0xffff, v4  }
0x214: {  	[tilespmem:s0+$0x6810] =	vst.add.f32.msk $0xffff, v5  }
0x215: {  	[tilespmem:s0+$0x6820] =	vst.add.f32.msk $0xffff, v6  }
0x216: {  	[tilespmem:s0+$0x6830] =	vst.add.f32.msk $0xffff, v7  }
0x217: {  	[tilespmem:s0+$0x6840] =	vst.add.f32.msk $0xffff, v8  }
0x218: {  	[tilespmem:s0+$0x6850] =	vst.add.f32.msk $0xffff, v9  }
0x219: {  	[tilespmem:s0+$0x6860] =	vst.add.f32.msk $0xffff, v10  }
0x21a: {  	[tilespmem:s0+$0x6870] =	vst.add.f32.msk $0xffff, v11  }
0x21b: {  	[tilespmem:s0+$0x6C00] =	vst.add.f32.msk $0xffff, v12  }
0x21c: {  	[tilespmem:s0+$0x6C10] =	vst.add.f32.msk $0xffff, v13  }
0x21d: {  	[tilespmem:s0+$0x6C20] =	vst.add.f32.msk $0xffff, v14  }
0x21e: {  	[tilespmem:s0+$0x6C30] =	vst.add.f32.msk $0xffff, v15  }
0x21f: {  	[tilespmem:s0+$0x6C40] =	vst.add.f32.msk $0xffff, v16  }
0x220: {  	[tilespmem:s0+$0x6C50] =	vst.add.f32.msk $0xffff, v17  }
0x221: {  	[tilespmem:s0+$0x6C60] =	vst.add.f32.msk $0xffff, v18  }
0x222: {  	[tilespmem:s0+$0x6C70] =	vst.add.f32.msk $0xffff, v19  }
0x223: {  	[tilespmem:s0+$0x7000] =	vst.add.f32.msk $0xffff, v20  }
0x224: {  	[tilespmem:s0+$0x7010] =	vst.add.f32.msk $0xffff, v21  }
0x225: {  	[tilespmem:s0+$0x7020] =	vst.add.f32.msk $0xffff, v22  }
0x226: {  	[tilespmem:s0+$0x7030] =	vst.add.f32.msk $0xffff, v23  }
0x227: {  	[tilespmem:s0+$0x7040] =	vst.add.f32.msk $0xffff, v24  }
0x228: {  	[tilespmem:s0+$0x7050] =	vst.add.f32.msk $0xffff, v25  }
0x229: {  	[tilespmem:s0+$0x7060] =	vst.add.f32.msk $0xffff, v26  }
0x22a: {  	[tilespmem:s0+$0x7070] =	vst.add.f32.msk $0xffff, v27  }
0x22b: {  	[tilespmem:s0+$0x7400] =	vst.add.f32.msk $0xffff, v28  }
0x22c: {  	[tilespmem:s0+$0x7410] =	vst.add.f32.msk $0xffff, v29  }
0x22d: {  	[tilespmem:s0+$0x7420] =	vst.add.f32.msk $0xffff, v30  }
0x22e: {  	[tilespmem:s0+$0x7430] =	vst.add.f32.msk $0xffff, v31  }
0x22f: {  	[tilespmem:s0+$0x7440] =	vst.add.f32.msk $0xffff, v32  }
0x230: {  	[tilespmem:s0+$0x7450] =	vst.add.f32.msk $0xffff, v33  }
0x231: {  	[tilespmem:s0+$0x7460] =	vst.add.f32.msk $0xffff, v34  }
0x232: {  	[tilespmem:s0+$0x7470] =	vst.add.f32.msk $0xffff, v35  }
0x233: {  	[tilespmem:s0+$0x7800] =	vst.add.f32.msk $0xffff, v36  }
0x234: {  	[tilespmem:s0+$0x7810] =	vst.add.f32.msk $0xffff, v37  }
0x235: {  	[tilespmem:s0+$0x7820] =	vst.add.f32.msk $0xffff, v38  }
0x236: {  	[tilespmem:s0+$0x7830] =	vst.add.f32.msk $0xffff, v39  }
0x237: {  	[tilespmem:s0+$0x7840] =	vst.add.f32.msk $0xffff, v40  }
0x238: {  	[tilespmem:s0+$0x7850] =	vst.add.f32.msk $0xffff, v41  }
.Ltmp1:
0x239: {  	[tilespmem:s0+$0x7860] =	vst.add.f32.msk $0xffff, v42;
	(pc) =	sbr.rel @p0 .LBB2_4-.Ltmp1, $4  }
0x23a: {  	[tilespmem:s0+$0x7870] =	vst.add.f32.msk $0xffff, v43  }
0x23b: {  	[tilespmem:s0+$0x7C00] =	vst.add.f32.msk $0xffff, v44  }
0x23c: {  	[tilespmem:s0+$0x7C10] =	vst.add.f32.msk $0xffff, v45  }
0x23d: {  	s2 =	sshrl.u32 s3, $0x3;
	s3 =	sadd.s32 $0x1, s3;
	[tilespmem:s0+$0x7C20] =	vst.add.f32.msk $0xffff, v46  }
0x23e: {  	s2 =	smul.u32 $0x6000, s2;
	[tilespmem:s0+$0x7C30] =	vst.add.f32.msk $0xffff, v47  }
0x23f: {  	[tilespmem:s0+$0x7C40] =	vst.add.f32.msk $0xffff, v48;
	s3 =	sadd.s32 $0x80, s6  }
0x240: {  	[tilespmem:s0+$0x7C50] =	vst.add.f32.msk $0xffff, v49;
	s3 =	sand.u32 $0x380, s3;
	s2 =	sshra.s32 s2, $0x2  }
0x241: {  	[tilespmem:s0+$0x7C60] =	vst.add.f32.msk $0xffff, v50;
	s2 =	sor.u32 s3, s2  }
0x242: {  	[tilespmem:s2+$0x7C70] =	vst.add.f32.msk $0xffff, v51  }
0x243: {  	[tilespmem:s2+$0x6800] =	vst.add.f32.msk $0xffff, v4  }
0x244: {  	[tilespmem:s2+$0x6810] =	vst.add.f32.msk $0xffff, v5  }
0x245: {  	[tilespmem:s2+$0x6820] =	vst.add.f32.msk $0xffff, v6  }
0x246: {  	[tilespmem:s2+$0x6830] =	vst.add.f32.msk $0xffff, v7  }
0x247: {  	[tilespmem:s2+$0x6840] =	vst.add.f32.msk $0xffff, v8  }
0x248: {  	[tilespmem:s2+$0x6850] =	vst.add.f32.msk $0xffff, v9  }
0x249: {  	[tilespmem:s2+$0x6860] =	vst.add.f32.msk $0xffff, v10  }
0x24a: {  	[tilespmem:s2+$0x6870] =	vst.add.f32.msk $0xffff, v11  }
0x24b: {  	[tilespmem:s2+$0x6C00] =	vst.add.f32.msk $0xffff, v12  }
0x24c: {  	[tilespmem:s2+$0x6C10] =	vst.add.f32.msk $0xffff, v13  }
0x24d: {  	[tilespmem:s2+$0x6C20] =	vst.add.f32.msk $0xffff, v14  }
0x24e: {  	[tilespmem:s2+$0x6C30] =	vst.add.f32.msk $0xffff, v15  }
0x24f: {  	[tilespmem:s2+$0x6C40] =	vst.add.f32.msk $0xffff, v16  }
0x250: {  	[tilespmem:s2+$0x6C50] =	vst.add.f32.msk $0xffff, v17  }
0x251: {  	[tilespmem:s2+$0x6C60] =	vst.add.f32.msk $0xffff, v18  }
0x252: {  	[tilespmem:s2+$0x6C70] =	vst.add.f32.msk $0xffff, v19  }
0x253: {  	[tilespmem:s2+$0x7000] =	vst.add.f32.msk $0xffff, v20  }
0x254: {  	[tilespmem:s2+$0x7010] =	vst.add.f32.msk $0xffff, v21  }
0x255: {  	[tilespmem:s2+$0x7020] =	vst.add.f32.msk $0xffff, v22  }
0x256: {  	[tilespmem:s2+$0x7030] =	vst.add.f32.msk $0xffff, v23  }
0x257: {  	[tilespmem:s2+$0x7040] =	vst.add.f32.msk $0xffff, v24  }
0x258: {  	[tilespmem:s2+$0x7050] =	vst.add.f32.msk $0xffff, v25  }
0x259: {  	[tilespmem:s2+$0x7060] =	vst.add.f32.msk $0xffff, v26  }
0x25a: {  	[tilespmem:s2+$0x7070] =	vst.add.f32.msk $0xffff, v27  }
0x25b: {  	[tilespmem:s2+$0x7400] =	vst.add.f32.msk $0xffff, v28  }
0x25c: {  	[tilespmem:s2+$0x7410] =	vst.add.f32.msk $0xffff, v29  }
0x25d: {  	[tilespmem:s2+$0x7420] =	vst.add.f32.msk $0xffff, v30  }
0x25e: {  	[tilespmem:s2+$0x7430] =	vst.add.f32.msk $0xffff, v31  }
0x25f: {  	[tilespmem:s2+$0x7440] =	vst.add.f32.msk $0xffff, v32  }
0x260: {  	[tilespmem:s2+$0x7450] =	vst.add.f32.msk $0xffff, v33  }
0x261: {  	[tilespmem:s2+$0x7460] =	vst.add.f32.msk $0xffff, v34  }
0x262: {  	[tilespmem:s2+$0x7470] =	vst.add.f32.msk $0xffff, v35  }
0x263: {  	[tilespmem:s2+$0x7800] =	vst.add.f32.msk $0xffff, v36  }
0x264: {  	[tilespmem:s2+$0x7810] =	vst.add.f32.msk $0xffff, v37  }
0x265: {  	[tilespmem:s2+$0x7820] =	vst.add.f32.msk $0xffff, v38  }
0x266: {  	[tilespmem:s2+$0x7830] =	vst.add.f32.msk $0xffff, v39  }
0x267: {  	[tilespmem:s2+$0x7840] =	vst.add.f32.msk $0xffff, v40  }
0x268: {  	[tilespmem:s2+$0x7850] =	vst.add.f32.msk $0xffff, v41  }
0x269: {  	[tilespmem:s2+$0x7860] =	vst.add.f32.msk $0xffff, v42  }
0x26a: {  	[tilespmem:s2+$0x7870] =	vst.add.f32.msk $0xffff, v43  }
0x26b: {  	[tilespmem:s2+$0x7C00] =	vst.add.f32.msk $0xffff, v44  }
0x26c: {  	[tilespmem:s2+$0x7C10] =	vst.add.f32.msk $0xffff, v45  }
0x26d: {  	[tilespmem:s2+$0x7C20] =	vst.add.f32.msk $0xffff, v46  }
0x26e: {  	[tilespmem:s2+$0x7C30] =	vst.add.f32.msk $0xffff, v47  }
0x26f: {  	[tilespmem:s2+$0x7C40] =	vst.add.f32.msk $0xffff, v48  }
0x270: {  	[tilespmem:s2+$0x7C50] =	vst.add.f32.msk $0xffff, v49  }
0x271: {  	s6 =	simm.s32 $0x0;
	s7 =	rddreg [dreg:$0xe];
	[tilespmem:s2+$0x7C60] =	vst.add.f32.msk $0xffff, v50  }
0x272: {  	[hbm4b:s7+s6] =	stream.linear.scatter [tilespmem:s31], [sflag:$0x7], $0x6000, $0x38;
	[tilespmem:$0x1E800] =	vst v63  }
0x273: {  	_ =	swait.ge [sflag:s10], $0x6000  }
0x274: {  	[sflag:s10] =	ssyncset.done $0x0  }
0x275: {  	[sflag:s10] =	ssyncadd.s32 $0xFFFFA000  }
0x276: {  	v52 =	vld [tilespmem:$0x280];
	_ =	sdelay $0x4  }
0x277: {  	v53 =	vshrl.u32 v52, $0x3  }
0x278: {  	v53 =	vmul.u32 $0x30, v53  }
0x279: {  	v52 =	vand.u32 $0x7, v52  }
0x27a: {  	v52 =	vor.u32 v52, v53  }
0x27b: {  	v53 =	vperm.xlane v52, v0;
	_ =	sdelay $0x1  }
0x27c: {  	v53 =	vadd.s32 v1, v53;
	_ =	sdelay $0x3  }
0x27d: {  	v52 =	vperm.xlane v52, v2  }
0x27e: {  	[tilespmem:s26], [sflag:$0x1] =	stream.indirect_vreg.gather [hbm4b:s1+s6], $0x80, v53, vm0, $0xb8;
	[tilespmem:$0x1E800] =	vst v63  }
0x27f: {  	v52 =	vadd.s32 v1, v52  }
0x280: {  	[tilespmem:s8], [sflag:$0x1] =	stream.indirect_vreg.gather [hbm4b:s13+s6], $0x80, v53, vm0, $0xb8;
	[tilespmem:$0x1E800] =	vst v63  }
0x281: {  	_ = 	snop  }
0x282: {  	[tilespmem:s9], [sflag:$0x1] =	stream.indirect_vreg.gather [hbm4b:s14+s6], $0x80, v53, vm0, $0xb8;
	[tilespmem:$0x1E800] =	vst v63  }
0x283: {  	_ = 	snop  }
0x284: {  	[tilespmem:s15], [sflag:$0x1] =	stream.indirect_vreg.gather [hbm4b:s1+s6], $0x80, v52, vm0, $0xb8;
	[tilespmem:$0x1E800] =	vst v63  }
0x285: {  	_ = 	snop  }
0x286: {  	[tilespmem:s17], [sflag:$0x1] =	stream.indirect_vreg.gather [hbm4b:s13+s6], $0x80, v52, vm0, $0xb8;
	[tilespmem:$0x1E800] =	vst v63  }
0x287: {  	_ = 	snop  }
0x288: {  	[tilespmem:s18], [sflag:$0x1] =	stream.indirect_vreg.gather [hbm4b:s14+s6], $0x80, v52, vm0, $0xb8;
	[tilespmem:$0x1E800] =	vst v63  }
0x289: {  	v52 =	vld [tilespmem:$0x290];
	_ =	sdelay $0x4  }
0x28a: {  	v63 =	vshrl.u32 v52, $0x3  }
0x28b: {  	v53 =	vmul.u32 $0x30, v63  }
0x28c: {  	v52 =	vand.u32 $0x7, v52  }
0x28d: {  	v52 =	vor.u32 v52, v53  }
0x28e: {  	v53 =	vperm.xlane v52, v0;
	_ =	sdelay $0x1  }
0x28f: {  	v53 =	vadd.s32 v1, v53;
	_ =	sdelay $0x3  }
0x290: {  	s2 =	simm.s32 $0x3800;
	v52 =	vperm.xlane v52, v2  }
0x291: {  	[tilespmem:s2], [sflag:$0x1] =	stream.indirect_vreg.gather [hbm4b:s1+s6], $0x80, v53, vm0, $0xb8;
	[tilespmem:$0x1E800] =	vst v63  }
0x292: {  	s3 =	simm.s32 $0x4000;
	v52 =	vadd.s32 v1, v52  }
0x293: {  	[tilespmem:s3], [sflag:$0x1] =	stream.indirect_vreg.gather [hbm4b:s13+s6], $0x80, v53, vm0, $0xb8;
	[tilespmem:$0x1E800] =	vst v63  }
0x294: {  	s7 =	simm.s32 $0x4800  }
0x295: {  	[tilespmem:s7], [sflag:$0x1] =	stream.indirect_vreg.gather [hbm4b:s14+s6], $0x80, v53, vm0, $0xb8;
	[tilespmem:$0x1E800] =	vst v63  }
0x296: {  	s8 =	simm.s32 $0x5000  }
0x297: {  	[tilespmem:s8], [sflag:$0x1] =	stream.indirect_vreg.gather [hbm4b:s1+s6], $0x80, v52, vm0, $0xb8;
	[tilespmem:$0x1E800] =	vst v63  }
0x298: {  	s9 =	simm.s32 $0x5800;
	s17 =	simm.s32 $0x0  }
0x299: {  	[tilespmem:s9], [sflag:$0x1] =	stream.indirect_vreg.gather [hbm4b:s13+s6], $0x80, v52, vm0, $0xb8;
	[tilespmem:$0x1E800] =	vst v63  }
0x29a: {  	s15 =	simm.s32 $0x6000;
	s0 =	smul.u32 $0x6000, s17  }
0x29b: {  	[tilespmem:s15], [sflag:$0x1] =	stream.indirect_vreg.gather [hbm4b:s14+s6], $0x80, v52, vm0, $0xb8;
	[tilespmem:$0x1E800] =	vst v63  }
0x29c: {  	_ =	swait.ge [sflag:s20], $0x6000  }
0x29d: {  	s18 =	sand.u32 $0x380, s6;
	s0 =	sshra.s32 s0, $0x2;
	[sflag:s20] =	ssyncset.done $0x0  }
0x29e: {  	s0 =	sor.u32 s18, s0;
	[sflag:s20] =	ssyncadd.s32 $0xFFFFA000  }
0x29f: {  	[tilespmem:s0+$0xDC70] =	vst.add.f32.msk $0xffff, v51  }
0x2a0: {  	[tilespmem:s0+$0xC800] =	vst.add.f32.msk $0xffff, v4  }
0x2a1: {  	[tilespmem:s0+$0xC810] =	vst.add.f32.msk $0xffff, v5  }
0x2a2: {  	[tilespmem:s0+$0xC820] =	vst.add.f32.msk $0xffff, v6  }
0x2a3: {  	[tilespmem:s0+$0xC830] =	vst.add.f32.msk $0xffff, v7  }
0x2a4: {  	[tilespmem:s0+$0xC840] =	vst.add.f32.msk $0xffff, v8  }
0x2a5: {  	[tilespmem:s0+$0xC850] =	vst.add.f32.msk $0xffff, v9  }
0x2a6: {  	[tilespmem:s0+$0xC860] =	vst.add.f32.msk $0xffff, v10  }
0x2a7: {  	[tilespmem:s0+$0xC870] =	vst.add.f32.msk $0xffff, v11  }
0x2a8: {  	[tilespmem:s0+$0xCC00] =	vst.add.f32.msk $0xffff, v12  }
0x2a9: {  	[tilespmem:s0+$0xCC10] =	vst.add.f32.msk $0xffff, v13  }
0x2aa: {  	[tilespmem:s0+$0xCC20] =	vst.add.f32.msk $0xffff, v14  }
0x2ab: {  	[tilespmem:s0+$0xCC30] =	vst.add.f32.msk $0xffff, v15  }
0x2ac: {  	[tilespmem:s0+$0xCC40] =	vst.add.f32.msk $0xffff, v16  }
0x2ad: {  	[tilespmem:s0+$0xCC50] =	vst.add.f32.msk $0xffff, v17  }
0x2ae: {  	[tilespmem:s0+$0xCC60] =	vst.add.f32.msk $0xffff, v18  }
0x2af: {  	[tilespmem:s0+$0xCC70] =	vst.add.f32.msk $0xffff, v19  }
0x2b0: {  	[tilespmem:s0+$0xD000] =	vst.add.f32.msk $0xffff, v20  }
0x2b1: {  	[tilespmem:s0+$0xD010] =	vst.add.f32.msk $0xffff, v21  }
0x2b2: {  	[tilespmem:s0+$0xD020] =	vst.add.f32.msk $0xffff, v22  }
0x2b3: {  	[tilespmem:s0+$0xD030] =	vst.add.f32.msk $0xffff, v23  }
0x2b4: {  	[tilespmem:s0+$0xD040] =	vst.add.f32.msk $0xffff, v24  }
0x2b5: {  	[tilespmem:s0+$0xD050] =	vst.add.f32.msk $0xffff, v25  }
0x2b6: {  	[tilespmem:s0+$0xD060] =	vst.add.f32.msk $0xffff, v26  }
0x2b7: {  	[tilespmem:s0+$0xD070] =	vst.add.f32.msk $0xffff, v27  }
0x2b8: {  	[tilespmem:s0+$0xD400] =	vst.add.f32.msk $0xffff, v28  }
0x2b9: {  	[tilespmem:s0+$0xD410] =	vst.add.f32.msk $0xffff, v29  }
0x2ba: {  	[tilespmem:s0+$0xD420] =	vst.add.f32.msk $0xffff, v30  }
0x2bb: {  	[tilespmem:s0+$0xD430] =	vst.add.f32.msk $0xffff, v31  }
0x2bc: {  	[tilespmem:s0+$0xD440] =	vst.add.f32.msk $0xffff, v32  }
0x2bd: {  	[tilespmem:s0+$0xD450] =	vst.add.f32.msk $0xffff, v33  }
0x2be: {  	[tilespmem:s0+$0xD460] =	vst.add.f32.msk $0xffff, v34  }
0x2bf: {  	[tilespmem:s0+$0xD470] =	vst.add.f32.msk $0xffff, v35  }
0x2c0: {  	[tilespmem:s0+$0xD800] =	vst.add.f32.msk $0xffff, v36  }
0x2c1: {  	[tilespmem:s0+$0xD810] =	vst.add.f32.msk $0xffff, v37  }
0x2c2: {  	[tilespmem:s0+$0xD820] =	vst.add.f32.msk $0xffff, v38  }
0x2c3: {  	[tilespmem:s0+$0xD830] =	vst.add.f32.msk $0xffff, v39  }
0x2c4: {  	[tilespmem:s0+$0xD840] =	vst.add.f32.msk $0xffff, v40  }
0x2c5: {  	[tilespmem:s0+$0xD850] =	vst.add.f32.msk $0xffff, v41  }
0x2c6: {  	[tilespmem:s0+$0xD860] =	vst.add.f32.msk $0xffff, v42  }
0x2c7: {  	[tilespmem:s0+$0xD870] =	vst.add.f32.msk $0xffff, v43  }
0x2c8: {  	[tilespmem:s0+$0xDC00] =	vst.add.f32.msk $0xffff, v44  }
0x2c9: {  	[tilespmem:s0+$0xDC10] =	vst.add.f32.msk $0xffff, v45  }
0x2ca: {  	s2 =	simm.s32 $0x0;
	s3 =	simm.s32 $0x2;
	[tilespmem:s0+$0xDC20] =	vst.add.f32.msk $0xffff, v46  }
.LBB2_6:
0x2cb: {  	p0 =	sne.s32 s3, $0x1F;
	s2 =	smul.u32 $0x6000, s2;
	[tilespmem:s0+$0xDC30] =	vst.add.f32.msk $0xffff, v47  }
0x2cc: {  	s6 =	sadd.s32 $0x80, s6;
	[tilespmem:s0+$0xDC40] =	vst.add.f32.msk $0xffff, v48  }
0x2cd: {  	s7 =	sand.u32 $0x380, s6;
	s2 =	sshra.s32 s2, $0x2;
	[tilespmem:s0+$0xDC50] =	vst.add.f32.msk $0xffff, v49  }
0x2ce: {  	[tilespmem:s0+$0xDC60] =	vst.add.f32.msk $0xffff, v50;
	s0 =	sor.u32 s7, s2  }
0x2cf: {  	[tilespmem:s0+$0xDC70] =	vst.add.f32.msk $0xffff, v51  }
0x2d0: {  	[tilespmem:s0+$0xC800] =	vst.add.f32.msk $0xffff, v4  }
0x2d1: {  	[tilespmem:s0+$0xC810] =	vst.add.f32.msk $0xffff, v5  }
0x2d2: {  	[tilespmem:s0+$0xC820] =	vst.add.f32.msk $0xffff, v6  }
0x2d3: {  	[tilespmem:s0+$0xC830] =	vst.add.f32.msk $0xffff, v7  }
0x2d4: {  	[tilespmem:s0+$0xC840] =	vst.add.f32.msk $0xffff, v8  }
0x2d5: {  	[tilespmem:s0+$0xC850] =	vst.add.f32.msk $0xffff, v9  }
0x2d6: {  	[tilespmem:s0+$0xC860] =	vst.add.f32.msk $0xffff, v10  }
0x2d7: {  	[tilespmem:s0+$0xC870] =	vst.add.f32.msk $0xffff, v11  }
0x2d8: {  	[tilespmem:s0+$0xCC00] =	vst.add.f32.msk $0xffff, v12  }
0x2d9: {  	[tilespmem:s0+$0xCC10] =	vst.add.f32.msk $0xffff, v13  }
0x2da: {  	[tilespmem:s0+$0xCC20] =	vst.add.f32.msk $0xffff, v14  }
0x2db: {  	[tilespmem:s0+$0xCC30] =	vst.add.f32.msk $0xffff, v15  }
0x2dc: {  	[tilespmem:s0+$0xCC40] =	vst.add.f32.msk $0xffff, v16  }
0x2dd: {  	[tilespmem:s0+$0xCC50] =	vst.add.f32.msk $0xffff, v17  }
0x2de: {  	[tilespmem:s0+$0xCC60] =	vst.add.f32.msk $0xffff, v18  }
0x2df: {  	[tilespmem:s0+$0xCC70] =	vst.add.f32.msk $0xffff, v19  }
0x2e0: {  	[tilespmem:s0+$0xD000] =	vst.add.f32.msk $0xffff, v20  }
0x2e1: {  	[tilespmem:s0+$0xD010] =	vst.add.f32.msk $0xffff, v21  }
0x2e2: {  	[tilespmem:s0+$0xD020] =	vst.add.f32.msk $0xffff, v22  }
0x2e3: {  	[tilespmem:s0+$0xD030] =	vst.add.f32.msk $0xffff, v23  }
0x2e4: {  	[tilespmem:s0+$0xD040] =	vst.add.f32.msk $0xffff, v24  }
0x2e5: {  	[tilespmem:s0+$0xD050] =	vst.add.f32.msk $0xffff, v25  }
0x2e6: {  	[tilespmem:s0+$0xD060] =	vst.add.f32.msk $0xffff, v26  }
0x2e7: {  	[tilespmem:s0+$0xD070] =	vst.add.f32.msk $0xffff, v27  }
0x2e8: {  	[tilespmem:s0+$0xD400] =	vst.add.f32.msk $0xffff, v28  }
0x2e9: {  	[tilespmem:s0+$0xD410] =	vst.add.f32.msk $0xffff, v29  }
0x2ea: {  	[tilespmem:s0+$0xD420] =	vst.add.f32.msk $0xffff, v30  }
0x2eb: {  	[tilespmem:s0+$0xD430] =	vst.add.f32.msk $0xffff, v31  }
0x2ec: {  	[tilespmem:s0+$0xD440] =	vst.add.f32.msk $0xffff, v32  }
0x2ed: {  	[tilespmem:s0+$0xD450] =	vst.add.f32.msk $0xffff, v33  }
0x2ee: {  	[tilespmem:s0+$0xD460] =	vst.add.f32.msk $0xffff, v34  }
0x2ef: {  	[tilespmem:s0+$0xD470] =	vst.add.f32.msk $0xffff, v35  }
0x2f0: {  	[tilespmem:s0+$0xD800] =	vst.add.f32.msk $0xffff, v36  }
0x2f1: {  	[tilespmem:s0+$0xD810] =	vst.add.f32.msk $0xffff, v37  }
0x2f2: {  	[tilespmem:s0+$0xD820] =	vst.add.f32.msk $0xffff, v38  }
0x2f3: {  	[tilespmem:s0+$0xD830] =	vst.add.f32.msk $0xffff, v39  }
0x2f4: {  	[tilespmem:s0+$0xD840] =	vst.add.f32.msk $0xffff, v40  }
0x2f5: {  	[tilespmem:s0+$0xD850] =	vst.add.f32.msk $0xffff, v41  }
.Ltmp2:
0x2f6: {  	[tilespmem:s0+$0xD860] =	vst.add.f32.msk $0xffff, v42;
	(pc) =	sbr.rel @p0 .LBB2_6-.Ltmp2, $4  }
0x2f7: {  	[tilespmem:s0+$0xD870] =	vst.add.f32.msk $0xffff, v43  }
0x2f8: {  	[tilespmem:s0+$0xDC00] =	vst.add.f32.msk $0xffff, v44  }
0x2f9: {  	[tilespmem:s0+$0xDC10] =	vst.add.f32.msk $0xffff, v45  }
0x2fa: {  	s2 =	sshrl.u32 s3, $0x3;
	s3 =	sadd.s32 $0x1, s3;
	[tilespmem:s0+$0xDC20] =	vst.add.f32.msk $0xffff, v46  }
0x2fb: {  	s2 =	smul.u32 $0x6000, s2;
	[tilespmem:s0+$0xDC30] =	vst.add.f32.msk $0xffff, v47  }
0x2fc: {  	[tilespmem:s0+$0xDC40] =	vst.add.f32.msk $0xffff, v48;
	s3 =	sadd.s32 $0x80, s6  }
0x2fd: {  	[tilespmem:s0+$0xDC50] =	vst.add.f32.msk $0xffff, v49;
	s3 =	sand.u32 $0x380, s3;
	s2 =	sshra.s32 s2, $0x2  }
0x2fe: {  	[tilespmem:s0+$0xDC60] =	vst.add.f32.msk $0xffff, v50;
	s2 =	sor.u32 s3, s2  }
0x2ff: {  	[tilespmem:s2+$0xDC70] =	vst.add.f32.msk $0xffff, v51  }
0x300: {  	[tilespmem:s2+$0xC800] =	vst.add.f32.msk $0xffff, v4  }
0x301: {  	[tilespmem:s2+$0xC810] =	vst.add.f32.msk $0xffff, v5  }
0x302: {  	[tilespmem:s2+$0xC820] =	vst.add.f32.msk $0xffff, v6  }
0x303: {  	[tilespmem:s2+$0xC830] =	vst.add.f32.msk $0xffff, v7  }
0x304: {  	[tilespmem:s2+$0xC840] =	vst.add.f32.msk $0xffff, v8  }
0x305: {  	[tilespmem:s2+$0xC850] =	vst.add.f32.msk $0xffff, v9  }
0x306: {  	[tilespmem:s2+$0xC860] =	vst.add.f32.msk $0xffff, v10  }
0x307: {  	[tilespmem:s2+$0xC870] =	vst.add.f32.msk $0xffff, v11  }
0x308: {  	[tilespmem:s2+$0xCC00] =	vst.add.f32.msk $0xffff, v12  }
0x309: {  	[tilespmem:s2+$0xCC10] =	vst.add.f32.msk $0xffff, v13  }
0x30a: {  	[tilespmem:s2+$0xCC20] =	vst.add.f32.msk $0xffff, v14  }
0x30b: {  	[tilespmem:s2+$0xCC30] =	vst.add.f32.msk $0xffff, v15  }
0x30c: {  	[tilespmem:s2+$0xCC40] =	vst.add.f32.msk $0xffff, v16  }
0x30d: {  	[tilespmem:s2+$0xCC50] =	vst.add.f32.msk $0xffff, v17  }
0x30e: {  	[tilespmem:s2+$0xCC60] =	vst.add.f32.msk $0xffff, v18  }
0x30f: {  	[tilespmem:s2+$0xCC70] =	vst.add.f32.msk $0xffff, v19  }
0x310: {  	[tilespmem:s2+$0xD000] =	vst.add.f32.msk $0xffff, v20  }
0x311: {  	[tilespmem:s2+$0xD010] =	vst.add.f32.msk $0xffff, v21  }
0x312: {  	[tilespmem:s2+$0xD020] =	vst.add.f32.msk $0xffff, v22  }
0x313: {  	[tilespmem:s2+$0xD030] =	vst.add.f32.msk $0xffff, v23  }
0x314: {  	[tilespmem:s2+$0xD040] =	vst.add.f32.msk $0xffff, v24  }
0x315: {  	[tilespmem:s2+$0xD050] =	vst.add.f32.msk $0xffff, v25  }
0x316: {  	[tilespmem:s2+$0xD060] =	vst.add.f32.msk $0xffff, v26  }
0x317: {  	[tilespmem:s2+$0xD070] =	vst.add.f32.msk $0xffff, v27  }
0x318: {  	[tilespmem:s2+$0xD400] =	vst.add.f32.msk $0xffff, v28  }
0x319: {  	[tilespmem:s2+$0xD410] =	vst.add.f32.msk $0xffff, v29  }
0x31a: {  	[tilespmem:s2+$0xD420] =	vst.add.f32.msk $0xffff, v30  }
0x31b: {  	[tilespmem:s2+$0xD430] =	vst.add.f32.msk $0xffff, v31  }
0x31c: {  	[tilespmem:s2+$0xD440] =	vst.add.f32.msk $0xffff, v32  }
0x31d: {  	[tilespmem:s2+$0xD450] =	vst.add.f32.msk $0xffff, v33  }
0x31e: {  	[tilespmem:s2+$0xD460] =	vst.add.f32.msk $0xffff, v34  }
0x31f: {  	[tilespmem:s2+$0xD470] =	vst.add.f32.msk $0xffff, v35  }
0x320: {  	[tilespmem:s2+$0xD800] =	vst.add.f32.msk $0xffff, v36  }
0x321: {  	[tilespmem:s2+$0xD810] =	vst.add.f32.msk $0xffff, v37  }
0x322: {  	[tilespmem:s2+$0xD820] =	vst.add.f32.msk $0xffff, v38  }
0x323: {  	[tilespmem:s2+$0xD830] =	vst.add.f32.msk $0xffff, v39  }
0x324: {  	[tilespmem:s2+$0xD840] =	vst.add.f32.msk $0xffff, v40  }
0x325: {  	[tilespmem:s2+$0xD850] =	vst.add.f32.msk $0xffff, v41  }
0x326: {  	[tilespmem:s2+$0xD860] =	vst.add.f32.msk $0xffff, v42  }
0x327: {  	[tilespmem:s2+$0xD870] =	vst.add.f32.msk $0xffff, v43  }
0x328: {  	[tilespmem:s2+$0xDC00] =	vst.add.f32.msk $0xffff, v44  }
0x329: {  	[tilespmem:s2+$0xDC10] =	vst.add.f32.msk $0xffff, v45  }
0x32a: {  	[tilespmem:s2+$0xDC20] =	vst.add.f32.msk $0xffff, v46  }
0x32b: {  	[tilespmem:s2+$0xDC30] =	vst.add.f32.msk $0xffff, v47  }
0x32c: {  	[tilespmem:s2+$0xDC40] =	vst.add.f32.msk $0xffff, v48  }
0x32d: {  	[tilespmem:s2+$0xDC50] =	vst.add.f32.msk $0xffff, v49  }
0x32e: {  	s6 =	simm.s32 $0x0;
	s15 =	rddreg [dreg:$0xf];
	[tilespmem:s2+$0xDC60] =	vst.add.f32.msk $0xffff, v50  }
0x32f: {  	[hbm4b:s15+s6] =	stream.linear.scatter [tilespmem:s11], [sflag:$0x8], $0x6000, $0x38;
	[tilespmem:$0x1E800] =	vst v63  }
0x330: {  	_ =	swait.ge [sflag:s30], $0x6000  }
0x331: {  	[sflag:s30] =	ssyncset.done $0x0  }
0x332: {  	[sflag:s30] =	ssyncadd.s32 $0xFFFFA000  }
0x333: {  	v52 =	vld [tilespmem:$0x300];
	_ =	sdelay $0x4  }
0x334: {  	v53 =	vshrl.u32 v52, $0x3  }
0x335: {  	v53 =	vmul.u32 $0x30, v53  }
0x336: {  	v52 =	vand.u32 $0x7, v52  }
0x337: {  	v52 =	vor.u32 v52, v53  }
0x338: {  	v53 =	vperm.xlane v52, v0;
	_ =	sdelay $0x1  }
0x339: {  	v53 =	vadd.s32 v1, v53;
	_ =	sdelay $0x3  }
0x33a: {  	v52 =	vperm.xlane v52, v2  }
0x33b: {  	[tilespmem:s31], [sflag:$0x2] =	stream.indirect_vreg.gather [hbm4b:s1+s6], $0x80, v53, vm0, $0xb8;
	[tilespmem:$0x1E800] =	vst v63  }
0x33c: {  	s17 =	simm.s32 $0x7000;
	v52 =	vadd.s32 v1, v52  }
0x33d: {  	[tilespmem:s17], [sflag:$0x2] =	stream.indirect_vreg.gather [hbm4b:s13+s6], $0x80, v53, vm0, $0xb8;
	[tilespmem:$0x1E800] =	vst v63  }
0x33e: {  	s18 =	simm.s32 $0x7800  }
0x33f: {  	[tilespmem:s18], [sflag:$0x2] =	stream.indirect_vreg.gather [hbm4b:s14+s6], $0x80, v53, vm0, $0xb8;
	[tilespmem:$0x1E800] =	vst v63  }
0x340: {  	s2 =	simm.s32 $0x8000  }
0x341: {  	[tilespmem:s2], [sflag:$0x2] =	stream.indirect_vreg.gather [hbm4b:s1+s6], $0x80, v52, vm0, $0xb8;
	[tilespmem:$0x1E800] =	vst v63  }
0x342: {  	s3 =	simm.s32 $0x8800  }
0x343: {  	[tilespmem:s3], [sflag:$0x2] =	stream.indirect_vreg.gather [hbm4b:s13+s6], $0x80, v52, vm0, $0xb8;
	[tilespmem:$0x1E800] =	vst v63  }
0x344: {  	s7 =	simm.s32 $0x9000  }
0x345: {  	[tilespmem:s7], [sflag:$0x2] =	stream.indirect_vreg.gather [hbm4b:s14+s6], $0x80, v52, vm0, $0xb8;
	[tilespmem:$0x1E800] =	vst v63  }
0x346: {  	v52 =	vld [tilespmem:$0x310];
	_ =	sdelay $0x4  }
0x347: {  	v63 =	vshrl.u32 v52, $0x3  }
0x348: {  	v53 =	vmul.u32 $0x30, v63  }
0x349: {  	v52 =	vand.u32 $0x7, v52  }
0x34a: {  	v52 =	vor.u32 v52, v53  }
0x34b: {  	v53 =	vperm.xlane v52, v0;
	_ =	sdelay $0x1  }
0x34c: {  	v53 =	vadd.s32 v1, v53;
	_ =	sdelay $0x3  }
0x34d: {  	s8 =	simm.s32 $0x9800;
	v52 =	vperm.xlane v52, v2  }
0x34e: {  	[tilespmem:s8], [sflag:$0x2] =	stream.indirect_vreg.gather [hbm4b:s1+s6], $0x80, v53, vm0, $0xb8;
	[tilespmem:$0x1E800] =	vst v63  }
0x34f: {  	s9 =	simm.s32 $0xA000;
	v52 =	vadd.s32 v1, v52  }
0x350: {  	[tilespmem:s9], [sflag:$0x2] =	stream.indirect_vreg.gather [hbm4b:s13+s6], $0x80, v53, vm0, $0xb8;
	[tilespmem:$0x1E800] =	vst v63  }
0x351: {  	s15 =	simm.s32 $0xA800  }
0x352: {  	[tilespmem:s15], [sflag:$0x2] =	stream.indirect_vreg.gather [hbm4b:s14+s6], $0x80, v53, vm0, $0xb8;
	[tilespmem:$0x1E800] =	vst v63  }
0x353: {  	s17 =	simm.s32 $0xB000  }
0x354: {  	[tilespmem:s17], [sflag:$0x2] =	stream.indirect_vreg.gather [hbm4b:s1+s6], $0x80, v52, vm0, $0xb8;
	[tilespmem:$0x1E800] =	vst v63  }
0x355: {  	s18 =	simm.s32 $0xB800;
	s2 =	simm.s32 $0x0  }
0x356: {  	[tilespmem:s18], [sflag:$0x2] =	stream.indirect_vreg.gather [hbm4b:s13+s6], $0x80, v52, vm0, $0xb8;
	[tilespmem:$0x1E800] =	vst v63  }
0x357: {  	s0 =	smul.u32 $0x6000, s2;
	s3 =	simm.s32 $0xC000  }
0x358: {  	[tilespmem:s3], [sflag:$0x2] =	stream.indirect_vreg.gather [hbm4b:s14+s6], $0x80, v52, vm0, $0xb8;
	[tilespmem:$0x1E800] =	vst v63  }
0x359: {  	s0 =	sshra.s32 s0, $0x2;
	s7 =	sand.u32 $0x380, s6;
	_ =	swait.ge [sflag:s21], $0x6000  }
0x35a: {  	s2 =	sor.u32 s7, s0;
	[sflag:s21] =	ssyncset.done $0x0  }
0x35b: {  	s0 =	sadd.s32 $0x12800, s2;
	[sflag:s21] =	ssyncadd.s32 $0xFFFFA000  }
0x35c: {  	s8 =	sor.u32 $0x10, s0;
	[tilespmem:s2+$0x12800] =	vst.add.f32.msk $0xffff, v4  }
0x35d: {  	s9 =	sor.u32 $0x20, s0;
	[tilespmem:s8+$0x0] =	vst.add.f32.msk $0xffff, v5  }
0x35e: {  	s15 =	sor.u32 $0x30, s0;
	[tilespmem:s9+$0x0] =	vst.add.f32.msk $0xffff, v6  }
0x35f: {  	s17 =	sor.u32 $0x40, s0;
	[tilespmem:s15+$0x0] =	vst.add.f32.msk $0xffff, v7  }
0x360: {  	s18 =	sor.u32 $0x50, s0;
	[tilespmem:s17+$0x0] =	vst.add.f32.msk $0xffff, v8  }
0x361: {  	s7 =	sor.u32 $0x60, s0;
	[tilespmem:s18+$0x0] =	vst.add.f32.msk $0xffff, v9  }
0x362: {  	s8 =	sor.u32 $0x70, s0;
	[tilespmem:s7+$0x0] =	vst.add.f32.msk $0xffff, v10  }
0x363: {  	s9 =	sor.u32 $0x400, s0;
	[tilespmem:s8+$0x0] =	vst.add.f32.msk $0xffff, v11  }
0x364: {  	s15 =	sor.u32 $0x410, s0;
	[tilespmem:s9+$0x0] =	vst.add.f32.msk $0xffff, v12  }
0x365: {  	s17 =	sor.u32 $0x420, s0;
	[tilespmem:s15+$0x0] =	vst.add.f32.msk $0xffff, v13  }
0x366: {  	s18 =	sor.u32 $0x430, s0;
	[tilespmem:s17+$0x0] =	vst.add.f32.msk $0xffff, v14  }
0x367: {  	s7 =	sor.u32 $0x440, s0;
	[tilespmem:s18+$0x0] =	vst.add.f32.msk $0xffff, v15  }
0x368: {  	s8 =	sor.u32 $0x450, s0;
	[tilespmem:s7+$0x0] =	vst.add.f32.msk $0xffff, v16  }
0x369: {  	s9 =	sor.u32 $0x460, s0;
	[tilespmem:s8+$0x0] =	vst.add.f32.msk $0xffff, v17  }
0x36a: {  	s0 =	sor.u32 $0x470, s0;
	[tilespmem:s9+$0x0] =	vst.add.f32.msk $0xffff, v18  }
0x36b: {  	s3 =	sadd.s32 $0x13000, s2;
	[tilespmem:s0+$0x0] =	vst.add.f32.msk $0xffff, v19  }
0x36c: {  	s15 =	sor.u32 $0x10, s3;
	[tilespmem:s2+$0x13000] =	vst.add.f32.msk $0xffff, v20  }
0x36d: {  	s17 =	sor.u32 $0x20, s3;
	[tilespmem:s15+$0x0] =	vst.add.f32.msk $0xffff, v21  }
0x36e: {  	s18 =	sor.u32 $0x30, s3;
	[tilespmem:s17+$0x0] =	vst.add.f32.msk $0xffff, v22  }
0x36f: {  	s7 =	sor.u32 $0x40, s3;
	[tilespmem:s18+$0x0] =	vst.add.f32.msk $0xffff, v23  }
0x370: {  	s8 =	sor.u32 $0x50, s3;
	[tilespmem:s7+$0x0] =	vst.add.f32.msk $0xffff, v24  }
0x371: {  	s9 =	sor.u32 $0x60, s3;
	[tilespmem:s8+$0x0] =	vst.add.f32.msk $0xffff, v25  }
0x372: {  	s15 =	sor.u32 $0x70, s3;
	[tilespmem:s9+$0x0] =	vst.add.f32.msk $0xffff, v26  }
0x373: {  	s3 =	sadd.s32 $0x13400, s2;
	[tilespmem:s15+$0x0] =	vst.add.f32.msk $0xffff, v27  }
0x374: {  	s17 =	sor.u32 $0x10, s3;
	[tilespmem:s2+$0x13400] =	vst.add.f32.msk $0xffff, v28  }
0x375: {  	s18 =	sor.u32 $0x20, s3;
	[tilespmem:s17+$0x0] =	vst.add.f32.msk $0xffff, v29  }
0x376: {  	s7 =	sor.u32 $0x30, s3;
	[tilespmem:s18+$0x0] =	vst.add.f32.msk $0xffff, v30  }
0x377: {  	s8 =	sor.u32 $0x40, s3;
	[tilespmem:s7+$0x0] =	vst.add.f32.msk $0xffff, v31  }
0x378: {  	s9 =	sor.u32 $0x50, s3;
	[tilespmem:s8+$0x0] =	vst.add.f32.msk $0xffff, v32  }
0x379: {  	s15 =	sor.u32 $0x60, s3;
	[tilespmem:s9+$0x0] =	vst.add.f32.msk $0xffff, v33  }
0x37a: {  	s17 =	sor.u32 $0x70, s3;
	[tilespmem:s15+$0x0] =	vst.add.f32.msk $0xffff, v34  }
0x37b: {  	s3 =	sadd.s32 $0x13800, s2;
	[tilespmem:s17+$0x0] =	vst.add.f32.msk $0xffff, v35  }
0x37c: {  	s18 =	sor.u32 $0x10, s3;
	[tilespmem:s2+$0x13800] =	vst.add.f32.msk $0xffff, v36  }
0x37d: {  	s7 =	sor.u32 $0x20, s3;
	[tilespmem:s18+$0x0] =	vst.add.f32.msk $0xffff, v37  }
0x37e: {  	s8 =	sor.u32 $0x30, s3;
	[tilespmem:s7+$0x0] =	vst.add.f32.msk $0xffff, v38  }
0x37f: {  	s9 =	sor.u32 $0x40, s3;
	[tilespmem:s8+$0x0] =	vst.add.f32.msk $0xffff, v39  }
0x380: {  	s15 =	sor.u32 $0x50, s3;
	[tilespmem:s9+$0x0] =	vst.add.f32.msk $0xffff, v40  }
0x381: {  	s17 =	sor.u32 $0x60, s3;
	[tilespmem:s15+$0x0] =	vst.add.f32.msk $0xffff, v41  }
0x382: {  	s3 =	sor.u32 $0x70, s3;
	[tilespmem:s17+$0x0] =	vst.add.f32.msk $0xffff, v42  }
0x383: {  	s0 =	sadd.s32 $0x13C00, s2;
	[tilespmem:s3+$0x0] =	vst.add.f32.msk $0xffff, v43  }
0x384: {  	s18 =	sor.u32 $0x10, s0;
	[tilespmem:s2+$0x13C00] =	vst.add.f32.msk $0xffff, v44  }
0x385: {  	s7 =	simm.s32 $0x1;
	s15 =	sor.u32 $0x30, s0;
	s2 =	sor.u32 $0x20, s0;
	[tilespmem:s18+$0x0] =	vst.add.f32.msk $0xffff, v45  }
.LBB2_8:
0x386: {  	s3 =	sshrl.u32 s7, $0x3;
	p0 =	sne.s32 s7, $0x1F;
	s7 =	sadd.s32 $0x1, s7;
	[tilespmem:s2+$0x0] =	vst.add.f32.msk $0xffff, v46  }
0x387: {  	s2 =	smul.u32 $0x6000, s3;
	[tilespmem:s15+$0x0] =	vst.add.f32.msk $0xffff, v47;
	s3 =	sor.u32 $0x40, s0  }
0x388: {  	s6 =	sadd.s32 $0x80, s6;
	[tilespmem:s3+$0x0] =	vst.add.f32.msk $0xffff, v48;
	s3 =	sor.u32 $0x50, s0  }
0x389: {  	s8 =	sand.u32 $0x380, s6;
	s15 =	sor.u32 $0x60, s0;
	s2 =	sshra.s32 s2, $0x2;
	[tilespmem:s3+$0x0] =	vst.add.f32.msk $0xffff, v49  }
0x38a: {  	s0 =	sor.u32 $0x70, s0;
	s3 =	sor.u32 s8, s2;
	[tilespmem:s15+$0x0] =	vst.add.f32.msk $0xffff, v50  }
0x38b: {  	s9 =	sadd.s32 $0x12800, s3;
	s17 =	sadd.s32 $0x13000, s3;
	s2 =	sadd.s32 $0x13400, s3;
	[tilespmem:s0+$0x0] =	vst.add.f32.msk $0xffff, v51  }
0x38c: {  	s8 =	sadd.s32 $0x13800, s3;
	s0 =	sadd.s32 $0x13C00, s3;
	[tilespmem:s3+$0x12800] =	vst.add.f32.msk $0xffff, v4;
	s15 =	sor.u32 $0x10, s9  }
0x38d: {  	s18 =	sor.u32 $0x20, s9;
	[tilespmem:s15+$0x0] =	vst.add.f32.msk $0xffff, v5;
	s15 =	sor.u32 $0x30, s0  }
0x38e: {  	[tilespmem:s18+$0x0] =	vst.add.f32.msk $0xffff, v6;
	s18 =	sor.u32 $0x30, s9  }
0x38f: {  	[tilespmem:s18+$0x0] =	vst.add.f32.msk $0xffff, v7;
	s18 =	sor.u32 $0x40, s9  }
0x390: {  	[tilespmem:s18+$0x0] =	vst.add.f32.msk $0xffff, v8;
	s18 =	sor.u32 $0x50, s9  }
0x391: {  	[tilespmem:s18+$0x0] =	vst.add.f32.msk $0xffff, v9;
	s18 =	sor.u32 $0x60, s9  }
0x392: {  	[tilespmem:s18+$0x0] =	vst.add.f32.msk $0xffff, v10;
	s18 =	sor.u32 $0x70, s9  }
0x393: {  	[tilespmem:s18+$0x0] =	vst.add.f32.msk $0xffff, v11;
	s18 =	sor.u32 $0x400, s9  }
0x394: {  	[tilespmem:s18+$0x0] =	vst.add.f32.msk $0xffff, v12;
	s18 =	sor.u32 $0x410, s9  }
0x395: {  	[tilespmem:s18+$0x0] =	vst.add.f32.msk $0xffff, v13;
	s18 =	sor.u32 $0x420, s9  }
0x396: {  	[tilespmem:s18+$0x0] =	vst.add.f32.msk $0xffff, v14;
	s18 =	sor.u32 $0x430, s9  }
0x397: {  	[tilespmem:s18+$0x0] =	vst.add.f32.msk $0xffff, v15;
	s18 =	sor.u32 $0x440, s9  }
0x398: {  	[tilespmem:s18+$0x0] =	vst.add.f32.msk $0xffff, v16;
	s18 =	sor.u32 $0x450, s9  }
0x399: {  	[tilespmem:s18+$0x0] =	vst.add.f32.msk $0xffff, v17;
	s18 =	sor.u32 $0x460, s9  }
0x39a: {  	s9 =	sor.u32 $0x470, s9;
	[tilespmem:s18+$0x0] =	vst.add.f32.msk $0xffff, v18  }
0x39b: {  	[tilespmem:s9+$0x0] =	vst.add.f32.msk $0xffff, v19  }
0x39c: {  	s9 =	sor.u32 $0x10, s17;
	[tilespmem:s3+$0x13000] =	vst.add.f32.msk $0xffff, v20  }
0x39d: {  	[tilespmem:s9+$0x0] =	vst.add.f32.msk $0xffff, v21;
	s9 =	sor.u32 $0x20, s17  }
0x39e: {  	[tilespmem:s9+$0x0] =	vst.add.f32.msk $0xffff, v22;
	s9 =	sor.u32 $0x30, s17  }
0x39f: {  	[tilespmem:s9+$0x0] =	vst.add.f32.msk $0xffff, v23;
	s9 =	sor.u32 $0x40, s17  }
0x3a0: {  	[tilespmem:s9+$0x0] =	vst.add.f32.msk $0xffff, v24;
	s9 =	sor.u32 $0x50, s17  }
0x3a1: {  	[tilespmem:s9+$0x0] =	vst.add.f32.msk $0xffff, v25;
	s9 =	sor.u32 $0x60, s17  }
0x3a2: {  	[tilespmem:s9+$0x0] =	vst.add.f32.msk $0xffff, v26;
	s9 =	sor.u32 $0x70, s17  }
0x3a3: {  	[tilespmem:s9+$0x0] =	vst.add.f32.msk $0xffff, v27  }
0x3a4: {  	s9 =	sor.u32 $0x10, s2;
	[tilespmem:s3+$0x13400] =	vst.add.f32.msk $0xffff, v28  }
0x3a5: {  	[tilespmem:s9+$0x0] =	vst.add.f32.msk $0xffff, v29;
	s9 =	sor.u32 $0x20, s2  }
0x3a6: {  	[tilespmem:s9+$0x0] =	vst.add.f32.msk $0xffff, v30;
	s9 =	sor.u32 $0x30, s2  }
0x3a7: {  	[tilespmem:s9+$0x0] =	vst.add.f32.msk $0xffff, v31;
	s9 =	sor.u32 $0x40, s2  }
0x3a8: {  	[tilespmem:s9+$0x0] =	vst.add.f32.msk $0xffff, v32;
	s9 =	sor.u32 $0x50, s2  }
0x3a9: {  	[tilespmem:s9+$0x0] =	vst.add.f32.msk $0xffff, v33;
	s9 =	sor.u32 $0x60, s2  }
0x3aa: {  	s2 =	sor.u32 $0x70, s2;
	[tilespmem:s9+$0x0] =	vst.add.f32.msk $0xffff, v34  }
0x3ab: {  	[tilespmem:s2+$0x0] =	vst.add.f32.msk $0xffff, v35  }
0x3ac: {  	s2 =	sor.u32 $0x10, s8;
	[tilespmem:s3+$0x13800] =	vst.add.f32.msk $0xffff, v36  }
0x3ad: {  	[tilespmem:s2+$0x0] =	vst.add.f32.msk $0xffff, v37;
	s2 =	sor.u32 $0x20, s8  }
0x3ae: {  	[tilespmem:s2+$0x0] =	vst.add.f32.msk $0xffff, v38;
	s2 =	sor.u32 $0x30, s8  }
0x3af: {  	[tilespmem:s2+$0x0] =	vst.add.f32.msk $0xffff, v39;
	s2 =	sor.u32 $0x40, s8  }
0x3b0: {  	[tilespmem:s2+$0x0] =	vst.add.f32.msk $0xffff, v40;
	s2 =	sor.u32 $0x50, s8  }
.Ltmp3:
0x3b1: {  	[tilespmem:s2+$0x0] =	vst.add.f32.msk $0xffff, v41;
	s2 =	sor.u32 $0x60, s8;
	(pc) =	sbr.rel @p0 .LBB2_8-.Ltmp3, $4  }
0x3b2: {  	[tilespmem:s2+$0x0] =	vst.add.f32.msk $0xffff, v42;
	s2 =	sor.u32 $0x70, s8  }
0x3b3: {  	[tilespmem:s2+$0x0] =	vst.add.f32.msk $0xffff, v43  }
0x3b4: {  	s2 =	sor.u32 $0x10, s0;
	[tilespmem:s3+$0x13C00] =	vst.add.f32.msk $0xffff, v44  }
0x3b5: {  	[tilespmem:s2+$0x0] =	vst.add.f32.msk $0xffff, v45;
	s2 =	sor.u32 $0x20, s0  }
0x3b6: {  	[tilespmem:s2+$0x0] =	vst.add.f32.msk $0xffff, v46  }
0x3b7: {  	s6 =	sor.u32 $0x40, s0;
	[tilespmem:s15+$0x0] =	vst.add.f32.msk $0xffff, v47  }
0x3b8: {  	s7 =	sor.u32 $0x50, s0;
	[tilespmem:s6+$0x0] =	vst.add.f32.msk $0xffff, v48  }
0x3b9: {  	s8 =	sor.u32 $0x60, s0;
	[tilespmem:s7+$0x0] =	vst.add.f32.msk $0xffff, v49  }
0x3ba: {  	s9 =	sor.u32 $0x70, s0;
	[tilespmem:s8+$0x0] =	vst.add.f32.msk $0xffff, v50  }
0x3bb: {  	s17 =	simm.s32 $0x12800;
	s15 =	rddreg [dreg:$0x10];
	s6 =	simm.s32 $0x0;
	[tilespmem:s9+$0x0] =	vst.add.f32.msk $0xffff, v51  }
0x3bc: {  	[hbm4b:s15+s6] =	stream.linear.scatter [tilespmem:s17], [sflag:$0x9], $0x6000, $0x38;
	[tilespmem:$0x1E800] =	vst v63  }
0x3bd: {  	_ =	swait.ge [sflag:s22], $0x6000  }
0x3be: {  	[sflag:s22] =	ssyncset.done $0x0  }
0x3bf: {  	[sflag:s22] =	ssyncadd.s32 $0xFFFFA000  }
0x3c0: {  	v52 =	vld [tilespmem:$0x380];
	_ =	sdelay $0x4  }
0x3c1: {  	v53 =	vshrl.u32 v52, $0x3  }
0x3c2: {  	v53 =	vmul.u32 $0x30, v53  }
0x3c3: {  	v52 =	vand.u32 $0x7, v52  }
0x3c4: {  	v52 =	vor.u32 v52, v53  }
0x3c5: {  	v53 =	vperm.xlane v52, v0;
	_ =	sdelay $0x1  }
0x3c6: {  	v53 =	vadd.s32 v1, v53;
	_ =	sdelay $0x3  }
0x3c7: {  	v52 =	vperm.xlane v52, v2  }
0x3c8: {  	[tilespmem:s11], [sflag:$0x3] =	stream.indirect_vreg.gather [hbm4b:s1+s6], $0x80, v53, vm0, $0xb8;
	[tilespmem:$0x1E800] =	vst v63  }
0x3c9: {  	s18 =	simm.s32 $0xD000;
	v52 =	vadd.s32 v1, v52  }
0x3ca: {  	[tilespmem:s18], [sflag:$0x3] =	stream.indirect_vreg.gather [hbm4b:s13+s6], $0x80, v53, vm0, $0xb8;
	[tilespmem:$0x1E800] =	vst v63  }
0x3cb: {  	s2 =	simm.s32 $0xD800  }
0x3cc: {  	[tilespmem:s2], [sflag:$0x3] =	stream.indirect_vreg.gather [hbm4b:s14+s6], $0x80, v53, vm0, $0xb8;
	[tilespmem:$0x1E800] =	vst v63  }
0x3cd: {  	s3 =	simm.s32 $0xE000  }
0x3ce: {  	[tilespmem:s3], [sflag:$0x3] =	stream.indirect_vreg.gather [hbm4b:s1+s6], $0x80, v52, vm0, $0xb8;
	[tilespmem:$0x1E800] =	vst v63  }
0x3cf: {  	s7 =	simm.s32 $0xE800  }
0x3d0: {  	[tilespmem:s7], [sflag:$0x3] =	stream.indirect_vreg.gather [hbm4b:s13+s6], $0x80, v52, vm0, $0xb8;
	[tilespmem:$0x1E800] =	vst v63  }
0x3d1: {  	s8 =	simm.s32 $0xF000  }
0x3d2: {  	[tilespmem:s8], [sflag:$0x3] =	stream.indirect_vreg.gather [hbm4b:s14+s6], $0x80, v52, vm0, $0xb8;
	[tilespmem:$0x1E800] =	vst v63  }
0x3d3: {  	v52 =	vld [tilespmem:$0x390];
	_ =	sdelay $0x4  }
0x3d4: {  	v63 =	vshrl.u32 v52, $0x3  }
0x3d5: {  	v53 =	vmul.u32 $0x30, v63  }
0x3d6: {  	v52 =	vand.u32 $0x7, v52  }
0x3d7: {  	v52 =	vor.u32 v52, v53  }
0x3d8: {  	v53 =	vperm.xlane v52, v0;
	_ =	sdelay $0x1  }
0x3d9: {  	v53 =	vadd.s32 v1, v53;
	_ =	sdelay $0x3  }
0x3da: {  	s9 =	simm.s32 $0xF800;
	v52 =	vperm.xlane v52, v2  }
0x3db: {  	[tilespmem:s9], [sflag:$0x3] =	stream.indirect_vreg.gather [hbm4b:s1+s6], $0x80, v53, vm0, $0xb8;
	[tilespmem:$0x1E800] =	vst v63  }
0x3dc: {  	s15 =	simm.s32 $0x10000;
	v52 =	vadd.s32 v1, v52  }
0x3dd: {  	[tilespmem:s15], [sflag:$0x3] =	stream.indirect_vreg.gather [hbm4b:s13+s6], $0x80, v53, vm0, $0xb8;
	[tilespmem:$0x1E800] =	vst v63  }
0x3de: {  	s17 =	simm.s32 $0x10800  }
0x3df: {  	[tilespmem:s17], [sflag:$0x3] =	stream.indirect_vreg.gather [hbm4b:s14+s6], $0x80, v53, vm0, $0xb8;
	[tilespmem:$0x1E800] =	vst v63  }
0x3e0: {  	s18 =	simm.s32 $0x11000  }
0x3e1: {  	[tilespmem:s18], [sflag:$0x3] =	stream.indirect_vreg.gather [hbm4b:s1+s6], $0x80, v52, vm0, $0xb8;
	[tilespmem:$0x1E800] =	vst v63  }
0x3e2: {  	s2 =	simm.s32 $0x11800;
	s3 =	simm.s32 $0x0  }
0x3e3: {  	[tilespmem:s2], [sflag:$0x3] =	stream.indirect_vreg.gather [hbm4b:s13+s6], $0x80, v52, vm0, $0xb8;
	[tilespmem:$0x1E800] =	vst v63  }
0x3e4: {  	s0 =	smul.u32 $0x6000, s3;
	s7 =	simm.s32 $0x12000  }
0x3e5: {  	[tilespmem:s7], [sflag:$0x3] =	stream.indirect_vreg.gather [hbm4b:s14+s6], $0x80, v52, vm0, $0xb8;
	[tilespmem:$0x1E800] =	vst v63  }
0x3e6: {  	s0 =	sshra.s32 s0, $0x2;
	s8 =	sand.u32 $0x380, s6;
	_ =	swait.ge [sflag:s5], $0x6000  }
0x3e7: {  	s2 =	sor.u32 s8, s0;
	[sflag:s5] =	ssyncset.done $0x0  }
0x3e8: {  	s0 =	sadd.s32 $0x18800, s2;
	[sflag:s5] =	ssyncadd.s32 $0xFFFFA000  }
0x3e9: {  	s3 =	sor.u32 $0x10, s0;
	[tilespmem:s2+$0x18800] =	vst.add.f32.msk $0xffff, v4  }
0x3ea: {  	s9 =	sor.u32 $0x20, s0;
	[tilespmem:s3+$0x0] =	vst.add.f32.msk $0xffff, v5  }
0x3eb: {  	s15 =	sor.u32 $0x30, s0;
	[tilespmem:s9+$0x0] =	vst.add.f32.msk $0xffff, v6  }
0x3ec: {  	s17 =	sor.u32 $0x40, s0;
	[tilespmem:s15+$0x0] =	vst.add.f32.msk $0xffff, v7  }
0x3ed: {  	s18 =	sor.u32 $0x50, s0;
	[tilespmem:s17+$0x0] =	vst.add.f32.msk $0xffff, v8  }
0x3ee: {  	s7 =	sor.u32 $0x60, s0;
	[tilespmem:s18+$0x0] =	vst.add.f32.msk $0xffff, v9  }
0x3ef: {  	s8 =	sor.u32 $0x70, s0;
	[tilespmem:s7+$0x0] =	vst.add.f32.msk $0xffff, v10  }
0x3f0: {  	s9 =	sor.u32 $0x400, s0;
	[tilespmem:s8+$0x0] =	vst.add.f32.msk $0xffff, v11  }
0x3f1: {  	s15 =	sor.u32 $0x410, s0;
	[tilespmem:s9+$0x0] =	vst.add.f32.msk $0xffff, v12  }
0x3f2: {  	s17 =	sor.u32 $0x420, s0;
	[tilespmem:s15+$0x0] =	vst.add.f32.msk $0xffff, v13  }
0x3f3: {  	s18 =	sor.u32 $0x430, s0;
	[tilespmem:s17+$0x0] =	vst.add.f32.msk $0xffff, v14  }
0x3f4: {  	s7 =	sor.u32 $0x440, s0;
	[tilespmem:s18+$0x0] =	vst.add.f32.msk $0xffff, v15  }
0x3f5: {  	s8 =	sor.u32 $0x450, s0;
	[tilespmem:s7+$0x0] =	vst.add.f32.msk $0xffff, v16  }
0x3f6: {  	s9 =	sor.u32 $0x460, s0;
	[tilespmem:s8+$0x0] =	vst.add.f32.msk $0xffff, v17  }
0x3f7: {  	s0 =	sor.u32 $0x470, s0;
	[tilespmem:s9+$0x0] =	vst.add.f32.msk $0xffff, v18  }
0x3f8: {  	s3 =	sadd.s32 $0x19000, s2;
	[tilespmem:s0+$0x0] =	vst.add.f32.msk $0xffff, v19  }
0x3f9: {  	s15 =	sor.u32 $0x10, s3;
	[tilespmem:s2+$0x19000] =	vst.add.f32.msk $0xffff, v20  }
0x3fa: {  	s17 =	sor.u32 $0x20, s3;
	[tilespmem:s15+$0x0] =	vst.add.f32.msk $0xffff, v21  }
0x3fb: {  	s18 =	sor.u32 $0x30, s3;
	[tilespmem:s17+$0x0] =	vst.add.f32.msk $0xffff, v22  }
0x3fc: {  	s7 =	sor.u32 $0x40, s3;
	[tilespmem:s18+$0x0] =	vst.add.f32.msk $0xffff, v23  }
0x3fd: {  	s8 =	sor.u32 $0x50, s3;
	[tilespmem:s7+$0x0] =	vst.add.f32.msk $0xffff, v24  }
0x3fe: {  	s9 =	sor.u32 $0x60, s3;
	[tilespmem:s8+$0x0] =	vst.add.f32.msk $0xffff, v25  }
0x3ff: {  	s15 =	sor.u32 $0x70, s3;
	[tilespmem:s9+$0x0] =	vst.add.f32.msk $0xffff, v26  }
0x400: {  	s3 =	sadd.s32 $0x19400, s2;
	[tilespmem:s15+$0x0] =	vst.add.f32.msk $0xffff, v27  }
0x401: {  	s17 =	sor.u32 $0x10, s3;
	[tilespmem:s2+$0x19400] =	vst.add.f32.msk $0xffff, v28  }
0x402: {  	s18 =	sor.u32 $0x20, s3;
	[tilespmem:s17+$0x0] =	vst.add.f32.msk $0xffff, v29  }
0x403: {  	s7 =	sor.u32 $0x30, s3;
	[tilespmem:s18+$0x0] =	vst.add.f32.msk $0xffff, v30  }
0x404: {  	s8 =	sor.u32 $0x40, s3;
	[tilespmem:s7+$0x0] =	vst.add.f32.msk $0xffff, v31  }
0x405: {  	s9 =	sor.u32 $0x50, s3;
	[tilespmem:s8+$0x0] =	vst.add.f32.msk $0xffff, v32  }
0x406: {  	s15 =	sor.u32 $0x60, s3;
	[tilespmem:s9+$0x0] =	vst.add.f32.msk $0xffff, v33  }
0x407: {  	s17 =	sor.u32 $0x70, s3;
	[tilespmem:s15+$0x0] =	vst.add.f32.msk $0xffff, v34  }
0x408: {  	s3 =	sadd.s32 $0x19800, s2;
	[tilespmem:s17+$0x0] =	vst.add.f32.msk $0xffff, v35  }
0x409: {  	s18 =	sor.u32 $0x10, s3;
	[tilespmem:s2+$0x19800] =	vst.add.f32.msk $0xffff, v36  }
0x40a: {  	s7 =	sor.u32 $0x20, s3;
	[tilespmem:s18+$0x0] =	vst.add.f32.msk $0xffff, v37  }
0x40b: {  	s8 =	sor.u32 $0x30, s3;
	[tilespmem:s7+$0x0] =	vst.add.f32.msk $0xffff, v38  }
0x40c: {  	s9 =	sor.u32 $0x40, s3;
	[tilespmem:s8+$0x0] =	vst.add.f32.msk $0xffff, v39  }
0x40d: {  	s15 =	sor.u32 $0x50, s3;
	[tilespmem:s9+$0x0] =	vst.add.f32.msk $0xffff, v40  }
0x40e: {  	s17 =	sor.u32 $0x60, s3;
	[tilespmem:s15+$0x0] =	vst.add.f32.msk $0xffff, v41  }
0x40f: {  	s3 =	sor.u32 $0x70, s3;
	[tilespmem:s17+$0x0] =	vst.add.f32.msk $0xffff, v42  }
0x410: {  	s0 =	sadd.s32 $0x19C00, s2;
	[tilespmem:s3+$0x0] =	vst.add.f32.msk $0xffff, v43  }
0x411: {  	s18 =	sor.u32 $0x10, s0;
	[tilespmem:s2+$0x19C00] =	vst.add.f32.msk $0xffff, v44  }
0x412: {  	s7 =	simm.s32 $0x1;
	s15 =	sor.u32 $0x30, s0;
	s2 =	sor.u32 $0x20, s0;
	[tilespmem:s18+$0x0] =	vst.add.f32.msk $0xffff, v45  }
.LBB2_10:
0x413: {  	s3 =	sshrl.u32 s7, $0x3;
	p0 =	sne.s32 s7, $0x1F;
	s7 =	sadd.s32 $0x1, s7;
	[tilespmem:s2+$0x0] =	vst.add.f32.msk $0xffff, v46  }
0x414: {  	s2 =	smul.u32 $0x6000, s3;
	[tilespmem:s15+$0x0] =	vst.add.f32.msk $0xffff, v47;
	s3 =	sor.u32 $0x40, s0  }
0x415: {  	s6 =	sadd.s32 $0x80, s6;
	[tilespmem:s3+$0x0] =	vst.add.f32.msk $0xffff, v48;
	s3 =	sor.u32 $0x50, s0  }
0x416: {  	s9 =	sor.u32 $0x60, s0;
	s8 =	sand.u32 $0x380, s6;
	s2 =	sshra.s32 s2, $0x2;
	[tilespmem:s3+$0x0] =	vst.add.f32.msk $0xffff, v49  }
0x417: {  	s0 =	sor.u32 $0x70, s0;
	s3 =	sor.u32 s8, s2;
	[tilespmem:s9+$0x0] =	vst.add.f32.msk $0xffff, v50  }
0x418: {  	s9 =	sadd.s32 $0x18800, s3;
	s17 =	sadd.s32 $0x19000, s3;
	s2 =	sadd.s32 $0x19400, s3;
	[tilespmem:s0+$0x0] =	vst.add.f32.msk $0xffff, v51  }
0x419: {  	s8 =	sadd.s32 $0x19800, s3;
	s0 =	sadd.s32 $0x19C00, s3;
	[tilespmem:s3+$0x18800] =	vst.add.f32.msk $0xffff, v4;
	s15 =	sor.u32 $0x10, s9  }
0x41a: {  	s18 =	sor.u32 $0x20, s9;
	[tilespmem:s15+$0x0] =	vst.add.f32.msk $0xffff, v5;
	s15 =	sor.u32 $0x30, s0  }
0x41b: {  	[tilespmem:s18+$0x0] =	vst.add.f32.msk $0xffff, v6;
	s18 =	sor.u32 $0x30, s9  }
0x41c: {  	[tilespmem:s18+$0x0] =	vst.add.f32.msk $0xffff, v7;
	s18 =	sor.u32 $0x40, s9  }
0x41d: {  	[tilespmem:s18+$0x0] =	vst.add.f32.msk $0xffff, v8;
	s18 =	sor.u32 $0x50, s9  }
0x41e: {  	[tilespmem:s18+$0x0] =	vst.add.f32.msk $0xffff, v9;
	s18 =	sor.u32 $0x60, s9  }
0x41f: {  	[tilespmem:s18+$0x0] =	vst.add.f32.msk $0xffff, v10;
	s18 =	sor.u32 $0x70, s9  }
0x420: {  	[tilespmem:s18+$0x0] =	vst.add.f32.msk $0xffff, v11;
	s18 =	sor.u32 $0x400, s9  }
0x421: {  	[tilespmem:s18+$0x0] =	vst.add.f32.msk $0xffff, v12;
	s18 =	sor.u32 $0x410, s9  }
0x422: {  	[tilespmem:s18+$0x0] =	vst.add.f32.msk $0xffff, v13;
	s18 =	sor.u32 $0x420, s9  }
0x423: {  	[tilespmem:s18+$0x0] =	vst.add.f32.msk $0xffff, v14;
	s18 =	sor.u32 $0x430, s9  }
0x424: {  	[tilespmem:s18+$0x0] =	vst.add.f32.msk $0xffff, v15;
	s18 =	sor.u32 $0x440, s9  }
0x425: {  	[tilespmem:s18+$0x0] =	vst.add.f32.msk $0xffff, v16;
	s18 =	sor.u32 $0x450, s9  }
0x426: {  	[tilespmem:s18+$0x0] =	vst.add.f32.msk $0xffff, v17;
	s18 =	sor.u32 $0x460, s9  }
0x427: {  	s9 =	sor.u32 $0x470, s9;
	[tilespmem:s18+$0x0] =	vst.add.f32.msk $0xffff, v18  }
0x428: {  	[tilespmem:s9+$0x0] =	vst.add.f32.msk $0xffff, v19  }
0x429: {  	s9 =	sor.u32 $0x10, s17;
	[tilespmem:s3+$0x19000] =	vst.add.f32.msk $0xffff, v20  }
0x42a: {  	[tilespmem:s9+$0x0] =	vst.add.f32.msk $0xffff, v21;
	s9 =	sor.u32 $0x20, s17  }
0x42b: {  	[tilespmem:s9+$0x0] =	vst.add.f32.msk $0xffff, v22;
	s9 =	sor.u32 $0x30, s17  }
0x42c: {  	[tilespmem:s9+$0x0] =	vst.add.f32.msk $0xffff, v23;
	s9 =	sor.u32 $0x40, s17  }
0x42d: {  	[tilespmem:s9+$0x0] =	vst.add.f32.msk $0xffff, v24;
	s9 =	sor.u32 $0x50, s17  }
0x42e: {  	[tilespmem:s9+$0x0] =	vst.add.f32.msk $0xffff, v25;
	s9 =	sor.u32 $0x60, s17  }
0x42f: {  	[tilespmem:s9+$0x0] =	vst.add.f32.msk $0xffff, v26;
	s9 =	sor.u32 $0x70, s17  }
0x430: {  	[tilespmem:s9+$0x0] =	vst.add.f32.msk $0xffff, v27  }
0x431: {  	s9 =	sor.u32 $0x10, s2;
	[tilespmem:s3+$0x19400] =	vst.add.f32.msk $0xffff, v28  }
0x432: {  	[tilespmem:s9+$0x0] =	vst.add.f32.msk $0xffff, v29;
	s9 =	sor.u32 $0x20, s2  }
0x433: {  	[tilespmem:s9+$0x0] =	vst.add.f32.msk $0xffff, v30;
	s9 =	sor.u32 $0x30, s2  }
0x434: {  	[tilespmem:s9+$0x0] =	vst.add.f32.msk $0xffff, v31;
	s9 =	sor.u32 $0x40, s2  }
0x435: {  	[tilespmem:s9+$0x0] =	vst.add.f32.msk $0xffff, v32;
	s9 =	sor.u32 $0x50, s2  }
0x436: {  	[tilespmem:s9+$0x0] =	vst.add.f32.msk $0xffff, v33;
	s9 =	sor.u32 $0x60, s2  }
0x437: {  	s2 =	sor.u32 $0x70, s2;
	[tilespmem:s9+$0x0] =	vst.add.f32.msk $0xffff, v34  }
0x438: {  	[tilespmem:s2+$0x0] =	vst.add.f32.msk $0xffff, v35  }
0x439: {  	s2 =	sor.u32 $0x10, s8;
	[tilespmem:s3+$0x19800] =	vst.add.f32.msk $0xffff, v36  }
0x43a: {  	[tilespmem:s2+$0x0] =	vst.add.f32.msk $0xffff, v37;
	s2 =	sor.u32 $0x20, s8  }
0x43b: {  	[tilespmem:s2+$0x0] =	vst.add.f32.msk $0xffff, v38;
	s2 =	sor.u32 $0x30, s8  }
0x43c: {  	[tilespmem:s2+$0x0] =	vst.add.f32.msk $0xffff, v39;
	s2 =	sor.u32 $0x40, s8  }
0x43d: {  	[tilespmem:s2+$0x0] =	vst.add.f32.msk $0xffff, v40;
	s2 =	sor.u32 $0x50, s8  }
.Ltmp4:
0x43e: {  	[tilespmem:s2+$0x0] =	vst.add.f32.msk $0xffff, v41;
	s2 =	sor.u32 $0x60, s8;
	(pc) =	sbr.rel @p0 .LBB2_10-.Ltmp4, $4  }
0x43f: {  	[tilespmem:s2+$0x0] =	vst.add.f32.msk $0xffff, v42;
	s2 =	sor.u32 $0x70, s8  }
0x440: {  	[tilespmem:s2+$0x0] =	vst.add.f32.msk $0xffff, v43  }
0x441: {  	s2 =	sor.u32 $0x10, s0;
	[tilespmem:s3+$0x19C00] =	vst.add.f32.msk $0xffff, v44  }
0x442: {  	[tilespmem:s2+$0x0] =	vst.add.f32.msk $0xffff, v45;
	s2 =	sor.u32 $0x20, s0  }
0x443: {  	[tilespmem:s2+$0x0] =	vst.add.f32.msk $0xffff, v46  }
0x444: {  	s6 =	sor.u32 $0x40, s0;
	[tilespmem:s15+$0x0] =	vst.add.f32.msk $0xffff, v47  }
0x445: {  	s7 =	sor.u32 $0x50, s0;
	[tilespmem:s6+$0x0] =	vst.add.f32.msk $0xffff, v48  }
0x446: {  	s8 =	sor.u32 $0x60, s0;
	[tilespmem:s7+$0x0] =	vst.add.f32.msk $0xffff, v49  }
0x447: {  	s9 =	sor.u32 $0x70, s0;
	s17 =	simm.s32 $0x0;
	[tilespmem:s8+$0x0] =	vst.add.f32.msk $0xffff, v50  }
0x448: {  	s15 =	rddreg [dreg:$0x11];
	s0 =	smul.u32 $0x6000, s17;
	s6 =	simm.s32 $0x0;
	[tilespmem:s9+$0x0] =	vst.add.f32.msk $0xffff, v51  }
0x449: {  	[hbm4b:s15+s6] =	stream.linear.scatter [tilespmem:s29], [sflag:$0xA], $0x6000, $0x38;
	[tilespmem:$0x1E800] =	vst v63  }
0x44a: {  	_ =	swait.ge [sflag:s28], $0x6000  }
0x44b: {  	s18 =	sand.u32 $0x380, s6;
	s0 =	sshra.s32 s0, $0x2;
	[sflag:s28] =	ssyncset.done $0x0  }
0x44c: {  	s0 =	sor.u32 s18, s0;
	[sflag:s28] =	ssyncadd.s32 $0xFFFFA000  }
0x44d: {  	[tilespmem:s0+$0x1C70] =	vst.add.f32.msk $0xffff, v51  }
0x44e: {  	[tilespmem:s0+$0x800] =	vst.add.f32.msk $0xffff, v4  }
0x44f: {  	[tilespmem:s0+$0x810] =	vst.add.f32.msk $0xffff, v5  }
0x450: {  	[tilespmem:s0+$0x820] =	vst.add.f32.msk $0xffff, v6  }
0x451: {  	[tilespmem:s0+$0x830] =	vst.add.f32.msk $0xffff, v7  }
0x452: {  	[tilespmem:s0+$0x840] =	vst.add.f32.msk $0xffff, v8  }
0x453: {  	[tilespmem:s0+$0x850] =	vst.add.f32.msk $0xffff, v9  }
0x454: {  	[tilespmem:s0+$0x860] =	vst.add.f32.msk $0xffff, v10  }
0x455: {  	[tilespmem:s0+$0x870] =	vst.add.f32.msk $0xffff, v11  }
0x456: {  	[tilespmem:s0+$0xC00] =	vst.add.f32.msk $0xffff, v12  }
0x457: {  	[tilespmem:s0+$0xC10] =	vst.add.f32.msk $0xffff, v13  }
0x458: {  	[tilespmem:s0+$0xC20] =	vst.add.f32.msk $0xffff, v14  }
0x459: {  	[tilespmem:s0+$0xC30] =	vst.add.f32.msk $0xffff, v15  }
0x45a: {  	[tilespmem:s0+$0xC40] =	vst.add.f32.msk $0xffff, v16  }
0x45b: {  	[tilespmem:s0+$0xC50] =	vst.add.f32.msk $0xffff, v17  }
0x45c: {  	[tilespmem:s0+$0xC60] =	vst.add.f32.msk $0xffff, v18  }
0x45d: {  	[tilespmem:s0+$0xC70] =	vst.add.f32.msk $0xffff, v19  }
0x45e: {  	[tilespmem:s0+$0x1000] =	vst.add.f32.msk $0xffff, v20  }
0x45f: {  	[tilespmem:s0+$0x1010] =	vst.add.f32.msk $0xffff, v21  }
0x460: {  	[tilespmem:s0+$0x1020] =	vst.add.f32.msk $0xffff, v22  }
0x461: {  	[tilespmem:s0+$0x1030] =	vst.add.f32.msk $0xffff, v23  }
0x462: {  	[tilespmem:s0+$0x1040] =	vst.add.f32.msk $0xffff, v24  }
0x463: {  	[tilespmem:s0+$0x1050] =	vst.add.f32.msk $0xffff, v25  }
0x464: {  	[tilespmem:s0+$0x1060] =	vst.add.f32.msk $0xffff, v26  }
0x465: {  	[tilespmem:s0+$0x1070] =	vst.add.f32.msk $0xffff, v27  }
0x466: {  	[tilespmem:s0+$0x1400] =	vst.add.f32.msk $0xffff, v28  }
0x467: {  	[tilespmem:s0+$0x1410] =	vst.add.f32.msk $0xffff, v29  }
0x468: {  	[tilespmem:s0+$0x1420] =	vst.add.f32.msk $0xffff, v30  }
0x469: {  	[tilespmem:s0+$0x1430] =	vst.add.f32.msk $0xffff, v31  }
0x46a: {  	[tilespmem:s0+$0x1440] =	vst.add.f32.msk $0xffff, v32  }
0x46b: {  	[tilespmem:s0+$0x1450] =	vst.add.f32.msk $0xffff, v33  }
0x46c: {  	[tilespmem:s0+$0x1460] =	vst.add.f32.msk $0xffff, v34  }
0x46d: {  	[tilespmem:s0+$0x1470] =	vst.add.f32.msk $0xffff, v35  }
0x46e: {  	[tilespmem:s0+$0x1800] =	vst.add.f32.msk $0xffff, v36  }
0x46f: {  	[tilespmem:s0+$0x1810] =	vst.add.f32.msk $0xffff, v37  }
0x470: {  	[tilespmem:s0+$0x1820] =	vst.add.f32.msk $0xffff, v38  }
0x471: {  	[tilespmem:s0+$0x1830] =	vst.add.f32.msk $0xffff, v39  }
0x472: {  	[tilespmem:s0+$0x1840] =	vst.add.f32.msk $0xffff, v40  }
0x473: {  	[tilespmem:s0+$0x1850] =	vst.add.f32.msk $0xffff, v41  }
0x474: {  	[tilespmem:s0+$0x1860] =	vst.add.f32.msk $0xffff, v42  }
0x475: {  	[tilespmem:s0+$0x1870] =	vst.add.f32.msk $0xffff, v43  }
0x476: {  	[tilespmem:s0+$0x1C00] =	vst.add.f32.msk $0xffff, v44  }
0x477: {  	[tilespmem:s0+$0x1C10] =	vst.add.f32.msk $0xffff, v45  }
0x478: {  	s2 =	simm.s32 $0x0;
	s3 =	simm.s32 $0x2;
	[tilespmem:s0+$0x1C20] =	vst.add.f32.msk $0xffff, v46  }
.LBB2_12:
0x479: {  	p0 =	sne.s32 s3, $0x1F;
	s2 =	smul.u32 $0x6000, s2;
	[tilespmem:s0+$0x1C30] =	vst.add.f32.msk $0xffff, v47  }
0x47a: {  	s6 =	sadd.s32 $0x80, s6;
	[tilespmem:s0+$0x1C40] =	vst.add.f32.msk $0xffff, v48  }
0x47b: {  	s7 =	sand.u32 $0x380, s6;
	s2 =	sshra.s32 s2, $0x2;
	[tilespmem:s0+$0x1C50] =	vst.add.f32.msk $0xffff, v49  }
0x47c: {  	[tilespmem:s0+$0x1C60] =	vst.add.f32.msk $0xffff, v50;
	s0 =	sor.u32 s7, s2  }
0x47d: {  	[tilespmem:s0+$0x1C70] =	vst.add.f32.msk $0xffff, v51  }
0x47e: {  	[tilespmem:s0+$0x800] =	vst.add.f32.msk $0xffff, v4  }
0x47f: {  	[tilespmem:s0+$0x810] =	vst.add.f32.msk $0xffff, v5  }
0x480: {  	[tilespmem:s0+$0x820] =	vst.add.f32.msk $0xffff, v6  }
0x481: {  	[tilespmem:s0+$0x830] =	vst.add.f32.msk $0xffff, v7  }
0x482: {  	[tilespmem:s0+$0x840] =	vst.add.f32.msk $0xffff, v8  }
0x483: {  	[tilespmem:s0+$0x850] =	vst.add.f32.msk $0xffff, v9  }
0x484: {  	[tilespmem:s0+$0x860] =	vst.add.f32.msk $0xffff, v10  }
0x485: {  	[tilespmem:s0+$0x870] =	vst.add.f32.msk $0xffff, v11  }
0x486: {  	[tilespmem:s0+$0xC00] =	vst.add.f32.msk $0xffff, v12  }
0x487: {  	[tilespmem:s0+$0xC10] =	vst.add.f32.msk $0xffff, v13  }
0x488: {  	[tilespmem:s0+$0xC20] =	vst.add.f32.msk $0xffff, v14  }
0x489: {  	[tilespmem:s0+$0xC30] =	vst.add.f32.msk $0xffff, v15  }
0x48a: {  	[tilespmem:s0+$0xC40] =	vst.add.f32.msk $0xffff, v16  }
0x48b: {  	[tilespmem:s0+$0xC50] =	vst.add.f32.msk $0xffff, v17  }
0x48c: {  	[tilespmem:s0+$0xC60] =	vst.add.f32.msk $0xffff, v18  }
0x48d: {  	[tilespmem:s0+$0xC70] =	vst.add.f32.msk $0xffff, v19  }
0x48e: {  	[tilespmem:s0+$0x1000] =	vst.add.f32.msk $0xffff, v20  }
0x48f: {  	[tilespmem:s0+$0x1010] =	vst.add.f32.msk $0xffff, v21  }
0x490: {  	[tilespmem:s0+$0x1020] =	vst.add.f32.msk $0xffff, v22  }
0x491: {  	[tilespmem:s0+$0x1030] =	vst.add.f32.msk $0xffff, v23  }
0x492: {  	[tilespmem:s0+$0x1040] =	vst.add.f32.msk $0xffff, v24  }
0x493: {  	[tilespmem:s0+$0x1050] =	vst.add.f32.msk $0xffff, v25  }
0x494: {  	[tilespmem:s0+$0x1060] =	vst.add.f32.msk $0xffff, v26  }
0x495: {  	[tilespmem:s0+$0x1070] =	vst.add.f32.msk $0xffff, v27  }
0x496: {  	[tilespmem:s0+$0x1400] =	vst.add.f32.msk $0xffff, v28  }
0x497: {  	[tilespmem:s0+$0x1410] =	vst.add.f32.msk $0xffff, v29  }
0x498: {  	[tilespmem:s0+$0x1420] =	vst.add.f32.msk $0xffff, v30  }
0x499: {  	[tilespmem:s0+$0x1430] =	vst.add.f32.msk $0xffff, v31  }
0x49a: {  	[tilespmem:s0+$0x1440] =	vst.add.f32.msk $0xffff, v32  }
0x49b: {  	[tilespmem:s0+$0x1450] =	vst.add.f32.msk $0xffff, v33  }
0x49c: {  	[tilespmem:s0+$0x1460] =	vst.add.f32.msk $0xffff, v34  }
0x49d: {  	[tilespmem:s0+$0x1470] =	vst.add.f32.msk $0xffff, v35  }
0x49e: {  	[tilespmem:s0+$0x1800] =	vst.add.f32.msk $0xffff, v36  }
0x49f: {  	[tilespmem:s0+$0x1810] =	vst.add.f32.msk $0xffff, v37  }
0x4a0: {  	[tilespmem:s0+$0x1820] =	vst.add.f32.msk $0xffff, v38  }
0x4a1: {  	[tilespmem:s0+$0x1830] =	vst.add.f32.msk $0xffff, v39  }
0x4a2: {  	[tilespmem:s0+$0x1840] =	vst.add.f32.msk $0xffff, v40  }
0x4a3: {  	[tilespmem:s0+$0x1850] =	vst.add.f32.msk $0xffff, v41  }
.Ltmp5:
0x4a4: {  	[tilespmem:s0+$0x1860] =	vst.add.f32.msk $0xffff, v42;
	(pc) =	sbr.rel @p0 .LBB2_12-.Ltmp5, $4  }
0x4a5: {  	[tilespmem:s0+$0x1870] =	vst.add.f32.msk $0xffff, v43  }
0x4a6: {  	[tilespmem:s0+$0x1C00] =	vst.add.f32.msk $0xffff, v44  }
0x4a7: {  	[tilespmem:s0+$0x1C10] =	vst.add.f32.msk $0xffff, v45  }
0x4a8: {  	s2 =	sshrl.u32 s3, $0x3;
	s3 =	sadd.s32 $0x1, s3;
	[tilespmem:s0+$0x1C20] =	vst.add.f32.msk $0xffff, v46  }
0x4a9: {  	s2 =	smul.u32 $0x6000, s2;
	[tilespmem:s0+$0x1C30] =	vst.add.f32.msk $0xffff, v47  }
0x4aa: {  	[tilespmem:s0+$0x1C40] =	vst.add.f32.msk $0xffff, v48;
	s3 =	sadd.s32 $0x80, s6  }
0x4ab: {  	[tilespmem:s0+$0x1C50] =	vst.add.f32.msk $0xffff, v49;
	s3 =	sand.u32 $0x380, s3;
	s2 =	sshra.s32 s2, $0x2  }
0x4ac: {  	[tilespmem:s0+$0x1C60] =	vst.add.f32.msk $0xffff, v50;
	s2 =	sor.u32 s3, s2  }
0x4ad: {  	[tilespmem:s2+$0x1C70] =	vst.add.f32.msk $0xffff, v51  }
0x4ae: {  	[tilespmem:s2+$0x800] =	vst.add.f32.msk $0xffff, v4  }
0x4af: {  	[tilespmem:s2+$0x810] =	vst.add.f32.msk $0xffff, v5  }
0x4b0: {  	[tilespmem:s2+$0x820] =	vst.add.f32.msk $0xffff, v6  }
0x4b1: {  	[tilespmem:s2+$0x830] =	vst.add.f32.msk $0xffff, v7  }
0x4b2: {  	[tilespmem:s2+$0x840] =	vst.add.f32.msk $0xffff, v8  }
0x4b3: {  	[tilespmem:s2+$0x850] =	vst.add.f32.msk $0xffff, v9  }
0x4b4: {  	[tilespmem:s2+$0x860] =	vst.add.f32.msk $0xffff, v10  }
0x4b5: {  	[tilespmem:s2+$0x870] =	vst.add.f32.msk $0xffff, v11  }
0x4b6: {  	[tilespmem:s2+$0xC00] =	vst.add.f32.msk $0xffff, v12  }
0x4b7: {  	[tilespmem:s2+$0xC10] =	vst.add.f32.msk $0xffff, v13  }
0x4b8: {  	[tilespmem:s2+$0xC20] =	vst.add.f32.msk $0xffff, v14  }
0x4b9: {  	[tilespmem:s2+$0xC30] =	vst.add.f32.msk $0xffff, v15  }
0x4ba: {  	[tilespmem:s2+$0xC40] =	vst.add.f32.msk $0xffff, v16  }
0x4bb: {  	[tilespmem:s2+$0xC50] =	vst.add.f32.msk $0xffff, v17  }
0x4bc: {  	[tilespmem:s2+$0xC60] =	vst.add.f32.msk $0xffff, v18  }
0x4bd: {  	[tilespmem:s2+$0xC70] =	vst.add.f32.msk $0xffff, v19  }
0x4be: {  	[tilespmem:s2+$0x1000] =	vst.add.f32.msk $0xffff, v20  }
0x4bf: {  	[tilespmem:s2+$0x1010] =	vst.add.f32.msk $0xffff, v21  }
0x4c0: {  	[tilespmem:s2+$0x1020] =	vst.add.f32.msk $0xffff, v22  }
0x4c1: {  	[tilespmem:s2+$0x1030] =	vst.add.f32.msk $0xffff, v23  }
0x4c2: {  	[tilespmem:s2+$0x1040] =	vst.add.f32.msk $0xffff, v24  }
0x4c3: {  	[tilespmem:s2+$0x1050] =	vst.add.f32.msk $0xffff, v25  }
0x4c4: {  	[tilespmem:s2+$0x1060] =	vst.add.f32.msk $0xffff, v26  }
0x4c5: {  	[tilespmem:s2+$0x1070] =	vst.add.f32.msk $0xffff, v27  }
0x4c6: {  	[tilespmem:s2+$0x1400] =	vst.add.f32.msk $0xffff, v28  }
0x4c7: {  	[tilespmem:s2+$0x1410] =	vst.add.f32.msk $0xffff, v29  }
0x4c8: {  	[tilespmem:s2+$0x1420] =	vst.add.f32.msk $0xffff, v30  }
0x4c9: {  	[tilespmem:s2+$0x1430] =	vst.add.f32.msk $0xffff, v31  }
0x4ca: {  	[tilespmem:s2+$0x1440] =	vst.add.f32.msk $0xffff, v32  }
0x4cb: {  	[tilespmem:s2+$0x1450] =	vst.add.f32.msk $0xffff, v33  }
0x4cc: {  	[tilespmem:s2+$0x1460] =	vst.add.f32.msk $0xffff, v34  }
0x4cd: {  	[tilespmem:s2+$0x1470] =	vst.add.f32.msk $0xffff, v35  }
0x4ce: {  	[tilespmem:s2+$0x1800] =	vst.add.f32.msk $0xffff, v36  }
0x4cf: {  	[tilespmem:s2+$0x1810] =	vst.add.f32.msk $0xffff, v37  }
0x4d0: {  	[tilespmem:s2+$0x1820] =	vst.add.f32.msk $0xffff, v38  }
0x4d1: {  	[tilespmem:s2+$0x1830] =	vst.add.f32.msk $0xffff, v39  }
0x4d2: {  	[tilespmem:s2+$0x1840] =	vst.add.f32.msk $0xffff, v40  }
0x4d3: {  	[tilespmem:s2+$0x1850] =	vst.add.f32.msk $0xffff, v41  }
0x4d4: {  	[tilespmem:s2+$0x1860] =	vst.add.f32.msk $0xffff, v42  }
0x4d5: {  	[tilespmem:s2+$0x1870] =	vst.add.f32.msk $0xffff, v43  }
0x4d6: {  	[tilespmem:s2+$0x1C00] =	vst.add.f32.msk $0xffff, v44  }
0x4d7: {  	[tilespmem:s2+$0x1C10] =	vst.add.f32.msk $0xffff, v45  }
0x4d8: {  	[tilespmem:s2+$0x1C20] =	vst.add.f32.msk $0xffff, v46  }
0x4d9: {  	[tilespmem:s2+$0x1C30] =	vst.add.f32.msk $0xffff, v47  }
0x4da: {  	[tilespmem:s2+$0x1C40] =	vst.add.f32.msk $0xffff, v48  }
0x4db: {  	s17 =	simm.s32 $0x0;
	[tilespmem:s2+$0x1C50] =	vst.add.f32.msk $0xffff, v49  }
0x4dc: {  	s6 =	simm.s32 $0x0;
	s15 =	rddreg [dreg:$0x12];
	s0 =	smul.u32 $0x6000, s17;
	[tilespmem:s2+$0x1C60] =	vst.add.f32.msk $0xffff, v50  }
0x4dd: {  	[hbm4b:s15+s6] =	stream.linear.scatter [tilespmem:s26], [sflag:$0x6], $0x6000, $0x38;
	[tilespmem:$0x1E800] =	vst v63  }
0x4de: {  	_ =	swait.ge [sflag:s19], $0x6000  }
0x4df: {  	s18 =	sand.u32 $0x380, s6;
	s0 =	sshra.s32 s0, $0x2;
	[sflag:s19] =	ssyncset.done $0x0  }
0x4e0: {  	s0 =	sor.u32 s18, s0;
	[sflag:s19] =	ssyncadd.s32 $0xFFFFA000  }
0x4e1: {  	[tilespmem:s0+$0x7C70] =	vst.add.f32.msk $0xffff, v51  }
0x4e2: {  	[tilespmem:s0+$0x6800] =	vst.add.f32.msk $0xffff, v4  }
0x4e3: {  	[tilespmem:s0+$0x6810] =	vst.add.f32.msk $0xffff, v5  }
0x4e4: {  	[tilespmem:s0+$0x6820] =	vst.add.f32.msk $0xffff, v6  }
0x4e5: {  	[tilespmem:s0+$0x6830] =	vst.add.f32.msk $0xffff, v7  }
0x4e6: {  	[tilespmem:s0+$0x6840] =	vst.add.f32.msk $0xffff, v8  }
0x4e7: {  	[tilespmem:s0+$0x6850] =	vst.add.f32.msk $0xffff, v9  }
0x4e8: {  	[tilespmem:s0+$0x6860] =	vst.add.f32.msk $0xffff, v10  }
0x4e9: {  	[tilespmem:s0+$0x6870] =	vst.add.f32.msk $0xffff, v11  }
0x4ea: {  	[tilespmem:s0+$0x6C00] =	vst.add.f32.msk $0xffff, v12  }
0x4eb: {  	[tilespmem:s0+$0x6C10] =	vst.add.f32.msk $0xffff, v13  }
0x4ec: {  	[tilespmem:s0+$0x6C20] =	vst.add.f32.msk $0xffff, v14  }
0x4ed: {  	[tilespmem:s0+$0x6C30] =	vst.add.f32.msk $0xffff, v15  }
0x4ee: {  	[tilespmem:s0+$0x6C40] =	vst.add.f32.msk $0xffff, v16  }
0x4ef: {  	[tilespmem:s0+$0x6C50] =	vst.add.f32.msk $0xffff, v17  }
0x4f0: {  	[tilespmem:s0+$0x6C60] =	vst.add.f32.msk $0xffff, v18  }
0x4f1: {  	[tilespmem:s0+$0x6C70] =	vst.add.f32.msk $0xffff, v19  }
0x4f2: {  	[tilespmem:s0+$0x7000] =	vst.add.f32.msk $0xffff, v20  }
0x4f3: {  	[tilespmem:s0+$0x7010] =	vst.add.f32.msk $0xffff, v21  }
0x4f4: {  	[tilespmem:s0+$0x7020] =	vst.add.f32.msk $0xffff, v22  }
0x4f5: {  	[tilespmem:s0+$0x7030] =	vst.add.f32.msk $0xffff, v23  }
0x4f6: {  	[tilespmem:s0+$0x7040] =	vst.add.f32.msk $0xffff, v24  }
0x4f7: {  	[tilespmem:s0+$0x7050] =	vst.add.f32.msk $0xffff, v25  }
0x4f8: {  	[tilespmem:s0+$0x7060] =	vst.add.f32.msk $0xffff, v26  }
0x4f9: {  	[tilespmem:s0+$0x7070] =	vst.add.f32.msk $0xffff, v27  }
0x4fa: {  	[tilespmem:s0+$0x7400] =	vst.add.f32.msk $0xffff, v28  }
0x4fb: {  	[tilespmem:s0+$0x7410] =	vst.add.f32.msk $0xffff, v29  }
0x4fc: {  	[tilespmem:s0+$0x7420] =	vst.add.f32.msk $0xffff, v30  }
0x4fd: {  	[tilespmem:s0+$0x7430] =	vst.add.f32.msk $0xffff, v31  }
0x4fe: {  	[tilespmem:s0+$0x7440] =	vst.add.f32.msk $0xffff, v32  }
0x4ff: {  	[tilespmem:s0+$0x7450] =	vst.add.f32.msk $0xffff, v33  }
0x500: {  	[tilespmem:s0+$0x7460] =	vst.add.f32.msk $0xffff, v34  }
0x501: {  	[tilespmem:s0+$0x7470] =	vst.add.f32.msk $0xffff, v35  }
0x502: {  	[tilespmem:s0+$0x7800] =	vst.add.f32.msk $0xffff, v36  }
0x503: {  	[tilespmem:s0+$0x7810] =	vst.add.f32.msk $0xffff, v37  }
0x504: {  	[tilespmem:s0+$0x7820] =	vst.add.f32.msk $0xffff, v38  }
0x505: {  	[tilespmem:s0+$0x7830] =	vst.add.f32.msk $0xffff, v39  }
0x506: {  	[tilespmem:s0+$0x7840] =	vst.add.f32.msk $0xffff, v40  }
0x507: {  	[tilespmem:s0+$0x7850] =	vst.add.f32.msk $0xffff, v41  }
0x508: {  	[tilespmem:s0+$0x7860] =	vst.add.f32.msk $0xffff, v42  }
0x509: {  	[tilespmem:s0+$0x7870] =	vst.add.f32.msk $0xffff, v43  }
0x50a: {  	s8 =	simm.s32 $0x1000;
	[tilespmem:s0+$0x7C00] =	vst.add.f32.msk $0xffff, v44  }
0x50b: {  	s9 =	simm.s32 $0x1800;
	s17 =	simm.s32 $0x2800;
	s3 =	simm.s32 $0x2;
	[tilespmem:s0+$0x7C10] =	vst.add.f32.msk $0xffff, v45  }
0x50c: {  	s2 =	simm.s32 $0x0;
	s18 =	simm.s32 $0x3000;
	s15 =	simm.s32 $0x2000;
	[tilespmem:s0+$0x7C20] =	vst.add.f32.msk $0xffff, v46  }
.LBB2_14:
0x50d: {  	p0 =	sne.s32 s3, $0x1F;
	s2 =	smul.u32 $0x6000, s2;
	[tilespmem:s0+$0x7C30] =	vst.add.f32.msk $0xffff, v47  }
0x50e: {  	s6 =	sadd.s32 $0x80, s6;
	[tilespmem:s0+$0x7C40] =	vst.add.f32.msk $0xffff, v48  }
0x50f: {  	s7 =	sand.u32 $0x380, s6;
	s2 =	sshra.s32 s2, $0x2;
	[tilespmem:s0+$0x7C50] =	vst.add.f32.msk $0xffff, v49  }
0x510: {  	[tilespmem:s0+$0x7C60] =	vst.add.f32.msk $0xffff, v50;
	s0 =	sor.u32 s7, s2  }
0x511: {  	[tilespmem:s0+$0x7C70] =	vst.add.f32.msk $0xffff, v51  }
0x512: {  	[tilespmem:s0+$0x6800] =	vst.add.f32.msk $0xffff, v4  }
0x513: {  	[tilespmem:s0+$0x6810] =	vst.add.f32.msk $0xffff, v5  }
0x514: {  	[tilespmem:s0+$0x6820] =	vst.add.f32.msk $0xffff, v6  }
0x515: {  	[tilespmem:s0+$0x6830] =	vst.add.f32.msk $0xffff, v7  }
0x516: {  	[tilespmem:s0+$0x6840] =	vst.add.f32.msk $0xffff, v8  }
0x517: {  	[tilespmem:s0+$0x6850] =	vst.add.f32.msk $0xffff, v9  }
0x518: {  	[tilespmem:s0+$0x6860] =	vst.add.f32.msk $0xffff, v10  }
0x519: {  	[tilespmem:s0+$0x6870] =	vst.add.f32.msk $0xffff, v11  }
0x51a: {  	[tilespmem:s0+$0x6C00] =	vst.add.f32.msk $0xffff, v12  }
0x51b: {  	[tilespmem:s0+$0x6C10] =	vst.add.f32.msk $0xffff, v13  }
0x51c: {  	[tilespmem:s0+$0x6C20] =	vst.add.f32.msk $0xffff, v14  }
0x51d: {  	[tilespmem:s0+$0x6C30] =	vst.add.f32.msk $0xffff, v15  }
0x51e: {  	[tilespmem:s0+$0x6C40] =	vst.add.f32.msk $0xffff, v16  }
0x51f: {  	[tilespmem:s0+$0x6C50] =	vst.add.f32.msk $0xffff, v17  }
0x520: {  	[tilespmem:s0+$0x6C60] =	vst.add.f32.msk $0xffff, v18  }
0x521: {  	[tilespmem:s0+$0x6C70] =	vst.add.f32.msk $0xffff, v19  }
0x522: {  	[tilespmem:s0+$0x7000] =	vst.add.f32.msk $0xffff, v20  }
0x523: {  	[tilespmem:s0+$0x7010] =	vst.add.f32.msk $0xffff, v21  }
0x524: {  	[tilespmem:s0+$0x7020] =	vst.add.f32.msk $0xffff, v22  }
0x525: {  	[tilespmem:s0+$0x7030] =	vst.add.f32.msk $0xffff, v23  }
0x526: {  	[tilespmem:s0+$0x7040] =	vst.add.f32.msk $0xffff, v24  }
0x527: {  	[tilespmem:s0+$0x7050] =	vst.add.f32.msk $0xffff, v25  }
0x528: {  	[tilespmem:s0+$0x7060] =	vst.add.f32.msk $0xffff, v26  }
0x529: {  	[tilespmem:s0+$0x7070] =	vst.add.f32.msk $0xffff, v27  }
0x52a: {  	[tilespmem:s0+$0x7400] =	vst.add.f32.msk $0xffff, v28  }
0x52b: {  	[tilespmem:s0+$0x7410] =	vst.add.f32.msk $0xffff, v29  }
0x52c: {  	[tilespmem:s0+$0x7420] =	vst.add.f32.msk $0xffff, v30  }
0x52d: {  	[tilespmem:s0+$0x7430] =	vst.add.f32.msk $0xffff, v31  }
0x52e: {  	[tilespmem:s0+$0x7440] =	vst.add.f32.msk $0xffff, v32  }
0x52f: {  	[tilespmem:s0+$0x7450] =	vst.add.f32.msk $0xffff, v33  }
0x530: {  	[tilespmem:s0+$0x7460] =	vst.add.f32.msk $0xffff, v34  }
0x531: {  	[tilespmem:s0+$0x7470] =	vst.add.f32.msk $0xffff, v35  }
0x532: {  	[tilespmem:s0+$0x7800] =	vst.add.f32.msk $0xffff, v36  }
0x533: {  	[tilespmem:s0+$0x7810] =	vst.add.f32.msk $0xffff, v37  }
0x534: {  	[tilespmem:s0+$0x7820] =	vst.add.f32.msk $0xffff, v38  }
0x535: {  	[tilespmem:s0+$0x7830] =	vst.add.f32.msk $0xffff, v39  }
0x536: {  	[tilespmem:s0+$0x7840] =	vst.add.f32.msk $0xffff, v40  }
0x537: {  	[tilespmem:s0+$0x7850] =	vst.add.f32.msk $0xffff, v41  }
.Ltmp6:
0x538: {  	[tilespmem:s0+$0x7860] =	vst.add.f32.msk $0xffff, v42;
	(pc) =	sbr.rel @p0 .LBB2_14-.Ltmp6, $4  }
0x539: {  	[tilespmem:s0+$0x7870] =	vst.add.f32.msk $0xffff, v43  }
0x53a: {  	[tilespmem:s0+$0x7C00] =	vst.add.f32.msk $0xffff, v44  }
0x53b: {  	[tilespmem:s0+$0x7C10] =	vst.add.f32.msk $0xffff, v45  }
0x53c: {  	s2 =	sshrl.u32 s3, $0x3;
	s3 =	sadd.s32 $0x1, s3;
	[tilespmem:s0+$0x7C20] =	vst.add.f32.msk $0xffff, v46  }
0x53d: {  	s2 =	smul.u32 $0x6000, s2;
	[tilespmem:s0+$0x7C30] =	vst.add.f32.msk $0xffff, v47  }
0x53e: {  	[tilespmem:s0+$0x7C40] =	vst.add.f32.msk $0xffff, v48;
	s3 =	sadd.s32 $0x80, s6  }
0x53f: {  	[tilespmem:s0+$0x7C50] =	vst.add.f32.msk $0xffff, v49;
	s3 =	sand.u32 $0x380, s3;
	s2 =	sshra.s32 s2, $0x2  }
0x540: {  	[tilespmem:s0+$0x7C60] =	vst.add.f32.msk $0xffff, v50;
	s2 =	sor.u32 s3, s2  }
0x541: {  	[tilespmem:s2+$0x7C70] =	vst.add.f32.msk $0xffff, v51  }
0x542: {  	[tilespmem:s2+$0x6800] =	vst.add.f32.msk $0xffff, v4  }
0x543: {  	[tilespmem:s2+$0x6810] =	vst.add.f32.msk $0xffff, v5  }
0x544: {  	[tilespmem:s2+$0x6820] =	vst.add.f32.msk $0xffff, v6  }
0x545: {  	[tilespmem:s2+$0x6830] =	vst.add.f32.msk $0xffff, v7  }
0x546: {  	[tilespmem:s2+$0x6840] =	vst.add.f32.msk $0xffff, v8  }
0x547: {  	[tilespmem:s2+$0x6850] =	vst.add.f32.msk $0xffff, v9  }
0x548: {  	[tilespmem:s2+$0x6860] =	vst.add.f32.msk $0xffff, v10  }
0x549: {  	[tilespmem:s2+$0x6870] =	vst.add.f32.msk $0xffff, v11  }
0x54a: {  	[tilespmem:s2+$0x6C00] =	vst.add.f32.msk $0xffff, v12  }
0x54b: {  	[tilespmem:s2+$0x6C10] =	vst.add.f32.msk $0xffff, v13  }
0x54c: {  	[tilespmem:s2+$0x6C20] =	vst.add.f32.msk $0xffff, v14  }
0x54d: {  	[tilespmem:s2+$0x6C30] =	vst.add.f32.msk $0xffff, v15  }
0x54e: {  	[tilespmem:s2+$0x6C40] =	vst.add.f32.msk $0xffff, v16  }
0x54f: {  	[tilespmem:s2+$0x6C50] =	vst.add.f32.msk $0xffff, v17  }
0x550: {  	[tilespmem:s2+$0x6C60] =	vst.add.f32.msk $0xffff, v18  }
0x551: {  	[tilespmem:s2+$0x6C70] =	vst.add.f32.msk $0xffff, v19  }
0x552: {  	[tilespmem:s2+$0x7000] =	vst.add.f32.msk $0xffff, v20  }
0x553: {  	[tilespmem:s2+$0x7010] =	vst.add.f32.msk $0xffff, v21  }
0x554: {  	[tilespmem:s2+$0x7020] =	vst.add.f32.msk $0xffff, v22  }
0x555: {  	[tilespmem:s2+$0x7030] =	vst.add.f32.msk $0xffff, v23  }
0x556: {  	[tilespmem:s2+$0x7040] =	vst.add.f32.msk $0xffff, v24  }
0x557: {  	[tilespmem:s2+$0x7050] =	vst.add.f32.msk $0xffff, v25  }
0x558: {  	[tilespmem:s2+$0x7060] =	vst.add.f32.msk $0xffff, v26  }
0x559: {  	[tilespmem:s2+$0x7070] =	vst.add.f32.msk $0xffff, v27  }
0x55a: {  	[tilespmem:s2+$0x7400] =	vst.add.f32.msk $0xffff, v28  }
0x55b: {  	[tilespmem:s2+$0x7410] =	vst.add.f32.msk $0xffff, v29  }
0x55c: {  	[tilespmem:s2+$0x7420] =	vst.add.f32.msk $0xffff, v30  }
0x55d: {  	[tilespmem:s2+$0x7430] =	vst.add.f32.msk $0xffff, v31  }
0x55e: {  	[tilespmem:s2+$0x7440] =	vst.add.f32.msk $0xffff, v32  }
0x55f: {  	[tilespmem:s2+$0x7450] =	vst.add.f32.msk $0xffff, v33  }
0x560: {  	[tilespmem:s2+$0x7460] =	vst.add.f32.msk $0xffff, v34  }
0x561: {  	[tilespmem:s2+$0x7470] =	vst.add.f32.msk $0xffff, v35  }
0x562: {  	[tilespmem:s2+$0x7800] =	vst.add.f32.msk $0xffff, v36  }
0x563: {  	[tilespmem:s2+$0x7810] =	vst.add.f32.msk $0xffff, v37  }
0x564: {  	[tilespmem:s2+$0x7820] =	vst.add.f32.msk $0xffff, v38  }
0x565: {  	[tilespmem:s2+$0x7830] =	vst.add.f32.msk $0xffff, v39  }
0x566: {  	[tilespmem:s2+$0x7840] =	vst.add.f32.msk $0xffff, v40  }
0x567: {  	[tilespmem:s2+$0x7850] =	vst.add.f32.msk $0xffff, v41  }
0x568: {  	[tilespmem:s2+$0x7860] =	vst.add.f32.msk $0xffff, v42  }
0x569: {  	[tilespmem:s2+$0x7870] =	vst.add.f32.msk $0xffff, v43  }
0x56a: {  	[tilespmem:s2+$0x7C00] =	vst.add.f32.msk $0xffff, v44  }
0x56b: {  	[tilespmem:s2+$0x7C10] =	vst.add.f32.msk $0xffff, v45  }
0x56c: {  	[tilespmem:s2+$0x7C20] =	vst.add.f32.msk $0xffff, v46  }
0x56d: {  	[tilespmem:s2+$0x7C30] =	vst.add.f32.msk $0xffff, v47  }
0x56e: {  	[tilespmem:s2+$0x7C40] =	vst.add.f32.msk $0xffff, v48  }
0x56f: {  	s3 =	simm.s32 $0x0;
	[tilespmem:s2+$0x7C50] =	vst.add.f32.msk $0xffff, v49  }
0x570: {  	s6 =	simm.s32 $0x0;
	[tilespmem:s2+$0x7C60] =	vst.add.f32.msk $0xffff, v50;
	s2 =	rddreg [dreg:$0x13];
	s0 =	smul.u32 $0x6000, s3  }
0x571: {  	[hbm4b:s2+s6] =	stream.linear.scatter [tilespmem:s31], [sflag:$0x7], $0x6000, $0x38;
	[tilespmem:$0x1E800] =	vst v63  }
0x572: {  	_ =	swait.ge [sflag:s20], $0x6000  }
0x573: {  	s7 =	sand.u32 $0x380, s6;
	s0 =	sshra.s32 s0, $0x2;
	[sflag:s20] =	ssyncset.done $0x0  }
0x574: {  	s0 =	sor.u32 s7, s0;
	[sflag:s20] =	ssyncadd.s32 $0xFFFFA000  }
0x575: {  	[tilespmem:s0+$0xDC70] =	vst.add.f32.msk $0xffff, v51  }
0x576: {  	[tilespmem:s0+$0xC800] =	vst.add.f32.msk $0xffff, v4  }
0x577: {  	[tilespmem:s0+$0xC810] =	vst.add.f32.msk $0xffff, v5  }
0x578: {  	[tilespmem:s0+$0xC820] =	vst.add.f32.msk $0xffff, v6  }
0x579: {  	[tilespmem:s0+$0xC830] =	vst.add.f32.msk $0xffff, v7  }
0x57a: {  	[tilespmem:s0+$0xC840] =	vst.add.f32.msk $0xffff, v8  }
0x57b: {  	[tilespmem:s0+$0xC850] =	vst.add.f32.msk $0xffff, v9  }
0x57c: {  	[tilespmem:s0+$0xC860] =	vst.add.f32.msk $0xffff, v10  }
0x57d: {  	[tilespmem:s0+$0xC870] =	vst.add.f32.msk $0xffff, v11  }
0x57e: {  	[tilespmem:s0+$0xCC00] =	vst.add.f32.msk $0xffff, v12  }
0x57f: {  	[tilespmem:s0+$0xCC10] =	vst.add.f32.msk $0xffff, v13  }
0x580: {  	[tilespmem:s0+$0xCC20] =	vst.add.f32.msk $0xffff, v14  }
0x581: {  	[tilespmem:s0+$0xCC30] =	vst.add.f32.msk $0xffff, v15  }
0x582: {  	[tilespmem:s0+$0xCC40] =	vst.add.f32.msk $0xffff, v16  }
0x583: {  	[tilespmem:s0+$0xCC50] =	vst.add.f32.msk $0xffff, v17  }
0x584: {  	[tilespmem:s0+$0xCC60] =	vst.add.f32.msk $0xffff, v18  }
0x585: {  	[tilespmem:s0+$0xCC70] =	vst.add.f32.msk $0xffff, v19  }
0x586: {  	[tilespmem:s0+$0xD000] =	vst.add.f32.msk $0xffff, v20  }
0x587: {  	[tilespmem:s0+$0xD010] =	vst.add.f32.msk $0xffff, v21  }
0x588: {  	[tilespmem:s0+$0xD020] =	vst.add.f32.msk $0xffff, v22  }
0x589: {  	[tilespmem:s0+$0xD030] =	vst.add.f32.msk $0xffff, v23  }
0x58a: {  	[tilespmem:s0+$0xD040] =	vst.add.f32.msk $0xffff, v24  }
0x58b: {  	[tilespmem:s0+$0xD050] =	vst.add.f32.msk $0xffff, v25  }
0x58c: {  	[tilespmem:s0+$0xD060] =	vst.add.f32.msk $0xffff, v26  }
0x58d: {  	[tilespmem:s0+$0xD070] =	vst.add.f32.msk $0xffff, v27  }
0x58e: {  	[tilespmem:s0+$0xD400] =	vst.add.f32.msk $0xffff, v28  }
0x58f: {  	[tilespmem:s0+$0xD410] =	vst.add.f32.msk $0xffff, v29  }
0x590: {  	[tilespmem:s0+$0xD420] =	vst.add.f32.msk $0xffff, v30  }
0x591: {  	[tilespmem:s0+$0xD430] =	vst.add.f32.msk $0xffff, v31  }
0x592: {  	[tilespmem:s0+$0xD440] =	vst.add.f32.msk $0xffff, v32  }
0x593: {  	[tilespmem:s0+$0xD450] =	vst.add.f32.msk $0xffff, v33  }
0x594: {  	[tilespmem:s0+$0xD460] =	vst.add.f32.msk $0xffff, v34  }
0x595: {  	[tilespmem:s0+$0xD470] =	vst.add.f32.msk $0xffff, v35  }
0x596: {  	[tilespmem:s0+$0xD800] =	vst.add.f32.msk $0xffff, v36  }
0x597: {  	[tilespmem:s0+$0xD810] =	vst.add.f32.msk $0xffff, v37  }
0x598: {  	[tilespmem:s0+$0xD820] =	vst.add.f32.msk $0xffff, v38  }
0x599: {  	[tilespmem:s0+$0xD830] =	vst.add.f32.msk $0xffff, v39  }
0x59a: {  	[tilespmem:s0+$0xD840] =	vst.add.f32.msk $0xffff, v40  }
0x59b: {  	[tilespmem:s0+$0xD850] =	vst.add.f32.msk $0xffff, v41  }
0x59c: {  	[tilespmem:s0+$0xD860] =	vst.add.f32.msk $0xffff, v42  }
0x59d: {  	[tilespmem:s0+$0xD870] =	vst.add.f32.msk $0xffff, v43  }
0x59e: {  	[tilespmem:s0+$0xDC00] =	vst.add.f32.msk $0xffff, v44  }
0x59f: {  	[tilespmem:s0+$0xDC10] =	vst.add.f32.msk $0xffff, v45  }
0x5a0: {  	s3 =	simm.s32 $0x2;
	s2 =	simm.s32 $0x0;
	[tilespmem:s0+$0xDC20] =	vst.add.f32.msk $0xffff, v46  }
.LBB2_16:
0x5a1: {  	p0 =	sne.s32 s3, $0x1F;
	s2 =	smul.u32 $0x6000, s2;
	[tilespmem:s0+$0xDC30] =	vst.add.f32.msk $0xffff, v47  }
0x5a2: {  	s6 =	sadd.s32 $0x80, s6;
	[tilespmem:s0+$0xDC40] =	vst.add.f32.msk $0xffff, v48  }
0x5a3: {  	s7 =	sand.u32 $0x380, s6;
	s2 =	sshra.s32 s2, $0x2;
	[tilespmem:s0+$0xDC50] =	vst.add.f32.msk $0xffff, v49  }
0x5a4: {  	[tilespmem:s0+$0xDC60] =	vst.add.f32.msk $0xffff, v50;
	s0 =	sor.u32 s7, s2  }
0x5a5: {  	[tilespmem:s0+$0xDC70] =	vst.add.f32.msk $0xffff, v51  }
0x5a6: {  	[tilespmem:s0+$0xC800] =	vst.add.f32.msk $0xffff, v4  }
0x5a7: {  	[tilespmem:s0+$0xC810] =	vst.add.f32.msk $0xffff, v5  }
0x5a8: {  	[tilespmem:s0+$0xC820] =	vst.add.f32.msk $0xffff, v6  }
0x5a9: {  	[tilespmem:s0+$0xC830] =	vst.add.f32.msk $0xffff, v7  }
0x5aa: {  	[tilespmem:s0+$0xC840] =	vst.add.f32.msk $0xffff, v8  }
0x5ab: {  	[tilespmem:s0+$0xC850] =	vst.add.f32.msk $0xffff, v9  }
0x5ac: {  	[tilespmem:s0+$0xC860] =	vst.add.f32.msk $0xffff, v10  }
0x5ad: {  	[tilespmem:s0+$0xC870] =	vst.add.f32.msk $0xffff, v11  }
0x5ae: {  	[tilespmem:s0+$0xCC00] =	vst.add.f32.msk $0xffff, v12  }
0x5af: {  	[tilespmem:s0+$0xCC10] =	vst.add.f32.msk $0xffff, v13  }
0x5b0: {  	[tilespmem:s0+$0xCC20] =	vst.add.f32.msk $0xffff, v14  }
0x5b1: {  	[tilespmem:s0+$0xCC30] =	vst.add.f32.msk $0xffff, v15  }
0x5b2: {  	[tilespmem:s0+$0xCC40] =	vst.add.f32.msk $0xffff, v16  }
0x5b3: {  	[tilespmem:s0+$0xCC50] =	vst.add.f32.msk $0xffff, v17  }
0x5b4: {  	[tilespmem:s0+$0xCC60] =	vst.add.f32.msk $0xffff, v18  }
0x5b5: {  	[tilespmem:s0+$0xCC70] =	vst.add.f32.msk $0xffff, v19  }
0x5b6: {  	[tilespmem:s0+$0xD000] =	vst.add.f32.msk $0xffff, v20  }
0x5b7: {  	[tilespmem:s0+$0xD010] =	vst.add.f32.msk $0xffff, v21  }
0x5b8: {  	[tilespmem:s0+$0xD020] =	vst.add.f32.msk $0xffff, v22  }
0x5b9: {  	[tilespmem:s0+$0xD030] =	vst.add.f32.msk $0xffff, v23  }
0x5ba: {  	[tilespmem:s0+$0xD040] =	vst.add.f32.msk $0xffff, v24  }
0x5bb: {  	[tilespmem:s0+$0xD050] =	vst.add.f32.msk $0xffff, v25  }
0x5bc: {  	[tilespmem:s0+$0xD060] =	vst.add.f32.msk $0xffff, v26  }
0x5bd: {  	[tilespmem:s0+$0xD070] =	vst.add.f32.msk $0xffff, v27  }
0x5be: {  	[tilespmem:s0+$0xD400] =	vst.add.f32.msk $0xffff, v28  }
0x5bf: {  	[tilespmem:s0+$0xD410] =	vst.add.f32.msk $0xffff, v29  }
0x5c0: {  	[tilespmem:s0+$0xD420] =	vst.add.f32.msk $0xffff, v30  }
0x5c1: {  	[tilespmem:s0+$0xD430] =	vst.add.f32.msk $0xffff, v31  }
0x5c2: {  	[tilespmem:s0+$0xD440] =	vst.add.f32.msk $0xffff, v32  }
0x5c3: {  	[tilespmem:s0+$0xD450] =	vst.add.f32.msk $0xffff, v33  }
0x5c4: {  	[tilespmem:s0+$0xD460] =	vst.add.f32.msk $0xffff, v34  }
0x5c5: {  	[tilespmem:s0+$0xD470] =	vst.add.f32.msk $0xffff, v35  }
0x5c6: {  	[tilespmem:s0+$0xD800] =	vst.add.f32.msk $0xffff, v36  }
0x5c7: {  	[tilespmem:s0+$0xD810] =	vst.add.f32.msk $0xffff, v37  }
0x5c8: {  	[tilespmem:s0+$0xD820] =	vst.add.f32.msk $0xffff, v38  }
0x5c9: {  	[tilespmem:s0+$0xD830] =	vst.add.f32.msk $0xffff, v39  }
0x5ca: {  	[tilespmem:s0+$0xD840] =	vst.add.f32.msk $0xffff, v40  }
0x5cb: {  	[tilespmem:s0+$0xD850] =	vst.add.f32.msk $0xffff, v41  }
.Ltmp7:
0x5cc: {  	[tilespmem:s0+$0xD860] =	vst.add.f32.msk $0xffff, v42;
	(pc) =	sbr.rel @p0 .LBB2_16-.Ltmp7, $4  }
0x5cd: {  	[tilespmem:s0+$0xD870] =	vst.add.f32.msk $0xffff, v43  }
0x5ce: {  	[tilespmem:s0+$0xDC00] =	vst.add.f32.msk $0xffff, v44  }
0x5cf: {  	[tilespmem:s0+$0xDC10] =	vst.add.f32.msk $0xffff, v45  }
0x5d0: {  	s2 =	sshrl.u32 s3, $0x3;
	s3 =	sadd.s32 $0x1, s3;
	[tilespmem:s0+$0xDC20] =	vst.add.f32.msk $0xffff, v46  }
0x5d1: {  	s2 =	smul.u32 $0x6000, s2;
	[tilespmem:s0+$0xDC30] =	vst.add.f32.msk $0xffff, v47  }
0x5d2: {  	[tilespmem:s0+$0xDC40] =	vst.add.f32.msk $0xffff, v48;
	s3 =	sadd.s32 $0x80, s6  }
0x5d3: {  	[tilespmem:s0+$0xDC50] =	vst.add.f32.msk $0xffff, v49;
	s3 =	sand.u32 $0x380, s3;
	s2 =	sshra.s32 s2, $0x2  }
0x5d4: {  	[tilespmem:s0+$0xDC60] =	vst.add.f32.msk $0xffff, v50;
	s2 =	sor.u32 s3, s2  }
0x5d5: {  	[tilespmem:s2+$0xDC70] =	vst.add.f32.msk $0xffff, v51  }
0x5d6: {  	[tilespmem:s2+$0xC800] =	vst.add.f32.msk $0xffff, v4  }
0x5d7: {  	[tilespmem:s2+$0xC810] =	vst.add.f32.msk $0xffff, v5  }
0x5d8: {  	[tilespmem:s2+$0xC820] =	vst.add.f32.msk $0xffff, v6  }
0x5d9: {  	[tilespmem:s2+$0xC830] =	vst.add.f32.msk $0xffff, v7  }
0x5da: {  	[tilespmem:s2+$0xC840] =	vst.add.f32.msk $0xffff, v8  }
0x5db: {  	[tilespmem:s2+$0xC850] =	vst.add.f32.msk $0xffff, v9  }
0x5dc: {  	[tilespmem:s2+$0xC860] =	vst.add.f32.msk $0xffff, v10  }
0x5dd: {  	[tilespmem:s2+$0xC870] =	vst.add.f32.msk $0xffff, v11  }
0x5de: {  	[tilespmem:s2+$0xCC00] =	vst.add.f32.msk $0xffff, v12  }
0x5df: {  	[tilespmem:s2+$0xCC10] =	vst.add.f32.msk $0xffff, v13  }
0x5e0: {  	[tilespmem:s2+$0xCC20] =	vst.add.f32.msk $0xffff, v14  }
0x5e1: {  	[tilespmem:s2+$0xCC30] =	vst.add.f32.msk $0xffff, v15  }
0x5e2: {  	[tilespmem:s2+$0xCC40] =	vst.add.f32.msk $0xffff, v16  }
0x5e3: {  	[tilespmem:s2+$0xCC50] =	vst.add.f32.msk $0xffff, v17  }
0x5e4: {  	[tilespmem:s2+$0xCC60] =	vst.add.f32.msk $0xffff, v18  }
0x5e5: {  	[tilespmem:s2+$0xCC70] =	vst.add.f32.msk $0xffff, v19  }
0x5e6: {  	[tilespmem:s2+$0xD000] =	vst.add.f32.msk $0xffff, v20  }
0x5e7: {  	[tilespmem:s2+$0xD010] =	vst.add.f32.msk $0xffff, v21  }
0x5e8: {  	[tilespmem:s2+$0xD020] =	vst.add.f32.msk $0xffff, v22  }
0x5e9: {  	[tilespmem:s2+$0xD030] =	vst.add.f32.msk $0xffff, v23  }
0x5ea: {  	[tilespmem:s2+$0xD040] =	vst.add.f32.msk $0xffff, v24  }
0x5eb: {  	[tilespmem:s2+$0xD050] =	vst.add.f32.msk $0xffff, v25  }
0x5ec: {  	[tilespmem:s2+$0xD060] =	vst.add.f32.msk $0xffff, v26  }
0x5ed: {  	[tilespmem:s2+$0xD070] =	vst.add.f32.msk $0xffff, v27  }
0x5ee: {  	[tilespmem:s2+$0xD400] =	vst.add.f32.msk $0xffff, v28  }
0x5ef: {  	[tilespmem:s2+$0xD410] =	vst.add.f32.msk $0xffff, v29  }
0x5f0: {  	[tilespmem:s2+$0xD420] =	vst.add.f32.msk $0xffff, v30  }
0x5f1: {  	[tilespmem:s2+$0xD430] =	vst.add.f32.msk $0xffff, v31  }
0x5f2: {  	[tilespmem:s2+$0xD440] =	vst.add.f32.msk $0xffff, v32  }
0x5f3: {  	[tilespmem:s2+$0xD450] =	vst.add.f32.msk $0xffff, v33  }
0x5f4: {  	[tilespmem:s2+$0xD460] =	vst.add.f32.msk $0xffff, v34  }
0x5f5: {  	[tilespmem:s2+$0xD470] =	vst.add.f32.msk $0xffff, v35  }
0x5f6: {  	[tilespmem:s2+$0xD800] =	vst.add.f32.msk $0xffff, v36  }
0x5f7: {  	[tilespmem:s2+$0xD810] =	vst.add.f32.msk $0xffff, v37  }
0x5f8: {  	[tilespmem:s2+$0xD820] =	vst.add.f32.msk $0xffff, v38  }
0x5f9: {  	[tilespmem:s2+$0xD830] =	vst.add.f32.msk $0xffff, v39  }
0x5fa: {  	[tilespmem:s2+$0xD840] =	vst.add.f32.msk $0xffff, v40  }
0x5fb: {  	[tilespmem:s2+$0xD850] =	vst.add.f32.msk $0xffff, v41  }
0x5fc: {  	[tilespmem:s2+$0xD860] =	vst.add.f32.msk $0xffff, v42  }
0x5fd: {  	[tilespmem:s2+$0xD870] =	vst.add.f32.msk $0xffff, v43  }
0x5fe: {  	[tilespmem:s2+$0xDC00] =	vst.add.f32.msk $0xffff, v44  }
0x5ff: {  	[tilespmem:s2+$0xDC10] =	vst.add.f32.msk $0xffff, v45  }
0x600: {  	[tilespmem:s2+$0xDC20] =	vst.add.f32.msk $0xffff, v46  }
0x601: {  	[tilespmem:s2+$0xDC30] =	vst.add.f32.msk $0xffff, v47  }
0x602: {  	[tilespmem:s2+$0xDC40] =	vst.add.f32.msk $0xffff, v48  }
0x603: {  	[tilespmem:s2+$0xDC50] =	vst.add.f32.msk $0xffff, v49  }
0x604: {  	s6 =	rddreg [dreg:$0x14];
	[tilespmem:s2+$0xDC60] =	vst.add.f32.msk $0xffff, v50  }
0x605: {  	[hbm4b:s6+s4] =	stream.linear.scatter [tilespmem:s11], [sflag:$0x8], $0x6000, $0x38;
	[tilespmem:$0x1E800] =	vst v63  }
0x606: {  	_ =	swait.ge [sflag:s23], $0x6000  }
0x607: {  	[sflag:s23] =	ssyncset.done $0x0  }
0x608: {  	[sflag:s23] =	ssyncadd.s32 $0xFFFFA000  }
0x609: {  	_ =	swait.ge [sflag:s12], $0x6000  }
0x60a: {  	[sflag:s12] =	ssyncset.done $0x0  }
0x60b: {  	[sflag:s12] =	ssyncadd.s32 $0xFFFFA000  }
0x60c: {  	_ =	swait.ge [sflag:s10], $0x6000  }
0x60d: {  	[sflag:s10] =	ssyncset.done $0x0  }
0x60e: {  	[sflag:s10] =	ssyncadd.s32 $0xFFFFA000  }
0x60f: {  	_ =	swait.ge [sflag:s30], $0x6000  }
0x610: {  	[sflag:s30] =	ssyncset.done $0x0  }
0x611: {  	[sflag:s30] =	ssyncadd.s32 $0xFFFFA000  }
0x612: {  	_ =	swait.ge [sflag:s22], $0x6000  }
0x613: {  	s24 =	sadd.s32 $0x1, s24;
	s7 =	rddreg [dreg:$0x15]  }
0x614: {  	p0 =	sne.s32 s24, s7  }
.Ltmp8:
0x615: {  	_ = 	snop;
	(pc) =	sbr.rel @p0 .LBB2_1-.Ltmp8, $3  }
0x616: {  	_ =	sdelay $0x1  }
0x617: {  	[sflag:s22] =	ssyncset.done $0x0  }
0x618: {  	[sflag:s22] =	ssyncadd.s32 $0xFFFFA000  }
0x619: {  	_ =	sfence.sel $0x180000  }
0x61a: {  	[bflag:$0x0] =	sbarrier.arrive $0xFFFF  }
0x61b: {  	_ =	strace $0x90000047  }
0x61c: {  	s0 =	stileid.u32;
	[bflag:$0x2] =	sbarrier.arrive $0xFFFF  }
0x61d: {  	p0 =	sne.s32 s0, $0x0;
	s0 =	rddreg [dreg:$0x4]  }
0x61e: {  	s0 =	sadd.s32 @!p0 $0x100000, s0  }
0x61f: {  	[sflag:s0] =	ssyncadd.tile.s32 @!p0 $0x1;
	_ =	shalt  }
.Lfunc_end2:
_tile_overlayer_lowered:
.L_overlay_start_2:
0x620: {  	(tag) =	ssettag $0x2  }
0x621: {  	s0 =	rddreg [dreg:$0x0];
	s2 =	stileid.u32  }
0x622: {  	s1 =	rddreg [dreg:$0x1];
	p0 =	sne.s32 s2, $0x0  }
0x623: {  	s3 =	rddreg [dreg:$0x2];
	[bflag:$0x3] =	sbarrier.arrive $0xFFFF;
	s2 =	simm.s32 @!p0 $0x1C0B  }
0x624: {  	[timem:s3], [sflag:s2] =	dma.local @!p0 [hbm:s0], s1  }
0x625: {  	s0 =	simm.s32 @!p0 $0xB  }
0x626: {  	_ =	swait.ge @!p0 [sflag:s0], s1  }
0x627: {  	s1 =	ssub.s32 @!p0 $0x0, s1;
	[sflag:s0] =	ssyncset.done @!p0 $0x0  }
0x628: {  	[sflag:s0] =	ssyncadd.s32 @!p0 s1  }
0x629: {  	[bflag:$0x3] =	sbarrier.arrive $0xFFFF  }
0x62a: {  	_ =	shalt  }

</sc_bundles>
